<compile_context>
chip_gen: v7x
topology: tpu7x:2x2x1
jax: 0.10.2.dev20260603
libtpu: 0.0.44.dev20260713+nightly
codegen_flags: <defaults>
</compile_context>

<pallas_src>
import functools

import jax
import jax.numpy as jnp
from jax import lax
from jax.experimental import pallas as pl
from jax.experimental.pallas import tpu as pltpu
from jax.experimental.pallas import tpu_sc as plsc

N_NODES = 10000
N_EDGES = 320000
IN_CH = 128
OUT_CH = 128

NC, NS, LANES = 2, 16, 16
NT = NC * NS
N_PAD = 10240
HALF = N_PAD // 2
ROWS_PER_TILE = N_PAD // NS
ACC_ROWS_PER_TILE = HALF // NS
E_PAD = 327680
EPT_DEG = E_PAD // NT
GRPE = 1024
RCAP = 11264
CHUNK = 64
NSLOT = 2
ROW_BLK = 1024

_mesh = plsc.VectorSubcoreMesh(core_axis_name="c", subcore_axis_name="s")


@functools.partial(
    pl.kernel,
    out_type=jax.ShapeDtypeStruct((NC * N_PAD,), jnp.float32),
    mesh=_mesh,
    scratch_types=[
        pltpu.VMEM((EPT_DEG // 128, 128), jnp.int32),
        pltpu.VMEM((128,), jnp.float32),
        pltpu.VMEM_SHARED((N_PAD,), jnp.float32),
    ],
)
def _deg_kernel(dst2d_hbm, z1d_hbm, deg_out_hbm, dst_v, ones_v, deg_sh):
    c = lax.axis_index("c")
    s = lax.axis_index("s")
    t = c * NS + s
    pltpu.sync_copy(z1d_hbm, deg_sh.at[pl.ds(s * ROWS_PER_TILE, ROWS_PER_TILE)])
    pltpu.sync_copy(
        dst2d_hbm.at[pl.ds(t * (EPT_DEG // 128), EPT_DEG // 128)], dst_v
    )
    for i in range(128 // LANES):
        ones_v[pl.ds(i * LANES, LANES)] = jnp.full((LANES,), 1.0, jnp.float32)
    plsc.subcore_barrier()

    def body(j, carry):
        pltpu.sync_copy(ones_v, deg_sh.at[dst_v.at[j]], add=True)
        return carry

    lax.fori_loop(0, EPT_DEG // 128, body, 0)
    plsc.subcore_barrier()
    pltpu.sync_copy(
        deg_sh.at[pl.ds(s * ROWS_PER_TILE, ROWS_PER_TILE)],
        deg_out_hbm.at[pl.ds(c * N_PAD + s * ROWS_PER_TILE, ROWS_PER_TILE)],
    )


@functools.partial(
    pl.kernel,
    out_type=[
        jax.ShapeDtypeStruct((2 * NT * RCAP,), jnp.int32),
        jax.ShapeDtypeStruct((2 * NT * RCAP,), jnp.int32),
        jax.ShapeDtypeStruct((2 * NT * 2 * RCAP,), jnp.int32),
        jax.ShapeDtypeStruct((2 * NT * 16,), jnp.int32),
    ],
    mesh=_mesh,
    compiler_params=pltpu.CompilerParams(needs_layout_passes=False),
    scratch_types=[
        pltpu.VMEM((EPT_DEG,), jnp.int32),
        pltpu.VMEM((EPT_DEG,), jnp.int32),
        pltpu.VMEM((RCAP,), jnp.int32),
        pltpu.VMEM((RCAP,), jnp.int32),
        pltpu.VMEM((RCAP,), jnp.int32),
        pltpu.VMEM((RCAP,), jnp.int32),
        pltpu.VMEM((2 * RCAP,), jnp.int32),
        pltpu.VMEM((2 * RCAP,), jnp.int32),
        pltpu.VMEM((16,), jnp.int32),
    ],
)
def _part_kernel(src_hbm, dst_hbm, bsrc_out, bdst_out, bdx2_out, cnt_out,
                 sin_v, din_v, b0s_v, b0d_v, b1s_v, b1d_v, b0x_v, b1x_v,
                 cnt_v):
    c = lax.axis_index("c")
    s = lax.axis_index("s")
    t = c * NS + s
    pltpu.sync_copy(src_hbm.at[pl.ds(t * EPT_DEG, EPT_DEG)], sin_v)
    pltpu.sync_copy(dst_hbm.at[pl.ds(t * EPT_DEG, EPT_DEG)], din_v)

    def body(i, carry):
        o0, o1 = carry
        sv = sin_v[pl.ds(i * LANES, LANES)]
        dv = din_v[pl.ds(i * LANES, LANES)]
        n0 = jnp.max(plsc.all_reduce_population_count(dv < HALF))
        dvs, svs = plsc.sort_key_val(dv, sv)
        lane = lax.iota(jnp.int32, LANES)
        m0s = lane < n0
        idx0 = o0 + lane
        idx1 = o1 + lane - n0
        plsc.store_scatter(b0s_v, [idx0], svs, mask=m0s)
        plsc.store_scatter(b0d_v, [idx0], dvs, mask=m0s)
        d2lo = dvs * 2
        plsc.store_scatter(b0x_v, [idx0 * 2], d2lo, mask=m0s)
        plsc.store_scatter(b0x_v, [idx0 * 2 + 1], d2lo + 1, mask=m0s)
        m1s = jnp.logical_not(m0s)
        dloc = dvs - HALF
        plsc.store_scatter(b1s_v, [idx1], svs, mask=m1s)
        plsc.store_scatter(b1d_v, [idx1], dloc, mask=m1s)
        d2lo1 = dloc * 2
        plsc.store_scatter(b1x_v, [idx1 * 2], d2lo1, mask=m1s)
        plsc.store_scatter(b1x_v, [idx1 * 2 + 1], d2lo1 + 1, mask=m1s)
        return (o0 + n0, o1 + (LANES - n0))

    o0, o1 = lax.fori_loop(0, EPT_DEG // LANES, body,
                           (jnp.int32(0), jnp.int32(0)))

    lane = lax.iota(jnp.int32, LANES)

    def padb(i, carry):
        po0, po1 = carry
        jsrc = N_NODES + lax.rem(lane + i * LANES, N_PAD - N_NODES)
        jdst = lane + i * LANES
        b0s_v[pl.ds(po0 + i * LANES, LANES)] = jsrc
        b0d_v[pl.ds(po0 + i * LANES, LANES)] = jdst
        b1s_v[pl.ds(po1 + i * LANES, LANES)] = jsrc
        b1d_v[pl.ds(po1 + i * LANES, LANES)] = jdst
        half = lane // 2
        par = lane - 2 * half
        jx_lo = 2 * (i * LANES) + 2 * half + par
        b0x_v[pl.ds(2 * po0 + 2 * i * LANES, LANES)] = jx_lo
        b0x_v[pl.ds(2 * po0 + 2 * i * LANES + LANES, LANES)] = jx_lo + LANES
        b1x_v[pl.ds(2 * po1 + 2 * i * LANES, LANES)] = jx_lo
        b1x_v[pl.ds(2 * po1 + 2 * i * LANES + LANES, LANES)] = jx_lo + LANES
        return carry

    lax.fori_loop(0, GRPE // LANES, padb, (o0, o1))
    p0 = ((o0 + GRPE - 1) // GRPE) * GRPE
    p1 = ((o1 + GRPE - 1) // GRPE) * GRPE

    cnt_v[...] = jnp.full((16,), 1, jnp.int32) * p0
    pltpu.sync_copy(cnt_v, cnt_out.at[pl.ds((0 * NT + t) * 16, 16)])
    cnt_v[...] = jnp.full((16,), 1, jnp.int32) * p1
    pltpu.sync_copy(cnt_v, cnt_out.at[pl.ds((1 * NT + t) * 16, 16)])
    pltpu.sync_copy(b0s_v, bsrc_out.at[pl.ds((0 * NT + t) * RCAP, RCAP)])
    pltpu.sync_copy(b0d_v, bdst_out.at[pl.ds((0 * NT + t) * RCAP, RCAP)])
    pltpu.sync_copy(b1s_v, bsrc_out.at[pl.ds((1 * NT + t) * RCAP, RCAP)])
    pltpu.sync_copy(b1d_v, bdst_out.at[pl.ds((1 * NT + t) * RCAP, RCAP)])
    pltpu.sync_copy(
        b0x_v, bdx2_out.at[pl.ds((0 * NT + t) * 2 * RCAP, 2 * RCAP)])
    pltpu.sync_copy(
        b1x_v, bdx2_out.at[pl.ds((1 * NT + t) * 2 * RCAP, 2 * RCAP)])


def _make_seg_sum(interleave):
    ipd = 2 if interleave else 1
    nslot = NSLOT if interleave else 4
    g_chunks = GRPE // CHUNK
    rounds = g_chunks // nslot

    @functools.partial(
        pl.kernel,
        out_type=jax.ShapeDtypeStruct((NC * ipd * HALF, 128), jnp.float32),
        mesh=_mesh,
        scratch_types=[
            pltpu.VMEM((GRPE,), jnp.int32),
            pltpu.VMEM((GRPE // CHUNK, ipd * CHUNK), jnp.int32),
            [pltpu.VMEM((ipd * CHUNK, 128), jnp.float32) for _ in range(nslot)],
            pltpu.VMEM((16,), jnp.int32),
            pltpu.VMEM_SHARED((ipd * HALF, 128), jnp.float32),
            [pltpu.SemaphoreType.DMA for _ in range(nslot)],
            [pltpu.SemaphoreType.DMA for _ in range(nslot)],
        ],
    )
    def seg(hs_hbm, bsrc_hbm, bdst2d_hbm, cnt_hbm, zw_hbm, acc_out_hbm,
            src_v, dst_v, rows, cnt_v, acc_sh, gsem, ssem):
        c = lax.axis_index("c")
        s = lax.axis_index("s")
        arpt = ipd * ACC_ROWS_PER_TILE
        pltpu.sync_copy(zw_hbm, acc_sh.at[pl.ds(s * arpt, arpt)])
        plsc.subcore_barrier()

        def gather(j, b):
            dst = rows[b].reshape(CHUNK, 2, 128) if interleave else rows[b]
            return pltpu.make_async_copy(
                hs_hbm.at[src_v.at[pl.ds(j * CHUNK, CHUNK)]], dst, gsem[b]
            )

        def scatter(j, b):
            return pltpu.make_async_copy(
                rows[b], acc_sh.at[dst_v.at[j]], ssem[b]
            )

        for r_i in range(2):
            r = 2 * s + r_i
            base_e = (c * NT + r) * RCAP
            base_row = (c * NT + r) * (RCAP // CHUNK)
            pltpu.sync_copy(cnt_hbm.at[pl.ds((c * NT + r) * 16, 16)], cnt_v)
            n_grp = cnt_v[...][0] // GRPE

            def group(g, carry):
                @pl.when(g < n_grp)
                def _():
                    pltpu.sync_copy(
                        bsrc_hbm.at[pl.ds(base_e + g * GRPE, GRPE)], src_v)
                    pltpu.sync_copy(
                        bdst2d_hbm.at[pl.ds(base_row + g * (GRPE // CHUNK),
                                            GRPE // CHUNK)], dst_v)
                    for b in range(nslot):
                        gather(b, b).start()

                    def body(k, carry2):
                        j0 = k * nslot
                        for b in range(nslot):
                            gather(j0 + b, b).wait()
                            scatter(j0 + b, b).start(add=True)

                        @pl.when(k < rounds - 1)
                        def _():
                            for b in range(nslot):
                                scatter(j0 + b, b).wait()
                                gather(j0 + nslot + b, b).start()
                        return carry2

                    lax.fori_loop(0, rounds, body, 0)
                    for b in range(nslot):
                        scatter(g_chunks - nslot + b, b).wait()
                return carry

            lax.fori_loop(0, RCAP // GRPE, group, 0)

        plsc.subcore_barrier()
        pltpu.sync_copy(
            acc_sh.at[pl.ds(s * arpt, arpt)],
            acc_out_hbm.at[pl.ds(c * ipd * HALF + s * arpt, arpt)],
        )

    return seg


_seg_sum_l1 = _make_seg_sum(True)
_seg_sum_l2 = _make_seg_sum(False)


def _mm1_body(x_ref, w1_ref, deg_ref, hs_ref, dis_ref):
    deg = deg_ref[0] + deg_ref[1] + 1.0
    dis = lax.rsqrt(deg)
    dis_ref[...] = dis
    h = jnp.dot(x_ref[...], w1_ref[...], preferred_element_type=jnp.float32)
    hs_ref[...] = h * dis[:, None]


def _mm2_body(acc_ref, hs_ref, dis_ref, b1_ref, w2_ref, hs2_ref):
    dis = dis_ref[...]
    h = jax.nn.relu(dis[:, None] * (acc_ref[...] + hs_ref[...])
                    + b1_ref[...][None, :])
    hs2 = jnp.dot(h, w2_ref[...], preferred_element_type=jnp.float32)
    hs2 = hs2 * dis[:, None]
    row = pl.program_id(0) * ROW_BLK + lax.broadcasted_iota(
        jnp.int32, (ROW_BLK, 1), 0)
    hs2_ref[...] = jnp.where(row < N_NODES, hs2, 0.0)


def _fin_body(acc_ref, hs_ref, dis_ref, b2_ref, out_ref):
    dis = dis_ref[...]
    out_ref[...] = (dis[:, None] * (acc_ref[...] + hs_ref[...])
                    + b2_ref[...][None, :])


def _row_grid():
    return N_PAD // ROW_BLK


def _tc_mm1(x_pad, W1, deg2):
    return pl.pallas_call(
        _mm1_body,
        grid=(_row_grid(),),
        in_specs=[
            pl.BlockSpec((ROW_BLK, IN_CH), lambda i: (i, 0)),
            pl.BlockSpec((IN_CH, 256), lambda i: (0, 0)),
            pl.BlockSpec((2, ROW_BLK), lambda i: (0, i)),
        ],
        out_specs=[
            pl.BlockSpec((ROW_BLK, 256), lambda i: (i, 0)),
            pl.BlockSpec((ROW_BLK,), lambda i: (i,)),
        ],
        out_shape=[
            jax.ShapeDtypeStruct((N_PAD, 256), jnp.float32),
            jax.ShapeDtypeStruct((N_PAD,), jnp.float32),
        ],
    )(x_pad, W1, deg2)


def _tc_mm2(acc1, hs1, dis, b1, W2):
    return pl.pallas_call(
        _mm2_body,
        grid=(_row_grid(),),
        in_specs=[
            pl.BlockSpec((ROW_BLK, 256), lambda i: (i, 0)),
            pl.BlockSpec((ROW_BLK, 256), lambda i: (i, 0)),
            pl.BlockSpec((ROW_BLK,), lambda i: (i,)),
            pl.BlockSpec((256,), lambda i: (0,)),
            pl.BlockSpec((256, 128), lambda i: (0, 0)),
        ],
        out_specs=pl.BlockSpec((ROW_BLK, 128), lambda i: (i, 0)),
        out_shape=jax.ShapeDtypeStruct((N_PAD, 128), jnp.float32),
    )(acc1, hs1, dis, b1, W2)


def _tc_fin(acc2, hs2, dis, b2):
    return pl.pallas_call(
        _fin_body,
        grid=(_row_grid(),),
        in_specs=[
            pl.BlockSpec((ROW_BLK, 128), lambda i: (i, 0)),
            pl.BlockSpec((ROW_BLK, 128), lambda i: (i, 0)),
            pl.BlockSpec((ROW_BLK,), lambda i: (i,)),
            pl.BlockSpec((OUT_CH,), lambda i: (0,)),
        ],
        out_specs=pl.BlockSpec((ROW_BLK, OUT_CH), lambda i: (i, 0)),
        out_shape=jax.ShapeDtypeStruct((N_PAD, OUT_CH), jnp.float32),
    )(acc2, hs2, dis, b2)


def kernel(x, edge_index, W1, b1, W2, b2):
    ei = edge_index.astype(jnp.int32)
    pad_e = E_PAD - N_EDGES
    pad_i = jnp.arange(pad_e, dtype=jnp.int32)
    src = jnp.concatenate([ei[0], N_NODES + pad_i % (N_PAD - N_NODES)])
    dst = jnp.concatenate([ei[1], pad_i % N_PAD])
    dst_deg = jnp.concatenate([ei[1], jnp.full((pad_e,), N_NODES, jnp.int32)])
    dst2d = dst_deg.reshape(E_PAD // 128, 128)

    x_pad = jnp.pad(x, ((0, N_PAD - N_NODES), (0, 0)))
    z1d = jnp.zeros((ROWS_PER_TILE,), jnp.float32)
    zl1 = jnp.zeros((2 * ACC_ROWS_PER_TILE, 128), jnp.float32)
    zl2 = jnp.zeros((ACC_ROWS_PER_TILE, 128), jnp.float32)

    bsrc, bdst, bdx2, cnts = _part_kernel(src, dst)
    bdst2d = bdst.reshape(2 * NT * RCAP // CHUNK, CHUNK)
    bdx2_2d = bdx2.reshape(2 * NT * 2 * RCAP // (2 * CHUNK), 2 * CHUNK)
    deg2 = _deg_kernel(dst2d, z1d).reshape(2, N_PAD)

    hs1, dis = _tc_mm1(x_pad, W1, deg2)
    hs1_3d = hs1.reshape(N_PAD, 2, 128)
    acc1 = _seg_sum_l1(hs1_3d, bsrc, bdx2_2d, cnts, zl1).reshape(N_PAD, 256)

    hs2 = _tc_mm2(acc1, hs1, dis, b1, W2)
    acc2 = _seg_sum_l2(hs2, bsrc, bdst2d, cnts, zl2)

    out = _tc_fin(acc2, hs2, dis, b2)
    return out[:N_NODES]

# --- scband reference (transcript-rebuilt; emitter-appended) ---
"""Pipeline reference for scband-graph-encoder-62354335203676 (READ-ONLY COPY).

The authoritative reference and input builder live on the scoring server;
editing this copy changes nothing except your own understanding.
"""

import jax, jax.numpy as jnp
import numpy as np

N_NODES = 10000
N_EDGES = 320000
IN_CH = 128
OUT_CH = 128


def gcn_conv(x, edge_index, W, b, num_nodes):
    # GCNConv: add self-loops, symmetric normalization D^-1/2 (A+I) D^-1/2 X W + b
    src = edge_index[0]
    dst = edge_index[1]
    loop = jnp.arange(num_nodes, dtype=edge_index.dtype)
    src = jnp.concatenate([src, loop])
    dst = jnp.concatenate([dst, loop])
    h = x @ W
    deg = jnp.zeros((num_nodes,), dtype=x.dtype).at[dst].add(1.0)
    deg_inv_sqrt = jnp.where(deg > 0, jax.lax.rsqrt(jnp.maximum(deg, 1e-12)), 0.0)
    norm = deg_inv_sqrt[src] * deg_inv_sqrt[dst]
    msg = h[src] * norm[:, None]
    out = jnp.zeros((num_nodes, W.shape[1]), dtype=x.dtype).at[dst].add(msg)
    return out + b


def setup_inputs(seed: int = 0) -> dict:
    key = jax.random.key(seed)
    k1, k2, k3, k4, k5, k6 = jax.random.split(key, 6)
    x = jax.random.normal(k1, (N_NODES, IN_CH), dtype=jnp.float32)
    edge_index = jax.random.randint(k2, (2, N_EDGES), 0, N_NODES, dtype=jnp.int64)
    # conv1: in_channels -> 2*out_channels ; conv2: 2*out_channels -> out_channels
    h1 = 2 * OUT_CH
    W1 = jax.random.normal(k3, (IN_CH, h1), dtype=jnp.float32) * (1.0 / np.sqrt(IN_CH))
    b1 = jnp.zeros((h1,), dtype=jnp.float32)
    W2 = jax.random.normal(k4, (h1, OUT_CH), dtype=jnp.float32) * (1.0 / np.sqrt(h1))
    b2 = jnp.zeros((OUT_CH,), dtype=jnp.float32)
    return {"x": x, "edge_index": edge_index, "W1": W1, "b1": b1, "W2": W2, "b2": b2}


def reference(x, edge_index, W1, b1, W2, b2):
    h = gcn_conv(x, edge_index, W1, b1, N_NODES)
    h = jax.nn.relu(h)
    # dropout(p=0.2) is identity in eval mode
    out = gcn_conv(h, edge_index, W2, b2, N_NODES)
    return out

if __name__ == "__main__":
    import jax
    _d = setup_inputs()
    print(jax.jit(kernel)(*tuple(_d.values())))

</pallas_src>

<mosaic_0001>
#map = affine_map<(d0, d1) -> (0, 0)>
#map1 = affine_map<(d0, d1) -> (0)>
module attributes {stable_mosaic.version = 14 : i64} {
  func.func @seg(%arg0: i32, %arg1: i32, %arg2: memref<10240x128xf32, #tpu.memory_space<hbm>>, %arg3: memref<720896xi32, #tpu.memory_space<hbm>>, %arg4: memref<11264x64xi32, #tpu.memory_space<hbm>>, %arg5: memref<1024xi32, #tpu.memory_space<hbm>>, %arg6: memref<320x128xf32, #tpu.memory_space<hbm>>, %arg7: memref<10240x128xf32, #tpu.memory_space<hbm>>, %arg8: memref<1024xi32, #tpu.memory_space<vmem>>, %arg9: memref<16x64xi32, #tpu.memory_space<vmem>>, %arg10: memref<64x128xf32, #tpu.memory_space<vmem>>, %arg11: memref<64x128xf32, #tpu.memory_space<vmem>>, %arg12: memref<64x128xf32, #tpu.memory_space<vmem>>, %arg13: memref<64x128xf32, #tpu.memory_space<vmem>>, %arg14: memref<16xi32, #tpu.memory_space<vmem>>, %arg15: memref<5120x128xf32, #tpu.memory_space<vmem_shared>>, %arg16: memref<!tpu.dma_semaphore, #tpu.memory_space<semaphore_mem>>, %arg17: memref<!tpu.dma_semaphore, #tpu.memory_space<semaphore_mem>>, %arg18: memref<!tpu.dma_semaphore, #tpu.memory_space<semaphore_mem>>, %arg19: memref<!tpu.dma_semaphore, #tpu.memory_space<semaphore_mem>>, %arg20: memref<!tpu.dma_semaphore, #tpu.memory_space<semaphore_mem>>, %arg21: memref<!tpu.dma_semaphore, #tpu.memory_space<semaphore_mem>>, %arg22: memref<!tpu.dma_semaphore, #tpu.memory_space<semaphore_mem>>, %arg23: memref<!tpu.dma_semaphore, #tpu.memory_space<semaphore_mem>>) attributes {dimension_semantics = [#tpu.dimension_semantics<core_parallel>, #tpu.dimension_semantics<subcore_parallel>], iteration_bounds = array<i64: 2, 16>, scalar_prefetch = 0 : i64, scratch_operands = 16 : i64, tpu.core_type = #tpu.core_type<sc_vector_subcore>, window_params = [{transform_indices = #map}, {transform_indices = #map1}, {transform_indices = #map}, {transform_indices = #map1}, {transform_indices = #map}, {transform_indices = #map}]} {
    %mul3A = arith.constant 320 : i32
    %mul3A_0 = arith.muli %arg1, %mul3A : i32
    "tpu.region"() ({
      %run_scoped3A = tpu.sem_alloc : memref<!tpu.dma_semaphore, #tpu.memory_space<semaphore_mem>>
      %dma_start3A = arith.constant 0 : i32
      %dma_start3A_106 = tpu.memref_slice %arg15[%mul3A_0, %dma_start3A] : memref<5120x128xf32, #tpu.memory_space<vmem_shared>> -> memref<320x128xf32, #tpu.memory_space<vmem_shared>>
      tpu.enqueue_dma source(%arg6 : memref<320x128xf32, #tpu.memory_space<hbm>>) target(%dma_start3A_106 : memref<320x128xf32, #tpu.memory_space<vmem_shared>>) target_semaphore(%run_scoped3A : memref<!tpu.dma_semaphore, #tpu.memory_space<semaphore_mem>>)
      %dma_wait3A = arith.constant 0 : i32
      %dma_wait3A_107 = tpu.memref_slice %arg15[%mul3A_0, %dma_wait3A] : memref<5120x128xf32, #tpu.memory_space<vmem_shared>> -> memref<320x128xf32, #tpu.memory_space<vmem_shared>>
      tpu.wait_dma2 semaphore(%run_scoped3A : memref<!tpu.dma_semaphore, #tpu.memory_space<semaphore_mem>>) src(%arg6 : memref<320x128xf32, #tpu.memory_space<hbm>>) dst(%dma_wait3A_107 : memref<320x128xf32, #tpu.memory_space<vmem_shared>>)
      tpu.yield
    }) : () -> ()
    %barrier3A = arith.constant 0 : index
    tpu.barrier barrier_id(%barrier3A)
    %mul3A_1 = arith.constant 2 : i32
    %mul3A_2 = arith.muli %mul3A_1, %arg1 : i32
    %add3A = arith.constant 0 : i32
    %add3A_3 = arith.addi %mul3A_2, %add3A : i32
    %mul3A_4 = arith.constant 32 : i32
    %mul3A_5 = arith.muli %arg0, %mul3A_4 : i32
    %add3A_6 = arith.addi %mul3A_5, %add3A_3 : i32
    %mul3A_7 = arith.constant 11264 : i32
    %mul3A_8 = arith.muli %add3A_6, %mul3A_7 : i32
    %mul3A_9 = arith.constant 32 : i32
    %mul3A_10 = arith.muli %arg0, %mul3A_9 : i32
    %add3A_11 = arith.addi %mul3A_10, %add3A_3 : i32
    %mul3A_12 = arith.constant 176 : i32
    %mul3A_13 = arith.muli %add3A_11, %mul3A_12 : i32
    %mul3A_14 = arith.constant 32 : i32
    %mul3A_15 = arith.muli %arg0, %mul3A_14 : i32
    %add3A_16 = arith.addi %mul3A_15, %add3A_3 : i32
    %mul3A_17 = arith.constant 16 : i32
    %mul3A_18 = arith.muli %add3A_16, %mul3A_17 : i32
    "tpu.region"() ({
      %run_scoped3A = tpu.sem_alloc : memref<!tpu.dma_semaphore, #tpu.memory_space<semaphore_mem>>
      %dma_start3A = tpu.memref_slice %arg5[%mul3A_18] : memref<1024xi32, #tpu.memory_space<hbm>> -> memref<16xi32, #tpu.memory_space<hbm>>
      %dma_start3A_106 = tpu.memref_slice %arg5[%mul3A_18] : memref<1024xi32, #tpu.memory_space<hbm>> -> memref<16xi32, #tpu.memory_space<hbm>>
      tpu.enqueue_dma source(%dma_start3A_106 : memref<16xi32, #tpu.memory_space<hbm>>) target(%arg14 : memref<16xi32, #tpu.memory_space<vmem>>) target_semaphore(%run_scoped3A : memref<!tpu.dma_semaphore, #tpu.memory_space<semaphore_mem>>)
      %dma_wait3A = tpu.memref_slice %arg5[%mul3A_18] : memref<1024xi32, #tpu.memory_space<hbm>> -> memref<16xi32, #tpu.memory_space<hbm>>
      %dma_wait3A_107 = tpu.memref_slice %arg5[%mul3A_18] : memref<1024xi32, #tpu.memory_space<hbm>> -> memref<16xi32, #tpu.memory_space<hbm>>
      tpu.wait_dma2 semaphore(%run_scoped3A : memref<!tpu.dma_semaphore, #tpu.memory_space<semaphore_mem>>) src(%dma_wait3A_107 : memref<16xi32, #tpu.memory_space<hbm>>) dst(%arg14 : memref<16xi32, #tpu.memory_space<vmem>>)
      tpu.yield
    }) : () -> ()
    %get3A = arith.constant 0 : index
    %get3A_19 = tpu.vector_load %arg14[%get3A] {strides = array<i32>} : memref<16xi32, #tpu.memory_space<vmem>>, vector<16xi32>,
    %get3A_20 = vector.shape_cast %get3A_19 : vector<16xi32> to vector<16xi32>
    %slice3A = vector.extract_strided_slice %get3A_20 {offsets = [0], sizes = [1], strides = [1]} : vector<16xi32> to vector<1xi32>
    %squeeze3A = vector.extract %slice3A[0] : i32 from vector<1xi32>
    %jit3A = arith.constant 1024 : i32
    %div3A = arith.divsi %squeeze3A, %jit3A : i32
    %sign3A = arith.constant 0 : i32
    %sign3A_21 = arith.cmpi sgt, %squeeze3A, %sign3A : i32
    %sign3A_22 = arith.extui %sign3A_21 : i1 to i32
    %sign3A_23 = arith.constant 0 : i32
    %sign3A_24 = arith.cmpi slt, %squeeze3A, %sign3A_23 : i32
    %sign3A_25 = arith.extui %sign3A_24 : i1 to i32
    %sign3A_26 = arith.subi %sign3A_22, %sign3A_25 : i32
    %sign3A_27 = arith.constant 0 : i32
    %sign3A_28 = arith.cmpi sgt, %jit3A, %sign3A_27 : i32
    %sign3A_29 = arith.extui %sign3A_28 : i1 to i32
    %sign3A_30 = arith.constant 0 : i32
    %sign3A_31 = arith.cmpi slt, %jit3A, %sign3A_30 : i32
    %sign3A_32 = arith.extui %sign3A_31 : i1 to i32
    %sign3A_33 = arith.subi %sign3A_29, %sign3A_32 : i32
    %ne3A = arith.cmpi ne, %sign3A_26, %sign3A_33 : i32
    %rem3A = arith.remsi %squeeze3A, %jit3A : i32
    %ne3A_34 = arith.constant 0 : i32
    %ne3A_35 = arith.cmpi ne, %rem3A, %ne3A_34 : i32
    %and3A = arith.andi %ne3A, %ne3A_35 : i1
    %sub3A = arith.constant 1 : i32
    %sub3A_36 = arith.subi %div3A, %sub3A : i32
    %select_n3A = arith.select %and3A, %sub3A_36, %div3A : i32
    %scan3A = arith.constant 0 : i32
    %scan3A_37 = arith.constant 0 : i32
    %scan3A_38 = arith.constant 11 : i32
    %scan3A_39 = arith.addi %scan3A_37, %scan3A_38 : i32
    %scan3A_40 = arith.constant 1 : i32
    scf.for %scan3A_106 = %scan3A_37 to %scan3A_39 step %scan3A_40  : i32 {
      %lt3A = arith.cmpi slt, %scan3A_106, %select_n3A : i32
      %convert_element_type3A = arith.extui %lt3A : i1 to i32
      %cond3A = arith.constant 0 : i32
      %cond3A_107 = arith.cmpi ne, %convert_element_type3A, %cond3A : i32
      scf.if %cond3A_107 {
        %mul3A_108 = arith.constant 1024 : i32
        %mul3A_109 = arith.muli %scan3A_106, %mul3A_108 : i32
        %add3A_110 = arith.addi %mul3A_8, %mul3A_109 : i32
        "tpu.region"() ({
          %run_scoped3A = tpu.sem_alloc : memref<!tpu.dma_semaphore, #tpu.memory_space<semaphore_mem>>
          %dma_start3A_166 = tpu.memref_slice %arg3[%add3A_110] : memref<720896xi32, #tpu.memory_space<hbm>> -> memref<1024xi32, #tpu.memory_space<hbm>>
          %dma_start3A_167 = tpu.memref_slice %arg3[%add3A_110] : memref<720896xi32, #tpu.memory_space<hbm>> -> memref<1024xi32, #tpu.memory_space<hbm>>
          tpu.enqueue_dma source(%dma_start3A_167 : memref<1024xi32, #tpu.memory_space<hbm>>) target(%arg8 : memref<1024xi32, #tpu.memory_space<vmem>>) target_semaphore(%run_scoped3A : memref<!tpu.dma_semaphore, #tpu.memory_space<semaphore_mem>>)
          %dma_wait3A_168 = tpu.memref_slice %arg3[%add3A_110] : memref<720896xi32, #tpu.memory_space<hbm>> -> memref<1024xi32, #tpu.memory_space<hbm>>
          %dma_wait3A_169 = tpu.memref_slice %arg3[%add3A_110] : memref<720896xi32, #tpu.memory_space<hbm>> -> memref<1024xi32, #tpu.memory_space<hbm>>
          tpu.wait_dma2 semaphore(%run_scoped3A : memref<!tpu.dma_semaphore, #tpu.memory_space<semaphore_mem>>) src(%dma_wait3A_169 : memref<1024xi32, #tpu.memory_space<hbm>>) dst(%arg8 : memref<1024xi32, #tpu.memory_space<vmem>>)
          tpu.yield
        }) : () -> ()
        %mul3A_111 = arith.constant 16 : i32
        %mul3A_112 = arith.muli %scan3A_106, %mul3A_111 : i32
        %add3A_113 = arith.addi %mul3A_13, %mul3A_112 : i32
        "tpu.region"() ({
          %run_scoped3A = tpu.sem_alloc : memref<!tpu.dma_semaphore, #tpu.memory_space<semaphore_mem>>
          %dma_start3A_166 = arith.constant 0 : i32
          %dma_start3A_167 = tpu.memref_slice %arg4[%add3A_113, %dma_start3A_166] : memref<11264x64xi32, #tpu.memory_space<hbm>> -> memref<16x64xi32, #tpu.memory_space<hbm>>
          %dma_start3A_168 = arith.constant 0 : i32
          %dma_start3A_169 = tpu.memref_slice %arg4[%add3A_113, %dma_start3A_168] : memref<11264x64xi32, #tpu.memory_space<hbm>> -> memref<16x64xi32, #tpu.memory_space<hbm>>
          tpu.enqueue_dma source(%dma_start3A_169 : memref<16x64xi32, #tpu.memory_space<hbm>>) target(%arg9 : memref<16x64xi32, #tpu.memory_space<vmem>>) target_semaphore(%run_scoped3A : memref<!tpu.dma_semaphore, #tpu.memory_space<semaphore_mem>>)
          %dma_wait3A_170 = arith.constant 0 : i32
          %dma_wait3A_171 = tpu.memref_slice %arg4[%add3A_113, %dma_wait3A_170] : memref<11264x64xi32, #tpu.memory_space<hbm>> -> memref<16x64xi32, #tpu.memory_space<hbm>>
          %dma_wait3A_172 = arith.constant 0 : i32
          %dma_wait3A_173 = tpu.memref_slice %arg4[%add3A_113, %dma_wait3A_172] : memref<11264x64xi32, #tpu.memory_space<hbm>> -> memref<16x64xi32, #tpu.memory_space<hbm>>
          tpu.wait_dma2 semaphore(%run_scoped3A : memref<!tpu.dma_semaphore, #tpu.memory_space<semaphore_mem>>) src(%dma_wait3A_173 : memref<16x64xi32, #tpu.memory_space<hbm>>) dst(%arg9 : memref<16x64xi32, #tpu.memory_space<vmem>>)
          tpu.yield
        }) : () -> ()
        %dma_start3A = arith.constant 0 : i32
        %dma_start3A_114 = tpu.memref_slice %arg8[%dma_start3A] : memref<1024xi32, #tpu.memory_space<vmem>> -> memref<64xi32, #tpu.memory_space<vmem>>
        %dma_start3A_115 = arith.constant 0 : i32
        %dma_start3A_116 = arith.constant 0 : i32
        %dma_start3A_117 = tpu.memref_slice %arg2[%dma_start3A_115, %dma_start3A_116] : memref<10240x128xf32, #tpu.memory_space<hbm>> -> memref<10240x128xf32, #tpu.memory_space<hbm>>
        tpu.enqueue_indirect_dma source(%dma_start3A_117 : memref<10240x128xf32, #tpu.memory_space<hbm>>) target(%arg10 : memref<64x128xf32, #tpu.memory_space<vmem>>) offsets(%dma_start3A_114 : memref<64xi32, #tpu.memory_space<vmem>>) semaphore(%arg16 : memref<!tpu.dma_semaphore, #tpu.memory_space<semaphore_mem>>)
        %dma_start3A_118 = arith.constant 64 : i32
        %dma_start3A_119 = tpu.memref_slice %arg8[%dma_start3A_118] : memref<1024xi32, #tpu.memory_space<vmem>> -> memref<64xi32, #tpu.memory_space<vmem>>
        %dma_start3A_120 = arith.constant 0 : i32
        %dma_start3A_121 = arith.constant 0 : i32
        %dma_start3A_122 = tpu.memref_slice %arg2[%dma_start3A_120, %dma_start3A_121] : memref<10240x128xf32, #tpu.memory_space<hbm>> -> memref<10240x128xf32, #tpu.memory_space<hbm>>
        tpu.enqueue_indirect_dma source(%dma_start3A_122 : memref<10240x128xf32, #tpu.memory_space<hbm>>) target(%arg11 : memref<64x128xf32, #tpu.memory_space<vmem>>) offsets(%dma_start3A_119 : memref<64xi32, #tpu.memory_space<vmem>>) semaphore(%arg17 : memref<!tpu.dma_semaphore, #tpu.memory_space<semaphore_mem>>)
        %dma_start3A_123 = arith.constant 128 : i32
        %dma_start3A_124 = tpu.memref_slice %arg8[%dma_start3A_123] : memref<1024xi32, #tpu.memory_space<vmem>> -> memref<64xi32, #tpu.memory_space<vmem>>
        %dma_start3A_125 = arith.constant 0 : i32
        %dma_start3A_126 = arith.constant 0 : i32
        %dma_start3A_127 = tpu.memref_slice %arg2[%dma_start3A_125, %dma_start3A_126] : memref<10240x128xf32, #tpu.memory_space<hbm>> -> memref<10240x128xf32, #tpu.memory_space<hbm>>
        tpu.enqueue_indirect_dma source(%dma_start3A_127 : memref<10240x128xf32, #tpu.memory_space<hbm>>) target(%arg12 : memref<64x128xf32, #tpu.memory_space<vmem>>) offsets(%dma_start3A_124 : memref<64xi32, #tpu.memory_space<vmem>>) semaphore(%arg18 : memref<!tpu.dma_semaphore, #tpu.memory_space<semaphore_mem>>)
        %dma_start3A_128 = arith.constant 192 : i32
        %dma_start3A_129 = tpu.memref_slice %arg8[%dma_start3A_128] : memref<1024xi32, #tpu.memory_space<vmem>> -> memref<64xi32, #tpu.memory_space<vmem>>
        %dma_start3A_130 = arith.constant 0 : i32
        %dma_start3A_131 = arith.constant 0 : i32
        %dma_start3A_132 = tpu.memref_slice %arg2[%dma_start3A_130, %dma_start3A_131] : memref<10240x128xf32, #tpu.memory_space<hbm>> -> memref<10240x128xf32, #tpu.memory_space<hbm>>
        tpu.enqueue_indirect_dma source(%dma_start3A_132 : memref<10240x128xf32, #tpu.memory_space<hbm>>) target(%arg13 : memref<64x128xf32, #tpu.memory_space<vmem>>) offsets(%dma_start3A_129 : memref<64xi32, #tpu.memory_space<vmem>>) semaphore(%arg19 : memref<!tpu.dma_semaphore, #tpu.memory_space<semaphore_mem>>)
        %scan3A_133 = arith.constant 0 : i32
        %scan3A_134 = arith.constant 0 : i32
        %scan3A_135 = arith.constant 4 : i32
        %scan3A_136 = arith.addi %scan3A_134, %scan3A_135 : i32
        %scan3A_137 = arith.constant 1 : i32
        scf.for %scan3A_166 = %scan3A_134 to %scan3A_136 step %scan3A_137  : i32 {
          %mul3A_167 = arith.constant 4 : i32
          %mul3A_168 = arith.muli %scan3A_166, %mul3A_167 : i32
          %add3A_169 = arith.constant 0 : i32
          %add3A_170 = arith.addi %mul3A_168, %add3A_169 : i32
          %mul3A_171 = arith.constant 64 : i32
          %mul3A_172 = arith.muli %add3A_170, %mul3A_171 : i32
          %dma_wait3A_173 = tpu.memref_slice %arg8[%mul3A_172] : memref<1024xi32, #tpu.memory_space<vmem>> -> memref<64xi32, #tpu.memory_space<vmem>>
          %dma_wait3A_174 = arith.constant 0 : i32
          %dma_wait3A_175 = arith.constant 0 : i32
          %dma_wait3A_176 = tpu.memref_slice %arg2[%dma_wait3A_174, %dma_wait3A_175] : memref<10240x128xf32, #tpu.memory_space<hbm>> -> memref<10240x128xf32, #tpu.memory_space<hbm>>
          tpu.wait_indirect_dma semaphore(%arg16 : memref<!tpu.dma_semaphore, #tpu.memory_space<semaphore_mem>>) src(%dma_wait3A_176 : memref<10240x128xf32, #tpu.memory_space<hbm>>) dst(%arg10 : memref<64x128xf32, #tpu.memory_space<vmem>>)
          %add3A_177 = arith.constant 0 : i32
          %add3A_178 = arith.addi %mul3A_168, %add3A_177 : i32
          %dma_start3A_179 = arith.constant 0 : i32
          %dma_start3A_180 = tpu.memref_slice %arg9[%add3A_178, %dma_start3A_179] : memref<16x64xi32, #tpu.memory_space<vmem>> -> memref<1x64xi32, #tpu.memory_space<vmem>>
          %dma_start3A_181 = tpu.memref_squeeze %dma_start3A_180 : memref<1x64xi32, #tpu.memory_space<vmem>> -> memref<64xi32, #tpu.memory_space<vmem>>
          %dma_start3A_182 = arith.constant 0 : i32
          %dma_start3A_183 = arith.constant 0 : i32
          %dma_start3A_184 = tpu.memref_slice %arg15[%dma_start3A_182, %dma_start3A_183] : memref<5120x128xf32, #tpu.memory_space<vmem_shared>> -> memref<5120x128xf32, #tpu.memory_space<vmem_shared>>
          tpu.enqueue_indirect_dma source(%arg10 : memref<64x128xf32, #tpu.memory_space<vmem>>) target(%dma_start3A_184 : memref<5120x128xf32, #tpu.memory_space<vmem_shared>>) offsets(%dma_start3A_181 : memref<64xi32, #tpu.memory_space<vmem>>) semaphore(%arg20 : memref<!tpu.dma_semaphore, #tpu.memory_space<semaphore_mem>>) {add = true}
          %add3A_185 = arith.constant 1 : i32
          %add3A_186 = arith.addi %mul3A_168, %add3A_185 : i32
          %mul3A_187 = arith.constant 64 : i32
          %mul3A_188 = arith.muli %add3A_186, %mul3A_187 : i32
          %dma_wait3A_189 = tpu.memref_slice %arg8[%mul3A_188] : memref<1024xi32, #tpu.memory_space<vmem>> -> memref<64xi32, #tpu.memory_space<vmem>>
          %dma_wait3A_190 = arith.constant 0 : i32
          %dma_wait3A_191 = arith.constant 0 : i32
          %dma_wait3A_192 = tpu.memref_slice %arg2[%dma_wait3A_190, %dma_wait3A_191] : memref<10240x128xf32, #tpu.memory_space<hbm>> -> memref<10240x128xf32, #tpu.memory_space<hbm>>
          tpu.wait_indirect_dma semaphore(%arg17 : memref<!tpu.dma_semaphore, #tpu.memory_space<semaphore_mem>>) src(%dma_wait3A_192 : memref<10240x128xf32, #tpu.memory_space<hbm>>) dst(%arg11 : memref<64x128xf32, #tpu.memory_space<vmem>>)
          %add3A_193 = arith.constant 1 : i32
          %add3A_194 = arith.addi %mul3A_168, %add3A_193 : i32
          %dma_start3A_195 = arith.constant 0 : i32
          %dma_start3A_196 = tpu.memref_slice %arg9[%add3A_194, %dma_start3A_195] : memref<16x64xi32, #tpu.memory_space<vmem>> -> memref<1x64xi32, #tpu.memory_space<vmem>>
          %dma_start3A_197 = tpu.memref_squeeze %dma_start3A_196 : memref<1x64xi32, #tpu.memory_space<vmem>> -> memref<64xi32, #tpu.memory_space<vmem>>
          %dma_start3A_198 = arith.constant 0 : i32
          %dma_start3A_199 = arith.constant 0 : i32
          %dma_start3A_200 = tpu.memref_slice %arg15[%dma_start3A_198, %dma_start3A_199] : memref<5120x128xf32, #tpu.memory_space<vmem_shared>> -> memref<5120x128xf32, #tpu.memory_space<vmem_shared>>
          tpu.enqueue_indirect_dma source(%arg11 : memref<64x128xf32, #tpu.memory_space<vmem>>) target(%dma_start3A_200 : memref<5120x128xf32, #tpu.memory_space<vmem_shared>>) offsets(%dma_start3A_197 : memref<64xi32, #tpu.memory_space<vmem>>) semaphore(%arg21 : memref<!tpu.dma_semaphore, #tpu.memory_space<semaphore_mem>>) {add = true}
          %add3A_201 = arith.constant 2 : i32
          %add3A_202 = arith.addi %mul3A_168, %add3A_201 : i32
          %mul3A_203 = arith.constant 64 : i32
          %mul3A_204 = arith.muli %add3A_202, %mul3A_203 : i32
          %dma_wait3A_205 = tpu.memref_slice %arg8[%mul3A_204] : memref<1024xi32, #tpu.memory_space<vmem>> -> memref<64xi32, #tpu.memory_space<vmem>>
          %dma_wait3A_206 = arith.constant 0 : i32
          %dma_wait3A_207 = arith.constant 0 : i32
          %dma_wait3A_208 = tpu.memref_slice %arg2[%dma_wait3A_206, %dma_wait3A_207] : memref<10240x128xf32, #tpu.memory_space<hbm>> -> memref<10240x128xf32, #tpu.memory_space<hbm>>
          tpu.wait_indirect_dma semaphore(%arg18 : memref<!tpu.dma_semaphore, #tpu.memory_space<semaphore_mem>>) src(%dma_wait3A_208 : memref<10240x128xf32, #tpu.memory_space<hbm>>) dst(%arg12 : memref<64x128xf32, #tpu.memory_space<vmem>>)
          %add3A_209 = arith.constant 2 : i32
          %add3A_210 = arith.addi %mul3A_168, %add3A_209 : i32
          %dma_start3A_211 = arith.constant 0 : i32
          %dma_start3A_212 = tpu.memref_slice %arg9[%add3A_210, %dma_start3A_211] : memref<16x64xi32, #tpu.memory_space<vmem>> -> memref<1x64xi32, #tpu.memory_space<vmem>>
          %dma_start3A_213 = tpu.memref_squeeze %dma_start3A_212 : memref<1x64xi32, #tpu.memory_space<vmem>> -> memref<64xi32, #tpu.memory_space<vmem>>
          %dma_start3A_214 = arith.constant 0 : i32
          %dma_start3A_215 = arith.constant 0 : i32
          %dma_start3A_216 = tpu.memref_slice %arg15[%dma_start3A_214, %dma_start3A_215] : memref<5120x128xf32, #tpu.memory_space<vmem_shared>> -> memref<5120x128xf32, #tpu.memory_space<vmem_shared>>
          tpu.enqueue_indirect_dma source(%arg12 : memref<64x128xf32, #tpu.memory_space<vmem>>) target(%dma_start3A_216 : memref<5120x128xf32, #tpu.memory_space<vmem_shared>>) offsets(%dma_start3A_213 : memref<64xi32, #tpu.memory_space<vmem>>) semaphore(%arg22 : memref<!tpu.dma_semaphore, #tpu.memory_space<semaphore_mem>>) {add = true}
          %add3A_217 = arith.constant 3 : i32
          %add3A_218 = arith.addi %mul3A_168, %add3A_217 : i32
          %mul3A_219 = arith.constant 64 : i32
          %mul3A_220 = arith.muli %add3A_218, %mul3A_219 : i32
          %dma_wait3A_221 = tpu.memref_slice %arg8[%mul3A_220] : memref<1024xi32, #tpu.memory_space<vmem>> -> memref<64xi32, #tpu.memory_space<vmem>>
          %dma_wait3A_222 = arith.constant 0 : i32
          %dma_wait3A_223 = arith.constant 0 : i32
          %dma_wait3A_224 = tpu.memref_slice %arg2[%dma_wait3A_222, %dma_wait3A_223] : memref<10240x128xf32, #tpu.memory_space<hbm>> -> memref<10240x128xf32, #tpu.memory_space<hbm>>
          tpu.wait_indirect_dma semaphore(%arg19 : memref<!tpu.dma_semaphore, #tpu.memory_space<semaphore_mem>>) src(%dma_wait3A_224 : memref<10240x128xf32, #tpu.memory_space<hbm>>) dst(%arg13 : memref<64x128xf32, #tpu.memory_space<vmem>>)
          %add3A_225 = arith.constant 3 : i32
          %add3A_226 = arith.addi %mul3A_168, %add3A_225 : i32
          %dma_start3A_227 = arith.constant 0 : i32
          %dma_start3A_228 = tpu.memref_slice %arg9[%add3A_226, %dma_start3A_227] : memref<16x64xi32, #tpu.memory_space<vmem>> -> memref<1x64xi32, #tpu.memory_space<vmem>>
          %dma_start3A_229 = tpu.memref_squeeze %dma_start3A_228 : memref<1x64xi32, #tpu.memory_space<vmem>> -> memref<64xi32, #tpu.memory_space<vmem>>
          %dma_start3A_230 = arith.constant 0 : i32
          %dma_start3A_231 = arith.constant 0 : i32
          %dma_start3A_232 = tpu.memref_slice %arg15[%dma_start3A_230, %dma_start3A_231] : memref<5120x128xf32, #tpu.memory_space<vmem_shared>> -> memref<5120x128xf32, #tpu.memory_space<vmem_shared>>
          tpu.enqueue_indirect_dma source(%arg13 : memref<64x128xf32, #tpu.memory_space<vmem>>) target(%dma_start3A_232 : memref<5120x128xf32, #tpu.memory_space<vmem_shared>>) offsets(%dma_start3A_229 : memref<64xi32, #tpu.memory_space<vmem>>) semaphore(%arg23 : memref<!tpu.dma_semaphore, #tpu.memory_space<semaphore_mem>>) {add = true}
          %lt3A_233 = arith.constant 3 : i32
          %lt3A_234 = arith.cmpi slt, %scan3A_166, %lt3A_233 : i32
          %convert_element_type3A_235 = arith.extui %lt3A_234 : i1 to i32
          %cond3A_236 = arith.constant 0 : i32
          %cond3A_237 = arith.cmpi ne, %convert_element_type3A_235, %cond3A_236 : i32
          scf.if %cond3A_237 {
            %add3A_238 = arith.constant 0 : i32
            %add3A_239 = arith.addi %mul3A_168, %add3A_238 : i32
            %dma_wait3A_240 = arith.constant 0 : i32
            %dma_wait3A_241 = tpu.memref_slice %arg9[%add3A_239, %dma_wait3A_240] : memref<16x64xi32, #tpu.memory_space<vmem>> -> memref<1x64xi32, #tpu.memory_space<vmem>>
            %dma_wait3A_242 = tpu.memref_squeeze %dma_wait3A_241 : memref<1x64xi32, #tpu.memory_space<vmem>> -> memref<64xi32, #tpu.memory_space<vmem>>
            %dma_wait3A_243 = arith.constant 0 : i32
            %dma_wait3A_244 = arith.constant 0 : i32
            %dma_wait3A_245 = tpu.memref_slice %arg15[%dma_wait3A_243, %dma_wait3A_244] : memref<5120x128xf32, #tpu.memory_space<vmem_shared>> -> memref<5120x128xf32, #tpu.memory_space<vmem_shared>>
            tpu.wait_indirect_dma semaphore(%arg20 : memref<!tpu.dma_semaphore, #tpu.memory_space<semaphore_mem>>) src(%arg10 : memref<64x128xf32, #tpu.memory_space<vmem>>) dst(%dma_wait3A_245 : memref<5120x128xf32, #tpu.memory_space<vmem_shared>>)
            %add3A_246 = arith.constant 4 : i32
            %add3A_247 = arith.addi %mul3A_168, %add3A_246 : i32
            %add3A_248 = arith.constant 0 : i32
            %add3A_249 = arith.addi %add3A_247, %add3A_248 : i32
            %mul3A_250 = arith.constant 64 : i32
            %mul3A_251 = arith.muli %add3A_249, %mul3A_250 : i32
            %dma_start3A_252 = tpu.memref_slice %arg8[%mul3A_251] : memref<1024xi32, #tpu.memory_space<vmem>> -> memref<64xi32, #tpu.memory_space<vmem>>
            %dma_start3A_253 = arith.constant 0 : i32
            %dma_start3A_254 = arith.constant 0 : i32
            %dma_start3A_255 = tpu.memref_slice %arg2[%dma_start3A_253, %dma_start3A_254] : memref<10240x128xf32, #tpu.memory_space<hbm>> -> memref<10240x128xf32, #tpu.memory_space<hbm>>
            tpu.enqueue_indirect_dma source(%dma_start3A_255 : memref<10240x128xf32, #tpu.memory_space<hbm>>) target(%arg10 : memref<64x128xf32, #tpu.memory_space<vmem>>) offsets(%dma_start3A_252 : memref<64xi32, #tpu.memory_space<vmem>>) semaphore(%arg16 : memref<!tpu.dma_semaphore, #tpu.memory_space<semaphore_mem>>)
            %add3A_256 = arith.constant 1 : i32
            %add3A_257 = arith.addi %mul3A_168, %add3A_256 : i32
            %dma_wait3A_258 = arith.constant 0 : i32
            %dma_wait3A_259 = tpu.memref_slice %arg9[%add3A_257, %dma_wait3A_258] : memref<16x64xi32, #tpu.memory_space<vmem>> -> memref<1x64xi32, #tpu.memory_space<vmem>>
            %dma_wait3A_260 = tpu.memref_squeeze %dma_wait3A_259 : memref<1x64xi32, #tpu.memory_space<vmem>> -> memref<64xi32, #tpu.memory_space<vmem>>
            %dma_wait3A_261 = arith.constant 0 : i32
            %dma_wait3A_262 = arith.constant 0 : i32
            %dma_wait3A_263 = tpu.memref_slice %arg15[%dma_wait3A_261, %dma_wait3A_262] : memref<5120x128xf32, #tpu.memory_space<vmem_shared>> -> memref<5120x128xf32, #tpu.memory_space<vmem_shared>>
            tpu.wait_indirect_dma semaphore(%arg21 : memref<!tpu.dma_semaphore, #tpu.memory_space<semaphore_mem>>) src(%arg11 : memref<64x128xf32, #tpu.memory_space<vmem>>) dst(%dma_wait3A_263 : memref<5120x128xf32, #tpu.memory_space<vmem_shared>>)
            %add3A_264 = arith.constant 4 : i32
            %add3A_265 = arith.addi %mul3A_168, %add3A_264 : i32
            %add3A_266 = arith.constant 1 : i32
            %add3A_267 = arith.addi %add3A_265, %add3A_266 : i32
            %mul3A_268 = arith.constant 64 : i32
            %mul3A_269 = arith.muli %add3A_267, %mul3A_268 : i32
            %dma_start3A_270 = tpu.memref_slice %arg8[%mul3A_269] : memref<1024xi32, #tpu.memory_space<vmem>> -> memref<64xi32, #tpu.memory_space<vmem>>
            %dma_start3A_271 = arith.constant 0 : i32
            %dma_start3A_272 = arith.constant 0 : i32
            %dma_start3A_273 = tpu.memref_slice %arg2[%dma_start3A_271, %dma_start3A_272] : memref<10240x128xf32, #tpu.memory_space<hbm>> -> memref<10240x128xf32, #tpu.memory_space<hbm>>
            tpu.enqueue_indirect_dma source(%dma_start3A_273 : memref<10240x128xf32, #tpu.memory_space<hbm>>) target(%arg11 : memref<64x128xf32, #tpu.memory_space<vmem>>) offsets(%dma_start3A_270 : memref<64xi32, #tpu.memory_space<vmem>>) semaphore(%arg17 : memref<!tpu.dma_semaphore, #tpu.memory_space<semaphore_mem>>)
            %add3A_274 = arith.constant 2 : i32
            %add3A_275 = arith.addi %mul3A_168, %add3A_274 : i32
            %dma_wait3A_276 = arith.constant 0 : i32
            %dma_wait3A_277 = tpu.memref_slice %arg9[%add3A_275, %dma_wait3A_276] : memref<16x64xi32, #tpu.memory_space<vmem>> -> memref<1x64xi32, #tpu.memory_space<vmem>>
            %dma_wait3A_278 = tpu.memref_squeeze %dma_wait3A_277 : memref<1x64xi32, #tpu.memory_space<vmem>> -> memref<64xi32, #tpu.memory_space<vmem>>
            %dma_wait3A_279 = arith.constant 0 : i32
            %dma_wait3A_280 = arith.constant 0 : i32
            %dma_wait3A_281 = tpu.memref_slice %arg15[%dma_wait3A_279, %dma_wait3A_280] : memref<5120x128xf32, #tpu.memory_space<vmem_shared>> -> memref<5120x128xf32, #tpu.memory_space<vmem_shared>>
            tpu.wait_indirect_dma semaphore(%arg22 : memref<!tpu.dma_semaphore, #tpu.memory_space<semaphore_mem>>) src(%arg12 : memref<64x128xf32, #tpu.memory_space<vmem>>) dst(%dma_wait3A_281 : memref<5120x128xf32, #tpu.memory_space<vmem_shared>>)
            %add3A_282 = arith.constant 4 : i32
            %add3A_283 = arith.addi %mul3A_168, %add3A_282 : i32
            %add3A_284 = arith.constant 2 : i32
            %add3A_285 = arith.addi %add3A_283, %add3A_284 : i32
            %mul3A_286 = arith.constant 64 : i32
            %mul3A_287 = arith.muli %add3A_285, %mul3A_286 : i32
            %dma_start3A_288 = tpu.memref_slice %arg8[%mul3A_287] : memref<1024xi32, #tpu.memory_space<vmem>> -> memref<64xi32, #tpu.memory_space<vmem>>
            %dma_start3A_289 = arith.constant 0 : i32
            %dma_start3A_290 = arith.constant 0 : i32
            %dma_start3A_291 = tpu.memref_slice %arg2[%dma_start3A_289, %dma_start3A_290] : memref<10240x128xf32, #tpu.memory_space<hbm>> -> memref<10240x128xf32, #tpu.memory_space<hbm>>
            tpu.enqueue_indirect_dma source(%dma_start3A_291 : memref<10240x128xf32, #tpu.memory_space<hbm>>) target(%arg12 : memref<64x128xf32, #tpu.memory_space<vmem>>) offsets(%dma_start3A_288 : memref<64xi32, #tpu.memory_space<vmem>>) semaphore(%arg18 : memref<!tpu.dma_semaphore, #tpu.memory_space<semaphore_mem>>)
            %add3A_292 = arith.constant 3 : i32
            %add3A_293 = arith.addi %mul3A_168, %add3A_292 : i32
            %dma_wait3A_294 = arith.constant 0 : i32
            %dma_wait3A_295 = tpu.memref_slice %arg9[%add3A_293, %dma_wait3A_294] : memref<16x64xi32, #tpu.memory_space<vmem>> -> memref<1x64xi32, #tpu.memory_space<vmem>>
            %dma_wait3A_296 = tpu.memref_squeeze %dma_wait3A_295 : memref<1x64xi32, #tpu.memory_space<vmem>> -> memref<64xi32, #tpu.memory_space<vmem>>
            %dma_wait3A_297 = arith.constant 0 : i32
            %dma_wait3A_298 = arith.constant 0 : i32
            %dma_wait3A_299 = tpu.memref_slice %arg15[%dma_wait3A_297, %dma_wait3A_298] : memref<5120x128xf32, #tpu.memory_space<vmem_shared>> -> memref<5120x128xf32, #tpu.memory_space<vmem_shared>>
            tpu.wait_indirect_dma semaphore(%arg23 : memref<!tpu.dma_semaphore, #tpu.memory_space<semaphore_mem>>) src(%arg13 : memref<64x128xf32, #tpu.memory_space<vmem>>) dst(%dma_wait3A_299 : memref<5120x128xf32, #tpu.memory_space<vmem_shared>>)
            %add3A_300 = arith.constant 4 : i32
            %add3A_301 = arith.addi %mul3A_168, %add3A_300 : i32
            %add3A_302 = arith.constant 3 : i32
            %add3A_303 = arith.addi %add3A_301, %add3A_302 : i32
            %mul3A_304 = arith.constant 64 : i32
            %mul3A_305 = arith.muli %add3A_303, %mul3A_304 : i32
            %dma_start3A_306 = tpu.memref_slice %arg8[%mul3A_305] : memref<1024xi32, #tpu.memory_space<vmem>> -> memref<64xi32, #tpu.memory_space<vmem>>
            %dma_start3A_307 = arith.constant 0 : i32
            %dma_start3A_308 = arith.constant 0 : i32
            %dma_start3A_309 = tpu.memref_slice %arg2[%dma_start3A_307, %dma_start3A_308] : memref<10240x128xf32, #tpu.memory_space<hbm>> -> memref<10240x128xf32, #tpu.memory_space<hbm>>
            tpu.enqueue_indirect_dma source(%dma_start3A_309 : memref<10240x128xf32, #tpu.memory_space<hbm>>) target(%arg13 : memref<64x128xf32, #tpu.memory_space<vmem>>) offsets(%dma_start3A_306 : memref<64xi32, #tpu.memory_space<vmem>>) semaphore(%arg19 : memref<!tpu.dma_semaphore, #tpu.memory_space<semaphore_mem>>)
          } else {
          }
        }
        %scan3A_138 = arith.constant 4 : i32
        %dma_wait3A = arith.constant 12 : i32
        %dma_wait3A_139 = arith.constant 0 : i32
        %dma_wait3A_140 = tpu.memref_slice %arg9[%dma_wait3A, %dma_wait3A_139] : memref<16x64xi32, #tpu.memory_space<vmem>> -> memref<1x64xi32, #tpu.memory_space<vmem>>
        %dma_wait3A_141 = tpu.memref_squeeze %dma_wait3A_140 : memref<1x64xi32, #tpu.memory_space<vmem>> -> memref<64xi32, #tpu.memory_space<vmem>>
        %dma_wait3A_142 = arith.constant 0 : i32
        %dma_wait3A_143 = arith.constant 0 : i32
        %dma_wait3A_144 = tpu.memref_slice %arg15[%dma_wait3A_142, %dma_wait3A_143] : memref<5120x128xf32, #tpu.memory_space<vmem_shared>> -> memref<5120x128xf32, #tpu.memory_space<vmem_shared>>
        tpu.wait_indirect_dma semaphore(%arg20 : memref<!tpu.dma_semaphore, #tpu.memory_space<semaphore_mem>>) src(%arg10 : memref<64x128xf32, #tpu.memory_space<vmem>>) dst(%dma_wait3A_144 : memref<5120x128xf32, #tpu.memory_space<vmem_shared>>)
        %dma_wait3A_145 = arith.constant 13 : i32
        %dma_wait3A_146 = arith.constant 0 : i32
        %dma_wait3A_147 = tpu.memref_slice %arg9[%dma_wait3A_145, %dma_wait3A_146] : memref<16x64xi32, #tpu.memory_space<vmem>> -> memref<1x64xi32, #tpu.memory_space<vmem>>
        %dma_wait3A_148 = tpu.memref_squeeze %dma_wait3A_147 : memref<1x64xi32, #tpu.memory_space<vmem>> -> memref<64xi32, #tpu.memory_space<vmem>>
        %dma_wait3A_149 = arith.constant 0 : i32
        %dma_wait3A_150 = arith.constant 0 : i32
        %dma_wait3A_151 = tpu.memref_slice %arg15[%dma_wait3A_149, %dma_wait3A_150] : memref<5120x128xf32, #tpu.memory_space<vmem_shared>> -> memref<5120x128xf32, #tpu.memory_space<vmem_shared>>
        tpu.wait_indirect_dma semaphore(%arg21 : memref<!tpu.dma_semaphore, #tpu.memory_space<semaphore_mem>>) src(%arg11 : memref<64x128xf32, #tpu.memory_space<vmem>>) dst(%dma_wait3A_151 : memref<5120x128xf32, #tpu.memory_space<vmem_shared>>)
        %dma_wait3A_152 = arith.constant 14 : i32
        %dma_wait3A_153 = arith.constant 0 : i32
        %dma_wait3A_154 = tpu.memref_slice %arg9[%dma_wait3A_152, %dma_wait3A_153] : memref<16x64xi32, #tpu.memory_space<vmem>> -> memref<1x64xi32, #tpu.memory_space<vmem>>
        %dma_wait3A_155 = tpu.memref_squeeze %dma_wait3A_154 : memref<1x64xi32, #tpu.memory_space<vmem>> -> memref<64xi32, #tpu.memory_space<vmem>>
        %dma_wait3A_156 = arith.constant 0 : i32
        %dma_wait3A_157 = arith.constant 0 : i32
        %dma_wait3A_158 = tpu.memref_slice %arg15[%dma_wait3A_156, %dma_wait3A_157] : memref<5120x128xf32, #tpu.memory_space<vmem_shared>> -> memref<5120x128xf32, #tpu.memory_space<vmem_shared>>
        tpu.wait_indirect_dma semaphore(%arg22 : memref<!tpu.dma_semaphore, #tpu.memory_space<semaphore_mem>>) src(%arg12 : memref<64x128xf32, #tpu.memory_space<vmem>>) dst(%dma_wait3A_158 : memref<5120x128xf32, #tpu.memory_space<vmem_shared>>)
        %dma_wait3A_159 = arith.constant 15 : i32
        %dma_wait3A_160 = arith.constant 0 : i32
        %dma_wait3A_161 = tpu.memref_slice %arg9[%dma_wait3A_159, %dma_wait3A_160] : memref<16x64xi32, #tpu.memory_space<vmem>> -> memref<1x64xi32, #tpu.memory_space<vmem>>
        %dma_wait3A_162 = tpu.memref_squeeze %dma_wait3A_161 : memref<1x64xi32, #tpu.memory_space<vmem>> -> memref<64xi32, #tpu.memory_space<vmem>>
        %dma_wait3A_163 = arith.constant 0 : i32
        %dma_wait3A_164 = arith.constant 0 : i32
        %dma_wait3A_165 = tpu.memref_slice %arg15[%dma_wait3A_163, %dma_wait3A_164] : memref<5120x128xf32, #tpu.memory_space<vmem_shared>> -> memref<5120x128xf32, #tpu.memory_space<vmem_shared>>
        tpu.wait_indirect_dma semaphore(%arg23 : memref<!tpu.dma_semaphore, #tpu.memory_space<semaphore_mem>>) src(%arg13 : memref<64x128xf32, #tpu.memory_space<vmem>>) dst(%dma_wait3A_165 : memref<5120x128xf32, #tpu.memory_space<vmem_shared>>)
      } else {
      }
    }
    %scan3A_41 = arith.constant 11 : i32
    %mul3A_42 = arith.constant 2 : i32
    %mul3A_43 = arith.muli %mul3A_42, %arg1 : i32
    %add3A_44 = arith.constant 1 : i32
    %add3A_45 = arith.addi %mul3A_43, %add3A_44 : i32
    %mul3A_46 = arith.constant 32 : i32
    %mul3A_47 = arith.muli %arg0, %mul3A_46 : i32
    %add3A_48 = arith.addi %mul3A_47, %add3A_45 : i32
    %mul3A_49 = arith.constant 11264 : i32
    %mul3A_50 = arith.muli %add3A_48, %mul3A_49 : i32
    %mul3A_51 = arith.constant 32 : i32
    %mul3A_52 = arith.muli %arg0, %mul3A_51 : i32
    %add3A_53 = arith.addi %mul3A_52, %add3A_45 : i32
    %mul3A_54 = arith.constant 176 : i32
    %mul3A_55 = arith.muli %add3A_53, %mul3A_54 : i32
    %mul3A_56 = arith.constant 32 : i32
    %mul3A_57 = arith.muli %arg0, %mul3A_56 : i32
    %add3A_58 = arith.addi %mul3A_57, %add3A_45 : i32
    %mul3A_59 = arith.constant 16 : i32
    %mul3A_60 = arith.muli %add3A_58, %mul3A_59 : i32
    "tpu.region"() ({
      %run_scoped3A = tpu.sem_alloc : memref<!tpu.dma_semaphore, #tpu.memory_space<semaphore_mem>>
      %dma_start3A = tpu.memref_slice %arg5[%mul3A_60] : memref<1024xi32, #tpu.memory_space<hbm>> -> memref<16xi32, #tpu.memory_space<hbm>>
      %dma_start3A_106 = tpu.memref_slice %arg5[%mul3A_60] : memref<1024xi32, #tpu.memory_space<hbm>> -> memref<16xi32, #tpu.memory_space<hbm>>
      tpu.enqueue_dma source(%dma_start3A_106 : memref<16xi32, #tpu.memory_space<hbm>>) target(%arg14 : memref<16xi32, #tpu.memory_space<vmem>>) target_semaphore(%run_scoped3A : memref<!tpu.dma_semaphore, #tpu.memory_space<semaphore_mem>>)
      %dma_wait3A = tpu.memref_slice %arg5[%mul3A_60] : memref<1024xi32, #tpu.memory_space<hbm>> -> memref<16xi32, #tpu.memory_space<hbm>>
      %dma_wait3A_107 = tpu.memref_slice %arg5[%mul3A_60] : memref<1024xi32, #tpu.memory_space<hbm>> -> memref<16xi32, #tpu.memory_space<hbm>>
      tpu.wait_dma2 semaphore(%run_scoped3A : memref<!tpu.dma_semaphore, #tpu.memory_space<semaphore_mem>>) src(%dma_wait3A_107 : memref<16xi32, #tpu.memory_space<hbm>>) dst(%arg14 : memref<16xi32, #tpu.memory_space<vmem>>)
      tpu.yield
    }) : () -> ()
    %get3A_61 = arith.constant 0 : index
    %get3A_62 = tpu.vector_load %arg14[%get3A_61] {strides = array<i32>} : memref<16xi32, #tpu.memory_space<vmem>>, vector<16xi32>,
    %get3A_63 = vector.shape_cast %get3A_62 : vector<16xi32> to vector<16xi32>
    %slice3A_64 = vector.extract_strided_slice %get3A_63 {offsets = [0], sizes = [1], strides = [1]} : vector<16xi32> to vector<1xi32>
    %squeeze3A_65 = vector.extract %slice3A_64[0] : i32 from vector<1xi32>
    %jit3A_66 = arith.constant 1024 : i32
    %div3A_67 = arith.divsi %squeeze3A_65, %jit3A_66 : i32
    %sign3A_68 = arith.constant 0 : i32
    %sign3A_69 = arith.cmpi sgt, %squeeze3A_65, %sign3A_68 : i32
    %sign3A_70 = arith.extui %sign3A_69 : i1 to i32
    %sign3A_71 = arith.constant 0 : i32
    %sign3A_72 = arith.cmpi slt, %squeeze3A_65, %sign3A_71 : i32
    %sign3A_73 = arith.extui %sign3A_72 : i1 to i32
    %sign3A_74 = arith.subi %sign3A_70, %sign3A_73 : i32
    %sign3A_75 = arith.constant 0 : i32
    %sign3A_76 = arith.cmpi sgt, %jit3A_66, %sign3A_75 : i32
    %sign3A_77 = arith.extui %sign3A_76 : i1 to i32
    %sign3A_78 = arith.constant 0 : i32
    %sign3A_79 = arith.cmpi slt, %jit3A_66, %sign3A_78 : i32
    %sign3A_80 = arith.extui %sign3A_79 : i1 to i32
    %sign3A_81 = arith.subi %sign3A_77, %sign3A_80 : i32
    %ne3A_82 = arith.cmpi ne, %sign3A_74, %sign3A_81 : i32
    %rem3A_83 = arith.remsi %squeeze3A_65, %jit3A_66 : i32
    %ne3A_84 = arith.constant 0 : i32
    %ne3A_85 = arith.cmpi ne, %rem3A_83, %ne3A_84 : i32
    %and3A_86 = arith.andi %ne3A_82, %ne3A_85 : i1
    %sub3A_87 = arith.constant 1 : i32
    %sub3A_88 = arith.subi %div3A_67, %sub3A_87 : i32
    %select_n3A_89 = arith.select %and3A_86, %sub3A_88, %div3A_67 : i32
    %scan3A_90 = arith.constant 0 : i32
    %scan3A_91 = arith.constant 0 : i32
    %scan3A_92 = arith.constant 11 : i32
    %scan3A_93 = arith.addi %scan3A_91, %scan3A_92 : i32
    %scan3A_94 = arith.constant 1 : i32
    scf.for %scan3A_106 = %scan3A_91 to %scan3A_93 step %scan3A_94  : i32 {
      %lt3A = arith.cmpi slt, %scan3A_106, %select_n3A_89 : i32
      %convert_element_type3A = arith.extui %lt3A : i1 to i32
      %cond3A = arith.constant 0 : i32
      %cond3A_107 = arith.cmpi ne, %convert_element_type3A, %cond3A : i32
      scf.if %cond3A_107 {
        %mul3A_108 = arith.constant 1024 : i32
        %mul3A_109 = arith.muli %scan3A_106, %mul3A_108 : i32
        %add3A_110 = arith.addi %mul3A_50, %mul3A_109 : i32
        "tpu.region"() ({
          %run_scoped3A = tpu.sem_alloc : memref<!tpu.dma_semaphore, #tpu.memory_space<semaphore_mem>>
          %dma_start3A_166 = tpu.memref_slice %arg3[%add3A_110] : memref<720896xi32, #tpu.memory_space<hbm>> -> memref<1024xi32, #tpu.memory_space<hbm>>
          %dma_start3A_167 = tpu.memref_slice %arg3[%add3A_110] : memref<720896xi32, #tpu.memory_space<hbm>> -> memref<1024xi32, #tpu.memory_space<hbm>>
          tpu.enqueue_dma source(%dma_start3A_167 : memref<1024xi32, #tpu.memory_space<hbm>>) target(%arg8 : memref<1024xi32, #tpu.memory_space<vmem>>) target_semaphore(%run_scoped3A : memref<!tpu.dma_semaphore, #tpu.memory_space<semaphore_mem>>)
          %dma_wait3A_168 = tpu.memref_slice %arg3[%add3A_110] : memref<720896xi32, #tpu.memory_space<hbm>> -> memref<1024xi32, #tpu.memory_space<hbm>>
          %dma_wait3A_169 = tpu.memref_slice %arg3[%add3A_110] : memref<720896xi32, #tpu.memory_space<hbm>> -> memref<1024xi32, #tpu.memory_space<hbm>>
          tpu.wait_dma2 semaphore(%run_scoped3A : memref<!tpu.dma_semaphore, #tpu.memory_space<semaphore_mem>>) src(%dma_wait3A_169 : memref<1024xi32, #tpu.memory_space<hbm>>) dst(%arg8 : memref<1024xi32, #tpu.memory_space<vmem>>)
          tpu.yield
        }) : () -> ()
        %mul3A_111 = arith.constant 16 : i32
        %mul3A_112 = arith.muli %scan3A_106, %mul3A_111 : i32
        %add3A_113 = arith.addi %mul3A_55, %mul3A_112 : i32
        "tpu.region"() ({
          %run_scoped3A = tpu.sem_alloc : memref<!tpu.dma_semaphore, #tpu.memory_space<semaphore_mem>>
          %dma_start3A_166 = arith.constant 0 : i32
          %dma_start3A_167 = tpu.memref_slice %arg4[%add3A_113, %dma_start3A_166] : memref<11264x64xi32, #tpu.memory_space<hbm>> -> memref<16x64xi32, #tpu.memory_space<hbm>>
          %dma_start3A_168 = arith.constant 0 : i32
          %dma_start3A_169 = tpu.memref_slice %arg4[%add3A_113, %dma_start3A_168] : memref<11264x64xi32, #tpu.memory_space<hbm>> -> memref<16x64xi32, #tpu.memory_space<hbm>>
          tpu.enqueue_dma source(%dma_start3A_169 : memref<16x64xi32, #tpu.memory_space<hbm>>) target(%arg9 : memref<16x64xi32, #tpu.memory_space<vmem>>) target_semaphore(%run_scoped3A : memref<!tpu.dma_semaphore, #tpu.memory_space<semaphore_mem>>)
          %dma_wait3A_170 = arith.constant 0 : i32
          %dma_wait3A_171 = tpu.memref_slice %arg4[%add3A_113, %dma_wait3A_170] : memref<11264x64xi32, #tpu.memory_space<hbm>> -> memref<16x64xi32, #tpu.memory_space<hbm>>
          %dma_wait3A_172 = arith.constant 0 : i32
          %dma_wait3A_173 = tpu.memref_slice %arg4[%add3A_113, %dma_wait3A_172] : memref<11264x64xi32, #tpu.memory_space<hbm>> -> memref<16x64xi32, #tpu.memory_space<hbm>>
          tpu.wait_dma2 semaphore(%run_scoped3A : memref<!tpu.dma_semaphore, #tpu.memory_space<semaphore_mem>>) src(%dma_wait3A_173 : memref<16x64xi32, #tpu.memory_space<hbm>>) dst(%arg9 : memref<16x64xi32, #tpu.memory_space<vmem>>)
          tpu.yield
        }) : () -> ()
        %dma_start3A = arith.constant 0 : i32
        %dma_start3A_114 = tpu.memref_slice %arg8[%dma_start3A] : memref<1024xi32, #tpu.memory_space<vmem>> -> memref<64xi32, #tpu.memory_space<vmem>>
        %dma_start3A_115 = arith.constant 0 : i32
        %dma_start3A_116 = arith.constant 0 : i32
        %dma_start3A_117 = tpu.memref_slice %arg2[%dma_start3A_115, %dma_start3A_116] : memref<10240x128xf32, #tpu.memory_space<hbm>> -> memref<10240x128xf32, #tpu.memory_space<hbm>>
        tpu.enqueue_indirect_dma source(%dma_start3A_117 : memref<10240x128xf32, #tpu.memory_space<hbm>>) target(%arg10 : memref<64x128xf32, #tpu.memory_space<vmem>>) offsets(%dma_start3A_114 : memref<64xi32, #tpu.memory_space<vmem>>) semaphore(%arg16 : memref<!tpu.dma_semaphore, #tpu.memory_space<semaphore_mem>>)
        %dma_start3A_118 = arith.constant 64 : i32
        %dma_start3A_119 = tpu.memref_slice %arg8[%dma_start3A_118] : memref<1024xi32, #tpu.memory_space<vmem>> -> memref<64xi32, #tpu.memory_space<vmem>>
        %dma_start3A_120 = arith.constant 0 : i32
        %dma_start3A_121 = arith.constant 0 : i32
        %dma_start3A_122 = tpu.memref_slice %arg2[%dma_start3A_120, %dma_start3A_121] : memref<10240x128xf32, #tpu.memory_space<hbm>> -> memref<10240x128xf32, #tpu.memory_space<hbm>>
        tpu.enqueue_indirect_dma source(%dma_start3A_122 : memref<10240x128xf32, #tpu.memory_space<hbm>>) target(%arg11 : memref<64x128xf32, #tpu.memory_space<vmem>>) offsets(%dma_start3A_119 : memref<64xi32, #tpu.memory_space<vmem>>) semaphore(%arg17 : memref<!tpu.dma_semaphore, #tpu.memory_space<semaphore_mem>>)
        %dma_start3A_123 = arith.constant 128 : i32
        %dma_start3A_124 = tpu.memref_slice %arg8[%dma_start3A_123] : memref<1024xi32, #tpu.memory_space<vmem>> -> memref<64xi32, #tpu.memory_space<vmem>>
        %dma_start3A_125 = arith.constant 0 : i32
        %dma_start3A_126 = arith.constant 0 : i32
        %dma_start3A_127 = tpu.memref_slice %arg2[%dma_start3A_125, %dma_start3A_126] : memref<10240x128xf32, #tpu.memory_space<hbm>> -> memref<10240x128xf32, #tpu.memory_space<hbm>>
        tpu.enqueue_indirect_dma source(%dma_start3A_127 : memref<10240x128xf32, #tpu.memory_space<hbm>>) target(%arg12 : memref<64x128xf32, #tpu.memory_space<vmem>>) offsets(%dma_start3A_124 : memref<64xi32, #tpu.memory_space<vmem>>) semaphore(%arg18 : memref<!tpu.dma_semaphore, #tpu.memory_space<semaphore_mem>>)
        %dma_start3A_128 = arith.constant 192 : i32
        %dma_start3A_129 = tpu.memref_slice %arg8[%dma_start3A_128] : memref<1024xi32, #tpu.memory_space<vmem>> -> memref<64xi32, #tpu.memory_space<vmem>>
        %dma_start3A_130 = arith.constant 0 : i32
        %dma_start3A_131 = arith.constant 0 : i32
        %dma_start3A_132 = tpu.memref_slice %arg2[%dma_start3A_130, %dma_start3A_131] : memref<10240x128xf32, #tpu.memory_space<hbm>> -> memref<10240x128xf32, #tpu.memory_space<hbm>>
        tpu.enqueue_indirect_dma source(%dma_start3A_132 : memref<10240x128xf32, #tpu.memory_space<hbm>>) target(%arg13 : memref<64x128xf32, #tpu.memory_space<vmem>>) offsets(%dma_start3A_129 : memref<64xi32, #tpu.memory_space<vmem>>) semaphore(%arg19 : memref<!tpu.dma_semaphore, #tpu.memory_space<semaphore_mem>>)
        %scan3A_133 = arith.constant 0 : i32
        %scan3A_134 = arith.constant 0 : i32
        %scan3A_135 = arith.constant 4 : i32
        %scan3A_136 = arith.addi %scan3A_134, %scan3A_135 : i32
        %scan3A_137 = arith.constant 1 : i32
        scf.for %scan3A_166 = %scan3A_134 to %scan3A_136 step %scan3A_137  : i32 {
          %mul3A_167 = arith.constant 4 : i32
          %mul3A_168 = arith.muli %scan3A_166, %mul3A_167 : i32
          %add3A_169 = arith.constant 0 : i32
          %add3A_170 = arith.addi %mul3A_168, %add3A_169 : i32
          %mul3A_171 = arith.constant 64 : i32
          %mul3A_172 = arith.muli %add3A_170, %mul3A_171 : i32
          %dma_wait3A_173 = tpu.memref_slice %arg8[%mul3A_172] : memref<1024xi32, #tpu.memory_space<vmem>> -> memref<64xi32, #tpu.memory_space<vmem>>
          %dma_wait3A_174 = arith.constant 0 : i32
          %dma_wait3A_175 = arith.constant 0 : i32
          %dma_wait3A_176 = tpu.memref_slice %arg2[%dma_wait3A_174, %dma_wait3A_175] : memref<10240x128xf32, #tpu.memory_space<hbm>> -> memref<10240x128xf32, #tpu.memory_space<hbm>>
          tpu.wait_indirect_dma semaphore(%arg16 : memref<!tpu.dma_semaphore, #tpu.memory_space<semaphore_mem>>) src(%dma_wait3A_176 : memref<10240x128xf32, #tpu.memory_space<hbm>>) dst(%arg10 : memref<64x128xf32, #tpu.memory_space<vmem>>)
          %add3A_177 = arith.constant 0 : i32
          %add3A_178 = arith.addi %mul3A_168, %add3A_177 : i32
          %dma_start3A_179 = arith.constant 0 : i32
          %dma_start3A_180 = tpu.memref_slice %arg9[%add3A_178, %dma_start3A_179] : memref<16x64xi32, #tpu.memory_space<vmem>> -> memref<1x64xi32, #tpu.memory_space<vmem>>
          %dma_start3A_181 = tpu.memref_squeeze %dma_start3A_180 : memref<1x64xi32, #tpu.memory_space<vmem>> -> memref<64xi32, #tpu.memory_space<vmem>>
          %dma_start3A_182 = arith.constant 0 : i32
          %dma_start3A_183 = arith.constant 0 : i32
          %dma_start3A_184 = tpu.memref_slice %arg15[%dma_start3A_182, %dma_start3A_183] : memref<5120x128xf32, #tpu.memory_space<vmem_shared>> -> memref<5120x128xf32, #tpu.memory_space<vmem_shared>>
          tpu.enqueue_indirect_dma source(%arg10 : memref<64x128xf32, #tpu.memory_space<vmem>>) target(%dma_start3A_184 : memref<5120x128xf32, #tpu.memory_space<vmem_shared>>) offsets(%dma_start3A_181 : memref<64xi32, #tpu.memory_space<vmem>>) semaphore(%arg20 : memref<!tpu.dma_semaphore, #tpu.memory_space<semaphore_mem>>) {add = true}
          %add3A_185 = arith.constant 1 : i32
          %add3A_186 = arith.addi %mul3A_168, %add3A_185 : i32
          %mul3A_187 = arith.constant 64 : i32
          %mul3A_188 = arith.muli %add3A_186, %mul3A_187 : i32
          %dma_wait3A_189 = tpu.memref_slice %arg8[%mul3A_188] : memref<1024xi32, #tpu.memory_space<vmem>> -> memref<64xi32, #tpu.memory_space<vmem>>
          %dma_wait3A_190 = arith.constant 0 : i32
          %dma_wait3A_191 = arith.constant 0 : i32
          %dma_wait3A_192 = tpu.memref_slice %arg2[%dma_wait3A_190, %dma_wait3A_191] : memref<10240x128xf32, #tpu.memory_space<hbm>> -> memref<10240x128xf32, #tpu.memory_space<hbm>>
          tpu.wait_indirect_dma semaphore(%arg17 : memref<!tpu.dma_semaphore, #tpu.memory_space<semaphore_mem>>) src(%dma_wait3A_192 : memref<10240x128xf32, #tpu.memory_space<hbm>>) dst(%arg11 : memref<64x128xf32, #tpu.memory_space<vmem>>)
          %add3A_193 = arith.constant 1 : i32
          %add3A_194 = arith.addi %mul3A_168, %add3A_193 : i32
          %dma_start3A_195 = arith.constant 0 : i32
          %dma_start3A_196 = tpu.memref_slice %arg9[%add3A_194, %dma_start3A_195] : memref<16x64xi32, #tpu.memory_space<vmem>> -> memref<1x64xi32, #tpu.memory_space<vmem>>
          %dma_start3A_197 = tpu.memref_squeeze %dma_start3A_196 : memref<1x64xi32, #tpu.memory_space<vmem>> -> memref<64xi32, #tpu.memory_space<vmem>>
          %dma_start3A_198 = arith.constant 0 : i32
          %dma_start3A_199 = arith.constant 0 : i32
          %dma_start3A_200 = tpu.memref_slice %arg15[%dma_start3A_198, %dma_start3A_199] : memref<5120x128xf32, #tpu.memory_space<vmem_shared>> -> memref<5120x128xf32, #tpu.memory_space<vmem_shared>>
          tpu.enqueue_indirect_dma source(%arg11 : memref<64x128xf32, #tpu.memory_space<vmem>>) target(%dma_start3A_200 : memref<5120x128xf32, #tpu.memory_space<vmem_shared>>) offsets(%dma_start3A_197 : memref<64xi32, #tpu.memory_space<vmem>>) semaphore(%arg21 : memref<!tpu.dma_semaphore, #tpu.memory_space<semaphore_mem>>) {add = true}
          %add3A_201 = arith.constant 2 : i32
          %add3A_202 = arith.addi %mul3A_168, %add3A_201 : i32
          %mul3A_203 = arith.constant 64 : i32
          %mul3A_204 = arith.muli %add3A_202, %mul3A_203 : i32
          %dma_wait3A_205 = tpu.memref_slice %arg8[%mul3A_204] : memref<1024xi32, #tpu.memory_space<vmem>> -> memref<64xi32, #tpu.memory_space<vmem>>
          %dma_wait3A_206 = arith.constant 0 : i32
          %dma_wait3A_207 = arith.constant 0 : i32
          %dma_wait3A_208 = tpu.memref_slice %arg2[%dma_wait3A_206, %dma_wait3A_207] : memref<10240x128xf32, #tpu.memory_space<hbm>> -> memref<10240x128xf32, #tpu.memory_space<hbm>>
          tpu.wait_indirect_dma semaphore(%arg18 : memref<!tpu.dma_semaphore, #tpu.memory_space<semaphore_mem>>) src(%dma_wait3A_208 : memref<10240x128xf32, #tpu.memory_space<hbm>>) dst(%arg12 : memref<64x128xf32, #tpu.memory_space<vmem>>)
          %add3A_209 = arith.constant 2 : i32
          %add3A_210 = arith.addi %mul3A_168, %add3A_209 : i32
          %dma_start3A_211 = arith.constant 0 : i32
          %dma_start3A_212 = tpu.memref_slice %arg9[%add3A_210, %dma_start3A_211] : memref<16x64xi32, #tpu.memory_space<vmem>> -> memref<1x64xi32, #tpu.memory_space<vmem>>
          %dma_start3A_213 = tpu.memref_squeeze %dma_start3A_212 : memref<1x64xi32, #tpu.memory_space<vmem>> -> memref<64xi32, #tpu.memory_space<vmem>>
          %dma_start3A_214 = arith.constant 0 : i32
          %dma_start3A_215 = arith.constant 0 : i32
          %dma_start3A_216 = tpu.memref_slice %arg15[%dma_start3A_214, %dma_start3A_215] : memref<5120x128xf32, #tpu.memory_space<vmem_shared>> -> memref<5120x128xf32, #tpu.memory_space<vmem_shared>>
          tpu.enqueue_indirect_dma source(%arg12 : memref<64x128xf32, #tpu.memory_space<vmem>>) target(%dma_start3A_216 : memref<5120x128xf32, #tpu.memory_space<vmem_shared>>) offsets(%dma_start3A_213 : memref<64xi32, #tpu.memory_space<vmem>>) semaphore(%arg22 : memref<!tpu.dma_semaphore, #tpu.memory_space<semaphore_mem>>) {add = true}
          %add3A_217 = arith.constant 3 : i32
          %add3A_218 = arith.addi %mul3A_168, %add3A_217 : i32
          %mul3A_219 = arith.constant 64 : i32
          %mul3A_220 = arith.muli %add3A_218, %mul3A_219 : i32
          %dma_wait3A_221 = tpu.memref_slice %arg8[%mul3A_220] : memref<1024xi32, #tpu.memory_space<vmem>> -> memref<64xi32, #tpu.memory_space<vmem>>
          %dma_wait3A_222 = arith.constant 0 : i32
          %dma_wait3A_223 = arith.constant 0 : i32
          %dma_wait3A_224 = tpu.memref_slice %arg2[%dma_wait3A_222, %dma_wait3A_223] : memref<10240x128xf32, #tpu.memory_space<hbm>> -> memref<10240x128xf32, #tpu.memory_space<hbm>>
          tpu.wait_indirect_dma semaphore(%arg19 : memref<!tpu.dma_semaphore, #tpu.memory_space<semaphore_mem>>) src(%dma_wait3A_224 : memref<10240x128xf32, #tpu.memory_space<hbm>>) dst(%arg13 : memref<64x128xf32, #tpu.memory_space<vmem>>)
          %add3A_225 = arith.constant 3 : i32
          %add3A_226 = arith.addi %mul3A_168, %add3A_225 : i32
          %dma_start3A_227 = arith.constant 0 : i32
          %dma_start3A_228 = tpu.memref_slice %arg9[%add3A_226, %dma_start3A_227] : memref<16x64xi32, #tpu.memory_space<vmem>> -> memref<1x64xi32, #tpu.memory_space<vmem>>
          %dma_start3A_229 = tpu.memref_squeeze %dma_start3A_228 : memref<1x64xi32, #tpu.memory_space<vmem>> -> memref<64xi32, #tpu.memory_space<vmem>>
          %dma_start3A_230 = arith.constant 0 : i32
          %dma_start3A_231 = arith.constant 0 : i32
          %dma_start3A_232 = tpu.memref_slice %arg15[%dma_start3A_230, %dma_start3A_231] : memref<5120x128xf32, #tpu.memory_space<vmem_shared>> -> memref<5120x128xf32, #tpu.memory_space<vmem_shared>>
          tpu.enqueue_indirect_dma source(%arg13 : memref<64x128xf32, #tpu.memory_space<vmem>>) target(%dma_start3A_232 : memref<5120x128xf32, #tpu.memory_space<vmem_shared>>) offsets(%dma_start3A_229 : memref<64xi32, #tpu.memory_space<vmem>>) semaphore(%arg23 : memref<!tpu.dma_semaphore, #tpu.memory_space<semaphore_mem>>) {add = true}
          %lt3A_233 = arith.constant 3 : i32
          %lt3A_234 = arith.cmpi slt, %scan3A_166, %lt3A_233 : i32
          %convert_element_type3A_235 = arith.extui %lt3A_234 : i1 to i32
          %cond3A_236 = arith.constant 0 : i32
          %cond3A_237 = arith.cmpi ne, %convert_element_type3A_235, %cond3A_236 : i32
          scf.if %cond3A_237 {
            %add3A_238 = arith.constant 0 : i32
            %add3A_239 = arith.addi %mul3A_168, %add3A_238 : i32
            %dma_wait3A_240 = arith.constant 0 : i32
            %dma_wait3A_241 = tpu.memref_slice %arg9[%add3A_239, %dma_wait3A_240] : memref<16x64xi32, #tpu.memory_space<vmem>> -> memref<1x64xi32, #tpu.memory_space<vmem>>
            %dma_wait3A_242 = tpu.memref_squeeze %dma_wait3A_241 : memref<1x64xi32, #tpu.memory_space<vmem>> -> memref<64xi32, #tpu.memory_space<vmem>>
            %dma_wait3A_243 = arith.constant 0 : i32
            %dma_wait3A_244 = arith.constant 0 : i32
            %dma_wait3A_245 = tpu.memref_slice %arg15[%dma_wait3A_243, %dma_wait3A_244] : memref<5120x128xf32, #tpu.memory_space<vmem_shared>> -> memref<5120x128xf32, #tpu.memory_space<vmem_shared>>
            tpu.wait_indirect_dma semaphore(%arg20 : memref<!tpu.dma_semaphore, #tpu.memory_space<semaphore_mem>>) src(%arg10 : memref<64x128xf32, #tpu.memory_space<vmem>>) dst(%dma_wait3A_245 : memref<5120x128xf32, #tpu.memory_space<vmem_shared>>)
            %add3A_246 = arith.constant 4 : i32
            %add3A_247 = arith.addi %mul3A_168, %add3A_246 : i32
            %add3A_248 = arith.constant 0 : i32
            %add3A_249 = arith.addi %add3A_247, %add3A_248 : i32
            %mul3A_250 = arith.constant 64 : i32
            %mul3A_251 = arith.muli %add3A_249, %mul3A_250 : i32
            %dma_start3A_252 = tpu.memref_slice %arg8[%mul3A_251] : memref<1024xi32, #tpu.memory_space<vmem>> -> memref<64xi32, #tpu.memory_space<vmem>>
            %dma_start3A_253 = arith.constant 0 : i32
            %dma_start3A_254 = arith.constant 0 : i32
            %dma_start3A_255 = tpu.memref_slice %arg2[%dma_start3A_253, %dma_start3A_254] : memref<10240x128xf32, #tpu.memory_space<hbm>> -> memref<10240x128xf32, #tpu.memory_space<hbm>>
            tpu.enqueue_indirect_dma source(%dma_start3A_255 : memref<10240x128xf32, #tpu.memory_space<hbm>>) target(%arg10 : memref<64x128xf32, #tpu.memory_space<vmem>>) offsets(%dma_start3A_252 : memref<64xi32, #tpu.memory_space<vmem>>) semaphore(%arg16 : memref<!tpu.dma_semaphore, #tpu.memory_space<semaphore_mem>>)
            %add3A_256 = arith.constant 1 : i32
            %add3A_257 = arith.addi %mul3A_168, %add3A_256 : i32
            %dma_wait3A_258 = arith.constant 0 : i32
            %dma_wait3A_259 = tpu.memref_slice %arg9[%add3A_257, %dma_wait3A_258] : memref<16x64xi32, #tpu.memory_space<vmem>> -> memref<1x64xi32, #tpu.memory_space<vmem>>
            %dma_wait3A_260 = tpu.memref_squeeze %dma_wait3A_259 : memref<1x64xi32, #tpu.memory_space<vmem>> -> memref<64xi32, #tpu.memory_space<vmem>>
            %dma_wait3A_261 = arith.constant 0 : i32
            %dma_wait3A_262 = arith.constant 0 : i32
            %dma_wait3A_263 = tpu.memref_slice %arg15[%dma_wait3A_261, %dma_wait3A_262] : memref<5120x128xf32, #tpu.memory_space<vmem_shared>> -> memref<5120x128xf32, #tpu.memory_space<vmem_shared>>
            tpu.wait_indirect_dma semaphore(%arg21 : memref<!tpu.dma_semaphore, #tpu.memory_space<semaphore_mem>>) src(%arg11 : memref<64x128xf32, #tpu.memory_space<vmem>>) dst(%dma_wait3A_263 : memref<5120x128xf32, #tpu.memory_space<vmem_shared>>)
            %add3A_264 = arith.constant 4 : i32
            %add3A_265 = arith.addi %mul3A_168, %add3A_264 : i32
            %add3A_266 = arith.constant 1 : i32
            %add3A_267 = arith.addi %add3A_265, %add3A_266 : i32
            %mul3A_268 = arith.constant 64 : i32
            %mul3A_269 = arith.muli %add3A_267, %mul3A_268 : i32
            %dma_start3A_270 = tpu.memref_slice %arg8[%mul3A_269] : memref<1024xi32, #tpu.memory_space<vmem>> -> memref<64xi32, #tpu.memory_space<vmem>>
            %dma_start3A_271 = arith.constant 0 : i32
            %dma_start3A_272 = arith.constant 0 : i32
            %dma_start3A_273 = tpu.memref_slice %arg2[%dma_start3A_271, %dma_start3A_272] : memref<10240x128xf32, #tpu.memory_space<hbm>> -> memref<10240x128xf32, #tpu.memory_space<hbm>>
            tpu.enqueue_indirect_dma source(%dma_start3A_273 : memref<10240x128xf32, #tpu.memory_space<hbm>>) target(%arg11 : memref<64x128xf32, #tpu.memory_space<vmem>>) offsets(%dma_start3A_270 : memref<64xi32, #tpu.memory_space<vmem>>) semaphore(%arg17 : memref<!tpu.dma_semaphore, #tpu.memory_space<semaphore_mem>>)
            %add3A_274 = arith.constant 2 : i32
            %add3A_275 = arith.addi %mul3A_168, %add3A_274 : i32
            %dma_wait3A_276 = arith.constant 0 : i32
            %dma_wait3A_277 = tpu.memref_slice %arg9[%add3A_275, %dma_wait3A_276] : memref<16x64xi32, #tpu.memory_space<vmem>> -> memref<1x64xi32, #tpu.memory_space<vmem>>
            %dma_wait3A_278 = tpu.memref_squeeze %dma_wait3A_277 : memref<1x64xi32, #tpu.memory_space<vmem>> -> memref<64xi32, #tpu.memory_space<vmem>>
            %dma_wait3A_279 = arith.constant 0 : i32
            %dma_wait3A_280 = arith.constant 0 : i32
            %dma_wait3A_281 = tpu.memref_slice %arg15[%dma_wait3A_279, %dma_wait3A_280] : memref<5120x128xf32, #tpu.memory_space<vmem_shared>> -> memref<5120x128xf32, #tpu.memory_space<vmem_shared>>
            tpu.wait_indirect_dma semaphore(%arg22 : memref<!tpu.dma_semaphore, #tpu.memory_space<semaphore_mem>>) src(%arg12 : memref<64x128xf32, #tpu.memory_space<vmem>>) dst(%dma_wait3A_281 : memref<5120x128xf32, #tpu.memory_space<vmem_shared>>)
            %add3A_282 = arith.constant 4 : i32
            %add3A_283 = arith.addi %mul3A_168, %add3A_282 : i32
            %add3A_284 = arith.constant 2 : i32
            %add3A_285 = arith.addi %add3A_283, %add3A_284 : i32
            %mul3A_286 = arith.constant 64 : i32
            %mul3A_287 = arith.muli %add3A_285, %mul3A_286 : i32
            %dma_start3A_288 = tpu.memref_slice %arg8[%mul3A_287] : memref<1024xi32, #tpu.memory_space<vmem>> -> memref<64xi32, #tpu.memory_space<vmem>>
            %dma_start3A_289 = arith.constant 0 : i32
            %dma_start3A_290 = arith.constant 0 : i32
            %dma_start3A_291 = tpu.memref_slice %arg2[%dma_start3A_289, %dma_start3A_290] : memref<10240x128xf32, #tpu.memory_space<hbm>> -> memref<10240x128xf32, #tpu.memory_space<hbm>>
            tpu.enqueue_indirect_dma source(%dma_start3A_291 : memref<10240x128xf32, #tpu.memory_space<hbm>>) target(%arg12 : memref<64x128xf32, #tpu.memory_space<vmem>>) offsets(%dma_start3A_288 : memref<64xi32, #tpu.memory_space<vmem>>) semaphore(%arg18 : memref<!tpu.dma_semaphore, #tpu.memory_space<semaphore_mem>>)
            %add3A_292 = arith.constant 3 : i32
            %add3A_293 = arith.addi %mul3A_168, %add3A_292 : i32
            %dma_wait3A_294 = arith.constant 0 : i32
            %dma_wait3A_295 = tpu.memref_slice %arg9[%add3A_293, %dma_wait3A_294] : memref<16x64xi32, #tpu.memory_space<vmem>> -> memref<1x64xi32, #tpu.memory_space<vmem>>
            %dma_wait3A_296 = tpu.memref_squeeze %dma_wait3A_295 : memref<1x64xi32, #tpu.memory_space<vmem>> -> memref<64xi32, #tpu.memory_space<vmem>>
            %dma_wait3A_297 = arith.constant 0 : i32
            %dma_wait3A_298 = arith.constant 0 : i32
            %dma_wait3A_299 = tpu.memref_slice %arg15[%dma_wait3A_297, %dma_wait3A_298] : memref<5120x128xf32, #tpu.memory_space<vmem_shared>> -> memref<5120x128xf32, #tpu.memory_space<vmem_shared>>
            tpu.wait_indirect_dma semaphore(%arg23 : memref<!tpu.dma_semaphore, #tpu.memory_space<semaphore_mem>>) src(%arg13 : memref<64x128xf32, #tpu.memory_space<vmem>>) dst(%dma_wait3A_299 : memref<5120x128xf32, #tpu.memory_space<vmem_shared>>)
            %add3A_300 = arith.constant 4 : i32
            %add3A_301 = arith.addi %mul3A_168, %add3A_300 : i32
            %add3A_302 = arith.constant 3 : i32
            %add3A_303 = arith.addi %add3A_301, %add3A_302 : i32
            %mul3A_304 = arith.constant 64 : i32
            %mul3A_305 = arith.muli %add3A_303, %mul3A_304 : i32
            %dma_start3A_306 = tpu.memref_slice %arg8[%mul3A_305] : memref<1024xi32, #tpu.memory_space<vmem>> -> memref<64xi32, #tpu.memory_space<vmem>>
            %dma_start3A_307 = arith.constant 0 : i32
            %dma_start3A_308 = arith.constant 0 : i32
            %dma_start3A_309 = tpu.memref_slice %arg2[%dma_start3A_307, %dma_start3A_308] : memref<10240x128xf32, #tpu.memory_space<hbm>> -> memref<10240x128xf32, #tpu.memory_space<hbm>>
            tpu.enqueue_indirect_dma source(%dma_start3A_309 : memref<10240x128xf32, #tpu.memory_space<hbm>>) target(%arg13 : memref<64x128xf32, #tpu.memory_space<vmem>>) offsets(%dma_start3A_306 : memref<64xi32, #tpu.memory_space<vmem>>) semaphore(%arg19 : memref<!tpu.dma_semaphore, #tpu.memory_space<semaphore_mem>>)
          } else {
          }
        }
        %scan3A_138 = arith.constant 4 : i32
        %dma_wait3A = arith.constant 12 : i32
        %dma_wait3A_139 = arith.constant 0 : i32
        %dma_wait3A_140 = tpu.memref_slice %arg9[%dma_wait3A, %dma_wait3A_139] : memref<16x64xi32, #tpu.memory_space<vmem>> -> memref<1x64xi32, #tpu.memory_space<vmem>>
        %dma_wait3A_141 = tpu.memref_squeeze %dma_wait3A_140 : memref<1x64xi32, #tpu.memory_space<vmem>> -> memref<64xi32, #tpu.memory_space<vmem>>
        %dma_wait3A_142 = arith.constant 0 : i32
        %dma_wait3A_143 = arith.constant 0 : i32
        %dma_wait3A_144 = tpu.memref_slice %arg15[%dma_wait3A_142, %dma_wait3A_143] : memref<5120x128xf32, #tpu.memory_space<vmem_shared>> -> memref<5120x128xf32, #tpu.memory_space<vmem_shared>>
        tpu.wait_indirect_dma semaphore(%arg20 : memref<!tpu.dma_semaphore, #tpu.memory_space<semaphore_mem>>) src(%arg10 : memref<64x128xf32, #tpu.memory_space<vmem>>) dst(%dma_wait3A_144 : memref<5120x128xf32, #tpu.memory_space<vmem_shared>>)
        %dma_wait3A_145 = arith.constant 13 : i32
        %dma_wait3A_146 = arith.constant 0 : i32
        %dma_wait3A_147 = tpu.memref_slice %arg9[%dma_wait3A_145, %dma_wait3A_146] : memref<16x64xi32, #tpu.memory_space<vmem>> -> memref<1x64xi32, #tpu.memory_space<vmem>>
        %dma_wait3A_148 = tpu.memref_squeeze %dma_wait3A_147 : memref<1x64xi32, #tpu.memory_space<vmem>> -> memref<64xi32, #tpu.memory_space<vmem>>
        %dma_wait3A_149 = arith.constant 0 : i32
        %dma_wait3A_150 = arith.constant 0 : i32
        %dma_wait3A_151 = tpu.memref_slice %arg15[%dma_wait3A_149, %dma_wait3A_150] : memref<5120x128xf32, #tpu.memory_space<vmem_shared>> -> memref<5120x128xf32, #tpu.memory_space<vmem_shared>>
        tpu.wait_indirect_dma semaphore(%arg21 : memref<!tpu.dma_semaphore, #tpu.memory_space<semaphore_mem>>) src(%arg11 : memref<64x128xf32, #tpu.memory_space<vmem>>) dst(%dma_wait3A_151 : memref<5120x128xf32, #tpu.memory_space<vmem_shared>>)
        %dma_wait3A_152 = arith.constant 14 : i32
        %dma_wait3A_153 = arith.constant 0 : i32
        %dma_wait3A_154 = tpu.memref_slice %arg9[%dma_wait3A_152, %dma_wait3A_153] : memref<16x64xi32, #tpu.memory_space<vmem>> -> memref<1x64xi32, #tpu.memory_space<vmem>>
        %dma_wait3A_155 = tpu.memref_squeeze %dma_wait3A_154 : memref<1x64xi32, #tpu.memory_space<vmem>> -> memref<64xi32, #tpu.memory_space<vmem>>
        %dma_wait3A_156 = arith.constant 0 : i32
        %dma_wait3A_157 = arith.constant 0 : i32
        %dma_wait3A_158 = tpu.memref_slice %arg15[%dma_wait3A_156, %dma_wait3A_157] : memref<5120x128xf32, #tpu.memory_space<vmem_shared>> -> memref<5120x128xf32, #tpu.memory_space<vmem_shared>>
        tpu.wait_indirect_dma semaphore(%arg22 : memref<!tpu.dma_semaphore, #tpu.memory_space<semaphore_mem>>) src(%arg12 : memref<64x128xf32, #tpu.memory_space<vmem>>) dst(%dma_wait3A_158 : memref<5120x128xf32, #tpu.memory_space<vmem_shared>>)
        %dma_wait3A_159 = arith.constant 15 : i32
        %dma_wait3A_160 = arith.constant 0 : i32
        %dma_wait3A_161 = tpu.memref_slice %arg9[%dma_wait3A_159, %dma_wait3A_160] : memref<16x64xi32, #tpu.memory_space<vmem>> -> memref<1x64xi32, #tpu.memory_space<vmem>>
        %dma_wait3A_162 = tpu.memref_squeeze %dma_wait3A_161 : memref<1x64xi32, #tpu.memory_space<vmem>> -> memref<64xi32, #tpu.memory_space<vmem>>
        %dma_wait3A_163 = arith.constant 0 : i32
        %dma_wait3A_164 = arith.constant 0 : i32
        %dma_wait3A_165 = tpu.memref_slice %arg15[%dma_wait3A_163, %dma_wait3A_164] : memref<5120x128xf32, #tpu.memory_space<vmem_shared>> -> memref<5120x128xf32, #tpu.memory_space<vmem_shared>>
        tpu.wait_indirect_dma semaphore(%arg23 : memref<!tpu.dma_semaphore, #tpu.memory_space<semaphore_mem>>) src(%arg13 : memref<64x128xf32, #tpu.memory_space<vmem>>) dst(%dma_wait3A_165 : memref<5120x128xf32, #tpu.memory_space<vmem_shared>>)
      } else {
      }
    }
    %scan3A_95 = arith.constant 11 : i32
    %barrier3A_96 = arith.constant 0 : index
    tpu.barrier barrier_id(%barrier3A_96)
    %mul3A_97 = arith.constant 320 : i32
    %mul3A_98 = arith.muli %arg1, %mul3A_97 : i32
    %mul3A_99 = arith.constant 1 : i32
    %mul3A_100 = arith.muli %arg0, %mul3A_99 : i32
    %mul3A_101 = arith.constant 5120 : i32
    %mul3A_102 = arith.muli %mul3A_100, %mul3A_101 : i32
    %mul3A_103 = arith.constant 320 : i32
    %mul3A_104 = arith.muli %arg1, %mul3A_103 : i32
    %add3A_105 = arith.addi %mul3A_102, %mul3A_104 : i32
    "tpu.region"() ({
      %run_scoped3A = tpu.sem_alloc : memref<!tpu.dma_semaphore, #tpu.memory_space<semaphore_mem>>
      %dma_start3A = arith.constant 0 : i32
      %dma_start3A_106 = tpu.memref_slice %arg7[%add3A_105, %dma_start3A] : memref<10240x128xf32, #tpu.memory_space<hbm>> -> memref<320x128xf32, #tpu.memory_space<hbm>>
      %dma_start3A_107 = arith.constant 0 : i32
      %dma_start3A_108 = tpu.memref_slice %arg15[%mul3A_98, %dma_start3A_107] : memref<5120x128xf32, #tpu.memory_space<vmem_shared>> -> memref<320x128xf32, #tpu.memory_space<vmem_shared>>
      tpu.enqueue_dma source(%dma_start3A_108 : memref<320x128xf32, #tpu.memory_space<vmem_shared>>) target(%dma_start3A_106 : memref<320x128xf32, #tpu.memory_space<hbm>>) target_semaphore(%run_scoped3A : memref<!tpu.dma_semaphore, #tpu.memory_space<semaphore_mem>>)
      %dma_wait3A = arith.constant 0 : i32
      %dma_wait3A_109 = tpu.memref_slice %arg7[%add3A_105, %dma_wait3A] : memref<10240x128xf32, #tpu.memory_space<hbm>> -> memref<320x128xf32, #tpu.memory_space<hbm>>
      %dma_wait3A_110 = arith.constant 0 : i32
      %dma_wait3A_111 = tpu.memref_slice %arg15[%mul3A_98, %dma_wait3A_110] : memref<5120x128xf32, #tpu.memory_space<vmem_shared>> -> memref<320x128xf32, #tpu.memory_space<vmem_shared>>
      tpu.wait_dma2 semaphore(%run_scoped3A : memref<!tpu.dma_semaphore, #tpu.memory_space<semaphore_mem>>) src(%dma_wait3A_111 : memref<320x128xf32, #tpu.memory_space<vmem_shared>>) dst(%dma_wait3A_109 : memref<320x128xf32, #tpu.memory_space<hbm>>)
      tpu.yield
    }) : () -> ()
    return
  }
}

#map = affine_map<(d0, d1) -> (0, 0)>
#map1 = affine_map<(d0, d1) -> (0)>
module attributes {stable_mosaic.version = 14 : i64} {
  func.func @_deg_kernel(%arg0: i32, %arg1: i32, %arg2: memref<2560x128xi32, #tpu.memory_space<hbm>>, %arg3: memref<640xf32, #tpu.memory_space<hbm>>, %arg4: memref<20480xf32, #tpu.memory_space<hbm>>, %arg5: memref<80x128xi32, #tpu.memory_space<vmem>>, %arg6: memref<128xf32, #tpu.memory_space<vmem>>, %arg7: memref<10240xf32, #tpu.memory_space<vmem_shared>>) attributes {dimension_semantics = [#tpu.dimension_semantics<core_parallel>, #tpu.dimension_semantics<subcore_parallel>], iteration_bounds = array<i64: 2, 16>, scalar_prefetch = 0 : i64, scratch_operands = 3 : i64, tpu.core_type = #tpu.core_type<sc_vector_subcore>, window_params = [{transform_indices = #map}, {transform_indices = #map1}, {transform_indices = #map1}]} {
    %mul3A = arith.constant 16 : i32
    %mul3A_0 = arith.muli %arg0, %mul3A : i32
    %add3A = arith.addi %mul3A_0, %arg1 : i32
    %mul3A_1 = arith.constant 640 : i32
    %mul3A_2 = arith.muli %arg1, %mul3A_1 : i32
    "tpu.region"() ({
      %run_scoped3A = tpu.sem_alloc : memref<!tpu.dma_semaphore, #tpu.memory_space<semaphore_mem>>
      %dma_start3A = tpu.memref_slice %arg7[%mul3A_2] : memref<10240xf32, #tpu.memory_space<vmem_shared>> -> memref<640xf32, #tpu.memory_space<vmem_shared>>
      tpu.enqueue_dma source(%arg3 : memref<640xf32, #tpu.memory_space<hbm>>) target(%dma_start3A : memref<640xf32, #tpu.memory_space<vmem_shared>>) target_semaphore(%run_scoped3A : memref<!tpu.dma_semaphore, #tpu.memory_space<semaphore_mem>>)
      %dma_wait3A = tpu.memref_slice %arg7[%mul3A_2] : memref<10240xf32, #tpu.memory_space<vmem_shared>> -> memref<640xf32, #tpu.memory_space<vmem_shared>>
      tpu.wait_dma2 semaphore(%run_scoped3A : memref<!tpu.dma_semaphore, #tpu.memory_space<semaphore_mem>>) src(%arg3 : memref<640xf32, #tpu.memory_space<hbm>>) dst(%dma_wait3A : memref<640xf32, #tpu.memory_space<vmem_shared>>)
      tpu.yield
    }) : () -> ()
    %mul3A_3 = arith.constant 80 : i32
    %mul3A_4 = arith.muli %add3A, %mul3A_3 : i32
    "tpu.region"() ({
      %run_scoped3A = tpu.sem_alloc : memref<!tpu.dma_semaphore, #tpu.memory_space<semaphore_mem>>
      %dma_start3A = arith.constant 0 : i32
      %dma_start3A_64 = tpu.memref_slice %arg2[%mul3A_4, %dma_start3A] : memref<2560x128xi32, #tpu.memory_space<hbm>> -> memref<80x128xi32, #tpu.memory_space<hbm>>
      %dma_start3A_65 = arith.constant 0 : i32
      %dma_start3A_66 = tpu.memref_slice %arg2[%mul3A_4, %dma_start3A_65] : memref<2560x128xi32, #tpu.memory_space<hbm>> -> memref<80x128xi32, #tpu.memory_space<hbm>>
      tpu.enqueue_dma source(%dma_start3A_66 : memref<80x128xi32, #tpu.memory_space<hbm>>) target(%arg5 : memref<80x128xi32, #tpu.memory_space<vmem>>) target_semaphore(%run_scoped3A : memref<!tpu.dma_semaphore, #tpu.memory_space<semaphore_mem>>)
      %dma_wait3A = arith.constant 0 : i32
      %dma_wait3A_67 = tpu.memref_slice %arg2[%mul3A_4, %dma_wait3A] : memref<2560x128xi32, #tpu.memory_space<hbm>> -> memref<80x128xi32, #tpu.memory_space<hbm>>
      %dma_wait3A_68 = arith.constant 0 : i32
      %dma_wait3A_69 = tpu.memref_slice %arg2[%mul3A_4, %dma_wait3A_68] : memref<2560x128xi32, #tpu.memory_space<hbm>> -> memref<80x128xi32, #tpu.memory_space<hbm>>
      tpu.wait_dma2 semaphore(%run_scoped3A : memref<!tpu.dma_semaphore, #tpu.memory_space<semaphore_mem>>) src(%dma_wait3A_69 : memref<80x128xi32, #tpu.memory_space<hbm>>) dst(%arg5 : memref<80x128xi32, #tpu.memory_space<vmem>>)
      tpu.yield
    }) : () -> ()
    %broadcast_in_dim3A = arith.constant 1.000000e+00 : f32
    %broadcast_in_dim3A_5 = vector.broadcast %broadcast_in_dim3A : f32 to vector<16xf32>
    %swap3A = arith.constant 0 : index
    %swap3A_6 = tpu.vector_load %arg6[%swap3A] {strides = array<i32>} : memref<128xf32, #tpu.memory_space<vmem>>, vector<16xf32>,
    %swap3A_7 = vector.shape_cast %swap3A_6 : vector<16xf32> to vector<16xf32>
    %swap3A_8 = vector.shape_cast %broadcast_in_dim3A_5 : vector<16xf32> to vector<16xf32>
    tpu.vector_store %arg6[%swap3A], %swap3A_8 {strides = array<i32>} : memref<128xf32, #tpu.memory_space<vmem>>, vector<16xf32>,
    %broadcast_in_dim3A_9 = arith.constant 1.000000e+00 : f32
    %broadcast_in_dim3A_10 = vector.broadcast %broadcast_in_dim3A_9 : f32 to vector<16xf32>
    %swap3A_11 = arith.constant 16 : index
    %swap3A_12 = tpu.vector_load %arg6[%swap3A_11] {strides = array<i32>} : memref<128xf32, #tpu.memory_space<vmem>>, vector<16xf32>,
    %swap3A_13 = vector.shape_cast %swap3A_12 : vector<16xf32> to vector<16xf32>
    %swap3A_14 = vector.shape_cast %broadcast_in_dim3A_10 : vector<16xf32> to vector<16xf32>
    tpu.vector_store %arg6[%swap3A_11], %swap3A_14 {strides = array<i32>} : memref<128xf32, #tpu.memory_space<vmem>>, vector<16xf32>,
    %broadcast_in_dim3A_15 = arith.constant 1.000000e+00 : f32
    %broadcast_in_dim3A_16 = vector.broadcast %broadcast_in_dim3A_15 : f32 to vector<16xf32>
    %swap3A_17 = arith.constant 32 : index
    %swap3A_18 = tpu.vector_load %arg6[%swap3A_17] {strides = array<i32>} : memref<128xf32, #tpu.memory_space<vmem>>, vector<16xf32>,
    %swap3A_19 = vector.shape_cast %swap3A_18 : vector<16xf32> to vector<16xf32>
    %swap3A_20 = vector.shape_cast %broadcast_in_dim3A_16 : vector<16xf32> to vector<16xf32>
    tpu.vector_store %arg6[%swap3A_17], %swap3A_20 {strides = array<i32>} : memref<128xf32, #tpu.memory_space<vmem>>, vector<16xf32>,
    %broadcast_in_dim3A_21 = arith.constant 1.000000e+00 : f32
    %broadcast_in_dim3A_22 = vector.broadcast %broadcast_in_dim3A_21 : f32 to vector<16xf32>
    %swap3A_23 = arith.constant 48 : index
    %swap3A_24 = tpu.vector_load %arg6[%swap3A_23] {strides = array<i32>} : memref<128xf32, #tpu.memory_space<vmem>>, vector<16xf32>,
    %swap3A_25 = vector.shape_cast %swap3A_24 : vector<16xf32> to vector<16xf32>
    %swap3A_26 = vector.shape_cast %broadcast_in_dim3A_22 : vector<16xf32> to vector<16xf32>
    tpu.vector_store %arg6[%swap3A_23], %swap3A_26 {strides = array<i32>} : memref<128xf32, #tpu.memory_space<vmem>>, vector<16xf32>,
    %broadcast_in_dim3A_27 = arith.constant 1.000000e+00 : f32
    %broadcast_in_dim3A_28 = vector.broadcast %broadcast_in_dim3A_27 : f32 to vector<16xf32>
    %swap3A_29 = arith.constant 64 : index
    %swap3A_30 = tpu.vector_load %arg6[%swap3A_29] {strides = array<i32>} : memref<128xf32, #tpu.memory_space<vmem>>, vector<16xf32>,
    %swap3A_31 = vector.shape_cast %swap3A_30 : vector<16xf32> to vector<16xf32>
    %swap3A_32 = vector.shape_cast %broadcast_in_dim3A_28 : vector<16xf32> to vector<16xf32>
    tpu.vector_store %arg6[%swap3A_29], %swap3A_32 {strides = array<i32>} : memref<128xf32, #tpu.memory_space<vmem>>, vector<16xf32>,
    %broadcast_in_dim3A_33 = arith.constant 1.000000e+00 : f32
    %broadcast_in_dim3A_34 = vector.broadcast %broadcast_in_dim3A_33 : f32 to vector<16xf32>
    %swap3A_35 = arith.constant 80 : index
    %swap3A_36 = tpu.vector_load %arg6[%swap3A_35] {strides = array<i32>} : memref<128xf32, #tpu.memory_space<vmem>>, vector<16xf32>,
    %swap3A_37 = vector.shape_cast %swap3A_36 : vector<16xf32> to vector<16xf32>
    %swap3A_38 = vector.shape_cast %broadcast_in_dim3A_34 : vector<16xf32> to vector<16xf32>
    tpu.vector_store %arg6[%swap3A_35], %swap3A_38 {strides = array<i32>} : memref<128xf32, #tpu.memory_space<vmem>>, vector<16xf32>,
    %broadcast_in_dim3A_39 = arith.constant 1.000000e+00 : f32
    %broadcast_in_dim3A_40 = vector.broadcast %broadcast_in_dim3A_39 : f32 to vector<16xf32>
    %swap3A_41 = arith.constant 96 : index
    %swap3A_42 = tpu.vector_load %arg6[%swap3A_41] {strides = array<i32>} : memref<128xf32, #tpu.memory_space<vmem>>, vector<16xf32>,
    %swap3A_43 = vector.shape_cast %swap3A_42 : vector<16xf32> to vector<16xf32>
    %swap3A_44 = vector.shape_cast %broadcast_in_dim3A_40 : vector<16xf32> to vector<16xf32>
    tpu.vector_store %arg6[%swap3A_41], %swap3A_44 {strides = array<i32>} : memref<128xf32, #tpu.memory_space<vmem>>, vector<16xf32>,
    %broadcast_in_dim3A_45 = arith.constant 1.000000e+00 : f32
    %broadcast_in_dim3A_46 = vector.broadcast %broadcast_in_dim3A_45 : f32 to vector<16xf32>
    %swap3A_47 = arith.constant 112 : index
    %swap3A_48 = tpu.vector_load %arg6[%swap3A_47] {strides = array<i32>} : memref<128xf32, #tpu.memory_space<vmem>>, vector<16xf32>,
    %swap3A_49 = vector.shape_cast %swap3A_48 : vector<16xf32> to vector<16xf32>
    %swap3A_50 = vector.shape_cast %broadcast_in_dim3A_46 : vector<16xf32> to vector<16xf32>
    tpu.vector_store %arg6[%swap3A_47], %swap3A_50 {strides = array<i32>} : memref<128xf32, #tpu.memory_space<vmem>>, vector<16xf32>,
    %barrier3A = arith.constant 0 : index
    tpu.barrier barrier_id(%barrier3A)
    %scan3A = arith.constant 0 : i32
    %scan3A_51 = arith.constant 0 : i32
    %scan3A_52 = arith.constant 80 : i32
    %scan3A_53 = arith.addi %scan3A_51, %scan3A_52 : i32
    %scan3A_54 = arith.constant 1 : i32
    scf.for %scan3A_64 = %scan3A_51 to %scan3A_53 step %scan3A_54  : i32 {
      "tpu.region"() ({
        %run_scoped3A = tpu.sem_alloc : memref<!tpu.dma_semaphore, #tpu.memory_space<semaphore_mem>>
        %dma_start3A = arith.constant 0 : i32
        %dma_start3A_65 = tpu.memref_slice %arg5[%scan3A_64, %dma_start3A] : memref<80x128xi32, #tpu.memory_space<vmem>> -> memref<1x128xi32, #tpu.memory_space<vmem>>
        %dma_start3A_66 = tpu.memref_squeeze %dma_start3A_65 : memref<1x128xi32, #tpu.memory_space<vmem>> -> memref<128xi32, #tpu.memory_space<vmem>>
        %dma_start3A_67 = arith.constant 0 : i32
        %dma_start3A_68 = tpu.memref_slice %arg7[%dma_start3A_67] : memref<10240xf32, #tpu.memory_space<vmem_shared>> -> memref<10240xf32, #tpu.memory_space<vmem_shared>>
        tpu.enqueue_indirect_dma source(%arg6 : memref<128xf32, #tpu.memory_space<vmem>>) target(%dma_start3A_68 : memref<10240xf32, #tpu.memory_space<vmem_shared>>) offsets(%dma_start3A_66 : memref<128xi32, #tpu.memory_space<vmem>>) semaphore(%run_scoped3A : memref<!tpu.dma_semaphore, #tpu.memory_space<semaphore_mem>>) {add = true}
        %dma_wait3A = arith.constant 0 : i32
        %dma_wait3A_69 = tpu.memref_slice %arg5[%scan3A_64, %dma_wait3A] : memref<80x128xi32, #tpu.memory_space<vmem>> -> memref<1x128xi32, #tpu.memory_space<vmem>>
        %dma_wait3A_70 = tpu.memref_squeeze %dma_wait3A_69 : memref<1x128xi32, #tpu.memory_space<vmem>> -> memref<128xi32, #tpu.memory_space<vmem>>
        %dma_wait3A_71 = arith.constant 0 : i32
        %dma_wait3A_72 = tpu.memref_slice %arg7[%dma_wait3A_71] : memref<10240xf32, #tpu.memory_space<vmem_shared>> -> memref<10240xf32, #tpu.memory_space<vmem_shared>>
        tpu.wait_indirect_dma semaphore(%run_scoped3A : memref<!tpu.dma_semaphore, #tpu.memory_space<semaphore_mem>>) src(%arg6 : memref<128xf32, #tpu.memory_space<vmem>>) dst(%dma_wait3A_72 : memref<10240xf32, #tpu.memory_space<vmem_shared>>)
        tpu.yield
      }) : () -> ()
    }
    %scan3A_55 = arith.constant 80 : i32
    %barrier3A_56 = arith.constant 0 : index
    tpu.barrier barrier_id(%barrier3A_56)
    %mul3A_57 = arith.constant 640 : i32
    %mul3A_58 = arith.muli %arg1, %mul3A_57 : i32
    %mul3A_59 = arith.constant 10240 : i32
    %mul3A_60 = arith.muli %arg0, %mul3A_59 : i32
    %mul3A_61 = arith.constant 640 : i32
    %mul3A_62 = arith.muli %arg1, %mul3A_61 : i32
    %add3A_63 = arith.addi %mul3A_60, %mul3A_62 : i32
    "tpu.region"() ({
      %run_scoped3A = tpu.sem_alloc : memref<!tpu.dma_semaphore, #tpu.memory_space<semaphore_mem>>
      %dma_start3A = tpu.memref_slice %arg4[%add3A_63] : memref<20480xf32, #tpu.memory_space<hbm>> -> memref<640xf32, #tpu.memory_space<hbm>>
      %dma_start3A_64 = tpu.memref_slice %arg7[%mul3A_58] : memref<10240xf32, #tpu.memory_space<vmem_shared>> -> memref<640xf32, #tpu.memory_space<vmem_shared>>
      tpu.enqueue_dma source(%dma_start3A_64 : memref<640xf32, #tpu.memory_space<vmem_shared>>) target(%dma_start3A : memref<640xf32, #tpu.memory_space<hbm>>) target_semaphore(%run_scoped3A : memref<!tpu.dma_semaphore, #tpu.memory_space<semaphore_mem>>)
      %dma_wait3A = tpu.memref_slice %arg4[%add3A_63] : memref<20480xf32, #tpu.memory_space<hbm>> -> memref<640xf32, #tpu.memory_space<hbm>>
      %dma_wait3A_65 = tpu.memref_slice %arg7[%mul3A_58] : memref<10240xf32, #tpu.memory_space<vmem_shared>> -> memref<640xf32, #tpu.memory_space<vmem_shared>>
      tpu.wait_dma2 semaphore(%run_scoped3A : memref<!tpu.dma_semaphore, #tpu.memory_space<semaphore_mem>>) src(%dma_wait3A_65 : memref<640xf32, #tpu.memory_space<vmem_shared>>) dst(%dma_wait3A : memref<640xf32, #tpu.memory_space<hbm>>)
      tpu.yield
    }) : () -> ()
    return
  }
}

#map = affine_map<(d0, d1) -> (0, 0, 0)>
#map1 = affine_map<(d0, d1) -> (0)>
#map2 = affine_map<(d0, d1) -> (0, 0)>
module attributes {stable_mosaic.version = 14 : i64} {
  func.func @seg(%arg0: i32, %arg1: i32, %arg2: memref<10240x2x128xf32, #tpu.memory_space<hbm>>, %arg3: memref<720896xi32, #tpu.memory_space<hbm>>, %arg4: memref<11264x128xi32, #tpu.memory_space<hbm>>, %arg5: memref<1024xi32, #tpu.memory_space<hbm>>, %arg6: memref<640x128xf32, #tpu.memory_space<hbm>>, %arg7: memref<20480x128xf32, #tpu.memory_space<hbm>>, %arg8: memref<1024xi32, #tpu.memory_space<vmem>>, %arg9: memref<16x128xi32, #tpu.memory_space<vmem>>, %arg10: memref<128x128xf32, #tpu.memory_space<vmem>>, %arg11: memref<128x128xf32, #tpu.memory_space<vmem>>, %arg12: memref<16xi32, #tpu.memory_space<vmem>>, %arg13: memref<10240x128xf32, #tpu.memory_space<vmem_shared>>, %arg14: memref<!tpu.dma_semaphore, #tpu.memory_space<semaphore_mem>>, %arg15: memref<!tpu.dma_semaphore, #tpu.memory_space<semaphore_mem>>, %arg16: memref<!tpu.dma_semaphore, #tpu.memory_space<semaphore_mem>>, %arg17: memref<!tpu.dma_semaphore, #tpu.memory_space<semaphore_mem>>) attributes {dimension_semantics = [#tpu.dimension_semantics<core_parallel>, #tpu.dimension_semantics<subcore_parallel>], iteration_bounds = array<i64: 2, 16>, scalar_prefetch = 0 : i64, scratch_operands = 10 : i64, tpu.core_type = #tpu.core_type<sc_vector_subcore>, window_params = [{transform_indices = #map}, {transform_indices = #map1}, {transform_indices = #map2}, {transform_indices = #map1}, {transform_indices = #map2}, {transform_indices = #map2}]} {
    %mul3A = arith.constant 640 : i32
    %mul3A_0 = arith.muli %arg1, %mul3A : i32
    "tpu.region"() ({
      %run_scoped3A = tpu.sem_alloc : memref<!tpu.dma_semaphore, #tpu.memory_space<semaphore_mem>>
      %dma_start3A = arith.constant 0 : i32
      %dma_start3A_106 = tpu.memref_slice %arg13[%mul3A_0, %dma_start3A] : memref<10240x128xf32, #tpu.memory_space<vmem_shared>> -> memref<640x128xf32, #tpu.memory_space<vmem_shared>>
      tpu.enqueue_dma source(%arg6 : memref<640x128xf32, #tpu.memory_space<hbm>>) target(%dma_start3A_106 : memref<640x128xf32, #tpu.memory_space<vmem_shared>>) target_semaphore(%run_scoped3A : memref<!tpu.dma_semaphore, #tpu.memory_space<semaphore_mem>>)
      %dma_wait3A = arith.constant 0 : i32
      %dma_wait3A_107 = tpu.memref_slice %arg13[%mul3A_0, %dma_wait3A] : memref<10240x128xf32, #tpu.memory_space<vmem_shared>> -> memref<640x128xf32, #tpu.memory_space<vmem_shared>>
      tpu.wait_dma2 semaphore(%run_scoped3A : memref<!tpu.dma_semaphore, #tpu.memory_space<semaphore_mem>>) src(%arg6 : memref<640x128xf32, #tpu.memory_space<hbm>>) dst(%dma_wait3A_107 : memref<640x128xf32, #tpu.memory_space<vmem_shared>>)
      tpu.yield
    }) : () -> ()
    %barrier3A = arith.constant 0 : index
    tpu.barrier barrier_id(%barrier3A)
    %mul3A_1 = arith.constant 2 : i32
    %mul3A_2 = arith.muli %mul3A_1, %arg1 : i32
    %add3A = arith.constant 0 : i32
    %add3A_3 = arith.addi %mul3A_2, %add3A : i32
    %mul3A_4 = arith.constant 32 : i32
    %mul3A_5 = arith.muli %arg0, %mul3A_4 : i32
    %add3A_6 = arith.addi %mul3A_5, %add3A_3 : i32
    %mul3A_7 = arith.constant 11264 : i32
    %mul3A_8 = arith.muli %add3A_6, %mul3A_7 : i32
    %mul3A_9 = arith.constant 32 : i32
    %mul3A_10 = arith.muli %arg0, %mul3A_9 : i32
    %add3A_11 = arith.addi %mul3A_10, %add3A_3 : i32
    %mul3A_12 = arith.constant 176 : i32
    %mul3A_13 = arith.muli %add3A_11, %mul3A_12 : i32
    %mul3A_14 = arith.constant 32 : i32
    %mul3A_15 = arith.muli %arg0, %mul3A_14 : i32
    %add3A_16 = arith.addi %mul3A_15, %add3A_3 : i32
    %mul3A_17 = arith.constant 16 : i32
    %mul3A_18 = arith.muli %add3A_16, %mul3A_17 : i32
    "tpu.region"() ({
      %run_scoped3A = tpu.sem_alloc : memref<!tpu.dma_semaphore, #tpu.memory_space<semaphore_mem>>
      %dma_start3A = tpu.memref_slice %arg5[%mul3A_18] : memref<1024xi32, #tpu.memory_space<hbm>> -> memref<16xi32, #tpu.memory_space<hbm>>
      %dma_start3A_106 = tpu.memref_slice %arg5[%mul3A_18] : memref<1024xi32, #tpu.memory_space<hbm>> -> memref<16xi32, #tpu.memory_space<hbm>>
      tpu.enqueue_dma source(%dma_start3A_106 : memref<16xi32, #tpu.memory_space<hbm>>) target(%arg12 : memref<16xi32, #tpu.memory_space<vmem>>) target_semaphore(%run_scoped3A : memref<!tpu.dma_semaphore, #tpu.memory_space<semaphore_mem>>)
      %dma_wait3A = tpu.memref_slice %arg5[%mul3A_18] : memref<1024xi32, #tpu.memory_space<hbm>> -> memref<16xi32, #tpu.memory_space<hbm>>
      %dma_wait3A_107 = tpu.memref_slice %arg5[%mul3A_18] : memref<1024xi32, #tpu.memory_space<hbm>> -> memref<16xi32, #tpu.memory_space<hbm>>
      tpu.wait_dma2 semaphore(%run_scoped3A : memref<!tpu.dma_semaphore, #tpu.memory_space<semaphore_mem>>) src(%dma_wait3A_107 : memref<16xi32, #tpu.memory_space<hbm>>) dst(%arg12 : memref<16xi32, #tpu.memory_space<vmem>>)
      tpu.yield
    }) : () -> ()
    %get3A = arith.constant 0 : index
    %get3A_19 = tpu.vector_load %arg12[%get3A] {strides = array<i32>} : memref<16xi32, #tpu.memory_space<vmem>>, vector<16xi32>,
    %get3A_20 = vector.shape_cast %get3A_19 : vector<16xi32> to vector<16xi32>
    %slice3A = vector.extract_strided_slice %get3A_20 {offsets = [0], sizes = [1], strides = [1]} : vector<16xi32> to vector<1xi32>
    %squeeze3A = vector.extract %slice3A[0] : i32 from vector<1xi32>
    %jit3A = arith.constant 1024 : i32
    %div3A = arith.divsi %squeeze3A, %jit3A : i32
    %sign3A = arith.constant 0 : i32
    %sign3A_21 = arith.cmpi sgt, %squeeze3A, %sign3A : i32
    %sign3A_22 = arith.extui %sign3A_21 : i1 to i32
    %sign3A_23 = arith.constant 0 : i32
    %sign3A_24 = arith.cmpi slt, %squeeze3A, %sign3A_23 : i32
    %sign3A_25 = arith.extui %sign3A_24 : i1 to i32
    %sign3A_26 = arith.subi %sign3A_22, %sign3A_25 : i32
    %sign3A_27 = arith.constant 0 : i32
    %sign3A_28 = arith.cmpi sgt, %jit3A, %sign3A_27 : i32
    %sign3A_29 = arith.extui %sign3A_28 : i1 to i32
    %sign3A_30 = arith.constant 0 : i32
    %sign3A_31 = arith.cmpi slt, %jit3A, %sign3A_30 : i32
    %sign3A_32 = arith.extui %sign3A_31 : i1 to i32
    %sign3A_33 = arith.subi %sign3A_29, %sign3A_32 : i32
    %ne3A = arith.cmpi ne, %sign3A_26, %sign3A_33 : i32
    %rem3A = arith.remsi %squeeze3A, %jit3A : i32
    %ne3A_34 = arith.constant 0 : i32
    %ne3A_35 = arith.cmpi ne, %rem3A, %ne3A_34 : i32
    %and3A = arith.andi %ne3A, %ne3A_35 : i1
    %sub3A = arith.constant 1 : i32
    %sub3A_36 = arith.subi %div3A, %sub3A : i32
    %select_n3A = arith.select %and3A, %sub3A_36, %div3A : i32
    %scan3A = arith.constant 0 : i32
    %scan3A_37 = arith.constant 0 : i32
    %scan3A_38 = arith.constant 11 : i32
    %scan3A_39 = arith.addi %scan3A_37, %scan3A_38 : i32
    %scan3A_40 = arith.constant 1 : i32
    scf.for %scan3A_106 = %scan3A_37 to %scan3A_39 step %scan3A_40  : i32 {
      %lt3A = arith.cmpi slt, %scan3A_106, %select_n3A : i32
      %convert_element_type3A = arith.extui %lt3A : i1 to i32
      %cond3A = arith.constant 0 : i32
      %cond3A_107 = arith.cmpi ne, %convert_element_type3A, %cond3A : i32
      scf.if %cond3A_107 {
        %mul3A_108 = arith.constant 1024 : i32
        %mul3A_109 = arith.muli %scan3A_106, %mul3A_108 : i32
        %add3A_110 = arith.addi %mul3A_8, %mul3A_109 : i32
        "tpu.region"() ({
          %run_scoped3A = tpu.sem_alloc : memref<!tpu.dma_semaphore, #tpu.memory_space<semaphore_mem>>
          %dma_start3A_146 = tpu.memref_slice %arg3[%add3A_110] : memref<720896xi32, #tpu.memory_space<hbm>> -> memref<1024xi32, #tpu.memory_space<hbm>>
          %dma_start3A_147 = tpu.memref_slice %arg3[%add3A_110] : memref<720896xi32, #tpu.memory_space<hbm>> -> memref<1024xi32, #tpu.memory_space<hbm>>
          tpu.enqueue_dma source(%dma_start3A_147 : memref<1024xi32, #tpu.memory_space<hbm>>) target(%arg8 : memref<1024xi32, #tpu.memory_space<vmem>>) target_semaphore(%run_scoped3A : memref<!tpu.dma_semaphore, #tpu.memory_space<semaphore_mem>>)
          %dma_wait3A_148 = tpu.memref_slice %arg3[%add3A_110] : memref<720896xi32, #tpu.memory_space<hbm>> -> memref<1024xi32, #tpu.memory_space<hbm>>
          %dma_wait3A_149 = tpu.memref_slice %arg3[%add3A_110] : memref<720896xi32, #tpu.memory_space<hbm>> -> memref<1024xi32, #tpu.memory_space<hbm>>
          tpu.wait_dma2 semaphore(%run_scoped3A : memref<!tpu.dma_semaphore, #tpu.memory_space<semaphore_mem>>) src(%dma_wait3A_149 : memref<1024xi32, #tpu.memory_space<hbm>>) dst(%arg8 : memref<1024xi32, #tpu.memory_space<vmem>>)
          tpu.yield
        }) : () -> ()
        %mul3A_111 = arith.constant 16 : i32
        %mul3A_112 = arith.muli %scan3A_106, %mul3A_111 : i32
        %add3A_113 = arith.addi %mul3A_13, %mul3A_112 : i32
        "tpu.region"() ({
          %run_scoped3A = tpu.sem_alloc : memref<!tpu.dma_semaphore, #tpu.memory_space<semaphore_mem>>
          %dma_start3A_146 = arith.constant 0 : i32
          %dma_start3A_147 = tpu.memref_slice %arg4[%add3A_113, %dma_start3A_146] : memref<11264x128xi32, #tpu.memory_space<hbm>> -> memref<16x128xi32, #tpu.memory_space<hbm>>
          %dma_start3A_148 = arith.constant 0 : i32
          %dma_start3A_149 = tpu.memref_slice %arg4[%add3A_113, %dma_start3A_148] : memref<11264x128xi32, #tpu.memory_space<hbm>> -> memref<16x128xi32, #tpu.memory_space<hbm>>
          tpu.enqueue_dma source(%dma_start3A_149 : memref<16x128xi32, #tpu.memory_space<hbm>>) target(%arg9 : memref<16x128xi32, #tpu.memory_space<vmem>>) target_semaphore(%run_scoped3A : memref<!tpu.dma_semaphore, #tpu.memory_space<semaphore_mem>>)
          %dma_wait3A_150 = arith.constant 0 : i32
          %dma_wait3A_151 = tpu.memref_slice %arg4[%add3A_113, %dma_wait3A_150] : memref<11264x128xi32, #tpu.memory_space<hbm>> -> memref<16x128xi32, #tpu.memory_space<hbm>>
          %dma_wait3A_152 = arith.constant 0 : i32
          %dma_wait3A_153 = tpu.memref_slice %arg4[%add3A_113, %dma_wait3A_152] : memref<11264x128xi32, #tpu.memory_space<hbm>> -> memref<16x128xi32, #tpu.memory_space<hbm>>
          tpu.wait_dma2 semaphore(%run_scoped3A : memref<!tpu.dma_semaphore, #tpu.memory_space<semaphore_mem>>) src(%dma_wait3A_153 : memref<16x128xi32, #tpu.memory_space<hbm>>) dst(%arg9 : memref<16x128xi32, #tpu.memory_space<vmem>>)
          tpu.yield
        }) : () -> ()
        %dma_start3A = tpu.memref_reshape %arg10 : memref<128x128xf32, #tpu.memory_space<vmem>> -> memref<64x2x128xf32, #tpu.memory_space<vmem>>
        %dma_start3A_114 = arith.constant 0 : i32
        %dma_start3A_115 = tpu.memref_slice %arg8[%dma_start3A_114] : memref<1024xi32, #tpu.memory_space<vmem>> -> memref<64xi32, #tpu.memory_space<vmem>>
        %dma_start3A_116 = arith.constant 0 : i32
        %dma_start3A_117 = arith.constant 0 : i32
        %dma_start3A_118 = arith.constant 0 : i32
        %dma_start3A_119 = tpu.memref_slice %arg2[%dma_start3A_116, %dma_start3A_117, %dma_start3A_118] : memref<10240x2x128xf32, #tpu.memory_space<hbm>> -> memref<10240x2x128xf32, #tpu.memory_space<hbm>>
        tpu.enqueue_indirect_dma source(%dma_start3A_119 : memref<10240x2x128xf32, #tpu.memory_space<hbm>>) target(%dma_start3A : memref<64x2x128xf32, #tpu.memory_space<vmem>>) offsets(%dma_start3A_115 : memref<64xi32, #tpu.memory_space<vmem>>) semaphore(%arg14 : memref<!tpu.dma_semaphore, #tpu.memory_space<semaphore_mem>>)
        %dma_start3A_120 = tpu.memref_reshape %arg11 : memref<128x128xf32, #tpu.memory_space<vmem>> -> memref<64x2x128xf32, #tpu.memory_space<vmem>>
        %dma_start3A_121 = arith.constant 64 : i32
        %dma_start3A_122 = tpu.memref_slice %arg8[%dma_start3A_121] : memref<1024xi32, #tpu.memory_space<vmem>> -> memref<64xi32, #tpu.memory_space<vmem>>
        %dma_start3A_123 = arith.constant 0 : i32
        %dma_start3A_124 = arith.constant 0 : i32
        %dma_start3A_125 = arith.constant 0 : i32
        %dma_start3A_126 = tpu.memref_slice %arg2[%dma_start3A_123, %dma_start3A_124, %dma_start3A_125] : memref<10240x2x128xf32, #tpu.memory_space<hbm>> -> memref<10240x2x128xf32, #tpu.memory_space<hbm>>
        tpu.enqueue_indirect_dma source(%dma_start3A_126 : memref<10240x2x128xf32, #tpu.memory_space<hbm>>) target(%dma_start3A_120 : memref<64x2x128xf32, #tpu.memory_space<vmem>>) offsets(%dma_start3A_122 : memref<64xi32, #tpu.memory_space<vmem>>) semaphore(%arg15 : memref<!tpu.dma_semaphore, #tpu.memory_space<semaphore_mem>>)
        %scan3A_127 = arith.constant 0 : i32
        %scan3A_128 = arith.constant 0 : i32
        %scan3A_129 = arith.constant 8 : i32
        %scan3A_130 = arith.addi %scan3A_128, %scan3A_129 : i32
        %scan3A_131 = arith.constant 1 : i32
        scf.for %scan3A_146 = %scan3A_128 to %scan3A_130 step %scan3A_131  : i32 {
          %mul3A_147 = arith.constant 2 : i32
          %mul3A_148 = arith.muli %scan3A_146, %mul3A_147 : i32
          %add3A_149 = arith.constant 0 : i32
          %add3A_150 = arith.addi %mul3A_148, %add3A_149 : i32
          %mul3A_151 = arith.constant 64 : i32
          %mul3A_152 = arith.muli %add3A_150, %mul3A_151 : i32
          %dma_wait3A_153 = tpu.memref_reshape %arg10 : memref<128x128xf32, #tpu.memory_space<vmem>> -> memref<64x2x128xf32, #tpu.memory_space<vmem>>
          %dma_wait3A_154 = tpu.memref_slice %arg8[%mul3A_152] : memref<1024xi32, #tpu.memory_space<vmem>> -> memref<64xi32, #tpu.memory_space<vmem>>
          %dma_wait3A_155 = arith.constant 0 : i32
          %dma_wait3A_156 = arith.constant 0 : i32
          %dma_wait3A_157 = arith.constant 0 : i32
          %dma_wait3A_158 = tpu.memref_slice %arg2[%dma_wait3A_155, %dma_wait3A_156, %dma_wait3A_157] : memref<10240x2x128xf32, #tpu.memory_space<hbm>> -> memref<10240x2x128xf32, #tpu.memory_space<hbm>>
          tpu.wait_indirect_dma semaphore(%arg14 : memref<!tpu.dma_semaphore, #tpu.memory_space<semaphore_mem>>) src(%dma_wait3A_158 : memref<10240x2x128xf32, #tpu.memory_space<hbm>>) dst(%dma_wait3A_153 : memref<64x2x128xf32, #tpu.memory_space<vmem>>)
          %add3A_159 = arith.constant 0 : i32
          %add3A_160 = arith.addi %mul3A_148, %add3A_159 : i32
          %dma_start3A_161 = arith.constant 0 : i32
          %dma_start3A_162 = tpu.memref_slice %arg9[%add3A_160, %dma_start3A_161] : memref<16x128xi32, #tpu.memory_space<vmem>> -> memref<1x128xi32, #tpu.memory_space<vmem>>
          %dma_start3A_163 = tpu.memref_squeeze %dma_start3A_162 : memref<1x128xi32, #tpu.memory_space<vmem>> -> memref<128xi32, #tpu.memory_space<vmem>>
          %dma_start3A_164 = arith.constant 0 : i32
          %dma_start3A_165 = arith.constant 0 : i32
          %dma_start3A_166 = tpu.memref_slice %arg13[%dma_start3A_164, %dma_start3A_165] : memref<10240x128xf32, #tpu.memory_space<vmem_shared>> -> memref<10240x128xf32, #tpu.memory_space<vmem_shared>>
          tpu.enqueue_indirect_dma source(%arg10 : memref<128x128xf32, #tpu.memory_space<vmem>>) target(%dma_start3A_166 : memref<10240x128xf32, #tpu.memory_space<vmem_shared>>) offsets(%dma_start3A_163 : memref<128xi32, #tpu.memory_space<vmem>>) semaphore(%arg16 : memref<!tpu.dma_semaphore, #tpu.memory_space<semaphore_mem>>) {add = true}
          %add3A_167 = arith.constant 1 : i32
          %add3A_168 = arith.addi %mul3A_148, %add3A_167 : i32
          %mul3A_169 = arith.constant 64 : i32
          %mul3A_170 = arith.muli %add3A_168, %mul3A_169 : i32
          %dma_wait3A_171 = tpu.memref_reshape %arg11 : memref<128x128xf32, #tpu.memory_space<vmem>> -> memref<64x2x128xf32, #tpu.memory_space<vmem>>
          %dma_wait3A_172 = tpu.memref_slice %arg8[%mul3A_170] : memref<1024xi32, #tpu.memory_space<vmem>> -> memref<64xi32, #tpu.memory_space<vmem>>
          %dma_wait3A_173 = arith.constant 0 : i32
          %dma_wait3A_174 = arith.constant 0 : i32
          %dma_wait3A_175 = arith.constant 0 : i32
          %dma_wait3A_176 = tpu.memref_slice %arg2[%dma_wait3A_173, %dma_wait3A_174, %dma_wait3A_175] : memref<10240x2x128xf32, #tpu.memory_space<hbm>> -> memref<10240x2x128xf32, #tpu.memory_space<hbm>>
          tpu.wait_indirect_dma semaphore(%arg15 : memref<!tpu.dma_semaphore, #tpu.memory_space<semaphore_mem>>) src(%dma_wait3A_176 : memref<10240x2x128xf32, #tpu.memory_space<hbm>>) dst(%dma_wait3A_171 : memref<64x2x128xf32, #tpu.memory_space<vmem>>)
          %add3A_177 = arith.constant 1 : i32
          %add3A_178 = arith.addi %mul3A_148, %add3A_177 : i32
          %dma_start3A_179 = arith.constant 0 : i32
          %dma_start3A_180 = tpu.memref_slice %arg9[%add3A_178, %dma_start3A_179] : memref<16x128xi32, #tpu.memory_space<vmem>> -> memref<1x128xi32, #tpu.memory_space<vmem>>
          %dma_start3A_181 = tpu.memref_squeeze %dma_start3A_180 : memref<1x128xi32, #tpu.memory_space<vmem>> -> memref<128xi32, #tpu.memory_space<vmem>>
          %dma_start3A_182 = arith.constant 0 : i32
          %dma_start3A_183 = arith.constant 0 : i32
          %dma_start3A_184 = tpu.memref_slice %arg13[%dma_start3A_182, %dma_start3A_183] : memref<10240x128xf32, #tpu.memory_space<vmem_shared>> -> memref<10240x128xf32, #tpu.memory_space<vmem_shared>>
          tpu.enqueue_indirect_dma source(%arg11 : memref<128x128xf32, #tpu.memory_space<vmem>>) target(%dma_start3A_184 : memref<10240x128xf32, #tpu.memory_space<vmem_shared>>) offsets(%dma_start3A_181 : memref<128xi32, #tpu.memory_space<vmem>>) semaphore(%arg17 : memref<!tpu.dma_semaphore, #tpu.memory_space<semaphore_mem>>) {add = true}
          %lt3A_185 = arith.constant 7 : i32
          %lt3A_186 = arith.cmpi slt, %scan3A_146, %lt3A_185 : i32
          %convert_element_type3A_187 = arith.extui %lt3A_186 : i1 to i32
          %cond3A_188 = arith.constant 0 : i32
          %cond3A_189 = arith.cmpi ne, %convert_element_type3A_187, %cond3A_188 : i32
          scf.if %cond3A_189 {
            %add3A_190 = arith.constant 0 : i32
            %add3A_191 = arith.addi %mul3A_148, %add3A_190 : i32
            %dma_wait3A_192 = arith.constant 0 : i32
            %dma_wait3A_193 = tpu.memref_slice %arg9[%add3A_191, %dma_wait3A_192] : memref<16x128xi32, #tpu.memory_space<vmem>> -> memref<1x128xi32, #tpu.memory_space<vmem>>
            %dma_wait3A_194 = tpu.memref_squeeze %dma_wait3A_193 : memref<1x128xi32, #tpu.memory_space<vmem>> -> memref<128xi32, #tpu.memory_space<vmem>>
            %dma_wait3A_195 = arith.constant 0 : i32
            %dma_wait3A_196 = arith.constant 0 : i32
            %dma_wait3A_197 = tpu.memref_slice %arg13[%dma_wait3A_195, %dma_wait3A_196] : memref<10240x128xf32, #tpu.memory_space<vmem_shared>> -> memref<10240x128xf32, #tpu.memory_space<vmem_shared>>
            tpu.wait_indirect_dma semaphore(%arg16 : memref<!tpu.dma_semaphore, #tpu.memory_space<semaphore_mem>>) src(%arg10 : memref<128x128xf32, #tpu.memory_space<vmem>>) dst(%dma_wait3A_197 : memref<10240x128xf32, #tpu.memory_space<vmem_shared>>)
            %add3A_198 = arith.constant 2 : i32
            %add3A_199 = arith.addi %mul3A_148, %add3A_198 : i32
            %add3A_200 = arith.constant 0 : i32
            %add3A_201 = arith.addi %add3A_199, %add3A_200 : i32
            %mul3A_202 = arith.constant 64 : i32
            %mul3A_203 = arith.muli %add3A_201, %mul3A_202 : i32
            %dma_start3A_204 = tpu.memref_reshape %arg10 : memref<128x128xf32, #tpu.memory_space<vmem>> -> memref<64x2x128xf32, #tpu.memory_space<vmem>>
            %dma_start3A_205 = tpu.memref_slice %arg8[%mul3A_203] : memref<1024xi32, #tpu.memory_space<vmem>> -> memref<64xi32, #tpu.memory_space<vmem>>
            %dma_start3A_206 = arith.constant 0 : i32
            %dma_start3A_207 = arith.constant 0 : i32
            %dma_start3A_208 = arith.constant 0 : i32
            %dma_start3A_209 = tpu.memref_slice %arg2[%dma_start3A_206, %dma_start3A_207, %dma_start3A_208] : memref<10240x2x128xf32, #tpu.memory_space<hbm>> -> memref<10240x2x128xf32, #tpu.memory_space<hbm>>
            tpu.enqueue_indirect_dma source(%dma_start3A_209 : memref<10240x2x128xf32, #tpu.memory_space<hbm>>) target(%dma_start3A_204 : memref<64x2x128xf32, #tpu.memory_space<vmem>>) offsets(%dma_start3A_205 : memref<64xi32, #tpu.memory_space<vmem>>) semaphore(%arg14 : memref<!tpu.dma_semaphore, #tpu.memory_space<semaphore_mem>>)
            %add3A_210 = arith.constant 1 : i32
            %add3A_211 = arith.addi %mul3A_148, %add3A_210 : i32
            %dma_wait3A_212 = arith.constant 0 : i32
            %dma_wait3A_213 = tpu.memref_slice %arg9[%add3A_211, %dma_wait3A_212] : memref<16x128xi32, #tpu.memory_space<vmem>> -> memref<1x128xi32, #tpu.memory_space<vmem>>
            %dma_wait3A_214 = tpu.memref_squeeze %dma_wait3A_213 : memref<1x128xi32, #tpu.memory_space<vmem>> -> memref<128xi32, #tpu.memory_space<vmem>>
            %dma_wait3A_215 = arith.constant 0 : i32
            %dma_wait3A_216 = arith.constant 0 : i32
            %dma_wait3A_217 = tpu.memref_slice %arg13[%dma_wait3A_215, %dma_wait3A_216] : memref<10240x128xf32, #tpu.memory_space<vmem_shared>> -> memref<10240x128xf32, #tpu.memory_space<vmem_shared>>
            tpu.wait_indirect_dma semaphore(%arg17 : memref<!tpu.dma_semaphore, #tpu.memory_space<semaphore_mem>>) src(%arg11 : memref<128x128xf32, #tpu.memory_space<vmem>>) dst(%dma_wait3A_217 : memref<10240x128xf32, #tpu.memory_space<vmem_shared>>)
            %add3A_218 = arith.constant 2 : i32
            %add3A_219 = arith.addi %mul3A_148, %add3A_218 : i32
            %add3A_220 = arith.constant 1 : i32
            %add3A_221 = arith.addi %add3A_219, %add3A_220 : i32
            %mul3A_222 = arith.constant 64 : i32
            %mul3A_223 = arith.muli %add3A_221, %mul3A_222 : i32
            %dma_start3A_224 = tpu.memref_reshape %arg11 : memref<128x128xf32, #tpu.memory_space<vmem>> -> memref<64x2x128xf32, #tpu.memory_space<vmem>>
            %dma_start3A_225 = tpu.memref_slice %arg8[%mul3A_223] : memref<1024xi32, #tpu.memory_space<vmem>> -> memref<64xi32, #tpu.memory_space<vmem>>
            %dma_start3A_226 = arith.constant 0 : i32
            %dma_start3A_227 = arith.constant 0 : i32
            %dma_start3A_228 = arith.constant 0 : i32
            %dma_start3A_229 = tpu.memref_slice %arg2[%dma_start3A_226, %dma_start3A_227, %dma_start3A_228] : memref<10240x2x128xf32, #tpu.memory_space<hbm>> -> memref<10240x2x128xf32, #tpu.memory_space<hbm>>
            tpu.enqueue_indirect_dma source(%dma_start3A_229 : memref<10240x2x128xf32, #tpu.memory_space<hbm>>) target(%dma_start3A_224 : memref<64x2x128xf32, #tpu.memory_space<vmem>>) offsets(%dma_start3A_225 : memref<64xi32, #tpu.memory_space<vmem>>) semaphore(%arg15 : memref<!tpu.dma_semaphore, #tpu.memory_space<semaphore_mem>>)
          } else {
          }
        }
        %scan3A_132 = arith.constant 8 : i32
        %dma_wait3A = arith.constant 14 : i32
        %dma_wait3A_133 = arith.constant 0 : i32
        %dma_wait3A_134 = tpu.memref_slice %arg9[%dma_wait3A, %dma_wait3A_133] : memref<16x128xi32, #tpu.memory_space<vmem>> -> memref<1x128xi32, #tpu.memory_space<vmem>>
        %dma_wait3A_135 = tpu.memref_squeeze %dma_wait3A_134 : memref<1x128xi32, #tpu.memory_space<vmem>> -> memref<128xi32, #tpu.memory_space<vmem>>
        %dma_wait3A_136 = arith.constant 0 : i32
        %dma_wait3A_137 = arith.constant 0 : i32
        %dma_wait3A_138 = tpu.memref_slice %arg13[%dma_wait3A_136, %dma_wait3A_137] : memref<10240x128xf32, #tpu.memory_space<vmem_shared>> -> memref<10240x128xf32, #tpu.memory_space<vmem_shared>>
        tpu.wait_indirect_dma semaphore(%arg16 : memref<!tpu.dma_semaphore, #tpu.memory_space<semaphore_mem>>) src(%arg10 : memref<128x128xf32, #tpu.memory_space<vmem>>) dst(%dma_wait3A_138 : memref<10240x128xf32, #tpu.memory_space<vmem_shared>>)
        %dma_wait3A_139 = arith.constant 15 : i32
        %dma_wait3A_140 = arith.constant 0 : i32
        %dma_wait3A_141 = tpu.memref_slice %arg9[%dma_wait3A_139, %dma_wait3A_140] : memref<16x128xi32, #tpu.memory_space<vmem>> -> memref<1x128xi32, #tpu.memory_space<vmem>>
        %dma_wait3A_142 = tpu.memref_squeeze %dma_wait3A_141 : memref<1x128xi32, #tpu.memory_space<vmem>> -> memref<128xi32, #tpu.memory_space<vmem>>
        %dma_wait3A_143 = arith.constant 0 : i32
        %dma_wait3A_144 = arith.constant 0 : i32
        %dma_wait3A_145 = tpu.memref_slice %arg13[%dma_wait3A_143, %dma_wait3A_144] : memref<10240x128xf32, #tpu.memory_space<vmem_shared>> -> memref<10240x128xf32, #tpu.memory_space<vmem_shared>>
        tpu.wait_indirect_dma semaphore(%arg17 : memref<!tpu.dma_semaphore, #tpu.memory_space<semaphore_mem>>) src(%arg11 : memref<128x128xf32, #tpu.memory_space<vmem>>) dst(%dma_wait3A_145 : memref<10240x128xf32, #tpu.memory_space<vmem_shared>>)
      } else {
      }
    }
    %scan3A_41 = arith.constant 11 : i32
    %mul3A_42 = arith.constant 2 : i32
    %mul3A_43 = arith.muli %mul3A_42, %arg1 : i32
    %add3A_44 = arith.constant 1 : i32
    %add3A_45 = arith.addi %mul3A_43, %add3A_44 : i32
    %mul3A_46 = arith.constant 32 : i32
    %mul3A_47 = arith.muli %arg0, %mul3A_46 : i32
    %add3A_48 = arith.addi %mul3A_47, %add3A_45 : i32
    %mul3A_49 = arith.constant 11264 : i32
    %mul3A_50 = arith.muli %add3A_48, %mul3A_49 : i32
    %mul3A_51 = arith.constant 32 : i32
    %mul3A_52 = arith.muli %arg0, %mul3A_51 : i32
    %add3A_53 = arith.addi %mul3A_52, %add3A_45 : i32
    %mul3A_54 = arith.constant 176 : i32
    %mul3A_55 = arith.muli %add3A_53, %mul3A_54 : i32
    %mul3A_56 = arith.constant 32 : i32
    %mul3A_57 = arith.muli %arg0, %mul3A_56 : i32
    %add3A_58 = arith.addi %mul3A_57, %add3A_45 : i32
    %mul3A_59 = arith.constant 16 : i32
    %mul3A_60 = arith.muli %add3A_58, %mul3A_59 : i32
    "tpu.region"() ({
      %run_scoped3A = tpu.sem_alloc : memref<!tpu.dma_semaphore, #tpu.memory_space<semaphore_mem>>
      %dma_start3A = tpu.memref_slice %arg5[%mul3A_60] : memref<1024xi32, #tpu.memory_space<hbm>> -> memref<16xi32, #tpu.memory_space<hbm>>
      %dma_start3A_106 = tpu.memref_slice %arg5[%mul3A_60] : memref<1024xi32, #tpu.memory_space<hbm>> -> memref<16xi32, #tpu.memory_space<hbm>>
      tpu.enqueue_dma source(%dma_start3A_106 : memref<16xi32, #tpu.memory_space<hbm>>) target(%arg12 : memref<16xi32, #tpu.memory_space<vmem>>) target_semaphore(%run_scoped3A : memref<!tpu.dma_semaphore, #tpu.memory_space<semaphore_mem>>)
      %dma_wait3A = tpu.memref_slice %arg5[%mul3A_60] : memref<1024xi32, #tpu.memory_space<hbm>> -> memref<16xi32, #tpu.memory_space<hbm>>
      %dma_wait3A_107 = tpu.memref_slice %arg5[%mul3A_60] : memref<1024xi32, #tpu.memory_space<hbm>> -> memref<16xi32, #tpu.memory_space<hbm>>
      tpu.wait_dma2 semaphore(%run_scoped3A : memref<!tpu.dma_semaphore, #tpu.memory_space<semaphore_mem>>) src(%dma_wait3A_107 : memref<16xi32, #tpu.memory_space<hbm>>) dst(%arg12 : memref<16xi32, #tpu.memory_space<vmem>>)
      tpu.yield
    }) : () -> ()
    %get3A_61 = arith.constant 0 : index
    %get3A_62 = tpu.vector_load %arg12[%get3A_61] {strides = array<i32>} : memref<16xi32, #tpu.memory_space<vmem>>, vector<16xi32>,
    %get3A_63 = vector.shape_cast %get3A_62 : vector<16xi32> to vector<16xi32>
    %slice3A_64 = vector.extract_strided_slice %get3A_63 {offsets = [0], sizes = [1], strides = [1]} : vector<16xi32> to vector<1xi32>
    %squeeze3A_65 = vector.extract %slice3A_64[0] : i32 from vector<1xi32>
    %jit3A_66 = arith.constant 1024 : i32
    %div3A_67 = arith.divsi %squeeze3A_65, %jit3A_66 : i32
    %sign3A_68 = arith.constant 0 : i32
    %sign3A_69 = arith.cmpi sgt, %squeeze3A_65, %sign3A_68 : i32
    %sign3A_70 = arith.extui %sign3A_69 : i1 to i32
    %sign3A_71 = arith.constant 0 : i32
    %sign3A_72 = arith.cmpi slt, %squeeze3A_65, %sign3A_71 : i32
    %sign3A_73 = arith.extui %sign3A_72 : i1 to i32
    %sign3A_74 = arith.subi %sign3A_70, %sign3A_73 : i32
    %sign3A_75 = arith.constant 0 : i32
    %sign3A_76 = arith.cmpi sgt, %jit3A_66, %sign3A_75 : i32
    %sign3A_77 = arith.extui %sign3A_76 : i1 to i32
    %sign3A_78 = arith.constant 0 : i32
    %sign3A_79 = arith.cmpi slt, %jit3A_66, %sign3A_78 : i32
    %sign3A_80 = arith.extui %sign3A_79 : i1 to i32
    %sign3A_81 = arith.subi %sign3A_77, %sign3A_80 : i32
    %ne3A_82 = arith.cmpi ne, %sign3A_74, %sign3A_81 : i32
    %rem3A_83 = arith.remsi %squeeze3A_65, %jit3A_66 : i32
    %ne3A_84 = arith.constant 0 : i32
    %ne3A_85 = arith.cmpi ne, %rem3A_83, %ne3A_84 : i32
    %and3A_86 = arith.andi %ne3A_82, %ne3A_85 : i1
    %sub3A_87 = arith.constant 1 : i32
    %sub3A_88 = arith.subi %div3A_67, %sub3A_87 : i32
    %select_n3A_89 = arith.select %and3A_86, %sub3A_88, %div3A_67 : i32
    %scan3A_90 = arith.constant 0 : i32
    %scan3A_91 = arith.constant 0 : i32
    %scan3A_92 = arith.constant 11 : i32
    %scan3A_93 = arith.addi %scan3A_91, %scan3A_92 : i32
    %scan3A_94 = arith.constant 1 : i32
    scf.for %scan3A_106 = %scan3A_91 to %scan3A_93 step %scan3A_94  : i32 {
      %lt3A = arith.cmpi slt, %scan3A_106, %select_n3A_89 : i32
      %convert_element_type3A = arith.extui %lt3A : i1 to i32
      %cond3A = arith.constant 0 : i32
      %cond3A_107 = arith.cmpi ne, %convert_element_type3A, %cond3A : i32
      scf.if %cond3A_107 {
        %mul3A_108 = arith.constant 1024 : i32
        %mul3A_109 = arith.muli %scan3A_106, %mul3A_108 : i32
        %add3A_110 = arith.addi %mul3A_50, %mul3A_109 : i32
        "tpu.region"() ({
          %run_scoped3A = tpu.sem_alloc : memref<!tpu.dma_semaphore, #tpu.memory_space<semaphore_mem>>
          %dma_start3A_146 = tpu.memref_slice %arg3[%add3A_110] : memref<720896xi32, #tpu.memory_space<hbm>> -> memref<1024xi32, #tpu.memory_space<hbm>>
          %dma_start3A_147 = tpu.memref_slice %arg3[%add3A_110] : memref<720896xi32, #tpu.memory_space<hbm>> -> memref<1024xi32, #tpu.memory_space<hbm>>
          tpu.enqueue_dma source(%dma_start3A_147 : memref<1024xi32, #tpu.memory_space<hbm>>) target(%arg8 : memref<1024xi32, #tpu.memory_space<vmem>>) target_semaphore(%run_scoped3A : memref<!tpu.dma_semaphore, #tpu.memory_space<semaphore_mem>>)
          %dma_wait3A_148 = tpu.memref_slice %arg3[%add3A_110] : memref<720896xi32, #tpu.memory_space<hbm>> -> memref<1024xi32, #tpu.memory_space<hbm>>
          %dma_wait3A_149 = tpu.memref_slice %arg3[%add3A_110] : memref<720896xi32, #tpu.memory_space<hbm>> -> memref<1024xi32, #tpu.memory_space<hbm>>
          tpu.wait_dma2 semaphore(%run_scoped3A : memref<!tpu.dma_semaphore, #tpu.memory_space<semaphore_mem>>) src(%dma_wait3A_149 : memref<1024xi32, #tpu.memory_space<hbm>>) dst(%arg8 : memref<1024xi32, #tpu.memory_space<vmem>>)
          tpu.yield
        }) : () -> ()
        %mul3A_111 = arith.constant 16 : i32
        %mul3A_112 = arith.muli %scan3A_106, %mul3A_111 : i32
        %add3A_113 = arith.addi %mul3A_55, %mul3A_112 : i32
        "tpu.region"() ({
          %run_scoped3A = tpu.sem_alloc : memref<!tpu.dma_semaphore, #tpu.memory_space<semaphore_mem>>
          %dma_start3A_146 = arith.constant 0 : i32
          %dma_start3A_147 = tpu.memref_slice %arg4[%add3A_113, %dma_start3A_146] : memref<11264x128xi32, #tpu.memory_space<hbm>> -> memref<16x128xi32, #tpu.memory_space<hbm>>
          %dma_start3A_148 = arith.constant 0 : i32
          %dma_start3A_149 = tpu.memref_slice %arg4[%add3A_113, %dma_start3A_148] : memref<11264x128xi32, #tpu.memory_space<hbm>> -> memref<16x128xi32, #tpu.memory_space<hbm>>
          tpu.enqueue_dma source(%dma_start3A_149 : memref<16x128xi32, #tpu.memory_space<hbm>>) target(%arg9 : memref<16x128xi32, #tpu.memory_space<vmem>>) target_semaphore(%run_scoped3A : memref<!tpu.dma_semaphore, #tpu.memory_space<semaphore_mem>>)
          %dma_wait3A_150 = arith.constant 0 : i32
          %dma_wait3A_151 = tpu.memref_slice %arg4[%add3A_113, %dma_wait3A_150] : memref<11264x128xi32, #tpu.memory_space<hbm>> -> memref<16x128xi32, #tpu.memory_space<hbm>>
          %dma_wait3A_152 = arith.constant 0 : i32
          %dma_wait3A_153 = tpu.memref_slice %arg4[%add3A_113, %dma_wait3A_152] : memref<11264x128xi32, #tpu.memory_space<hbm>> -> memref<16x128xi32, #tpu.memory_space<hbm>>
          tpu.wait_dma2 semaphore(%run_scoped3A : memref<!tpu.dma_semaphore, #tpu.memory_space<semaphore_mem>>) src(%dma_wait3A_153 : memref<16x128xi32, #tpu.memory_space<hbm>>) dst(%arg9 : memref<16x128xi32, #tpu.memory_space<vmem>>)
          tpu.yield
        }) : () -> ()
        %dma_start3A = tpu.memref_reshape %arg10 : memref<128x128xf32, #tpu.memory_space<vmem>> -> memref<64x2x128xf32, #tpu.memory_space<vmem>>
        %dma_start3A_114 = arith.constant 0 : i32
        %dma_start3A_115 = tpu.memref_slice %arg8[%dma_start3A_114] : memref<1024xi32, #tpu.memory_space<vmem>> -> memref<64xi32, #tpu.memory_space<vmem>>
        %dma_start3A_116 = arith.constant 0 : i32
        %dma_start3A_117 = arith.constant 0 : i32
        %dma_start3A_118 = arith.constant 0 : i32
        %dma_start3A_119 = tpu.memref_slice %arg2[%dma_start3A_116, %dma_start3A_117, %dma_start3A_118] : memref<10240x2x128xf32, #tpu.memory_space<hbm>> -> memref<10240x2x128xf32, #tpu.memory_space<hbm>>
        tpu.enqueue_indirect_dma source(%dma_start3A_119 : memref<10240x2x128xf32, #tpu.memory_space<hbm>>) target(%dma_start3A : memref<64x2x128xf32, #tpu.memory_space<vmem>>) offsets(%dma_start3A_115 : memref<64xi32, #tpu.memory_space<vmem>>) semaphore(%arg14 : memref<!tpu.dma_semaphore, #tpu.memory_space<semaphore_mem>>)
        %dma_start3A_120 = tpu.memref_reshape %arg11 : memref<128x128xf32, #tpu.memory_space<vmem>> -> memref<64x2x128xf32, #tpu.memory_space<vmem>>
        %dma_start3A_121 = arith.constant 64 : i32
        %dma_start3A_122 = tpu.memref_slice %arg8[%dma_start3A_121] : memref<1024xi32, #tpu.memory_space<vmem>> -> memref<64xi32, #tpu.memory_space<vmem>>
        %dma_start3A_123 = arith.constant 0 : i32
        %dma_start3A_124 = arith.constant 0 : i32
        %dma_start3A_125 = arith.constant 0 : i32
        %dma_start3A_126 = tpu.memref_slice %arg2[%dma_start3A_123, %dma_start3A_124, %dma_start3A_125] : memref<10240x2x128xf32, #tpu.memory_space<hbm>> -> memref<10240x2x128xf32, #tpu.memory_space<hbm>>
        tpu.enqueue_indirect_dma source(%dma_start3A_126 : memref<10240x2x128xf32, #tpu.memory_space<hbm>>) target(%dma_start3A_120 : memref<64x2x128xf32, #tpu.memory_space<vmem>>) offsets(%dma_start3A_122 : memref<64xi32, #tpu.memory_space<vmem>>) semaphore(%arg15 : memref<!tpu.dma_semaphore, #tpu.memory_space<semaphore_mem>>)
        %scan3A_127 = arith.constant 0 : i32
        %scan3A_128 = arith.constant 0 : i32
        %scan3A_129 = arith.constant 8 : i32
        %scan3A_130 = arith.addi %scan3A_128, %scan3A_129 : i32
        %scan3A_131 = arith.constant 1 : i32
        scf.for %scan3A_146 = %scan3A_128 to %scan3A_130 step %scan3A_131  : i32 {
          %mul3A_147 = arith.constant 2 : i32
          %mul3A_148 = arith.muli %scan3A_146, %mul3A_147 : i32
          %add3A_149 = arith.constant 0 : i32
          %add3A_150 = arith.addi %mul3A_148, %add3A_149 : i32
          %mul3A_151 = arith.constant 64 : i32
          %mul3A_152 = arith.muli %add3A_150, %mul3A_151 : i32
          %dma_wait3A_153 = tpu.memref_reshape %arg10 : memref<128x128xf32, #tpu.memory_space<vmem>> -> memref<64x2x128xf32, #tpu.memory_space<vmem>>
          %dma_wait3A_154 = tpu.memref_slice %arg8[%mul3A_152] : memref<1024xi32, #tpu.memory_space<vmem>> -> memref<64xi32, #tpu.memory_space<vmem>>
          %dma_wait3A_155 = arith.constant 0 : i32
          %dma_wait3A_156 = arith.constant 0 : i32
          %dma_wait3A_157 = arith.constant 0 : i32
          %dma_wait3A_158 = tpu.memref_slice %arg2[%dma_wait3A_155, %dma_wait3A_156, %dma_wait3A_157] : memref<10240x2x128xf32, #tpu.memory_space<hbm>> -> memref<10240x2x128xf32, #tpu.memory_space<hbm>>
          tpu.wait_indirect_dma semaphore(%arg14 : memref<!tpu.dma_semaphore, #tpu.memory_space<semaphore_mem>>) src(%dma_wait3A_158 : memref<10240x2x128xf32, #tpu.memory_space<hbm>>) dst(%dma_wait3A_153 : memref<64x2x128xf32, #tpu.memory_space<vmem>>)
          %add3A_159 = arith.constant 0 : i32
          %add3A_160 = arith.addi %mul3A_148, %add3A_159 : i32
          %dma_start3A_161 = arith.constant 0 : i32
          %dma_start3A_162 = tpu.memref_slice %arg9[%add3A_160, %dma_start3A_161] : memref<16x128xi32, #tpu.memory_space<vmem>> -> memref<1x128xi32, #tpu.memory_space<vmem>>
          %dma_start3A_163 = tpu.memref_squeeze %dma_start3A_162 : memref<1x128xi32, #tpu.memory_space<vmem>> -> memref<128xi32, #tpu.memory_space<vmem>>
          %dma_start3A_164 = arith.constant 0 : i32
          %dma_start3A_165 = arith.constant 0 : i32
          %dma_start3A_166 = tpu.memref_slice %arg13[%dma_start3A_164, %dma_start3A_165] : memref<10240x128xf32, #tpu.memory_space<vmem_shared>> -> memref<10240x128xf32, #tpu.memory_space<vmem_shared>>
          tpu.enqueue_indirect_dma source(%arg10 : memref<128x128xf32, #tpu.memory_space<vmem>>) target(%dma_start3A_166 : memref<10240x128xf32, #tpu.memory_space<vmem_shared>>) offsets(%dma_start3A_163 : memref<128xi32, #tpu.memory_space<vmem>>) semaphore(%arg16 : memref<!tpu.dma_semaphore, #tpu.memory_space<semaphore_mem>>) {add = true}
          %add3A_167 = arith.constant 1 : i32
          %add3A_168 = arith.addi %mul3A_148, %add3A_167 : i32
          %mul3A_169 = arith.constant 64 : i32
          %mul3A_170 = arith.muli %add3A_168, %mul3A_169 : i32
          %dma_wait3A_171 = tpu.memref_reshape %arg11 : memref<128x128xf32, #tpu.memory_space<vmem>> -> memref<64x2x128xf32, #tpu.memory_space<vmem>>
          %dma_wait3A_172 = tpu.memref_slice %arg8[%mul3A_170] : memref<1024xi32, #tpu.memory_space<vmem>> -> memref<64xi32, #tpu.memory_space<vmem>>
          %dma_wait3A_173 = arith.constant 0 : i32
          %dma_wait3A_174 = arith.constant 0 : i32
          %dma_wait3A_175 = arith.constant 0 : i32
          %dma_wait3A_176 = tpu.memref_slice %arg2[%dma_wait3A_173, %dma_wait3A_174, %dma_wait3A_175] : memref<10240x2x128xf32, #tpu.memory_space<hbm>> -> memref<10240x2x128xf32, #tpu.memory_space<hbm>>
          tpu.wait_indirect_dma semaphore(%arg15 : memref<!tpu.dma_semaphore, #tpu.memory_space<semaphore_mem>>) src(%dma_wait3A_176 : memref<10240x2x128xf32, #tpu.memory_space<hbm>>) dst(%dma_wait3A_171 : memref<64x2x128xf32, #tpu.memory_space<vmem>>)
          %add3A_177 = arith.constant 1 : i32
          %add3A_178 = arith.addi %mul3A_148, %add3A_177 : i32
          %dma_start3A_179 = arith.constant 0 : i32
          %dma_start3A_180 = tpu.memref_slice %arg9[%add3A_178, %dma_start3A_179] : memref<16x128xi32, #tpu.memory_space<vmem>> -> memref<1x128xi32, #tpu.memory_space<vmem>>
          %dma_start3A_181 = tpu.memref_squeeze %dma_start3A_180 : memref<1x128xi32, #tpu.memory_space<vmem>> -> memref<128xi32, #tpu.memory_space<vmem>>
          %dma_start3A_182 = arith.constant 0 : i32
          %dma_start3A_183 = arith.constant 0 : i32
          %dma_start3A_184 = tpu.memref_slice %arg13[%dma_start3A_182, %dma_start3A_183] : memref<10240x128xf32, #tpu.memory_space<vmem_shared>> -> memref<10240x128xf32, #tpu.memory_space<vmem_shared>>
          tpu.enqueue_indirect_dma source(%arg11 : memref<128x128xf32, #tpu.memory_space<vmem>>) target(%dma_start3A_184 : memref<10240x128xf32, #tpu.memory_space<vmem_shared>>) offsets(%dma_start3A_181 : memref<128xi32, #tpu.memory_space<vmem>>) semaphore(%arg17 : memref<!tpu.dma_semaphore, #tpu.memory_space<semaphore_mem>>) {add = true}
          %lt3A_185 = arith.constant 7 : i32
          %lt3A_186 = arith.cmpi slt, %scan3A_146, %lt3A_185 : i32
          %convert_element_type3A_187 = arith.extui %lt3A_186 : i1 to i32
          %cond3A_188 = arith.constant 0 : i32
          %cond3A_189 = arith.cmpi ne, %convert_element_type3A_187, %cond3A_188 : i32
          scf.if %cond3A_189 {
            %add3A_190 = arith.constant 0 : i32
            %add3A_191 = arith.addi %mul3A_148, %add3A_190 : i32
            %dma_wait3A_192 = arith.constant 0 : i32
            %dma_wait3A_193 = tpu.memref_slice %arg9[%add3A_191, %dma_wait3A_192] : memref<16x128xi32, #tpu.memory_space<vmem>> -> memref<1x128xi32, #tpu.memory_space<vmem>>
            %dma_wait3A_194 = tpu.memref_squeeze %dma_wait3A_193 : memref<1x128xi32, #tpu.memory_space<vmem>> -> memref<128xi32, #tpu.memory_space<vmem>>
            %dma_wait3A_195 = arith.constant 0 : i32
            %dma_wait3A_196 = arith.constant 0 : i32
            %dma_wait3A_197 = tpu.memref_slice %arg13[%dma_wait3A_195, %dma_wait3A_196] : memref<10240x128xf32, #tpu.memory_space<vmem_shared>> -> memref<10240x128xf32, #tpu.memory_space<vmem_shared>>
            tpu.wait_indirect_dma semaphore(%arg16 : memref<!tpu.dma_semaphore, #tpu.memory_space<semaphore_mem>>) src(%arg10 : memref<128x128xf32, #tpu.memory_space<vmem>>) dst(%dma_wait3A_197 : memref<10240x128xf32, #tpu.memory_space<vmem_shared>>)
            %add3A_198 = arith.constant 2 : i32
            %add3A_199 = arith.addi %mul3A_148, %add3A_198 : i32
            %add3A_200 = arith.constant 0 : i32
            %add3A_201 = arith.addi %add3A_199, %add3A_200 : i32
            %mul3A_202 = arith.constant 64 : i32
            %mul3A_203 = arith.muli %add3A_201, %mul3A_202 : i32
            %dma_start3A_204 = tpu.memref_reshape %arg10 : memref<128x128xf32, #tpu.memory_space<vmem>> -> memref<64x2x128xf32, #tpu.memory_space<vmem>>
            %dma_start3A_205 = tpu.memref_slice %arg8[%mul3A_203] : memref<1024xi32, #tpu.memory_space<vmem>> -> memref<64xi32, #tpu.memory_space<vmem>>
            %dma_start3A_206 = arith.constant 0 : i32
            %dma_start3A_207 = arith.constant 0 : i32
            %dma_start3A_208 = arith.constant 0 : i32
            %dma_start3A_209 = tpu.memref_slice %arg2[%dma_start3A_206, %dma_start3A_207, %dma_start3A_208] : memref<10240x2x128xf32, #tpu.memory_space<hbm>> -> memref<10240x2x128xf32, #tpu.memory_space<hbm>>
            tpu.enqueue_indirect_dma source(%dma_start3A_209 : memref<10240x2x128xf32, #tpu.memory_space<hbm>>) target(%dma_start3A_204 : memref<64x2x128xf32, #tpu.memory_space<vmem>>) offsets(%dma_start3A_205 : memref<64xi32, #tpu.memory_space<vmem>>) semaphore(%arg14 : memref<!tpu.dma_semaphore, #tpu.memory_space<semaphore_mem>>)
            %add3A_210 = arith.constant 1 : i32
            %add3A_211 = arith.addi %mul3A_148, %add3A_210 : i32
            %dma_wait3A_212 = arith.constant 0 : i32
            %dma_wait3A_213 = tpu.memref_slice %arg9[%add3A_211, %dma_wait3A_212] : memref<16x128xi32, #tpu.memory_space<vmem>> -> memref<1x128xi32, #tpu.memory_space<vmem>>
            %dma_wait3A_214 = tpu.memref_squeeze %dma_wait3A_213 : memref<1x128xi32, #tpu.memory_space<vmem>> -> memref<128xi32, #tpu.memory_space<vmem>>
            %dma_wait3A_215 = arith.constant 0 : i32
            %dma_wait3A_216 = arith.constant 0 : i32
            %dma_wait3A_217 = tpu.memref_slice %arg13[%dma_wait3A_215, %dma_wait3A_216] : memref<10240x128xf32, #tpu.memory_space<vmem_shared>> -> memref<10240x128xf32, #tpu.memory_space<vmem_shared>>
            tpu.wait_indirect_dma semaphore(%arg17 : memref<!tpu.dma_semaphore, #tpu.memory_space<semaphore_mem>>) src(%arg11 : memref<128x128xf32, #tpu.memory_space<vmem>>) dst(%dma_wait3A_217 : memref<10240x128xf32, #tpu.memory_space<vmem_shared>>)
            %add3A_218 = arith.constant 2 : i32
            %add3A_219 = arith.addi %mul3A_148, %add3A_218 : i32
            %add3A_220 = arith.constant 1 : i32
            %add3A_221 = arith.addi %add3A_219, %add3A_220 : i32
            %mul3A_222 = arith.constant 64 : i32
            %mul3A_223 = arith.muli %add3A_221, %mul3A_222 : i32
            %dma_start3A_224 = tpu.memref_reshape %arg11 : memref<128x128xf32, #tpu.memory_space<vmem>> -> memref<64x2x128xf32, #tpu.memory_space<vmem>>
            %dma_start3A_225 = tpu.memref_slice %arg8[%mul3A_223] : memref<1024xi32, #tpu.memory_space<vmem>> -> memref<64xi32, #tpu.memory_space<vmem>>
            %dma_start3A_226 = arith.constant 0 : i32
            %dma_start3A_227 = arith.constant 0 : i32
            %dma_start3A_228 = arith.constant 0 : i32
            %dma_start3A_229 = tpu.memref_slice %arg2[%dma_start3A_226, %dma_start3A_227, %dma_start3A_228] : memref<10240x2x128xf32, #tpu.memory_space<hbm>> -> memref<10240x2x128xf32, #tpu.memory_space<hbm>>
            tpu.enqueue_indirect_dma source(%dma_start3A_229 : memref<10240x2x128xf32, #tpu.memory_space<hbm>>) target(%dma_start3A_224 : memref<64x2x128xf32, #tpu.memory_space<vmem>>) offsets(%dma_start3A_225 : memref<64xi32, #tpu.memory_space<vmem>>) semaphore(%arg15 : memref<!tpu.dma_semaphore, #tpu.memory_space<semaphore_mem>>)
          } else {
          }
        }
        %scan3A_132 = arith.constant 8 : i32
        %dma_wait3A = arith.constant 14 : i32
        %dma_wait3A_133 = arith.constant 0 : i32
        %dma_wait3A_134 = tpu.memref_slice %arg9[%dma_wait3A, %dma_wait3A_133] : memref<16x128xi32, #tpu.memory_space<vmem>> -> memref<1x128xi32, #tpu.memory_space<vmem>>
        %dma_wait3A_135 = tpu.memref_squeeze %dma_wait3A_134 : memref<1x128xi32, #tpu.memory_space<vmem>> -> memref<128xi32, #tpu.memory_space<vmem>>
        %dma_wait3A_136 = arith.constant 0 : i32
        %dma_wait3A_137 = arith.constant 0 : i32
        %dma_wait3A_138 = tpu.memref_slice %arg13[%dma_wait3A_136, %dma_wait3A_137] : memref<10240x128xf32, #tpu.memory_space<vmem_shared>> -> memref<10240x128xf32, #tpu.memory_space<vmem_shared>>
        tpu.wait_indirect_dma semaphore(%arg16 : memref<!tpu.dma_semaphore, #tpu.memory_space<semaphore_mem>>) src(%arg10 : memref<128x128xf32, #tpu.memory_space<vmem>>) dst(%dma_wait3A_138 : memref<10240x128xf32, #tpu.memory_space<vmem_shared>>)
        %dma_wait3A_139 = arith.constant 15 : i32
        %dma_wait3A_140 = arith.constant 0 : i32
        %dma_wait3A_141 = tpu.memref_slice %arg9[%dma_wait3A_139, %dma_wait3A_140] : memref<16x128xi32, #tpu.memory_space<vmem>> -> memref<1x128xi32, #tpu.memory_space<vmem>>
        %dma_wait3A_142 = tpu.memref_squeeze %dma_wait3A_141 : memref<1x128xi32, #tpu.memory_space<vmem>> -> memref<128xi32, #tpu.memory_space<vmem>>
        %dma_wait3A_143 = arith.constant 0 : i32
        %dma_wait3A_144 = arith.constant 0 : i32
        %dma_wait3A_145 = tpu.memref_slice %arg13[%dma_wait3A_143, %dma_wait3A_144] : memref<10240x128xf32, #tpu.memory_space<vmem_shared>> -> memref<10240x128xf32, #tpu.memory_space<vmem_shared>>
        tpu.wait_indirect_dma semaphore(%arg17 : memref<!tpu.dma_semaphore, #tpu.memory_space<semaphore_mem>>) src(%arg11 : memref<128x128xf32, #tpu.memory_space<vmem>>) dst(%dma_wait3A_145 : memref<10240x128xf32, #tpu.memory_space<vmem_shared>>)
      } else {
      }
    }
    %scan3A_95 = arith.constant 11 : i32
    %barrier3A_96 = arith.constant 0 : index
    tpu.barrier barrier_id(%barrier3A_96)
    %mul3A_97 = arith.constant 640 : i32
    %mul3A_98 = arith.muli %arg1, %mul3A_97 : i32
    %mul3A_99 = arith.constant 2 : i32
    %mul3A_100 = arith.muli %arg0, %mul3A_99 : i32
    %mul3A_101 = arith.constant 5120 : i32
    %mul3A_102 = arith.muli %mul3A_100, %mul3A_101 : i32
    %mul3A_103 = arith.constant 640 : i32
    %mul3A_104 = arith.muli %arg1, %mul3A_103 : i32
    %add3A_105 = arith.addi %mul3A_102, %mul3A_104 : i32
    "tpu.region"() ({
      %run_scoped3A = tpu.sem_alloc : memref<!tpu.dma_semaphore, #tpu.memory_space<semaphore_mem>>
      %dma_start3A = arith.constant 0 : i32
      %dma_start3A_106 = tpu.memref_slice %arg7[%add3A_105, %dma_start3A] : memref<20480x128xf32, #tpu.memory_space<hbm>> -> memref<640x128xf32, #tpu.memory_space<hbm>>
      %dma_start3A_107 = arith.constant 0 : i32
      %dma_start3A_108 = tpu.memref_slice %arg13[%mul3A_98, %dma_start3A_107] : memref<10240x128xf32, #tpu.memory_space<vmem_shared>> -> memref<640x128xf32, #tpu.memory_space<vmem_shared>>
      tpu.enqueue_dma source(%dma_start3A_108 : memref<640x128xf32, #tpu.memory_space<vmem_shared>>) target(%dma_start3A_106 : memref<640x128xf32, #tpu.memory_space<hbm>>) target_semaphore(%run_scoped3A : memref<!tpu.dma_semaphore, #tpu.memory_space<semaphore_mem>>)
      %dma_wait3A = arith.constant 0 : i32
      %dma_wait3A_109 = tpu.memref_slice %arg7[%add3A_105, %dma_wait3A] : memref<20480x128xf32, #tpu.memory_space<hbm>> -> memref<640x128xf32, #tpu.memory_space<hbm>>
      %dma_wait3A_110 = arith.constant 0 : i32
      %dma_wait3A_111 = tpu.memref_slice %arg13[%mul3A_98, %dma_wait3A_110] : memref<10240x128xf32, #tpu.memory_space<vmem_shared>> -> memref<640x128xf32, #tpu.memory_space<vmem_shared>>
      tpu.wait_dma2 semaphore(%run_scoped3A : memref<!tpu.dma_semaphore, #tpu.memory_space<semaphore_mem>>) src(%dma_wait3A_111 : memref<640x128xf32, #tpu.memory_space<vmem_shared>>) dst(%dma_wait3A_109 : memref<640x128xf32, #tpu.memory_space<hbm>>)
      tpu.yield
    }) : () -> ()
    return
  }
}

#map = affine_map<(d0, d1) -> (0)>
module attributes {stable_mosaic.version = 14 : i64} {
  func.func @_part_kernel(%arg0: i32, %arg1: i32, %arg2: memref<327680xi32, #tpu.memory_space<hbm>>, %arg3: memref<327680xi32, #tpu.memory_space<hbm>>, %arg4: memref<720896xi32, #tpu.memory_space<hbm>>, %arg5: memref<720896xi32, #tpu.memory_space<hbm>>, %arg6: memref<1441792xi32, #tpu.memory_space<hbm>>, %arg7: memref<1024xi32, #tpu.memory_space<hbm>>, %arg8: memref<10240xi32, #tpu.memory_space<vmem>>, %arg9: memref<10240xi32, #tpu.memory_space<vmem>>, %arg10: memref<11264xi32, #tpu.memory_space<vmem>>, %arg11: memref<11264xi32, #tpu.memory_space<vmem>>, %arg12: memref<11264xi32, #tpu.memory_space<vmem>>, %arg13: memref<11264xi32, #tpu.memory_space<vmem>>, %arg14: memref<22528xi32, #tpu.memory_space<vmem>>, %arg15: memref<22528xi32, #tpu.memory_space<vmem>>, %arg16: memref<16xi32, #tpu.memory_space<vmem>>) attributes {dimension_semantics = [#tpu.dimension_semantics<core_parallel>, #tpu.dimension_semantics<subcore_parallel>], iteration_bounds = array<i64: 2, 16>, scalar_prefetch = 0 : i64, scratch_operands = 9 : i64, tpu.core_type = #tpu.core_type<sc_vector_subcore>, window_params = [{transform_indices = #map}, {transform_indices = #map}, {transform_indices = #map}, {transform_indices = #map}, {transform_indices = #map}, {transform_indices = #map}]} {
    %mul3A = arith.constant 16 : i32
    %mul3A_0 = arith.muli %arg0, %mul3A : i32
    %add3A = arith.addi %mul3A_0, %arg1 : i32
    %mul3A_1 = arith.constant 10240 : i32
    %mul3A_2 = arith.muli %add3A, %mul3A_1 : i32
    "tpu.region"() ({
      %run_scoped3A = tpu.sem_alloc : memref<!tpu.dma_semaphore, #tpu.memory_space<semaphore_mem>>
      %dma_start3A = tpu.memref_slice %arg2[%mul3A_2] : memref<327680xi32, #tpu.memory_space<hbm>> -> memref<10240xi32, #tpu.memory_space<hbm>>
      %dma_start3A_115 = tpu.memref_slice %arg2[%mul3A_2] : memref<327680xi32, #tpu.memory_space<hbm>> -> memref<10240xi32, #tpu.memory_space<hbm>>
      tpu.enqueue_dma source(%dma_start3A_115 : memref<10240xi32, #tpu.memory_space<hbm>>) target(%arg8 : memref<10240xi32, #tpu.memory_space<vmem>>) target_semaphore(%run_scoped3A : memref<!tpu.dma_semaphore, #tpu.memory_space<semaphore_mem>>)
      %dma_wait3A = tpu.memref_slice %arg2[%mul3A_2] : memref<327680xi32, #tpu.memory_space<hbm>> -> memref<10240xi32, #tpu.memory_space<hbm>>
      %dma_wait3A_116 = tpu.memref_slice %arg2[%mul3A_2] : memref<327680xi32, #tpu.memory_space<hbm>> -> memref<10240xi32, #tpu.memory_space<hbm>>
      tpu.wait_dma2 semaphore(%run_scoped3A : memref<!tpu.dma_semaphore, #tpu.memory_space<semaphore_mem>>) src(%dma_wait3A_116 : memref<10240xi32, #tpu.memory_space<hbm>>) dst(%arg8 : memref<10240xi32, #tpu.memory_space<vmem>>)
      tpu.yield
    }) : () -> ()
    %mul3A_3 = arith.constant 10240 : i32
    %mul3A_4 = arith.muli %add3A, %mul3A_3 : i32
    "tpu.region"() ({
      %run_scoped3A = tpu.sem_alloc : memref<!tpu.dma_semaphore, #tpu.memory_space<semaphore_mem>>
      %dma_start3A = tpu.memref_slice %arg3[%mul3A_4] : memref<327680xi32, #tpu.memory_space<hbm>> -> memref<10240xi32, #tpu.memory_space<hbm>>
      %dma_start3A_115 = tpu.memref_slice %arg3[%mul3A_4] : memref<327680xi32, #tpu.memory_space<hbm>> -> memref<10240xi32, #tpu.memory_space<hbm>>
      tpu.enqueue_dma source(%dma_start3A_115 : memref<10240xi32, #tpu.memory_space<hbm>>) target(%arg9 : memref<10240xi32, #tpu.memory_space<vmem>>) target_semaphore(%run_scoped3A : memref<!tpu.dma_semaphore, #tpu.memory_space<semaphore_mem>>)
      %dma_wait3A = tpu.memref_slice %arg3[%mul3A_4] : memref<327680xi32, #tpu.memory_space<hbm>> -> memref<10240xi32, #tpu.memory_space<hbm>>
      %dma_wait3A_116 = tpu.memref_slice %arg3[%mul3A_4] : memref<327680xi32, #tpu.memory_space<hbm>> -> memref<10240xi32, #tpu.memory_space<hbm>>
      tpu.wait_dma2 semaphore(%run_scoped3A : memref<!tpu.dma_semaphore, #tpu.memory_space<semaphore_mem>>) src(%dma_wait3A_116 : memref<10240xi32, #tpu.memory_space<hbm>>) dst(%arg9 : memref<10240xi32, #tpu.memory_space<vmem>>)
      tpu.yield
    }) : () -> ()
    %scan3A = arith.constant 0 : i32
    %scan3A_5 = arith.constant 0 : i32
    %scan3A_6 = arith.constant 0 : i32
    %scan3A_7 = arith.constant 640 : i32
    %scan3A_8 = arith.addi %scan3A_6, %scan3A_7 : i32
    %scan3A_9 = arith.constant 1 : i32
    %scan3A_10:2 = scf.for %scan3A_115 = %scan3A_6 to %scan3A_8 step %scan3A_9 iter_args(%scan3A_116 = %scan3A, %scan3A_117 = %scan3A_5) -> (i32, i32)  : i32 {
      %mul3A_118 = arith.constant 16 : i32
      %mul3A_119 = arith.muli %scan3A_115, %mul3A_118 : i32
      %get3A = arith.index_cast %mul3A_119 : i32 to index
      %get3A_120 = tpu.vector_load %arg8[%get3A] {strides = array<i32>} : memref<10240xi32, #tpu.memory_space<vmem>>, vector<16xi32>,
      %mul3A_121 = arith.constant 16 : i32
      %mul3A_122 = arith.muli %scan3A_115, %mul3A_121 : i32
      %get3A_123 = arith.index_cast %mul3A_122 : i32 to index
      %get3A_124 = tpu.vector_load %arg9[%get3A_123] {strides = array<i32>} : memref<10240xi32, #tpu.memory_space<vmem>>, vector<16xi32>,
      %lt3A = arith.constant 5120 : i32
      %lt3A_125 = vector.broadcast %lt3A : i32 to vector<16xi32>
      %lt3A_126 = arith.cmpi slt, %get3A_124, %lt3A_125 : vector<16xi32>
      %all_reduce_population_count3A = tpu.all_reduce %lt3A_126 {dim = 0 : i64, kind = #tpu.reduction_kind<sum>} : vector<16xi1> -> vector<16xi32>
      %reduce_max3A = arith.constant true
      %reduce_max3A_127 = vector.broadcast %reduce_max3A : i1 to vector<16xi1>
      %reduce_max3A_128 = arith.constant -2147483648 : i32
      %reduce_max3A_129 = vector.broadcast %reduce_max3A_128 : i32 to vector<16xi32>
      %reduce_max3A_130 = arith.xori %all_reduce_population_count3A, %reduce_max3A_129 : vector<16xi32>
      %reduce_max3A_131 = tpu.scan <max>, %reduce_max3A_130 masked %reduce_max3A_127 : vector<16xi32>, vector<16xi1> -> vector<16xi32>
      %reduce_max3A_132 = arith.xori %reduce_max3A_131, %reduce_max3A_129 : vector<16xi32>
      %reduce_max3A_133 = vector.extract %reduce_max3A_132[15] : i32 from vector<16xi32>
      %masked_sort3A = arith.constant dense<true> : vector<16xi1>
      %masked_sort3A_134 = arith.constant -2147483648 : i32
      %masked_sort3A_135 = vector.broadcast %masked_sort3A_134 : i32 to vector<16xi32>
      %masked_sort3A_136 = arith.xori %get3A_124, %masked_sort3A_135 : vector<16xi32>
      %masked_sort3A_137, %masked_sort3A_138, %masked_sort3A_139 = tpu.sort %masked_sort3A_136, %get3A_120 masked %masked_sort3A : (vector<16xi32>, vector<16xi32>, vector<16xi1>) -> (vector<16xi1>, vector<16xi32>, vector<16xi32>)
      %masked_sort3A_140 = arith.xori %masked_sort3A_138, %masked_sort3A_135 : vector<16xi32>
      %iota3A_141 = tpu.iota {dimensions = array<i32: 0>} : vector<16xi32>
      %lt3A_142 = vector.broadcast %reduce_max3A_133 : i32 to vector<16xi32>
      %lt3A_143 = arith.cmpi slt, %iota3A_141, %lt3A_142 : vector<16xi32>
      %add3A_144 = vector.broadcast %scan3A_116 : i32 to vector<16xi32>
      %add3A_145 = arith.addi %add3A_144, %iota3A_141 : vector<16xi32>
      %add3A_146 = vector.broadcast %scan3A_117 : i32 to vector<16xi32>
      %add3A_147 = arith.addi %add3A_146, %iota3A_141 : vector<16xi32>
      %sub3A_148 = vector.broadcast %reduce_max3A_133 : i32 to vector<16xi32>
      %sub3A_149 = arith.subi %add3A_147, %sub3A_148 : vector<16xi32>
      tpu.vector_store_idx %arg10[%add3A_145], %masked_sort3A_139 masked %lt3A_143 : memref<11264xi32, #tpu.memory_space<vmem>>[vector<16xi32>], vector<16xi32>, vector<16xi1>
      tpu.vector_store_idx %arg11[%add3A_145], %masked_sort3A_140 masked %lt3A_143 : memref<11264xi32, #tpu.memory_space<vmem>>[vector<16xi32>], vector<16xi32>, vector<16xi1>
      %mul3A_150 = arith.constant 2 : i32
      %mul3A_151 = vector.broadcast %mul3A_150 : i32 to vector<16xi32>
      %mul3A_152 = arith.muli %masked_sort3A_140, %mul3A_151 : vector<16xi32>
      %mul3A_153 = arith.constant 2 : i32
      %mul3A_154 = vector.broadcast %mul3A_153 : i32 to vector<16xi32>
      %mul3A_155 = arith.muli %add3A_145, %mul3A_154 : vector<16xi32>
      tpu.vector_store_idx %arg14[%mul3A_155], %mul3A_152 masked %lt3A_143 : memref<22528xi32, #tpu.memory_space<vmem>>[vector<16xi32>], vector<16xi32>, vector<16xi1>
      %mul3A_156 = arith.constant 2 : i32
      %mul3A_157 = vector.broadcast %mul3A_156 : i32 to vector<16xi32>
      %mul3A_158 = arith.muli %add3A_145, %mul3A_157 : vector<16xi32>
      %add3A_159 = arith.constant 1 : i32
      %add3A_160 = vector.broadcast %add3A_159 : i32 to vector<16xi32>
      %add3A_161 = arith.addi %mul3A_158, %add3A_160 : vector<16xi32>
      %add3A_162 = arith.constant 1 : i32
      %add3A_163 = vector.broadcast %add3A_162 : i32 to vector<16xi32>
      %add3A_164 = arith.addi %mul3A_152, %add3A_163 : vector<16xi32>
      tpu.vector_store_idx %arg14[%add3A_161], %add3A_164 masked %lt3A_143 : memref<22528xi32, #tpu.memory_space<vmem>>[vector<16xi32>], vector<16xi32>, vector<16xi1>
      %not3A = arith.constant dense<true> : vector<16xi1>
      %not3A_165 = arith.xori %lt3A_143, %not3A : vector<16xi1>
      %sub3A_166 = arith.constant 5120 : i32
      %sub3A_167 = vector.broadcast %sub3A_166 : i32 to vector<16xi32>
      %sub3A_168 = arith.subi %masked_sort3A_140, %sub3A_167 : vector<16xi32>
      tpu.vector_store_idx %arg12[%sub3A_149], %masked_sort3A_139 masked %not3A_165 : memref<11264xi32, #tpu.memory_space<vmem>>[vector<16xi32>], vector<16xi32>, vector<16xi1>
      tpu.vector_store_idx %arg13[%sub3A_149], %sub3A_168 masked %not3A_165 : memref<11264xi32, #tpu.memory_space<vmem>>[vector<16xi32>], vector<16xi32>, vector<16xi1>
      %mul3A_169 = arith.constant 2 : i32
      %mul3A_170 = vector.broadcast %mul3A_169 : i32 to vector<16xi32>
      %mul3A_171 = arith.muli %sub3A_168, %mul3A_170 : vector<16xi32>
      %mul3A_172 = arith.constant 2 : i32
      %mul3A_173 = vector.broadcast %mul3A_172 : i32 to vector<16xi32>
      %mul3A_174 = arith.muli %sub3A_149, %mul3A_173 : vector<16xi32>
      tpu.vector_store_idx %arg15[%mul3A_174], %mul3A_171 masked %not3A_165 : memref<22528xi32, #tpu.memory_space<vmem>>[vector<16xi32>], vector<16xi32>, vector<16xi1>
      %mul3A_175 = arith.constant 2 : i32
      %mul3A_176 = vector.broadcast %mul3A_175 : i32 to vector<16xi32>
      %mul3A_177 = arith.muli %sub3A_149, %mul3A_176 : vector<16xi32>
      %add3A_178 = arith.constant 1 : i32
      %add3A_179 = vector.broadcast %add3A_178 : i32 to vector<16xi32>
      %add3A_180 = arith.addi %mul3A_177, %add3A_179 : vector<16xi32>
      %add3A_181 = arith.constant 1 : i32
      %add3A_182 = vector.broadcast %add3A_181 : i32 to vector<16xi32>
      %add3A_183 = arith.addi %mul3A_171, %add3A_182 : vector<16xi32>
      tpu.vector_store_idx %arg15[%add3A_180], %add3A_183 masked %not3A_165 : memref<22528xi32, #tpu.memory_space<vmem>>[vector<16xi32>], vector<16xi32>, vector<16xi1>
      %add3A_184 = arith.addi %scan3A_116, %reduce_max3A_133 : i32
      %sub3A_185 = arith.constant 16 : i32
      %sub3A_186 = arith.subi %sub3A_185, %reduce_max3A_133 : i32
      %add3A_187 = arith.addi %scan3A_117, %sub3A_186 : i32
      scf.yield %add3A_184, %add3A_187 : i32, i32
    }
    %scan3A_11 = arith.constant 640 : i32
    %iota3A = tpu.iota {dimensions = array<i32: 0>} : vector<16xi32>
    %scan3A_12 = arith.constant 0 : i32
    %scan3A_13 = arith.constant 64 : i32
    %scan3A_14 = arith.addi %scan3A_12, %scan3A_13 : i32
    %scan3A_15 = arith.constant 1 : i32
    scf.for %scan3A_115 = %scan3A_12 to %scan3A_14 step %scan3A_15  : i32 {
      %mul3A_116 = arith.constant 16 : i32
      %mul3A_117 = arith.muli %scan3A_115, %mul3A_116 : i32
      %add3A_118 = vector.broadcast %mul3A_117 : i32 to vector<16xi32>
      %add3A_119 = arith.addi %iota3A, %add3A_118 : vector<16xi32>
      %rem3A_120 = arith.constant 240 : i32
      %rem3A_121 = vector.broadcast %rem3A_120 : i32 to vector<16xi32>
      %rem3A_122 = arith.remsi %add3A_119, %rem3A_121 : vector<16xi32>
      %add3A_123 = arith.constant 10000 : i32
      %add3A_124 = vector.broadcast %add3A_123 : i32 to vector<16xi32>
      %add3A_125 = arith.addi %add3A_124, %rem3A_122 : vector<16xi32>
      %mul3A_126 = arith.constant 16 : i32
      %mul3A_127 = arith.muli %scan3A_115, %mul3A_126 : i32
      %add3A_128 = vector.broadcast %mul3A_127 : i32 to vector<16xi32>
      %add3A_129 = arith.addi %iota3A, %add3A_128 : vector<16xi32>
      %mul3A_130 = arith.constant 16 : i32
      %mul3A_131 = arith.muli %scan3A_115, %mul3A_130 : i32
      %add3A_132 = arith.addi %scan3A_10#0, %mul3A_131 : i32
      %swap3A_133 = arith.index_cast %add3A_132 : i32 to index
      %swap3A_134 = tpu.vector_load %arg10[%swap3A_133] {strides = array<i32>} : memref<11264xi32, #tpu.memory_space<vmem>>, vector<16xi32>,
      tpu.vector_store %arg10[%swap3A_133], %add3A_125 {strides = array<i32>} : memref<11264xi32, #tpu.memory_space<vmem>>, vector<16xi32>,
      %mul3A_135 = arith.constant 16 : i32
      %mul3A_136 = arith.muli %scan3A_115, %mul3A_135 : i32
      %add3A_137 = arith.addi %scan3A_10#0, %mul3A_136 : i32
      %swap3A_138 = arith.index_cast %add3A_137 : i32 to index
      %swap3A_139 = tpu.vector_load %arg11[%swap3A_138] {strides = array<i32>} : memref<11264xi32, #tpu.memory_space<vmem>>, vector<16xi32>,
      tpu.vector_store %arg11[%swap3A_138], %add3A_129 {strides = array<i32>} : memref<11264xi32, #tpu.memory_space<vmem>>, vector<16xi32>,
      %mul3A_140 = arith.constant 16 : i32
      %mul3A_141 = arith.muli %scan3A_115, %mul3A_140 : i32
      %add3A_142 = arith.addi %scan3A_10#1, %mul3A_141 : i32
      %swap3A_143 = arith.index_cast %add3A_142 : i32 to index
      %swap3A_144 = tpu.vector_load %arg12[%swap3A_143] {strides = array<i32>} : memref<11264xi32, #tpu.memory_space<vmem>>, vector<16xi32>,
      tpu.vector_store %arg12[%swap3A_143], %add3A_125 {strides = array<i32>} : memref<11264xi32, #tpu.memory_space<vmem>>, vector<16xi32>,
      %mul3A_145 = arith.constant 16 : i32
      %mul3A_146 = arith.muli %scan3A_115, %mul3A_145 : i32
      %add3A_147 = arith.addi %scan3A_10#1, %mul3A_146 : i32
      %swap3A_148 = arith.index_cast %add3A_147 : i32 to index
      %swap3A_149 = tpu.vector_load %arg13[%swap3A_148] {strides = array<i32>} : memref<11264xi32, #tpu.memory_space<vmem>>, vector<16xi32>,
      tpu.vector_store %arg13[%swap3A_148], %add3A_129 {strides = array<i32>} : memref<11264xi32, #tpu.memory_space<vmem>>, vector<16xi32>,
      %jit3A_150 = arith.constant 2 : i32
      %div3A_151 = vector.broadcast %jit3A_150 : i32 to vector<16xi32>
      %div3A_152 = arith.divsi %iota3A, %div3A_151 : vector<16xi32>
      %sign3A_153 = arith.constant 0 : i32
      %sign3A_154 = vector.broadcast %sign3A_153 : i32 to vector<16xi32>
      %sign3A_155 = arith.cmpi sgt, %iota3A, %sign3A_154 : vector<16xi32>
      %sign3A_156 = arith.extui %sign3A_155 : vector<16xi1> to vector<16xi32>
      %sign3A_157 = arith.constant 0 : i32
      %sign3A_158 = vector.broadcast %sign3A_157 : i32 to vector<16xi32>
      %sign3A_159 = arith.cmpi slt, %iota3A, %sign3A_158 : vector<16xi32>
      %sign3A_160 = arith.extui %sign3A_159 : vector<16xi1> to vector<16xi32>
      %sign3A_161 = arith.subi %sign3A_156, %sign3A_160 : vector<16xi32>
      %sign3A_162 = arith.constant 0 : i32
      %sign3A_163 = arith.cmpi sgt, %jit3A_150, %sign3A_162 : i32
      %sign3A_164 = arith.extui %sign3A_163 : i1 to i32
      %sign3A_165 = arith.constant 0 : i32
      %sign3A_166 = arith.cmpi slt, %jit3A_150, %sign3A_165 : i32
      %sign3A_167 = arith.extui %sign3A_166 : i1 to i32
      %sign3A_168 = arith.subi %sign3A_164, %sign3A_167 : i32
      %ne3A_169 = vector.broadcast %sign3A_168 : i32 to vector<16xi32>
      %ne3A_170 = arith.cmpi ne, %sign3A_161, %ne3A_169 : vector<16xi32>
      %rem3A_171 = vector.broadcast %jit3A_150 : i32 to vector<16xi32>
      %rem3A_172 = arith.remsi %iota3A, %rem3A_171 : vector<16xi32>
      %ne3A_173 = arith.constant 0 : i32
      %ne3A_174 = vector.broadcast %ne3A_173 : i32 to vector<16xi32>
      %ne3A_175 = arith.cmpi ne, %rem3A_172, %ne3A_174 : vector<16xi32>
      %and3A_176 = arith.andi %ne3A_170, %ne3A_175 : vector<16xi1>
      %sub3A_177 = arith.constant 1 : i32
      %sub3A_178 = vector.broadcast %sub3A_177 : i32 to vector<16xi32>
      %sub3A_179 = arith.subi %div3A_152, %sub3A_178 : vector<16xi32>
      %select_n3A_180 = arith.select %and3A_176, %sub3A_179, %div3A_152 : vector<16xi1>, vector<16xi32>
      %mul3A_181 = arith.constant 2 : i32
      %mul3A_182 = vector.broadcast %mul3A_181 : i32 to vector<16xi32>
      %mul3A_183 = arith.muli %mul3A_182, %select_n3A_180 : vector<16xi32>
      %sub3A_184 = arith.subi %iota3A, %mul3A_183 : vector<16xi32>
      %mul3A_185 = arith.constant 16 : i32
      %mul3A_186 = arith.muli %scan3A_115, %mul3A_185 : i32
      %mul3A_187 = arith.constant 2 : i32
      %mul3A_188 = arith.muli %mul3A_187, %mul3A_186 : i32
      %mul3A_189 = arith.constant 2 : i32
      %mul3A_190 = vector.broadcast %mul3A_189 : i32 to vector<16xi32>
      %mul3A_191 = arith.muli %mul3A_190, %select_n3A_180 : vector<16xi32>
      %add3A_192 = vector.broadcast %mul3A_188 : i32 to vector<16xi32>
      %add3A_193 = arith.addi %add3A_192, %mul3A_191 : vector<16xi32>
      %add3A_194 = arith.addi %add3A_193, %sub3A_184 : vector<16xi32>
      %mul3A_195 = arith.constant 2 : i32
      %mul3A_196 = arith.muli %mul3A_195, %scan3A_10#0 : i32
      %mul3A_197 = arith.constant 2 : i32
      %mul3A_198 = arith.muli %mul3A_197, %scan3A_115 : i32
      %mul3A_199 = arith.constant 16 : i32
      %mul3A_200 = arith.muli %mul3A_198, %mul3A_199 : i32
      %add3A_201 = arith.addi %mul3A_196, %mul3A_200 : i32
      %swap3A_202 = arith.index_cast %add3A_201 : i32 to index
      %swap3A_203 = tpu.vector_load %arg14[%swap3A_202] {strides = array<i32>} : memref<22528xi32, #tpu.memory_space<vmem>>, vector<16xi32>,
      tpu.vector_store %arg14[%swap3A_202], %add3A_194 {strides = array<i32>} : memref<22528xi32, #tpu.memory_space<vmem>>, vector<16xi32>,
      %add3A_204 = arith.constant 16 : i32
      %add3A_205 = vector.broadcast %add3A_204 : i32 to vector<16xi32>
      %add3A_206 = arith.addi %add3A_194, %add3A_205 : vector<16xi32>
      %mul3A_207 = arith.constant 2 : i32
      %mul3A_208 = arith.muli %mul3A_207, %scan3A_10#0 : i32
      %mul3A_209 = arith.constant 2 : i32
      %mul3A_210 = arith.muli %mul3A_209, %scan3A_115 : i32
      %mul3A_211 = arith.constant 16 : i32
      %mul3A_212 = arith.muli %mul3A_210, %mul3A_211 : i32
      %add3A_213 = arith.addi %mul3A_208, %mul3A_212 : i32
      %add3A_214 = arith.constant 16 : i32
      %add3A_215 = arith.addi %add3A_213, %add3A_214 : i32
      %swap3A_216 = arith.index_cast %add3A_215 : i32 to index
      %swap3A_217 = tpu.vector_load %arg14[%swap3A_216] {strides = array<i32>} : memref<22528xi32, #tpu.memory_space<vmem>>, vector<16xi32>,
      tpu.vector_store %arg14[%swap3A_216], %add3A_206 {strides = array<i32>} : memref<22528xi32, #tpu.memory_space<vmem>>, vector<16xi32>,
      %mul3A_218 = arith.constant 2 : i32
      %mul3A_219 = arith.muli %mul3A_218, %scan3A_10#1 : i32
      %mul3A_220 = arith.constant 2 : i32
      %mul3A_221 = arith.muli %mul3A_220, %scan3A_115 : i32
      %mul3A_222 = arith.constant 16 : i32
      %mul3A_223 = arith.muli %mul3A_221, %mul3A_222 : i32
      %add3A_224 = arith.addi %mul3A_219, %mul3A_223 : i32
      %swap3A_225 = arith.index_cast %add3A_224 : i32 to index
      %swap3A_226 = tpu.vector_load %arg15[%swap3A_225] {strides = array<i32>} : memref<22528xi32, #tpu.memory_space<vmem>>, vector<16xi32>,
      tpu.vector_store %arg15[%swap3A_225], %add3A_194 {strides = array<i32>} : memref<22528xi32, #tpu.memory_space<vmem>>, vector<16xi32>,
      %add3A_227 = arith.constant 16 : i32
      %add3A_228 = vector.broadcast %add3A_227 : i32 to vector<16xi32>
      %add3A_229 = arith.addi %add3A_194, %add3A_228 : vector<16xi32>
      %mul3A_230 = arith.constant 2 : i32
      %mul3A_231 = arith.muli %mul3A_230, %scan3A_10#1 : i32
      %mul3A_232 = arith.constant 2 : i32
      %mul3A_233 = arith.muli %mul3A_232, %scan3A_115 : i32
      %mul3A_234 = arith.constant 16 : i32
      %mul3A_235 = arith.muli %mul3A_233, %mul3A_234 : i32
      %add3A_236 = arith.addi %mul3A_231, %mul3A_235 : i32
      %add3A_237 = arith.constant 16 : i32
      %add3A_238 = arith.addi %add3A_236, %add3A_237 : i32
      %swap3A_239 = arith.index_cast %add3A_238 : i32 to index
      %swap3A_240 = tpu.vector_load %arg15[%swap3A_239] {strides = array<i32>} : memref<22528xi32, #tpu.memory_space<vmem>>, vector<16xi32>,
      tpu.vector_store %arg15[%swap3A_239], %add3A_229 {strides = array<i32>} : memref<22528xi32, #tpu.memory_space<vmem>>, vector<16xi32>,
    }
    %scan3A_16 = arith.constant 64 : i32
    %add3A_17 = arith.constant 1024 : i32
    %add3A_18 = arith.addi %scan3A_10#0, %add3A_17 : i32
    %sub3A = arith.constant 1 : i32
    %sub3A_19 = arith.subi %add3A_18, %sub3A : i32
    %jit3A = arith.constant 1024 : i32
    %div3A = arith.divsi %sub3A_19, %jit3A : i32
    %sign3A = arith.constant 0 : i32
    %sign3A_20 = arith.cmpi sgt, %sub3A_19, %sign3A : i32
    %sign3A_21 = arith.extui %sign3A_20 : i1 to i32
    %sign3A_22 = arith.constant 0 : i32
    %sign3A_23 = arith.cmpi slt, %sub3A_19, %sign3A_22 : i32
    %sign3A_24 = arith.extui %sign3A_23 : i1 to i32
    %sign3A_25 = arith.subi %sign3A_21, %sign3A_24 : i32
    %sign3A_26 = arith.constant 0 : i32
    %sign3A_27 = arith.cmpi sgt, %jit3A, %sign3A_26 : i32
    %sign3A_28 = arith.extui %sign3A_27 : i1 to i32
    %sign3A_29 = arith.constant 0 : i32
    %sign3A_30 = arith.cmpi slt, %jit3A, %sign3A_29 : i32
    %sign3A_31 = arith.extui %sign3A_30 : i1 to i32
    %sign3A_32 = arith.subi %sign3A_28, %sign3A_31 : i32
    %ne3A = arith.cmpi ne, %sign3A_25, %sign3A_32 : i32
    %rem3A = arith.remsi %sub3A_19, %jit3A : i32
    %ne3A_33 = arith.constant 0 : i32
    %ne3A_34 = arith.cmpi ne, %rem3A, %ne3A_33 : i32
    %and3A = arith.andi %ne3A, %ne3A_34 : i1
    %sub3A_35 = arith.constant 1 : i32
    %sub3A_36 = arith.subi %div3A, %sub3A_35 : i32
    %select_n3A = arith.select %and3A, %sub3A_36, %div3A : i32
    %mul3A_37 = arith.constant 1024 : i32
    %mul3A_38 = arith.muli %select_n3A, %mul3A_37 : i32
    %add3A_39 = arith.constant 1024 : i32
    %add3A_40 = arith.addi %scan3A_10#1, %add3A_39 : i32
    %sub3A_41 = arith.constant 1 : i32
    %sub3A_42 = arith.subi %add3A_40, %sub3A_41 : i32
    %jit3A_43 = arith.constant 1024 : i32
    %div3A_44 = arith.divsi %sub3A_42, %jit3A_43 : i32
    %sign3A_45 = arith.constant 0 : i32
    %sign3A_46 = arith.cmpi sgt, %sub3A_42, %sign3A_45 : i32
    %sign3A_47 = arith.extui %sign3A_46 : i1 to i32
    %sign3A_48 = arith.constant 0 : i32
    %sign3A_49 = arith.cmpi slt, %sub3A_42, %sign3A_48 : i32
    %sign3A_50 = arith.extui %sign3A_49 : i1 to i32
    %sign3A_51 = arith.subi %sign3A_47, %sign3A_50 : i32
    %sign3A_52 = arith.constant 0 : i32
    %sign3A_53 = arith.cmpi sgt, %jit3A_43, %sign3A_52 : i32
    %sign3A_54 = arith.extui %sign3A_53 : i1 to i32
    %sign3A_55 = arith.constant 0 : i32
    %sign3A_56 = arith.cmpi slt, %jit3A_43, %sign3A_55 : i32
    %sign3A_57 = arith.extui %sign3A_56 : i1 to i32
    %sign3A_58 = arith.subi %sign3A_54, %sign3A_57 : i32
    %ne3A_59 = arith.cmpi ne, %sign3A_51, %sign3A_58 : i32
    %rem3A_60 = arith.remsi %sub3A_42, %jit3A_43 : i32
    %ne3A_61 = arith.constant 0 : i32
    %ne3A_62 = arith.cmpi ne, %rem3A_60, %ne3A_61 : i32
    %and3A_63 = arith.andi %ne3A_59, %ne3A_62 : i1
    %sub3A_64 = arith.constant 1 : i32
    %sub3A_65 = arith.subi %div3A_44, %sub3A_64 : i32
    %select_n3A_66 = arith.select %and3A_63, %sub3A_65, %div3A_44 : i32
    %mul3A_67 = arith.constant 1024 : i32
    %mul3A_68 = arith.muli %select_n3A_66, %mul3A_67 : i32
    %broadcast_in_dim3A = arith.constant 1 : i32
    %broadcast_in_dim3A_69 = vector.broadcast %broadcast_in_dim3A : i32 to vector<16xi32>
    %mul3A_70 = vector.broadcast %mul3A_38 : i32 to vector<16xi32>
    %mul3A_71 = arith.muli %broadcast_in_dim3A_69, %mul3A_70 : vector<16xi32>
    %swap3A = arith.constant 0 : index
    %swap3A_72 = tpu.vector_load %arg16[%swap3A] {strides = array<i32>} : memref<16xi32, #tpu.memory_space<vmem>>, vector<16xi32>,
    tpu.vector_store %arg16[%swap3A], %mul3A_71 {strides = array<i32>} : memref<16xi32, #tpu.memory_space<vmem>>, vector<16xi32>,
    %add3A_73 = arith.constant 0 : i32
    %add3A_74 = arith.addi %add3A_73, %add3A : i32
    %mul3A_75 = arith.constant 16 : i32
    %mul3A_76 = arith.muli %add3A_74, %mul3A_75 : i32
    "tpu.region"() ({
      %run_scoped3A = tpu.sem_alloc : memref<!tpu.dma_semaphore, #tpu.memory_space<semaphore_mem>>
      %dma_start3A = tpu.memref_slice %arg7[%mul3A_76] : memref<1024xi32, #tpu.memory_space<hbm>> -> memref<16xi32, #tpu.memory_space<hbm>>
      %dma_start3A_115 = tpu.memref_slice %arg7[%mul3A_76] : memref<1024xi32, #tpu.memory_space<hbm>> -> memref<16xi32, #tpu.memory_space<hbm>>
      tpu.enqueue_dma source(%arg16 : memref<16xi32, #tpu.memory_space<vmem>>) target(%dma_start3A_115 : memref<16xi32, #tpu.memory_space<hbm>>) target_semaphore(%run_scoped3A : memref<!tpu.dma_semaphore, #tpu.memory_space<semaphore_mem>>)
      %dma_wait3A = tpu.memref_slice %arg7[%mul3A_76] : memref<1024xi32, #tpu.memory_space<hbm>> -> memref<16xi32, #tpu.memory_space<hbm>>
      %dma_wait3A_116 = tpu.memref_slice %arg7[%mul3A_76] : memref<1024xi32, #tpu.memory_space<hbm>> -> memref<16xi32, #tpu.memory_space<hbm>>
      tpu.wait_dma2 semaphore(%run_scoped3A : memref<!tpu.dma_semaphore, #tpu.memory_space<semaphore_mem>>) src(%arg16 : memref<16xi32, #tpu.memory_space<vmem>>) dst(%dma_wait3A_116 : memref<16xi32, #tpu.memory_space<hbm>>)
      tpu.yield
    }) : () -> ()
    %broadcast_in_dim3A_77 = arith.constant 1 : i32
    %broadcast_in_dim3A_78 = vector.broadcast %broadcast_in_dim3A_77 : i32 to vector<16xi32>
    %mul3A_79 = vector.broadcast %mul3A_68 : i32 to vector<16xi32>
    %mul3A_80 = arith.muli %broadcast_in_dim3A_78, %mul3A_79 : vector<16xi32>
    %swap3A_81 = arith.constant 0 : index
    %swap3A_82 = tpu.vector_load %arg16[%swap3A_81] {strides = array<i32>} : memref<16xi32, #tpu.memory_space<vmem>>, vector<16xi32>,
    tpu.vector_store %arg16[%swap3A_81], %mul3A_80 {strides = array<i32>} : memref<16xi32, #tpu.memory_space<vmem>>, vector<16xi32>,
    %add3A_83 = arith.constant 32 : i32
    %add3A_84 = arith.addi %add3A_83, %add3A : i32
    %mul3A_85 = arith.constant 16 : i32
    %mul3A_86 = arith.muli %add3A_84, %mul3A_85 : i32
    "tpu.region"() ({
      %run_scoped3A = tpu.sem_alloc : memref<!tpu.dma_semaphore, #tpu.memory_space<semaphore_mem>>
      %dma_start3A = tpu.memref_slice %arg7[%mul3A_86] : memref<1024xi32, #tpu.memory_space<hbm>> -> memref<16xi32, #tpu.memory_space<hbm>>
      %dma_start3A_115 = tpu.memref_slice %arg7[%mul3A_86] : memref<1024xi32, #tpu.memory_space<hbm>> -> memref<16xi32, #tpu.memory_space<hbm>>
      tpu.enqueue_dma source(%arg16 : memref<16xi32, #tpu.memory_space<vmem>>) target(%dma_start3A_115 : memref<16xi32, #tpu.memory_space<hbm>>) target_semaphore(%run_scoped3A : memref<!tpu.dma_semaphore, #tpu.memory_space<semaphore_mem>>)
      %dma_wait3A = tpu.memref_slice %arg7[%mul3A_86] : memref<1024xi32, #tpu.memory_space<hbm>> -> memref<16xi32, #tpu.memory_space<hbm>>
      %dma_wait3A_116 = tpu.memref_slice %arg7[%mul3A_86] : memref<1024xi32, #tpu.memory_space<hbm>> -> memref<16xi32, #tpu.memory_space<hbm>>
      tpu.wait_dma2 semaphore(%run_scoped3A : memref<!tpu.dma_semaphore, #tpu.memory_space<semaphore_mem>>) src(%arg16 : memref<16xi32, #tpu.memory_space<vmem>>) dst(%dma_wait3A_116 : memref<16xi32, #tpu.memory_space<hbm>>)
      tpu.yield
    }) : () -> ()
    %add3A_87 = arith.constant 0 : i32
    %add3A_88 = arith.addi %add3A_87, %add3A : i32
    %mul3A_89 = arith.constant 11264 : i32
    %mul3A_90 = arith.muli %add3A_88, %mul3A_89 : i32
    "tpu.region"() ({
      %run_scoped3A = tpu.sem_alloc : memref<!tpu.dma_semaphore, #tpu.memory_space<semaphore_mem>>
      %dma_start3A = tpu.memref_slice %arg4[%mul3A_90] : memref<720896xi32, #tpu.memory_space<hbm>> -> memref<11264xi32, #tpu.memory_space<hbm>>
      %dma_start3A_115 = tpu.memref_slice %arg4[%mul3A_90] : memref<720896xi32, #tpu.memory_space<hbm>> -> memref<11264xi32, #tpu.memory_space<hbm>>
      tpu.enqueue_dma source(%arg10 : memref<11264xi32, #tpu.memory_space<vmem>>) target(%dma_start3A_115 : memref<11264xi32, #tpu.memory_space<hbm>>) target_semaphore(%run_scoped3A : memref<!tpu.dma_semaphore, #tpu.memory_space<semaphore_mem>>)
      %dma_wait3A = tpu.memref_slice %arg4[%mul3A_90] : memref<720896xi32, #tpu.memory_space<hbm>> -> memref<11264xi32, #tpu.memory_space<hbm>>
      %dma_wait3A_116 = tpu.memref_slice %arg4[%mul3A_90] : memref<720896xi32, #tpu.memory_space<hbm>> -> memref<11264xi32, #tpu.memory_space<hbm>>
      tpu.wait_dma2 semaphore(%run_scoped3A : memref<!tpu.dma_semaphore, #tpu.memory_space<semaphore_mem>>) src(%arg10 : memref<11264xi32, #tpu.memory_space<vmem>>) dst(%dma_wait3A_116 : memref<11264xi32, #tpu.memory_space<hbm>>)
      tpu.yield
    }) : () -> ()
    %add3A_91 = arith.constant 0 : i32
    %add3A_92 = arith.addi %add3A_91, %add3A : i32
    %mul3A_93 = arith.constant 11264 : i32
    %mul3A_94 = arith.muli %add3A_92, %mul3A_93 : i32
    "tpu.region"() ({
      %run_scoped3A = tpu.sem_alloc : memref<!tpu.dma_semaphore, #tpu.memory_space<semaphore_mem>>
      %dma_start3A = tpu.memref_slice %arg5[%mul3A_94] : memref<720896xi32, #tpu.memory_space<hbm>> -> memref<11264xi32, #tpu.memory_space<hbm>>
      %dma_start3A_115 = tpu.memref_slice %arg5[%mul3A_94] : memref<720896xi32, #tpu.memory_space<hbm>> -> memref<11264xi32, #tpu.memory_space<hbm>>
      tpu.enqueue_dma source(%arg11 : memref<11264xi32, #tpu.memory_space<vmem>>) target(%dma_start3A_115 : memref<11264xi32, #tpu.memory_space<hbm>>) target_semaphore(%run_scoped3A : memref<!tpu.dma_semaphore, #tpu.memory_space<semaphore_mem>>)
      %dma_wait3A = tpu.memref_slice %arg5[%mul3A_94] : memref<720896xi32, #tpu.memory_space<hbm>> -> memref<11264xi32, #tpu.memory_space<hbm>>
      %dma_wait3A_116 = tpu.memref_slice %arg5[%mul3A_94] : memref<720896xi32, #tpu.memory_space<hbm>> -> memref<11264xi32, #tpu.memory_space<hbm>>
      tpu.wait_dma2 semaphore(%run_scoped3A : memref<!tpu.dma_semaphore, #tpu.memory_space<semaphore_mem>>) src(%arg11 : memref<11264xi32, #tpu.memory_space<vmem>>) dst(%dma_wait3A_116 : memref<11264xi32, #tpu.memory_space<hbm>>)
      tpu.yield
    }) : () -> ()
    %add3A_95 = arith.constant 32 : i32
    %add3A_96 = arith.addi %add3A_95, %add3A : i32
    %mul3A_97 = arith.constant 11264 : i32
    %mul3A_98 = arith.muli %add3A_96, %mul3A_97 : i32
    "tpu.region"() ({
      %run_scoped3A = tpu.sem_alloc : memref<!tpu.dma_semaphore, #tpu.memory_space<semaphore_mem>>
      %dma_start3A = tpu.memref_slice %arg4[%mul3A_98] : memref<720896xi32, #tpu.memory_space<hbm>> -> memref<11264xi32, #tpu.memory_space<hbm>>
      %dma_start3A_115 = tpu.memref_slice %arg4[%mul3A_98] : memref<720896xi32, #tpu.memory_space<hbm>> -> memref<11264xi32, #tpu.memory_space<hbm>>
      tpu.enqueue_dma source(%arg12 : memref<11264xi32, #tpu.memory_space<vmem>>) target(%dma_start3A_115 : memref<11264xi32, #tpu.memory_space<hbm>>) target_semaphore(%run_scoped3A : memref<!tpu.dma_semaphore, #tpu.memory_space<semaphore_mem>>)
      %dma_wait3A = tpu.memref_slice %arg4[%mul3A_98] : memref<720896xi32, #tpu.memory_space<hbm>> -> memref<11264xi32, #tpu.memory_space<hbm>>
      %dma_wait3A_116 = tpu.memref_slice %arg4[%mul3A_98] : memref<720896xi32, #tpu.memory_space<hbm>> -> memref<11264xi32, #tpu.memory_space<hbm>>
      tpu.wait_dma2 semaphore(%run_scoped3A : memref<!tpu.dma_semaphore, #tpu.memory_space<semaphore_mem>>) src(%arg12 : memref<11264xi32, #tpu.memory_space<vmem>>) dst(%dma_wait3A_116 : memref<11264xi32, #tpu.memory_space<hbm>>)
      tpu.yield
    }) : () -> ()
    %add3A_99 = arith.constant 32 : i32
    %add3A_100 = arith.addi %add3A_99, %add3A : i32
    %mul3A_101 = arith.constant 11264 : i32
    %mul3A_102 = arith.muli %add3A_100, %mul3A_101 : i32
    "tpu.region"() ({
      %run_scoped3A = tpu.sem_alloc : memref<!tpu.dma_semaphore, #tpu.memory_space<semaphore_mem>>
      %dma_start3A = tpu.memref_slice %arg5[%mul3A_102] : memref<720896xi32, #tpu.memory_space<hbm>> -> memref<11264xi32, #tpu.memory_space<hbm>>
      %dma_start3A_115 = tpu.memref_slice %arg5[%mul3A_102] : memref<720896xi32, #tpu.memory_space<hbm>> -> memref<11264xi32, #tpu.memory_space<hbm>>
      tpu.enqueue_dma source(%arg13 : memref<11264xi32, #tpu.memory_space<vmem>>) target(%dma_start3A_115 : memref<11264xi32, #tpu.memory_space<hbm>>) target_semaphore(%run_scoped3A : memref<!tpu.dma_semaphore, #tpu.memory_space<semaphore_mem>>)
      %dma_wait3A = tpu.memref_slice %arg5[%mul3A_102] : memref<720896xi32, #tpu.memory_space<hbm>> -> memref<11264xi32, #tpu.memory_space<hbm>>
      %dma_wait3A_116 = tpu.memref_slice %arg5[%mul3A_102] : memref<720896xi32, #tpu.memory_space<hbm>> -> memref<11264xi32, #tpu.memory_space<hbm>>
      tpu.wait_dma2 semaphore(%run_scoped3A : memref<!tpu.dma_semaphore, #tpu.memory_space<semaphore_mem>>) src(%arg13 : memref<11264xi32, #tpu.memory_space<vmem>>) dst(%dma_wait3A_116 : memref<11264xi32, #tpu.memory_space<hbm>>)
      tpu.yield
    }) : () -> ()
    %add3A_103 = arith.constant 0 : i32
    %add3A_104 = arith.addi %add3A_103, %add3A : i32
    %mul3A_105 = arith.constant 2 : i32
    %mul3A_106 = arith.muli %add3A_104, %mul3A_105 : i32
    %mul3A_107 = arith.constant 11264 : i32
    %mul3A_108 = arith.muli %mul3A_106, %mul3A_107 : i32
    "tpu.region"() ({
      %run_scoped3A = tpu.sem_alloc : memref<!tpu.dma_semaphore, #tpu.memory_space<semaphore_mem>>
      %dma_start3A = tpu.memref_slice %arg6[%mul3A_108] : memref<1441792xi32, #tpu.memory_space<hbm>> -> memref<22528xi32, #tpu.memory_space<hbm>>
      %dma_start3A_115 = tpu.memref_slice %arg6[%mul3A_108] : memref<1441792xi32, #tpu.memory_space<hbm>> -> memref<22528xi32, #tpu.memory_space<hbm>>
      tpu.enqueue_dma source(%arg14 : memref<22528xi32, #tpu.memory_space<vmem>>) target(%dma_start3A_115 : memref<22528xi32, #tpu.memory_space<hbm>>) target_semaphore(%run_scoped3A : memref<!tpu.dma_semaphore, #tpu.memory_space<semaphore_mem>>)
      %dma_wait3A = tpu.memref_slice %arg6[%mul3A_108] : memref<1441792xi32, #tpu.memory_space<hbm>> -> memref<22528xi32, #tpu.memory_space<hbm>>
      %dma_wait3A_116 = tpu.memref_slice %arg6[%mul3A_108] : memref<1441792xi32, #tpu.memory_space<hbm>> -> memref<22528xi32, #tpu.memory_space<hbm>>
      tpu.wait_dma2 semaphore(%run_scoped3A : memref<!tpu.dma_semaphore, #tpu.memory_space<semaphore_mem>>) src(%arg14 : memref<22528xi32, #tpu.memory_space<vmem>>) dst(%dma_wait3A_116 : memref<22528xi32, #tpu.memory_space<hbm>>)
      tpu.yield
    }) : () -> ()
    %add3A_109 = arith.constant 32 : i32
    %add3A_110 = arith.addi %add3A_109, %add3A : i32
    %mul3A_111 = arith.constant 2 : i32
    %mul3A_112 = arith.muli %add3A_110, %mul3A_111 : i32
    %mul3A_113 = arith.constant 11264 : i32
    %mul3A_114 = arith.muli %mul3A_112, %mul3A_113 : i32
    "tpu.region"() ({
      %run_scoped3A = tpu.sem_alloc : memref<!tpu.dma_semaphore, #tpu.memory_space<semaphore_mem>>
      %dma_start3A = tpu.memref_slice %arg6[%mul3A_114] : memref<1441792xi32, #tpu.memory_space<hbm>> -> memref<22528xi32, #tpu.memory_space<hbm>>
      %dma_start3A_115 = tpu.memref_slice %arg6[%mul3A_114] : memref<1441792xi32, #tpu.memory_space<hbm>> -> memref<22528xi32, #tpu.memory_space<hbm>>
      tpu.enqueue_dma source(%arg15 : memref<22528xi32, #tpu.memory_space<vmem>>) target(%dma_start3A_115 : memref<22528xi32, #tpu.memory_space<hbm>>) target_semaphore(%run_scoped3A : memref<!tpu.dma_semaphore, #tpu.memory_space<semaphore_mem>>)
      %dma_wait3A = tpu.memref_slice %arg6[%mul3A_114] : memref<1441792xi32, #tpu.memory_space<hbm>> -> memref<22528xi32, #tpu.memory_space<hbm>>
      %dma_wait3A_116 = tpu.memref_slice %arg6[%mul3A_114] : memref<1441792xi32, #tpu.memory_space<hbm>> -> memref<22528xi32, #tpu.memory_space<hbm>>
      tpu.wait_dma2 semaphore(%run_scoped3A : memref<!tpu.dma_semaphore, #tpu.memory_space<semaphore_mem>>) src(%arg15 : memref<22528xi32, #tpu.memory_space<vmem>>) dst(%dma_wait3A_116 : memref<22528xi32, #tpu.memory_space<hbm>>)
      tpu.yield
    }) : () -> ()
    return
  }
}

module attributes {stable_mosaic.version = 14 : i64} {
  func.func @_mm1_body(%arg0: i32, %arg1: memref<1024x128xf32, #tpu.memory_space<vmem>>, %arg2: memref<128x256xf32, #tpu.memory_space<vmem>>, %arg3: memref<2x1024xf32, #tpu.memory_space<vmem>>, %arg4: memref<1024x256xf32, #tpu.memory_space<vmem>>, %arg5: memref<1024xf32, #tpu.memory_space<vmem>>) attributes {dimension_semantics = [#tpu.dimension_semantics<arbitrary>], iteration_bounds = array<i64: 10>, scalar_prefetch = 0 : i64, scratch_operands = 0 : i64, tpu.core_type = #tpu.core_type<tc>, window_params = [{transform_indices = @transform_0, window_bounds = array<i64: 1024, 128>}, {pipeline_mode = #tpu.pipeline_mode<synchronous>, transform_indices = @transform_1, window_bounds = array<i64: 128, 256>}, {transform_indices = @transform_2, window_bounds = array<i64: 2, 1024>}, {transform_indices = @transform_3, window_bounds = array<i64: 1024, 256>}, {transform_indices = @transform_4, window_bounds = array<i64: 1024>}]} {
    %get3A = arith.constant 0 : index
    %get3A_0 = arith.constant 0 : index
    %get3A_1 = vector.load %arg3[%get3A, %get3A_0] : memref<2x1024xf32, #tpu.memory_space<vmem>>, vector<1x1024xf32>
    %get3A_2 = vector.shape_cast %get3A_1 : vector<1x1024xf32> to vector<1024xf32>
    %get3A_3 = arith.constant 1 : index
    %get3A_4 = arith.constant 0 : index
    %get3A_5 = vector.load %arg3[%get3A_3, %get3A_4] : memref<2x1024xf32, #tpu.memory_space<vmem>>, vector<1x1024xf32>
    %get3A_6 = vector.shape_cast %get3A_5 : vector<1x1024xf32> to vector<1024xf32>
    %add3A = arith.addf %get3A_2, %get3A_6 : vector<1024xf32>
    %add3A_7 = arith.constant 1.000000e+00 : f32
    %add3A_8 = vector.broadcast %add3A_7 : f32 to vector<1024xf32>
    %add3A_9 = arith.addf %add3A, %add3A_8 : vector<1024xf32>
    %rsqrt3A = math.rsqrt %add3A_9 : vector<1024xf32>
    %swap3A = arith.constant 0 : index
    %swap3A_10 = vector.load %arg5[%swap3A] : memref<1024xf32, #tpu.memory_space<vmem>>, vector<1024xf32>
    tpu.vector_store %arg5[%swap3A], %rsqrt3A {strides = array<i32>} : memref<1024xf32, #tpu.memory_space<vmem>>, vector<1024xf32>,
    %get3A_11 = arith.constant 0 : index
    %get3A_12 = arith.constant 0 : index
    %get3A_13 = vector.load %arg1[%get3A_11, %get3A_12] : memref<1024x128xf32, #tpu.memory_space<vmem>>, vector<1024x128xf32>
    %get3A_14 = arith.constant 0 : index
    %get3A_15 = arith.constant 0 : index
    %get3A_16 = vector.load %arg2[%get3A_14, %get3A_15] : memref<128x256xf32, #tpu.memory_space<vmem>>, vector<128x256xf32>
    %dot_general3A = arith.constant dense<0.000000e+00> : vector<1024x256xf32>
    %dot_general3A_17 = tpu.matmul %get3A_13, %get3A_16, %dot_general3A {dimension_numbers = #tpu.dot_dimension_numbers<[1], [0], [0], [1], [0, 0, 1, 1], [], []>, transpose_lhs_hint = false} : vector<1024x128xf32>, vector<128x256xf32>, vector<1024x256xf32> -> vector<1024x256xf32>
    %broadcast_in_dim3A = vector.shape_cast %rsqrt3A : vector<1024xf32> to vector<1024x1xf32>
    %mul3A = vector.broadcast %broadcast_in_dim3A : vector<1024x1xf32> to vector<1024x256xf32>
    %mul3A_18 = arith.mulf %dot_general3A_17, %mul3A : vector<1024x256xf32>
    %swap3A_19 = arith.constant 0 : index
    %swap3A_20 = arith.constant 0 : index
    %swap3A_21 = vector.load %arg4[%swap3A_19, %swap3A_20] : memref<1024x256xf32, #tpu.memory_space<vmem>>, vector<1024x256xf32>
    tpu.vector_store %arg4[%swap3A_19, %swap3A_20], %mul3A_18 {strides = array<i32>} : memref<1024x256xf32, #tpu.memory_space<vmem>>, vector<1024x256xf32>,
    return
  }
  func.func @transform_0(%arg0: i32) -> (i32, i32) {
    %c0_i32 = arith.constant 0 : i32
    %c0_i32_0 = arith.constant 0 : i32
    return %arg0, %c0_i32 : i32, i32
  }
  func.func @transform_1(%arg0: i32) -> (i32, i32) {
    %c0_i32 = arith.constant 0 : i32
    %c0_i32_0 = arith.constant 0 : i32
    %c0_i32_1 = arith.constant 0 : i32
    return %c0_i32, %c0_i32_0 : i32, i32
  }
  func.func @transform_2(%arg0: i32) -> (i32, i32) {
    %c0_i32 = arith.constant 0 : i32
    %c0_i32_0 = arith.constant 0 : i32
    return %c0_i32, %arg0 : i32, i32
  }
  func.func @transform_3(%arg0: i32) -> (i32, i32) {
    %c0_i32 = arith.constant 0 : i32
    %c0_i32_0 = arith.constant 0 : i32
    return %arg0, %c0_i32 : i32, i32
  }
  func.func @transform_4(%arg0: i32) -> i32 {
    %c0_i32 = arith.constant 0 : i32
    return %arg0 : i32
  }
}

module attributes {stable_mosaic.version = 14 : i64} {
  func.func @_mm2_body(%arg0: i32, %arg1: memref<1024x256xf32, #tpu.memory_space<vmem>>, %arg2: memref<1024x256xf32, #tpu.memory_space<vmem>>, %arg3: memref<1024xf32, #tpu.memory_space<vmem>>, %arg4: memref<256xf32, #tpu.memory_space<vmem>>, %arg5: memref<256x128xf32, #tpu.memory_space<vmem>>, %arg6: memref<1024x128xf32, #tpu.memory_space<vmem>>) attributes {dimension_semantics = [#tpu.dimension_semantics<arbitrary>], iteration_bounds = array<i64: 10>, scalar_prefetch = 0 : i64, scratch_operands = 0 : i64, tpu.core_type = #tpu.core_type<tc>, window_params = [{transform_indices = @transform_0, window_bounds = array<i64: 1024, 256>}, {transform_indices = @transform_1, window_bounds = array<i64: 1024, 256>}, {transform_indices = @transform_2, window_bounds = array<i64: 1024>}, {pipeline_mode = #tpu.pipeline_mode<synchronous>, transform_indices = @transform_3, window_bounds = array<i64: 256>}, {pipeline_mode = #tpu.pipeline_mode<synchronous>, transform_indices = @transform_4, window_bounds = array<i64: 256, 128>}, {transform_indices = @transform_5, window_bounds = array<i64: 1024, 128>}]} {
    %get3A = arith.constant 0 : index
    %get3A_0 = vector.load %arg3[%get3A] : memref<1024xf32, #tpu.memory_space<vmem>>, vector<1024xf32>
    %broadcast_in_dim3A = vector.shape_cast %get3A_0 : vector<1024xf32> to vector<1024x1xf32>
    %get3A_1 = arith.constant 0 : index
    %get3A_2 = arith.constant 0 : index
    %get3A_3 = vector.load %arg1[%get3A_1, %get3A_2] : memref<1024x256xf32, #tpu.memory_space<vmem>>, vector<1024x256xf32>
    %get3A_4 = arith.constant 0 : index
    %get3A_5 = arith.constant 0 : index
    %get3A_6 = vector.load %arg2[%get3A_4, %get3A_5] : memref<1024x256xf32, #tpu.memory_space<vmem>>, vector<1024x256xf32>
    %add3A = arith.addf %get3A_3, %get3A_6 : vector<1024x256xf32>
    %mul3A = vector.broadcast %broadcast_in_dim3A : vector<1024x1xf32> to vector<1024x256xf32>
    %mul3A_7 = arith.mulf %mul3A, %add3A : vector<1024x256xf32>
    %get3A_8 = arith.constant 0 : index
    %get3A_9 = vector.load %arg4[%get3A_8] : memref<256xf32, #tpu.memory_space<vmem>>, vector<256xf32>
    %broadcast_in_dim3A_10 = vector.shape_cast %get3A_9 : vector<256xf32> to vector<1x256xf32>
    %add3A_11 = vector.broadcast %broadcast_in_dim3A_10 : vector<1x256xf32> to vector<1024x256xf32>
    %add3A_12 = arith.addf %mul3A_7, %add3A_11 : vector<1024x256xf32>
    %max3A = arith.constant 0.000000e+00 : f32
    %max3A_13 = vector.broadcast %max3A : f32 to vector<1024x256xf32>
    %max3A_14 = arith.maximumf %add3A_12, %max3A_13 : vector<1024x256xf32>
    %get3A_15 = arith.constant 0 : index
    %get3A_16 = arith.constant 0 : index
    %get3A_17 = vector.load %arg5[%get3A_15, %get3A_16] : memref<256x128xf32, #tpu.memory_space<vmem>>, vector<256x128xf32>
    %dot_general3A = arith.constant dense<0.000000e+00> : vector<1024x128xf32>
    %dot_general3A_18 = tpu.matmul %max3A_14, %get3A_17, %dot_general3A {dimension_numbers = #tpu.dot_dimension_numbers<[1], [0], [0], [1], [0, 0, 1, 1], [], []>, transpose_lhs_hint = false} : vector<1024x256xf32>, vector<256x128xf32>, vector<1024x128xf32> -> vector<1024x128xf32>
    %broadcast_in_dim3A_19 = vector.shape_cast %get3A_0 : vector<1024xf32> to vector<1024x1xf32>
    %mul3A_20 = vector.broadcast %broadcast_in_dim3A_19 : vector<1024x1xf32> to vector<1024x128xf32>
    %mul3A_21 = arith.mulf %dot_general3A_18, %mul3A_20 : vector<1024x128xf32>
    %mul3A_22 = arith.constant 1024 : i32
    %mul3A_23 = arith.muli %arg0, %mul3A_22 : i32
    %iota3A = tpu.iota {dimensions = array<i32: 0>} : vector<1024x1xi32>
    %add3A_24 = vector.broadcast %mul3A_23 : i32 to vector<1024x1xi32>
    %add3A_25 = arith.addi %add3A_24, %iota3A : vector<1024x1xi32>
    %lt3A = arith.constant 10000 : i32
    %lt3A_26 = vector.broadcast %lt3A : i32 to vector<1024x1xi32>
    %lt3A_27 = arith.cmpi slt, %add3A_25, %lt3A_26 : vector<1024x1xi32>
    %jit3A = arith.constant 0.000000e+00 : f32
    %broadcast_in_dim3A_28 = vector.shape_cast %lt3A_27 : vector<1024x1xi1> to vector<1024x1xi1>
    %broadcast_in_dim3A_29 = vector.broadcast %broadcast_in_dim3A_28 : vector<1024x1xi1> to vector<1024x128xi1>
    %broadcast_in_dim3A_30 = vector.broadcast %jit3A : f32 to vector<1024x128xf32>
    %select_n3A = arith.select %broadcast_in_dim3A_29, %mul3A_21, %broadcast_in_dim3A_30 : vector<1024x128xi1>, vector<1024x128xf32>
    %swap3A = arith.constant 0 : index
    %swap3A_31 = arith.constant 0 : index
    %swap3A_32 = vector.load %arg6[%swap3A, %swap3A_31] : memref<1024x128xf32, #tpu.memory_space<vmem>>, vector<1024x128xf32>
    tpu.vector_store %arg6[%swap3A, %swap3A_31], %select_n3A {strides = array<i32>} : memref<1024x128xf32, #tpu.memory_space<vmem>>, vector<1024x128xf32>,
    return
  }
  func.func @transform_0(%arg0: i32) -> (i32, i32) {
    %c0_i32 = arith.constant 0 : i32
    %c0_i32_0 = arith.constant 0 : i32
    return %arg0, %c0_i32 : i32, i32
  }
  func.func @transform_1(%arg0: i32) -> (i32, i32) {
    %c0_i32 = arith.constant 0 : i32
    %c0_i32_0 = arith.constant 0 : i32
    return %arg0, %c0_i32 : i32, i32
  }
  func.func @transform_2(%arg0: i32) -> i32 {
    %c0_i32 = arith.constant 0 : i32
    return %arg0 : i32
  }
  func.func @transform_3(%arg0: i32) -> i32 {
    %c0_i32 = arith.constant 0 : i32
    %c0_i32_0 = arith.constant 0 : i32
    return %c0_i32 : i32
  }
  func.func @transform_4(%arg0: i32) -> (i32, i32) {
    %c0_i32 = arith.constant 0 : i32
    %c0_i32_0 = arith.constant 0 : i32
    %c0_i32_1 = arith.constant 0 : i32
    return %c0_i32, %c0_i32_0 : i32, i32
  }
  func.func @transform_5(%arg0: i32) -> (i32, i32) {
    %c0_i32 = arith.constant 0 : i32
    %c0_i32_0 = arith.constant 0 : i32
    return %arg0, %c0_i32 : i32, i32
  }
}

module attributes {stable_mosaic.version = 14 : i64} {
  func.func @_fin_body(%arg0: i32, %arg1: memref<1024x128xf32, #tpu.memory_space<vmem>>, %arg2: memref<1024x128xf32, #tpu.memory_space<vmem>>, %arg3: memref<1024xf32, #tpu.memory_space<vmem>>, %arg4: memref<128xf32, #tpu.memory_space<vmem>>, %arg5: memref<1024x128xf32, #tpu.memory_space<vmem>>) attributes {dimension_semantics = [#tpu.dimension_semantics<arbitrary>], iteration_bounds = array<i64: 10>, scalar_prefetch = 0 : i64, scratch_operands = 0 : i64, tpu.core_type = #tpu.core_type<tc>, window_params = [{transform_indices = @transform_0, window_bounds = array<i64: 1024, 128>}, {transform_indices = @transform_1, window_bounds = array<i64: 1024, 128>}, {transform_indices = @transform_2, window_bounds = array<i64: 1024>}, {pipeline_mode = #tpu.pipeline_mode<synchronous>, transform_indices = @transform_3, window_bounds = array<i64: 128>}, {transform_indices = @transform_4, window_bounds = array<i64: 1024, 128>}]} {
    %get3A = arith.constant 0 : index
    %get3A_0 = vector.load %arg3[%get3A] : memref<1024xf32, #tpu.memory_space<vmem>>, vector<1024xf32>
    %broadcast_in_dim3A = vector.shape_cast %get3A_0 : vector<1024xf32> to vector<1024x1xf32>
    %get3A_1 = arith.constant 0 : index
    %get3A_2 = arith.constant 0 : index
    %get3A_3 = vector.load %arg1[%get3A_1, %get3A_2] : memref<1024x128xf32, #tpu.memory_space<vmem>>, vector<1024x128xf32>
    %get3A_4 = arith.constant 0 : index
    %get3A_5 = arith.constant 0 : index
    %get3A_6 = vector.load %arg2[%get3A_4, %get3A_5] : memref<1024x128xf32, #tpu.memory_space<vmem>>, vector<1024x128xf32>
    %add3A = arith.addf %get3A_3, %get3A_6 : vector<1024x128xf32>
    %mul3A = vector.broadcast %broadcast_in_dim3A : vector<1024x1xf32> to vector<1024x128xf32>
    %mul3A_7 = arith.mulf %mul3A, %add3A : vector<1024x128xf32>
    %get3A_8 = arith.constant 0 : index
    %get3A_9 = vector.load %arg4[%get3A_8] : memref<128xf32, #tpu.memory_space<vmem>>, vector<128xf32>
    %broadcast_in_dim3A_10 = vector.shape_cast %get3A_9 : vector<128xf32> to vector<1x128xf32>
    %add3A_11 = vector.broadcast %broadcast_in_dim3A_10 : vector<1x128xf32> to vector<1024x128xf32>
    %add3A_12 = arith.addf %mul3A_7, %add3A_11 : vector<1024x128xf32>
    %swap3A = arith.constant 0 : index
    %swap3A_13 = arith.constant 0 : index
    %swap3A_14 = vector.load %arg5[%swap3A, %swap3A_13] : memref<1024x128xf32, #tpu.memory_space<vmem>>, vector<1024x128xf32>
    tpu.vector_store %arg5[%swap3A, %swap3A_13], %add3A_12 {strides = array<i32>} : memref<1024x128xf32, #tpu.memory_space<vmem>>, vector<1024x128xf32>,
    return
  }
  func.func @transform_0(%arg0: i32) -> (i32, i32) {
    %c0_i32 = arith.constant 0 : i32
    %c0_i32_0 = arith.constant 0 : i32
    return %arg0, %c0_i32 : i32, i32
  }
  func.func @transform_1(%arg0: i32) -> (i32, i32) {
    %c0_i32 = arith.constant 0 : i32
    %c0_i32_0 = arith.constant 0 : i32
    return %arg0, %c0_i32 : i32, i32
  }
  func.func @transform_2(%arg0: i32) -> i32 {
    %c0_i32 = arith.constant 0 : i32
    return %arg0 : i32
  }
  func.func @transform_3(%arg0: i32) -> i32 {
    %c0_i32 = arith.constant 0 : i32
    %c0_i32_0 = arith.constant 0 : i32
    return %c0_i32 : i32
  }
  func.func @transform_4(%arg0: i32) -> (i32, i32) {
    %c0_i32 = arith.constant 0 : i32
    %c0_i32_0 = arith.constant 0 : i32
    return %arg0, %c0_i32 : i32, i32
  }
}

</mosaic_0001>

<sc_bundles>
// kernel: kernel.12.cloned.1.call-start
scs
__scs_entry_jumppad:
0x0: {  	(pc) =	sbr.rel $0x88, $3  }
0x1: {  	(tag) =	ssettag $0x0;
	lr =	simm.s32 $0x1  }
0x2: {  	[smem:$0x3F9B] =	sst lr;
	_ =	strace $0xD0000000  }
0x3: {  	_ = 	snop  }
0x4: {  	_ = 	snop  }
0x5: {  	_ = 	snop  }
0x6: {  	_ = 	snop  }
0x7: {  	_ = 	snop  }
__scs_overlays_trampoline_lowered:
0x8: {  	[smem:$0x3FAA] =	sst s0  }
0x9: {  	[smem:$0x3FAB] =	sst s1  }
0xa: {  	[smem:$0x3FAC] =	sst s2  }
0xb: {  	[smem:$0x3FAD] =	sst s3  }
0xc: {  	[smem:$0x3FAE] =	sst s4  }
0xd: {  	[smem:$0x3FAF] =	sst s5  }
0xe: {  	[smem:$0x3FB0] =	sst s6  }
0xf: {  	[smem:$0x3FB1] =	sst s7  }
0x10: {  	[smem:$0x3FB2] =	sst s8  }
0x11: {  	[smem:$0x3FB3] =	sst s9;
	s0 =	simm.s32 @!p0 $0x0  }
0x12: {  	s1 =	sld [smem:$0x3F99];
	s0 =	simm.s32 @p0 $0x1  }
0x13: {  	[smem:$0x3FB4] =	sst s0;
	s0 =	simm.s32 @!p1 $0x0  }
0x14: {  	s2 =	sld [smem:$0x3F98];
	s0 =	simm.s32 @p1 $0x1  }
0x15: {  	[smem:$0x3FB5] =	sst s0;
	s0 =	simm.s32 @!p2 $0x0  }
0x16: {  	s3 =	sld [smem:$0x3FDB];
	s0 =	simm.s32 @p2 $0x1  }
0x17: {  	s4 =	simm.s32 $0x1BF5;
	[smem:$0x3FB7] =	sst s0  }
0x18: {  	s0 =	sld [smem:$0x3F9A];
	_ =	swait.ge [sflag:s4], $0x0  }
0x19: {  	s7 =	sld [smem:$0x3F9B]  }
0x1a: {  	s8 =	sadd.s32 $0xFFFFE003, lr  }
0x1b: {  	s9 =	sadd.s32 $0xFFFFFEF7, lr;
	s5 =	simm.s32 $0xFFFFFFFF;
	p2 =	slt.u32 s8, $0xFFFFF086  }
0x1c: {  	p1 =	slt.u32 s9, $0xF7A;
	s5 =	simm.s32 @!p2 $0x0  }
0x1d: {  	s5 =	simm.s32 @p1 $0x1;
	p0 =	seq.s32 s7, s2  }
0x1e: {  	s7 =	smul.u32 @!p0 $0xF7A, s2;
	p2 =	seq.s32 @!p0 s5, $0x0  }
0x1f: {  	s9 =	smul.u32 $0xF7A, s1;
	s8 =	simm.s32 @!p0 $0x1BF5;
	p2 =	por !p2, p0  }
0x20: {  	[sflag:s8] =	ssyncset.s32 @!p0 $0xFFFFF086;
	s6 =	sadd.s32 @!p0 s3, s7;
	s7 =	simm.s32 @!p0 $0x108  }
0x21: {  	s3 =	sadd.s32 s3, s9;
	s6 =	sadd.s32 @!p0 $0x88, s6;
	s7 =	simm.s32 @p2 $0x1082  }
0x22: {  	[simem:s7], [sflag:s8] =	dma.local @!p0 [hbm:s6], $0xF7A  }
0x23: {  	s9 =	sor.u32 $0xD0000000, s2;
	s6 =	simm.s32 $0x108;
	_ =	swait.ge @!p0 [sflag:s8], $0x0  }
0x24: {  	s3 =	sadd.s32 $0x88, s3;
	s6 =	simm.s32 @!p1 $0x1082;
	[sflag:s4] =	ssyncset.s32 $0xFFFFF086  }
0x25: {  	[simem:s6], [sflag:s4] =	dma.local [hbm:s3], $0xF7A  }
0x26: {  	[smem:$0x3F9B] =	sst s1;
	(tag) =	ssettag s2;
	_ =	strace s9  }
0x27: {  	s1 =	sld [smem:$0x3FAB]  }
0x28: {  	s2 =	sld [smem:$0x3FAC]  }
0x29: {  	s4 =	sld [smem:$0x3FAE]  }
0x2a: {  	p0 =	seq.s32 s5, $0x0;
	s5 =	sld [smem:$0x3FAF]  }
0x2b: {  	s6 =	sld [smem:$0x3FB0]  }
0x2c: {  	s7 =	sld [smem:$0x3FB1]  }
0x2d: {  	s3 =	simm.s32 $0x108;
	s8 =	sld [smem:$0x3FB2]  }
0x2e: {  	s3 =	simm.s32 @!p0 $0x1082;
	s9 =	sld [smem:$0x3FB3]  }
0x2f: {  	lr =	sadd.s32 s0, s3;
	s0 =	sld [smem:$0x3FAA]  }
0x30: {  	s3 =	sld [smem:$0x3FAD]  }
0x31: {  	[smem:$0x3FB6] =	sst s10  }
0x32: {  	s10 =	sld [smem:$0x3FB4];
	_ =	sdelay $0x3  }
0x33: {  	p0 =	seq.s32 s10, $0x1;
	s10 =	sld [smem:$0x3FB6];
	_ =	sdelay $0x3  }
0x34: {  	[smem:$0x3FB6] =	sst s10  }
0x35: {  	s10 =	sld [smem:$0x3FB5];
	_ =	sdelay $0x3  }
0x36: {  	p1 =	seq.s32 s10, $0x1;
	s10 =	sld [smem:$0x3FB6];
	_ =	sdelay $0x3  }
0x37: {  	[smem:$0x3FB6] =	sst s10  }
0x38: {  	s10 =	sld [smem:$0x3FB7]  }
0x39: {  	_ = 	snop;
	(pc) =	sbr.ind lr, $3  }
0x3a: {  	_ = 	snop  }
0x3b: {  	_ = 	snop  }
0x3c: {  	p2 =	seq.s32 s10, $0x1;
	s10 =	sld [smem:$0x3FB6]  }
0x3d: {  	_ =	shalt  }
0x3e: {  	_ =	shalt  }
0x3f: {  	_ =	shalt  }
0x40: {  	_ =	shalt  }
0x41: {  	_ =	shalt  }
0x42: {  	_ =	shalt  }
0x43: {  	_ =	shalt  }
0x44: {  	_ =	shalt  }
0x45: {  	_ =	shalt  }
0x46: {  	_ =	shalt  }
0x47: {  	_ =	shalt  }
0x48: {  	_ =	shalt  }
0x49: {  	_ =	shalt  }
0x4a: {  	_ =	shalt  }
0x4b: {  	_ =	shalt  }
0x4c: {  	_ =	shalt  }
0x4d: {  	_ =	shalt  }
0x4e: {  	_ =	shalt  }
0x4f: {  	_ =	shalt  }
0x50: {  	_ =	shalt  }
0x51: {  	_ =	shalt  }
0x52: {  	_ =	shalt  }
0x53: {  	_ =	shalt  }
0x54: {  	_ =	shalt  }
0x55: {  	_ =	shalt  }
0x56: {  	_ =	shalt  }
0x57: {  	_ =	shalt  }
0x58: {  	_ =	shalt  }
0x59: {  	_ =	shalt  }
0x5a: {  	_ =	shalt  }
0x5b: {  	_ =	shalt  }
0x5c: {  	_ =	shalt  }
0x5d: {  	_ =	shalt  }
0x5e: {  	_ =	shalt  }
0x5f: {  	_ =	shalt  }
0x60: {  	_ =	shalt  }
0x61: {  	_ =	shalt  }
0x62: {  	_ =	shalt  }
0x63: {  	_ =	shalt  }
0x64: {  	_ =	shalt  }
0x65: {  	_ =	shalt  }
0x66: {  	_ =	shalt  }
0x67: {  	_ =	shalt  }
0x68: {  	_ =	shalt  }
0x69: {  	_ =	shalt  }
0x6a: {  	_ =	shalt  }
0x6b: {  	_ =	shalt  }
0x6c: {  	_ =	shalt  }
0x6d: {  	_ =	shalt  }
0x6e: {  	_ =	shalt  }
0x6f: {  	_ =	shalt  }
0x70: {  	_ =	shalt  }
0x71: {  	_ =	shalt  }
0x72: {  	_ =	shalt  }
0x73: {  	_ =	shalt  }
0x74: {  	_ =	shalt  }
0x75: {  	_ =	shalt  }
0x76: {  	_ =	shalt  }
0x77: {  	_ =	shalt  }
0x78: {  	_ =	shalt  }
0x79: {  	_ =	shalt  }
0x7a: {  	_ =	shalt  }
0x7b: {  	_ =	shalt  }
0x7c: {  	_ =	shalt  }
0x7d: {  	_ =	shalt  }
0x7e: {  	_ =	shalt  }
0x7f: {  	_ =	shalt  }
0x80: {  	_ =	shalt  }
0x81: {  	_ =	shalt  }
0x82: {  	_ =	shalt  }
0x83: {  	_ =	shalt  }
0x84: {  	_ =	shalt  }
0x85: {  	_ =	shalt  }
0x86: {  	_ =	shalt  }
0x87: {  	_ =	shalt  }
.Lfunc_end0:
.L_simem_size_0:
called_computation.1_lowered:
.L_overlay_start_0:
0x88: {  	s2 =	sld [smem:$0x3FD9]  }
0x89: {  	s3 =	sld [smem:$0x3FFE];
	_ =	sdelay $0x1  }
0x8a: {  	s1 =	srdreg.scid  }
0x8b: {  	s0 =	sand.u32 $0x1, s1  }
0x8c: {  	s16 =	sshll.u32 s0, $0xA;
	s2 =	sadd.s32 s3, s2  }
0x8d: {  	s2 =	sadd.s32 s2, s16  }
0x8e: {  	[smem:$0x3FC2] =	sst s2  }
0x8f: {  	_ = 	snop  }
0x90: {  	(tm) =	ssettm $0x1  }
0x91: {  	s17 =	sld [smem:$0x3FFB];
	_ =	sdelay $0x3  }
0x92: {  	_ =	strace s17  }
0x93: {  	s2 =	sld [smem:$0x3FFC];
	_ =	sdelay $0x3  }
0x94: {  	_ =	strace s2  }
0x95: {  	s2 =	sld [smem:$0x3FFD];
	_ =	sdelay $0x3  }
0x96: {  	_ =	strace s2  }
0x97: {  	_ =	strace $0x8FFFFFFF  }
0x98: {  	s18 =	sld [smem:$0x3FDB];
	_ =	sdelay $0x1  }
0x99: {  	s19 =	simm.s32 $_scs_section_size  }
0x9a: {  	s4 =	simm.s32 $_size__tile_overlayer_lowered;
	s5 =	simm.s32 $_tile_overlayer_lowered  }
0x9b: {  	s22 =	simm.s32 $0x1BFF;
	s21 =	sshll.u32 s5, $0x1;
	s2 =	sadd.s32 s19, s18  }
0x9c: {  	s6 =	simm.s32 $0x0;
	s20 =	sshll.u32 s4, $0x1;
	s4 =	sadd.s32 s21, s2  }
0x9d: {  	[timem:s6], [sflag:s22] =	dma.local [hbm:s4], s20  }
0x9e: {  	_ =	swait.ge [sflag:s22], s20  }
0x9f: {  	s3 =	ssub.s32 $0x0, s20;
	[sflag:s22] =	ssyncset.done $0x0  }
0xa0: {  	[sflag:s22] =	ssyncadd.s32 s3;
	_ =	sdelay $0x1  }
0xa1: {  	s23 =	simm.s32 $0x1B8B  }
0xa2: {  	_ =	swait.ge [sflag:s23], $0x1  }
0xa3: {  	[sflag:s23] =	ssyncset.done $0x0  }
0xa4: {  	s25 =	simm.s32 $0x1B8E;
	s24 =	sld [smem:$0x3FFE];
	[sflag:s23] =	ssyncadd.s32 $0xFFFFFFFF  }
0xa5: {  	s26 =	simm.s32 $execute0_lowered;
	[smem:$0x3FD2] =	sst s25  }
0xa6: {  	s4 =	sshll.u32 s26, $0x1;
	_ =	strace $0x80000046;
	[dreg:$0x1] =	wrdreg $0xFFFFFFFF  }
0xa7: {  	s28 =	simm.s32 $_size_execute0_lowered;
	s2 =	sadd.s32 s2, s4;
	[dreg:$0x0] =	wrdreg $0x0  }
0xa8: {  	s4 =	sshll.u32 s28, $0x1;
	[dreg:$0x2] =	wrdreg s2  }
0xa9: {  	[dreg:$0x3] =	wrdreg s4  }
0xaa: {  	[dreg:$0x4] =	wrdreg $0xC0  }
0xab: {  	_ =	task [dreg:s6], $0x5FFFF  }
0xac: {  	[dreg:$0x1] =	wrdreg $0xFFFFFFFF  }
0xad: {  	[dreg:$0x0] =	wrdreg $0x60  }
0xae: {  	[dreg:$0x2] =	wrdreg s24  }
0xaf: {  	[dreg:$0x3] =	wrdreg $0x28800  }
0xb0: {  	[dreg:$0x4] =	wrdreg $0xA  }
0xb1: {  	_ =	task.clear_ibuf [dreg:s6], $0x5FFFF;
	_ =	strace $0x90000046  }
0xb2: {  	s29 =	simm.s32 $0xA;
	_ =	strace $0x80000048  }
0xb3: {  	_ =	swait.ge [sflag:s29], $0x1  }
0xb4: {  	[sflag:s29] =	ssyncadd.s32 $0xFFFFFFFF  }
0xb5: {  	_ =	strace $0x90000048  }
0xb6: {  	_ =	sfence  }
0xb7: {  	s30 =	sld [smem:$0x0];
	_ =	sdelay $0x2  }
0xb8: {  	s31 =	sshll.u32 s1, $0xD;
	s1 =	sshrl.u32 s1, $0x2  }
0xb9: {  	s3 =	sand.u32 $0x4000, s31;
	s1 =	sadd.s32 s1, s30  }
0xba: {  	s0 =	sor.u32 s3, s0;
	s1 =	sshll.u32 s1, $0x11  }
0xbb: {  	s0 =	sor.u32 s1, s0  }
0xbc: {  	s0 =	sadd.s32 $0x8F2B, s0  }
0xbd: {  	[sflag:s0] =	ssyncadd.remote.s32 $0x1  }
0xbe: {  	_ =	sfence.sel $0xFFFF  }
0xbf: {  	[dreg:$0x0] =	wrdreg $0xFFFFFFFF;
	(pc) =	sbr.abs _section_cstart, $3  }
0xc0: {  	[dreg:$0x1] =	wrdreg $0xFFFFFFFF  }
0xc1: {  	_ =	task.clear_ibuf [dreg:s6], $0x2FFFF;
	_ =	strace $0x9FFFFFFF  }
0xc2: {  	(tm) =	ssettm $0x7FFFFFFF  }
0xc3: {  	_ =	shalt  }
tec
execute0_lowered:
.L_overlay_start_1:
0x0: {  	(tag) =	ssettag $0x1  }
0x1: {  	s5 =	rddreg [dreg:$0x0]  }
0x2: {  	s0 =	srdreg.scid;
	s2 =	rddreg [dreg:$0x1]  }
0x3: {  	s1 =	stileid.u32;
	s3 =	simm.s32 $0x0;
	s11 =	simm.s32 $0x80  }
0x4: {  	s12 =	simm.s32 $0x2800;
	s4 =	sand.u32 $0x1, s0;
	s0 =	rddreg [dreg:$0x2]  }
0x5: {  	s13 =	simm.s32 $0x0;
	s7 =	smul.u32 $0x280, s1;
	[smem:$0x7FF] =	sst s3  }
0x6: {  	s31 =	sshll.u32 s1, $0x6;
	s6 =	sshll.u32 s4, $0x4;
	s8 =	smul.u32 $0x2800, s4  }
0x7: {  	_ =	strace $0x80000047;
	s9 =	ssub.s32 $0x2, s4;
	s6 =	sor.u32 s1, s6  }
0x8: {  	s4 =	sadd.s32 $0x20A00, s5;
	s6 =	smul.u32 $0x500, s6;
	s8 =	sadd.s32 s7, s8  }
0x9: {  	s30 =	sshrl.u32 s9, $0x1;
	s10 =	sadd.s32 s7, s2;
	s8 =	sshrl.u32 s8, $0x3  }
0xa: {  	s9 =	ssub.s32 s9, s30;
	s6 =	sadd.s32 s6, s5;
	s8 =	sadd.s32 s8, s5  }
0xb: {  	s5 =	sor.u32 $0x1C01, s31;
	s6 =	sadd.s32 $0x2A00, s6;
	s7 =	sadd.s32 $0x20C00, s8  }
0xc: {  	v0 =	vimm.f32 $1.000000000e+00;
	s8 =	smax.u32 s9, $0x1;
	s9 =	sshrl.u32 s10, $0x3;
	s10 =	simm.s32 $0x1  }
.LBB2_1:
0xd: {  	[spmem:s9], [sflag:s5] =	dma.local [hbm:s4], $0x50  }
0xe: {  	_ =	swait.ge [sflag:s10], $0x50  }
0xf: {  	[sflag:s10] =	ssyncset.done $0x0  }
0x10: {  	[sflag:s10] =	ssyncadd.s32 $0xFFFFFFB0  }
0x11: {  	[tilespmem:s3], [sflag:$0x1] =	stream.linear.gather [hbm4b:s6+s3], $0x2800, $0x38;
	[tilespmem:$0x2B00] =	vst v63  }
0x12: {  	_ =	swait.ge [sflag:s10], $0x2800  }
0x13: {  	[sflag:s10] =	ssyncset.done $0x0  }
0x14: {  	[sflag:s10] =	ssyncadd.s32 $0xFFFFD800  }
0x15: {  	[tilespmem:$0x2800] =	vst v0  }
0x16: {  	[tilespmem:$0x2810] =	vst v0  }
0x17: {  	[tilespmem:$0x2820] =	vst v0  }
0x18: {  	[tilespmem:$0x2830] =	vst v0  }
0x19: {  	[tilespmem:$0x2840] =	vst v0  }
0x1a: {  	[tilespmem:$0x2850] =	vst v0  }
0x1b: {  	[tilespmem:$0x2860] =	vst v0  }
0x1c: {  	[tilespmem:$0x2870] =	vst v0  }
0x1d: {  	s14 =	simm.s32 $0x0;
	[bflag:$0x0] =	sbarrier.arrive $0xFFFF  }
0x1e: {  	[spmem:s2] =	stream.indirect.scatter.add.f32 [tilespmem:s12], [sflag:$0x1], $0x1, s14, s11, $0xb8;
	[tilespmem:$0x2B00] =	vst v63  }
0x1f: {  	_ =	swait.ge [sflag:s10], $0x80  }
0x20: {  	s14 =	simm.s32 $0x200;
	[sflag:s10] =	ssyncset.done $0x0  }
.LBB2_2:
0x21: {  	s15 =	sshra.s32 s14, $0x2;
	[sflag:s10] =	ssyncadd.s32 $0xFFFFFF80;
	p0 =	sne.s32 s14, $0x9E00  }
0x22: {  	[spmem:s2] =	stream.indirect.scatter.add.f32 [tilespmem:s12], [sflag:$0x1], $0x1, s15, s11, $0xb8;
	[tilespmem:$0x2B00] =	vst v63  }
.Ltmp0:
0x23: {  	_ = 	snop;
	(pc) =	sbr.rel @p0 .LBB2_2-.Ltmp0, $4  }
0x24: {  	_ = 	snop  }
0x25: {  	s14 =	sadd.s32 $0x200, s14  }
0x26: {  	_ =	swait.ge [sflag:s10], $0x80  }
0x27: {  	[sflag:s10] =	ssyncset.done $0x0  }
0x28: {  	s13 =	sadd.s32 $0x1, s13  }
0x29: {  	[sflag:s10] =	ssyncadd.s32 $0xFFFFFF80;
	p0 =	sne.s32 s13, s8  }
.Ltmp1:
0x2a: {  	[bflag:$0x0] =	sbarrier.arrive $0xFFFF;
	(pc) =	sbr.rel @p0 .LBB2_1-.Ltmp1, $4  }
0x2b: {  	[hbm:s7], [sflag:s5] =	dma.local [spmem:s9], $0x50  }
0x2c: {  	_ =	swait.ge [sflag:s10], $0x50  }
0x2d: {  	[sflag:s10] =	ssyncset.done $0x0  }
0x2e: {  	[sflag:s10] =	ssyncadd.s32 $0xFFFFFFB0  }
0x2f: {  	_ =	sfence.sel $0x180000  }
0x30: {  	[bflag:$0x0] =	sbarrier.arrive $0xFFFF  }
0x31: {  	p0 =	sne.s32 s1, $0x0;
	_ =	strace $0x90000047  }
0x32: {  	s0 =	sadd.s32 @!p0 $0x100000, s0;
	[bflag:$0x2] =	sbarrier.arrive $0xFFFF  }
0x33: {  	[sflag:s0] =	ssyncadd.tile.s32 @!p0 $0x1;
	_ =	shalt  }
.Lfunc_end2:
_tile_overlayer_lowered:
.L_overlay_start_2:
0x34: {  	(tag) =	ssettag $0x2  }
0x35: {  	s0 =	rddreg [dreg:$0x0];
	s2 =	stileid.u32  }
0x36: {  	s1 =	rddreg [dreg:$0x1];
	p0 =	sne.s32 s2, $0x0  }
0x37: {  	s3 =	rddreg [dreg:$0x2];
	[bflag:$0x3] =	sbarrier.arrive $0xFFFF;
	s2 =	simm.s32 @!p0 $0x1C01  }
0x38: {  	[timem:s3], [sflag:s2] =	dma.local @!p0 [hbm:s0], s1  }
0x39: {  	s0 =	simm.s32 @!p0 $0x1  }
0x3a: {  	_ =	swait.ge @!p0 [sflag:s0], s1  }
0x3b: {  	s1 =	ssub.s32 @!p0 $0x0, s1;
	[sflag:s0] =	ssyncset.done @!p0 $0x0  }
0x3c: {  	[sflag:s0] =	ssyncadd.s32 @!p0 s1  }
0x3d: {  	[bflag:$0x3] =	sbarrier.arrive $0xFFFF  }
0x3e: {  	_ =	shalt  }

// kernel: kernel.15.cloned.1.call-start
scs
__scs_entry_jumppad:
0x0: {  	(pc) =	sbr.rel $0x88, $3  }
0x1: {  	(tag) =	ssettag $0x0;
	lr =	simm.s32 $0x1  }
0x2: {  	[smem:$0x3F9B] =	sst lr;
	_ =	strace $0xD0000000  }
0x3: {  	_ = 	snop  }
0x4: {  	_ = 	snop  }
0x5: {  	_ = 	snop  }
0x6: {  	_ = 	snop  }
0x7: {  	_ = 	snop  }
__scs_overlays_trampoline_lowered:
0x8: {  	[smem:$0x3FAA] =	sst s0  }
0x9: {  	[smem:$0x3FAB] =	sst s1  }
0xa: {  	[smem:$0x3FAC] =	sst s2  }
0xb: {  	[smem:$0x3FAD] =	sst s3  }
0xc: {  	[smem:$0x3FAE] =	sst s4  }
0xd: {  	[smem:$0x3FAF] =	sst s5  }
0xe: {  	[smem:$0x3FB0] =	sst s6  }
0xf: {  	[smem:$0x3FB1] =	sst s7  }
0x10: {  	[smem:$0x3FB2] =	sst s8  }
0x11: {  	[smem:$0x3FB3] =	sst s9;
	s0 =	simm.s32 @!p0 $0x0  }
0x12: {  	s1 =	sld [smem:$0x3F99];
	s0 =	simm.s32 @p0 $0x1  }
0x13: {  	[smem:$0x3FB4] =	sst s0;
	s0 =	simm.s32 @!p1 $0x0  }
0x14: {  	s2 =	sld [smem:$0x3F98];
	s0 =	simm.s32 @p1 $0x1  }
0x15: {  	[smem:$0x3FB5] =	sst s0;
	s0 =	simm.s32 @!p2 $0x0  }
0x16: {  	s3 =	sld [smem:$0x3FDB];
	s0 =	simm.s32 @p2 $0x1  }
0x17: {  	s4 =	simm.s32 $0x1BF5;
	[smem:$0x3FB7] =	sst s0  }
0x18: {  	s0 =	sld [smem:$0x3F9A];
	_ =	swait.ge [sflag:s4], $0x0  }
0x19: {  	s7 =	sld [smem:$0x3F9B]  }
0x1a: {  	s8 =	sadd.s32 $0xFFFFE003, lr  }
0x1b: {  	s9 =	sadd.s32 $0xFFFFFEF7, lr;
	s5 =	simm.s32 $0xFFFFFFFF;
	p2 =	slt.u32 s8, $0xFFFFF086  }
0x1c: {  	p1 =	slt.u32 s9, $0xF7A;
	s5 =	simm.s32 @!p2 $0x0  }
0x1d: {  	s5 =	simm.s32 @p1 $0x1;
	p0 =	seq.s32 s7, s2  }
0x1e: {  	s7 =	smul.u32 @!p0 $0xF7A, s2;
	p2 =	seq.s32 @!p0 s5, $0x0  }
0x1f: {  	s9 =	smul.u32 $0xF7A, s1;
	s8 =	simm.s32 @!p0 $0x1BF5;
	p2 =	por !p2, p0  }
0x20: {  	[sflag:s8] =	ssyncset.s32 @!p0 $0xFFFFF086;
	s6 =	sadd.s32 @!p0 s3, s7;
	s7 =	simm.s32 @!p0 $0x108  }
0x21: {  	s3 =	sadd.s32 s3, s9;
	s6 =	sadd.s32 @!p0 $0x88, s6;
	s7 =	simm.s32 @p2 $0x1082  }
0x22: {  	[simem:s7], [sflag:s8] =	dma.local @!p0 [hbm:s6], $0xF7A  }
0x23: {  	s9 =	sor.u32 $0xD0000000, s2;
	s6 =	simm.s32 $0x108;
	_ =	swait.ge @!p0 [sflag:s8], $0x0  }
0x24: {  	s3 =	sadd.s32 $0x88, s3;
	s6 =	simm.s32 @!p1 $0x1082;
	[sflag:s4] =	ssyncset.s32 $0xFFFFF086  }
0x25: {  	[simem:s6], [sflag:s4] =	dma.local [hbm:s3], $0xF7A  }
0x26: {  	[smem:$0x3F9B] =	sst s1;
	(tag) =	ssettag s2;
	_ =	strace s9  }
0x27: {  	s1 =	sld [smem:$0x3FAB]  }
0x28: {  	s2 =	sld [smem:$0x3FAC]  }
0x29: {  	s4 =	sld [smem:$0x3FAE]  }
0x2a: {  	p0 =	seq.s32 s5, $0x0;
	s5 =	sld [smem:$0x3FAF]  }
0x2b: {  	s6 =	sld [smem:$0x3FB0]  }
0x2c: {  	s7 =	sld [smem:$0x3FB1]  }
0x2d: {  	s3 =	simm.s32 $0x108;
	s8 =	sld [smem:$0x3FB2]  }
0x2e: {  	s3 =	simm.s32 @!p0 $0x1082;
	s9 =	sld [smem:$0x3FB3]  }
0x2f: {  	lr =	sadd.s32 s0, s3;
	s0 =	sld [smem:$0x3FAA]  }
0x30: {  	s3 =	sld [smem:$0x3FAD]  }
0x31: {  	[smem:$0x3FB6] =	sst s10  }
0x32: {  	s10 =	sld [smem:$0x3FB4];
	_ =	sdelay $0x3  }
0x33: {  	p0 =	seq.s32 s10, $0x1;
	s10 =	sld [smem:$0x3FB6];
	_ =	sdelay $0x3  }
0x34: {  	[smem:$0x3FB6] =	sst s10  }
0x35: {  	s10 =	sld [smem:$0x3FB5];
	_ =	sdelay $0x3  }
0x36: {  	p1 =	seq.s32 s10, $0x1;
	s10 =	sld [smem:$0x3FB6];
	_ =	sdelay $0x3  }
0x37: {  	[smem:$0x3FB6] =	sst s10  }
0x38: {  	s10 =	sld [smem:$0x3FB7]  }
0x39: {  	_ = 	snop;
	(pc) =	sbr.ind lr, $3  }
0x3a: {  	_ = 	snop  }
0x3b: {  	_ = 	snop  }
0x3c: {  	p2 =	seq.s32 s10, $0x1;
	s10 =	sld [smem:$0x3FB6]  }
0x3d: {  	_ =	shalt  }
0x3e: {  	_ =	shalt  }
0x3f: {  	_ =	shalt  }
0x40: {  	_ =	shalt  }
0x41: {  	_ =	shalt  }
0x42: {  	_ =	shalt  }
0x43: {  	_ =	shalt  }
0x44: {  	_ =	shalt  }
0x45: {  	_ =	shalt  }
0x46: {  	_ =	shalt  }
0x47: {  	_ =	shalt  }
0x48: {  	_ =	shalt  }
0x49: {  	_ =	shalt  }
0x4a: {  	_ =	shalt  }
0x4b: {  	_ =	shalt  }
0x4c: {  	_ =	shalt  }
0x4d: {  	_ =	shalt  }
0x4e: {  	_ =	shalt  }
0x4f: {  	_ =	shalt  }
0x50: {  	_ =	shalt  }
0x51: {  	_ =	shalt  }
0x52: {  	_ =	shalt  }
0x53: {  	_ =	shalt  }
0x54: {  	_ =	shalt  }
0x55: {  	_ =	shalt  }
0x56: {  	_ =	shalt  }
0x57: {  	_ =	shalt  }
0x58: {  	_ =	shalt  }
0x59: {  	_ =	shalt  }
0x5a: {  	_ =	shalt  }
0x5b: {  	_ =	shalt  }
0x5c: {  	_ =	shalt  }
0x5d: {  	_ =	shalt  }
0x5e: {  	_ =	shalt  }
0x5f: {  	_ =	shalt  }
0x60: {  	_ =	shalt  }
0x61: {  	_ =	shalt  }
0x62: {  	_ =	shalt  }
0x63: {  	_ =	shalt  }
0x64: {  	_ =	shalt  }
0x65: {  	_ =	shalt  }
0x66: {  	_ =	shalt  }
0x67: {  	_ =	shalt  }
0x68: {  	_ =	shalt  }
0x69: {  	_ =	shalt  }
0x6a: {  	_ =	shalt  }
0x6b: {  	_ =	shalt  }
0x6c: {  	_ =	shalt  }
0x6d: {  	_ =	shalt  }
0x6e: {  	_ =	shalt  }
0x6f: {  	_ =	shalt  }
0x70: {  	_ =	shalt  }
0x71: {  	_ =	shalt  }
0x72: {  	_ =	shalt  }
0x73: {  	_ =	shalt  }
0x74: {  	_ =	shalt  }
0x75: {  	_ =	shalt  }
0x76: {  	_ =	shalt  }
0x77: {  	_ =	shalt  }
0x78: {  	_ =	shalt  }
0x79: {  	_ =	shalt  }
0x7a: {  	_ =	shalt  }
0x7b: {  	_ =	shalt  }
0x7c: {  	_ =	shalt  }
0x7d: {  	_ =	shalt  }
0x7e: {  	_ =	shalt  }
0x7f: {  	_ =	shalt  }
0x80: {  	_ =	shalt  }
0x81: {  	_ =	shalt  }
0x82: {  	_ =	shalt  }
0x83: {  	_ =	shalt  }
0x84: {  	_ =	shalt  }
0x85: {  	_ =	shalt  }
0x86: {  	_ =	shalt  }
0x87: {  	_ =	shalt  }
.Lfunc_end0:
.L_simem_size_0:
called_computation.2_lowered:
.L_overlay_start_0:
0x88: {  	s2 =	sld [smem:$0x3FD9]  }
0x89: {  	s3 =	sld [smem:$0x3FFE];
	_ =	sdelay $0x1  }
0x8a: {  	s1 =	srdreg.scid  }
0x8b: {  	s0 =	sand.u32 $0x1, s1  }
0x8c: {  	s17 =	sshll.u32 s0, $0xA;
	s2 =	sadd.s32 s3, s2  }
0x8d: {  	s2 =	sadd.s32 s2, s17  }
0x8e: {  	[smem:$0x3FC2] =	sst s2  }
0x8f: {  	_ = 	snop  }
0x90: {  	s2 =	sld [smem:$0x3FD0];
	(tm) =	ssettm $0x1  }
0x91: {  	s18 =	sld [smem:$0x3FFB];
	_ =	sdelay $0x3  }
0x92: {  	_ =	strace s18  }
0x93: {  	s3 =	sld [smem:$0x3FFC];
	_ =	sdelay $0x3  }
0x94: {  	_ =	strace s3  }
0x95: {  	s3 =	sld [smem:$0x3FFD];
	_ =	sdelay $0x3  }
0x96: {  	_ =	strace s3  }
0x97: {  	_ =	strace $0x8FFFFFFF  }
0x98: {  	s19 =	sld [smem:$0x3FDB];
	_ =	sdelay $0x1  }
0x99: {  	s4 =	simm.s32 $_scs_section_size  }
0x9a: {  	s5 =	simm.s32 $_size__tile_overlayer_lowered;
	s6 =	simm.s32 $_tile_overlayer_lowered  }
0x9b: {  	s22 =	simm.s32 $0x1BFF;
	s21 =	sshll.u32 s6, $0x1;
	s3 =	sadd.s32 s4, s19  }
0x9c: {  	s7 =	simm.s32 $0x0;
	s20 =	sshll.u32 s5, $0x1;
	s5 =	sadd.s32 s21, s3  }
0x9d: {  	[timem:s7], [sflag:s22] =	dma.local [hbm:s5], s20  }
0x9e: {  	_ =	swait.ge [sflag:s22], s20  }
0x9f: {  	s4 =	ssub.s32 $0x0, s20;
	[sflag:s22] =	ssyncset.done $0x0  }
0xa0: {  	[sflag:s22] =	ssyncadd.s32 s4;
	_ =	sdelay $0x1  }
0xa1: {  	s23 =	simm.s32 $0x1B8B  }
0xa2: {  	_ =	swait.ge [sflag:s23], $0x1  }
0xa3: {  	[sflag:s23] =	ssyncset.done $0x0  }
0xa4: {  	s25 =	simm.s32 $0x1B8E;
	s24 =	sld [smem:$0x3FFE];
	[sflag:s23] =	ssyncadd.s32 $0xFFFFFFFF  }
0xa5: {  	s26 =	simm.s32 $execute0_lowered;
	[smem:$0x3FD2] =	sst s25  }
0xa6: {  	s5 =	sshll.u32 s26, $0x1;
	_ =	strace $0x8000004C;
	[dreg:$0x1] =	wrdreg $0xFFFFFFFF  }
0xa7: {  	s28 =	simm.s32 $_size_execute0_lowered;
	s3 =	sadd.s32 s3, s5;
	[dreg:$0x0] =	wrdreg $0x0  }
0xa8: {  	s5 =	sshll.u32 s28, $0x1;
	[dreg:$0x2] =	wrdreg s3  }
0xa9: {  	[dreg:$0x3] =	wrdreg s5  }
0xaa: {  	[dreg:$0x4] =	wrdreg $0xC0  }
0xab: {  	_ =	task [dreg:s7], $0x5FFFF  }
0xac: {  	[dreg:$0x1] =	wrdreg $0xFFFFFFFF  }
0xad: {  	[dreg:$0x0] =	wrdreg $0x60  }
0xae: {  	[dreg:$0x2] =	wrdreg s24  }
0xaf: {  	[dreg:$0x3] =	wrdreg s2  }
0xb0: {  	[dreg:$0x4] =	wrdreg $0x8C800  }
0xb1: {  	[dreg:$0x5] =	wrdreg $0x9  }
0xb2: {  	_ =	task.clear_ibuf [dreg:s7], $0x6FFFF;
	_ =	strace $0x9000004C  }
0xb3: {  	s29 =	simm.s32 $0x9;
	_ =	strace $0x8000004E  }
0xb4: {  	_ =	swait.ge [sflag:s29], $0x1  }
0xb5: {  	[sflag:s29] =	ssyncadd.s32 $0xFFFFFFFF  }
0xb6: {  	_ =	strace $0x9000004E  }
0xb7: {  	_ =	sfence  }
0xb8: {  	s30 =	sld [smem:$0x0];
	_ =	sdelay $0x2  }
0xb9: {  	s31 =	sshll.u32 s1, $0xD;
	s1 =	sshrl.u32 s1, $0x2  }
0xba: {  	s3 =	sand.u32 $0x4000, s31;
	s1 =	sadd.s32 s1, s30  }
0xbb: {  	s0 =	sor.u32 s3, s0;
	s1 =	sshll.u32 s1, $0x11  }
0xbc: {  	s0 =	sor.u32 s1, s0  }
0xbd: {  	s0 =	sadd.s32 $0x8F2B, s0  }
0xbe: {  	[sflag:s0] =	ssyncadd.remote.s32 $0x1  }
0xbf: {  	_ =	sfence.sel $0xFFFF  }
0xc0: {  	[dreg:$0x0] =	wrdreg $0xFFFFFFFF;
	(pc) =	sbr.abs _section_cstart, $3  }
0xc1: {  	[dreg:$0x1] =	wrdreg $0xFFFFFFFF  }
0xc2: {  	_ =	task.clear_ibuf [dreg:s7], $0x2FFFF;
	_ =	strace $0x9FFFFFFF  }
0xc3: {  	(tm) =	ssettm $0x7FFFFFFF  }
tec
execute0_lowered:
.L_overlay_start_1:
0x0: {  	(tag) =	ssettag $0x1  }
0x1: {  	s0 =	rddreg [dreg:$0x0]  }
0x2: {  	s2 =	rddreg [dreg:$0x1]  }
0x3: {  	s1 =	rddreg [dreg:$0x2];
	s3 =	simm.s32 $0x0  }
0x4: {  	s4 =	srdreg.scid;
	s13 =	stileid.u32;
	s28 =	simm.s32 $0x4  }
0x5: {  	s29 =	simm.s32 $0x980;
	s30 =	simm.s32 $0x300;
	s31 =	simm.s32 $0x340  }
0x6: {  	[smem:$0x7FF] =	sst s3;
	s5 =	sand.u32 $0x1, s4;
	s7 =	smul.u32 $0x2800, s13  }
0x7: {  	s14 =	sshll.u32 s13, $0x2;
	s4 =	sadd.s32 $0xB3800, s0;
	s10 =	smul.u32 $0x50000, s13  }
0x8: {  	s9 =	sadd.s32 $0x37600, s0;
	s11 =	sadd.s32 $0x2A00, s0;
	s12 =	smul.u32 $0x5800, s13  }
0x9: {  	s19 =	sshll.u32 s13, $0x6;
	s21 =	smul.u32 $0xB000, s13;
	s13 =	simm.s32 $0x0  }
0xa: {  	s6 =	sshll.u32 s5, $0x6;
	_ =	strace $0x8000004D;
	s8 =	smul.u32 $0x28000, s5  }
0xb: {  	s15 =	ssub.s32 $0x2, s5;
	[dreg:$0x4] =	wrdreg s11;
	s18 =	smul.u32 $0x58000, s5  }
0xc: {  	s11 =	sor.u32 $0x1C05, s19;
	s5 =	smul.u32 $0xB0000, s5;
	s19 =	simm.s32 $0x400  }
0xd: {  	s6 =	sor.u32 s14, s6;
	s16 =	sshrl.u32 s15, $0x1;
	s17 =	sshrl.u32 s10, $0x2  }
0xe: {  	[dreg:$0x5] =	wrdreg s11;
	s6 =	sadd.s32 s6, s0;
	s7 =	sadd.s32 s7, s8  }
0xf: {  	s8 =	sadd.s32 s17, s1;
	s20 =	sadd.s32 s12, s18;
	s24 =	sadd.s32 s21, s5  }
0x10: {  	s18 =	simm.s32 $0x1;
	s21 =	simm.s32 $0xC00;
	s0 =	sadd.s32 s7, s0  }
0x11: {  	s7 =	ssub.s32 s15, s16;
	s14 =	sadd.s32 $0x63600, s6;
	s6 =	sadd.s32 $0x63602, s6  }
0x12: {  	s23 =	sshrl.u32 s20, $0x3;
	s25 =	sadd.s32 $0x2C00, s20;
	s26 =	sshrl.u32 s24, $0x3  }
0x13: {  	s12 =	sshrl.u32 s8, $0x3;
	s16 =	simm.s32 $0x5;
	s20 =	simm.s32 $0x40  }
0x14: {  	s15 =	simm.s32 $0x2C0;
	s8 =	simm.s32 $0xB00;
	[dreg:$0x6] =	wrdreg s14  }
0x15: {  	[dreg:$0x7] =	wrdreg s6;
	s0 =	sadd.s32 $0x103800, s0;
	s22 =	smax.u32 s7, $0x1  }
0x16: {  	s5 =	sshrl.u32 s25, $0x3;
	s6 =	sadd.s32 s26, s9;
	[dreg:$0xe] =	wrdreg s12  }
0x17: {  	s26 =	simm.s32 $0x3;
	s14 =	simm.s32 $0x880;
	[dreg:$0x8] =	wrdreg s0  }
0x18: {  	s25 =	simm.s32 $0x900;
	s7 =	simm.s32 $0x3C0;
	[dreg:$0x9] =	wrdreg s22  }
0x19: {  	s0 =	sadd.s32 s23, s2;
	[dreg:$0xb] =	wrdreg s6;
	s2 =	sadd.s32 s5, s2  }
.Ltmp0:
0x1a: {  	s22 =	simm.s32 $0x4C00;
	s23 =	simm.s32 $0x80;
	(pc) =	sbr.rel .LBB2_1-.Ltmp0, $4  }
0x1b: {  	s6 =	simm.s32 $0x280;
	[dreg:$0xa] =	wrdreg s0;
	s0 =	sadd.s32 $0x5800, s24  }
0x1c: {  	s5 =	simm.s32 $0x380;
	[dreg:$0xc] =	wrdreg s2;
	s0 =	sshrl.u32 s0, $0x3  }
0x1d: {  	s24 =	simm.s32 $0x2;
	s2 =	simm.s32 $0xA80;
	s0 =	sadd.s32 s0, s9  }
0x1e: {  	s9 =	simm.s32 $0xB80;
	[dreg:$0xd] =	wrdreg s0;
	s0 =	simm.s32 $0xA00  }
.LBB2_9:
0x1f: {  	[bflag:$0x0] =	sbarrier.arrive $0xFFFF  }
0x20: {  	s11 =	rddreg [dreg:$0x5]  }
0x21: {  	s10 =	rddreg [dreg:$0x8]  }
0x22: {  	s12 =	rddreg [dreg:$0xe]  }
0x23: {  	[hbm:s10], [sflag:s11] =	dma.local [spmem:s12], $0x2800  }
0x24: {  	_ =	swait.ge [sflag:s16], $0x2800  }
0x25: {  	s13 =	rddreg [dreg:$0xf]  }
0x26: {  	s17 =	rddreg [dreg:$0x9];
	s13 =	sadd.s32 $0x1, s13  }
0x27: {  	p0 =	sne.s32 s13, s17  }
.Ltmp1:
0x28: {  	_ = 	snop;
	(pc) =	sbr.rel @!p0 .LBB2_10-.Ltmp1, $3  }
0x29: {  	_ =	sdelay $0x1  }
0x2a: {  	[sflag:s16] =	ssyncset.done $0x0  }
0x2b: {  	[sflag:s16] =	ssyncadd.s32 $0xFFFFD800  }
.LBB2_1:
0x2c: {  	[dreg:$0xf] =	wrdreg s13  }
0x2d: {  	s10 =	rddreg [dreg:$0x4]  }
0x2e: {  	[spmem:s12], [sflag:s11] =	dma.local [hbm:s10], $0x2800  }
0x2f: {  	_ =	swait.ge [sflag:s16], $0x2800  }
0x30: {  	[sflag:s16] =	ssyncset.done $0x0  }
0x31: {  	[sflag:s16] =	ssyncadd.s32 $0xFFFFD800  }
0x32: {  	[bflag:$0x0] =	sbarrier.arrive $0xFFFF  }
0x33: {  	s17 =	simm.s32 $0x8C00;
	s13 =	rddreg [dreg:$0x6]  }
0x34: {  	[tilespmem:s17], [sflag:$0x5] =	stream.linear.gather [hbm4b:s13+s3], $0x10, $0x38;
	[tilespmem:$0x1CC80] =	vst v63  }
0x35: {  	_ =	swait.ge [sflag:s16], $0x10  }
0x36: {  	[sflag:s16] =	ssyncset.done $0x0  }
0x37: {  	[sflag:s16] =	ssyncadd.s32 $0xFFFFFFF0  }
0x38: {  	v0 =	vld [tilespmem:$0x8C00];
	_ =	sdelay $0x4  }
0x39: {  	(v2sf) =	vpush v0, $0x0;
	_ =	sdelay $0xe  }
0x3a: {  	s10 =	spop (v2sf)  }
0x3b: {  	s12 =	sand.u32 $0x3FF, s10;
	s13 =	sshra.s32 s10, $0x1F  }
.Ltmp2:
0x3c: {  	p0 =	slt.s32 s10, $0x1;
	p1 =	sne.s32 s12, $0x0;
	(pc) =	sbr.rel .LBB2_2-.Ltmp2, $4  }
0x3d: {  	s17 =	sshrl.u32 s13, $0x16;
	p0 =	por !p0, !p1  }
0x3e: {  	s11 =	simm.s32 $0x1;
	s10 =	sadd.s32 s17, s10;
	p0 =	por !p0, !p0  }
0x3f: {  	s17 =	rddreg [dreg:$0xa];
	s10 =	sshra.s32 s10, $0xA;
	s11 =	simm.s32 @!p0 $0x0  }
0x40: {  	s12 =	simm.s32 $0x0;
	s10 =	ssub.s32 s10, s11;
	s11 =	rddreg [dreg:$0xb]  }
.LBB2_4:
0x41: {  	s12 =	sadd.s32 $0x1, s12  }
0x42: {  	p0 =	sne.s32 s12, $0xB  }
.Ltmp3:
0x43: {  	_ = 	snop;
	(pc) =	sbr.rel @!p0 .LBB2_5-.Ltmp3, $2  }
0x44: {  	_ =	sdelay $0x2  }
0x45: {  	s17 =	sadd.s32 $0x80, s17;
	s11 =	sadd.s32 $0x100, s11  }
.LBB2_2:
0x46: {  	p0 =	sge.s32 s12, s10  }
.Ltmp4:
0x47: {  	_ = 	snop;
	(pc) =	sbr.rel @p0 .LBB2_4-.Ltmp4, $1  }
0x48: {  	_ =	sdelay $0x3  }
0x49: {  	[tilespmem:s3], [sflag:$0x5] =	stream.linear.gather [hbm4b:s17+s3], $0x400, $0x38;
	[tilespmem:$0x1CC80] =	vst v63  }
0x4a: {  	_ =	swait.ge [sflag:s16], $0x400  }
0x4b: {  	[sflag:s16] =	ssyncset.done $0x0  }
0x4c: {  	[sflag:s16] =	ssyncadd.s32 $0xFFFFFC00  }
0x4d: {  	[tilespmem:s19], [sflag:$0x5] =	stream.linear.gather [hbm4b:s11+s3], $0x800, $0x38;
	[tilespmem:$0x1CC80] =	vst v63  }
0x4e: {  	_ =	swait.ge [sflag:s16], $0x800  }
0x4f: {  	[sflag:s16] =	ssyncset.done $0x0  }
0x50: {  	[sflag:s16] =	ssyncadd.s32 $0xFFFFF800  }
0x51: {  	[tilespmem:s21], [sflag:$0x1] =	stream.indirect.gather [hbm4b:s4+s20], $0x100, s3, s20, $0xb8;
	[tilespmem:$0x1CC80] =	vst v63  }
0x52: {  	_ = 	snop  }
0x53: {  	[tilespmem:s22], [sflag:$0x2] =	stream.indirect.gather [hbm4b:s4+s20], $0x100, s20, s20, $0xb8;
	[tilespmem:$0x1CC80] =	vst v63  }
0x54: {  	_ =	swait.ge [sflag:s18], $0x4000  }
0x55: {  	[sflag:s18] =	ssyncset.done $0x0  }
0x56: {  	[sflag:s18] =	ssyncadd.s32 $0xFFFFC000  }
0x57: {  	[spmem:s1] =	stream.indirect.scatter.add.f32 [tilespmem:s21], [sflag:$0x3], $0x80, s19, s23, $0xb8;
	[tilespmem:$0x1CC80] =	vst v63  }
0x58: {  	_ =	swait.ge [sflag:s24], $0x4000  }
0x59: {  	[sflag:s24] =	ssyncset.done $0x0  }
0x5a: {  	s13 =	simm.s32 $0x480;
	[sflag:s24] =	ssyncadd.s32 $0xFFFFC000  }
0x5b: {  	[spmem:s1] =	stream.indirect.scatter.add.f32 [tilespmem:s22], [sflag:$0x4], $0x80, s13, s23, $0xb8;
	[tilespmem:$0x1CC80] =	vst v63  }
0x5c: {  	_ =	swait.ge [sflag:s26], $0x4000  }
0x5d: {  	[sflag:s26] =	ssyncset.done $0x0  }
0x5e: {  	[sflag:s26] =	ssyncadd.s32 $0xFFFFC000  }
0x5f: {  	[tilespmem:s21], [sflag:$0x1] =	stream.indirect.gather [hbm4b:s4+s20], $0x100, s23, s20, $0xb8;
	[tilespmem:$0x1CC80] =	vst v63  }
0x60: {  	_ =	swait.ge [sflag:s28], $0x4000  }
0x61: {  	[sflag:s28] =	ssyncset.done $0x0  }
0x62: {  	s13 =	simm.s32 $0xC0;
	[sflag:s28] =	ssyncadd.s32 $0xFFFFC000  }
0x63: {  	[tilespmem:s22], [sflag:$0x2] =	stream.indirect.gather [hbm4b:s4+s20], $0x100, s13, s20, $0xb8;
	[tilespmem:$0x1CC80] =	vst v63  }
0x64: {  	_ =	swait.ge [sflag:s18], $0x4000  }
0x65: {  	[sflag:s18] =	ssyncset.done $0x0  }
0x66: {  	s13 =	simm.s32 $0x500;
	[sflag:s18] =	ssyncadd.s32 $0xFFFFC000  }
0x67: {  	[spmem:s1] =	stream.indirect.scatter.add.f32 [tilespmem:s21], [sflag:$0x3], $0x80, s13, s23, $0xb8;
	[tilespmem:$0x1CC80] =	vst v63  }
0x68: {  	_ =	swait.ge [sflag:s24], $0x4000  }
0x69: {  	[sflag:s24] =	ssyncset.done $0x0  }
0x6a: {  	s13 =	simm.s32 $0x580;
	[sflag:s24] =	ssyncadd.s32 $0xFFFFC000  }
0x6b: {  	[spmem:s1] =	stream.indirect.scatter.add.f32 [tilespmem:s22], [sflag:$0x4], $0x80, s13, s23, $0xb8;
	[tilespmem:$0x1CC80] =	vst v63  }
0x6c: {  	_ =	swait.ge [sflag:s26], $0x4000  }
0x6d: {  	[sflag:s26] =	ssyncset.done $0x0  }
0x6e: {  	s13 =	simm.s32 $0x100;
	[sflag:s26] =	ssyncadd.s32 $0xFFFFC000  }
0x6f: {  	[tilespmem:s21], [sflag:$0x1] =	stream.indirect.gather [hbm4b:s4+s20], $0x100, s13, s20, $0xb8;
	[tilespmem:$0x1CC80] =	vst v63  }
0x70: {  	_ =	swait.ge [sflag:s28], $0x4000  }
0x71: {  	[sflag:s28] =	ssyncset.done $0x0  }
0x72: {  	s13 =	simm.s32 $0x140;
	[sflag:s28] =	ssyncadd.s32 $0xFFFFC000  }
0x73: {  	[tilespmem:s22], [sflag:$0x2] =	stream.indirect.gather [hbm4b:s4+s20], $0x100, s13, s20, $0xb8;
	[tilespmem:$0x1CC80] =	vst v63  }
0x74: {  	_ =	swait.ge [sflag:s18], $0x4000  }
0x75: {  	[sflag:s18] =	ssyncset.done $0x0  }
0x76: {  	s13 =	simm.s32 $0x600;
	[sflag:s18] =	ssyncadd.s32 $0xFFFFC000  }
0x77: {  	[spmem:s1] =	stream.indirect.scatter.add.f32 [tilespmem:s21], [sflag:$0x3], $0x80, s13, s23, $0xb8;
	[tilespmem:$0x1CC80] =	vst v63  }
0x78: {  	_ =	swait.ge [sflag:s24], $0x4000  }
0x79: {  	[sflag:s24] =	ssyncset.done $0x0  }
0x7a: {  	s13 =	simm.s32 $0x680;
	[sflag:s24] =	ssyncadd.s32 $0xFFFFC000  }
0x7b: {  	[spmem:s1] =	stream.indirect.scatter.add.f32 [tilespmem:s22], [sflag:$0x4], $0x80, s13, s23, $0xb8;
	[tilespmem:$0x1CC80] =	vst v63  }
0x7c: {  	_ =	swait.ge [sflag:s26], $0x4000  }
0x7d: {  	[sflag:s26] =	ssyncset.done $0x0  }
0x7e: {  	s13 =	simm.s32 $0x180;
	[sflag:s26] =	ssyncadd.s32 $0xFFFFC000  }
0x7f: {  	[tilespmem:s21], [sflag:$0x1] =	stream.indirect.gather [hbm4b:s4+s20], $0x100, s13, s20, $0xb8;
	[tilespmem:$0x1CC80] =	vst v63  }
0x80: {  	_ =	swait.ge [sflag:s28], $0x4000  }
0x81: {  	[sflag:s28] =	ssyncset.done $0x0  }
0x82: {  	s13 =	simm.s32 $0x1C0;
	[sflag:s28] =	ssyncadd.s32 $0xFFFFC000  }
0x83: {  	[tilespmem:s22], [sflag:$0x2] =	stream.indirect.gather [hbm4b:s4+s20], $0x100, s13, s20, $0xb8;
	[tilespmem:$0x1CC80] =	vst v63  }
0x84: {  	_ =	swait.ge [sflag:s18], $0x4000  }
0x85: {  	[sflag:s18] =	ssyncset.done $0x0  }
0x86: {  	s13 =	simm.s32 $0x700;
	[sflag:s18] =	ssyncadd.s32 $0xFFFFC000  }
0x87: {  	[spmem:s1] =	stream.indirect.scatter.add.f32 [tilespmem:s21], [sflag:$0x3], $0x80, s13, s23, $0xb8;
	[tilespmem:$0x1CC80] =	vst v63  }
0x88: {  	_ =	swait.ge [sflag:s24], $0x4000  }
0x89: {  	[sflag:s24] =	ssyncset.done $0x0  }
0x8a: {  	s13 =	simm.s32 $0x780;
	[sflag:s24] =	ssyncadd.s32 $0xFFFFC000  }
0x8b: {  	[spmem:s1] =	stream.indirect.scatter.add.f32 [tilespmem:s22], [sflag:$0x4], $0x80, s13, s23, $0xb8;
	[tilespmem:$0x1CC80] =	vst v63  }
0x8c: {  	_ =	swait.ge [sflag:s26], $0x4000  }
0x8d: {  	[sflag:s26] =	ssyncset.done $0x0  }
0x8e: {  	s13 =	simm.s32 $0x200;
	[sflag:s26] =	ssyncadd.s32 $0xFFFFC000  }
0x8f: {  	[tilespmem:s21], [sflag:$0x1] =	stream.indirect.gather [hbm4b:s4+s20], $0x100, s13, s20, $0xb8;
	[tilespmem:$0x1CC80] =	vst v63  }
0x90: {  	_ =	swait.ge [sflag:s28], $0x4000  }
0x91: {  	[sflag:s28] =	ssyncset.done $0x0  }
0x92: {  	s13 =	simm.s32 $0x240;
	[sflag:s28] =	ssyncadd.s32 $0xFFFFC000  }
0x93: {  	[tilespmem:s22], [sflag:$0x2] =	stream.indirect.gather [hbm4b:s4+s20], $0x100, s13, s20, $0xb8;
	[tilespmem:$0x1CC80] =	vst v63  }
0x94: {  	_ =	swait.ge [sflag:s18], $0x4000  }
0x95: {  	[sflag:s18] =	ssyncset.done $0x0  }
0x96: {  	s13 =	simm.s32 $0x800;
	[sflag:s18] =	ssyncadd.s32 $0xFFFFC000  }
0x97: {  	[spmem:s1] =	stream.indirect.scatter.add.f32 [tilespmem:s21], [sflag:$0x3], $0x80, s13, s23, $0xb8;
	[tilespmem:$0x1CC80] =	vst v63  }
0x98: {  	_ =	swait.ge [sflag:s24], $0x4000  }
0x99: {  	[sflag:s24] =	ssyncset.done $0x0  }
0x9a: {  	[sflag:s24] =	ssyncadd.s32 $0xFFFFC000  }
0x9b: {  	[spmem:s1] =	stream.indirect.scatter.add.f32 [tilespmem:s22], [sflag:$0x4], $0x80, s14, s23, $0xb8;
	[tilespmem:$0x1CC80] =	vst v63  }
0x9c: {  	_ =	swait.ge [sflag:s26], $0x4000  }
0x9d: {  	[sflag:s26] =	ssyncset.done $0x0  }
0x9e: {  	[sflag:s26] =	ssyncadd.s32 $0xFFFFC000  }
0x9f: {  	[tilespmem:s21], [sflag:$0x1] =	stream.indirect.gather [hbm4b:s4+s20], $0x100, s6, s20, $0xb8;
	[tilespmem:$0x1CC80] =	vst v63  }
0xa0: {  	_ =	swait.ge [sflag:s28], $0x4000  }
0xa1: {  	[sflag:s28] =	ssyncset.done $0x0  }
0xa2: {  	[sflag:s28] =	ssyncadd.s32 $0xFFFFC000  }
0xa3: {  	[tilespmem:s22], [sflag:$0x2] =	stream.indirect.gather [hbm4b:s4+s20], $0x100, s15, s20, $0xb8;
	[tilespmem:$0x1CC80] =	vst v63  }
0xa4: {  	_ =	swait.ge [sflag:s18], $0x4000  }
0xa5: {  	[sflag:s18] =	ssyncset.done $0x0  }
0xa6: {  	[sflag:s18] =	ssyncadd.s32 $0xFFFFC000  }
0xa7: {  	[spmem:s1] =	stream.indirect.scatter.add.f32 [tilespmem:s21], [sflag:$0x3], $0x80, s25, s23, $0xb8;
	[tilespmem:$0x1CC80] =	vst v63  }
0xa8: {  	_ =	swait.ge [sflag:s24], $0x4000  }
0xa9: {  	[sflag:s24] =	ssyncset.done $0x0  }
0xaa: {  	[sflag:s24] =	ssyncadd.s32 $0xFFFFC000  }
0xab: {  	[spmem:s1] =	stream.indirect.scatter.add.f32 [tilespmem:s22], [sflag:$0x4], $0x80, s29, s23, $0xb8;
	[tilespmem:$0x1CC80] =	vst v63  }
0xac: {  	_ =	swait.ge [sflag:s26], $0x4000  }
0xad: {  	[sflag:s26] =	ssyncset.done $0x0  }
0xae: {  	[sflag:s26] =	ssyncadd.s32 $0xFFFFC000  }
0xaf: {  	[tilespmem:s21], [sflag:$0x1] =	stream.indirect.gather [hbm4b:s4+s20], $0x100, s30, s20, $0xb8;
	[tilespmem:$0x1CC80] =	vst v63  }
0xb0: {  	_ =	swait.ge [sflag:s28], $0x4000  }
0xb1: {  	[sflag:s28] =	ssyncset.done $0x0  }
0xb2: {  	[sflag:s28] =	ssyncadd.s32 $0xFFFFC000  }
0xb3: {  	[tilespmem:s22], [sflag:$0x2] =	stream.indirect.gather [hbm4b:s4+s20], $0x100, s31, s20, $0xb8;
	[tilespmem:$0x1CC80] =	vst v63  }
0xb4: {  	_ =	swait.ge [sflag:s18], $0x4000  }
0xb5: {  	[sflag:s18] =	ssyncset.done $0x0  }
0xb6: {  	[sflag:s18] =	ssyncadd.s32 $0xFFFFC000  }
0xb7: {  	[spmem:s1] =	stream.indirect.scatter.add.f32 [tilespmem:s21], [sflag:$0x3], $0x80, s0, s23, $0xb8;
	[tilespmem:$0x1CC80] =	vst v63  }
0xb8: {  	_ =	swait.ge [sflag:s24], $0x4000  }
0xb9: {  	[sflag:s24] =	ssyncset.done $0x0  }
0xba: {  	[sflag:s24] =	ssyncadd.s32 $0xFFFFC000  }
0xbb: {  	[spmem:s1] =	stream.indirect.scatter.add.f32 [tilespmem:s22], [sflag:$0x4], $0x80, s2, s23, $0xb8;
	[tilespmem:$0x1CC80] =	vst v63  }
0xbc: {  	_ =	swait.ge [sflag:s26], $0x4000  }
0xbd: {  	[sflag:s26] =	ssyncset.done $0x0  }
0xbe: {  	[sflag:s26] =	ssyncadd.s32 $0xFFFFC000  }
0xbf: {  	[tilespmem:s21], [sflag:$0x1] =	stream.indirect.gather [hbm4b:s4+s20], $0x100, s5, s20, $0xb8;
	[tilespmem:$0x1CC80] =	vst v63  }
0xc0: {  	_ =	swait.ge [sflag:s28], $0x4000  }
0xc1: {  	[sflag:s28] =	ssyncset.done $0x0  }
0xc2: {  	[sflag:s28] =	ssyncadd.s32 $0xFFFFC000  }
0xc3: {  	[tilespmem:s22], [sflag:$0x2] =	stream.indirect.gather [hbm4b:s4+s20], $0x100, s7, s20, $0xb8;
	[tilespmem:$0x1CC80] =	vst v63  }
0xc4: {  	_ =	swait.ge [sflag:s18], $0x4000  }
0xc5: {  	[sflag:s18] =	ssyncset.done $0x0  }
0xc6: {  	[sflag:s18] =	ssyncadd.s32 $0xFFFFC000  }
0xc7: {  	[spmem:s1] =	stream.indirect.scatter.add.f32 [tilespmem:s21], [sflag:$0x3], $0x80, s8, s23, $0xb8;
	[tilespmem:$0x1CC80] =	vst v63  }
0xc8: {  	_ =	swait.ge [sflag:s24], $0x4000  }
0xc9: {  	[sflag:s24] =	ssyncset.done $0x0  }
0xca: {  	[sflag:s24] =	ssyncadd.s32 $0xFFFFC000  }
0xcb: {  	[spmem:s1] =	stream.indirect.scatter.add.f32 [tilespmem:s22], [sflag:$0x4], $0x80, s9, s23, $0xb8;
	[tilespmem:$0x1CC80] =	vst v63  }
0xcc: {  	_ =	swait.ge [sflag:s26], $0x4000  }
.Ltmp5:
0xcd: {  	[sflag:s26] =	ssyncset.done $0x0;
	(pc) =	sbr.rel .LBB2_4-.Ltmp5, $4  }
0xce: {  	[sflag:s26] =	ssyncadd.s32 $0xFFFFC000  }
0xcf: {  	_ =	swait.ge [sflag:s28], $0x4000  }
0xd0: {  	[sflag:s28] =	ssyncset.done $0x0  }
0xd1: {  	[sflag:s28] =	ssyncadd.s32 $0xFFFFC000  }
.LBB2_5:
0xd2: {  	s10 =	simm.s32 $0x0;
	s11 =	rddreg [dreg:$0x7];
	s12 =	simm.s32 $0x8C00  }
0xd3: {  	[tilespmem:s12], [sflag:$0x5] =	stream.linear.gather [hbm4b:s11+s10], $0x10, $0x38;
	[tilespmem:$0x1CC80] =	vst v63  }
0xd4: {  	_ =	swait.ge [sflag:s16], $0x10  }
0xd5: {  	[sflag:s16] =	ssyncset.done $0x0  }
0xd6: {  	[sflag:s16] =	ssyncadd.s32 $0xFFFFFFF0  }
0xd7: {  	v0 =	vld [tilespmem:$0x8C00];
	_ =	sdelay $0x4  }
0xd8: {  	(v2sf) =	vpush v0, $0x0;
	_ =	sdelay $0xe  }
0xd9: {  	s11 =	spop (v2sf)  }
0xda: {  	s13 =	sand.u32 $0x3FF, s11;
	s17 =	sshra.s32 s11, $0x1F  }
.Ltmp6:
0xdb: {  	p0 =	slt.s32 s11, $0x1;
	p1 =	sne.s32 s13, $0x0;
	(pc) =	sbr.rel .LBB2_6-.Ltmp6, $4  }
0xdc: {  	s17 =	sshrl.u32 s17, $0x16;
	p0 =	por !p0, !p1  }
0xdd: {  	s12 =	simm.s32 $0x1;
	s11 =	sadd.s32 s17, s11;
	p0 =	por !p0, !p0  }
0xde: {  	s17 =	rddreg [dreg:$0xd];
	s11 =	sshra.s32 s11, $0xA;
	s12 =	simm.s32 @!p0 $0x0  }
0xdf: {  	s11 =	ssub.s32 s11, s12;
	s12 =	rddreg [dreg:$0xc]  }
.LBB2_8:
0xe0: {  	s10 =	sadd.s32 $0x1, s10  }
0xe1: {  	p0 =	sne.s32 s10, $0xB  }
.Ltmp7:
0xe2: {  	_ = 	snop;
	(pc) =	sbr.rel @!p0 .LBB2_9-.Ltmp7, $2  }
0xe3: {  	_ =	sdelay $0x2  }
0xe4: {  	s12 =	sadd.s32 $0x80, s12;
	s17 =	sadd.s32 $0x100, s17  }
.LBB2_6:
0xe5: {  	p0 =	sge.s32 s10, s11  }
.Ltmp8:
0xe6: {  	_ = 	snop;
	(pc) =	sbr.rel @p0 .LBB2_8-.Ltmp8, $1  }
0xe7: {  	_ =	sdelay $0x3  }
0xe8: {  	[tilespmem:s3], [sflag:$0x5] =	stream.linear.gather [hbm4b:s12+s3], $0x400, $0x38;
	[tilespmem:$0x1CC80] =	vst v63  }
0xe9: {  	_ =	swait.ge [sflag:s16], $0x400  }
0xea: {  	[sflag:s16] =	ssyncset.done $0x0  }
0xeb: {  	[sflag:s16] =	ssyncadd.s32 $0xFFFFFC00  }
0xec: {  	[tilespmem:s19], [sflag:$0x5] =	stream.linear.gather [hbm4b:s17+s3], $0x800, $0x38;
	[tilespmem:$0x1CC80] =	vst v63  }
0xed: {  	_ =	swait.ge [sflag:s16], $0x800  }
0xee: {  	[sflag:s16] =	ssyncset.done $0x0  }
0xef: {  	[sflag:s16] =	ssyncadd.s32 $0xFFFFF800  }
0xf0: {  	[tilespmem:s21], [sflag:$0x1] =	stream.indirect.gather [hbm4b:s4+s20], $0x100, s3, s20, $0xb8;
	[tilespmem:$0x1CC80] =	vst v63  }
0xf1: {  	_ = 	snop  }
0xf2: {  	[tilespmem:s22], [sflag:$0x2] =	stream.indirect.gather [hbm4b:s4+s20], $0x100, s20, s20, $0xb8;
	[tilespmem:$0x1CC80] =	vst v63  }
0xf3: {  	_ =	swait.ge [sflag:s18], $0x4000  }
0xf4: {  	[sflag:s18] =	ssyncset.done $0x0  }
0xf5: {  	[sflag:s18] =	ssyncadd.s32 $0xFFFFC000  }
0xf6: {  	[spmem:s1] =	stream.indirect.scatter.add.f32 [tilespmem:s21], [sflag:$0x3], $0x80, s19, s23, $0xb8;
	[tilespmem:$0x1CC80] =	vst v63  }
0xf7: {  	_ =	swait.ge [sflag:s24], $0x4000  }
0xf8: {  	[sflag:s24] =	ssyncset.done $0x0  }
0xf9: {  	s13 =	simm.s32 $0x480;
	[sflag:s24] =	ssyncadd.s32 $0xFFFFC000  }
0xfa: {  	[spmem:s1] =	stream.indirect.scatter.add.f32 [tilespmem:s22], [sflag:$0x4], $0x80, s13, s23, $0xb8;
	[tilespmem:$0x1CC80] =	vst v63  }
0xfb: {  	_ =	swait.ge [sflag:s26], $0x4000  }
0xfc: {  	[sflag:s26] =	ssyncset.done $0x0  }
0xfd: {  	[sflag:s26] =	ssyncadd.s32 $0xFFFFC000  }
0xfe: {  	[tilespmem:s21], [sflag:$0x1] =	stream.indirect.gather [hbm4b:s4+s20], $0x100, s23, s20, $0xb8;
	[tilespmem:$0x1CC80] =	vst v63  }
0xff: {  	_ =	swait.ge [sflag:s28], $0x4000  }
0x100: {  	[sflag:s28] =	ssyncset.done $0x0  }
0x101: {  	s13 =	simm.s32 $0xC0;
	[sflag:s28] =	ssyncadd.s32 $0xFFFFC000  }
0x102: {  	[tilespmem:s22], [sflag:$0x2] =	stream.indirect.gather [hbm4b:s4+s20], $0x100, s13, s20, $0xb8;
	[tilespmem:$0x1CC80] =	vst v63  }
0x103: {  	_ =	swait.ge [sflag:s18], $0x4000  }
0x104: {  	[sflag:s18] =	ssyncset.done $0x0  }
0x105: {  	s13 =	simm.s32 $0x500;
	[sflag:s18] =	ssyncadd.s32 $0xFFFFC000  }
0x106: {  	[spmem:s1] =	stream.indirect.scatter.add.f32 [tilespmem:s21], [sflag:$0x3], $0x80, s13, s23, $0xb8;
	[tilespmem:$0x1CC80] =	vst v63  }
0x107: {  	_ =	swait.ge [sflag:s24], $0x4000  }
0x108: {  	[sflag:s24] =	ssyncset.done $0x0  }
0x109: {  	s13 =	simm.s32 $0x580;
	[sflag:s24] =	ssyncadd.s32 $0xFFFFC000  }
0x10a: {  	[spmem:s1] =	stream.indirect.scatter.add.f32 [tilespmem:s22], [sflag:$0x4], $0x80, s13, s23, $0xb8;
	[tilespmem:$0x1CC80] =	vst v63  }
0x10b: {  	_ =	swait.ge [sflag:s26], $0x4000  }
0x10c: {  	[sflag:s26] =	ssyncset.done $0x0  }
0x10d: {  	s13 =	simm.s32 $0x100;
	[sflag:s26] =	ssyncadd.s32 $0xFFFFC000  }
0x10e: {  	[tilespmem:s21], [sflag:$0x1] =	stream.indirect.gather [hbm4b:s4+s20], $0x100, s13, s20, $0xb8;
	[tilespmem:$0x1CC80] =	vst v63  }
0x10f: {  	_ =	swait.ge [sflag:s28], $0x4000  }
0x110: {  	[sflag:s28] =	ssyncset.done $0x0  }
0x111: {  	s13 =	simm.s32 $0x140;
	[sflag:s28] =	ssyncadd.s32 $0xFFFFC000  }
0x112: {  	[tilespmem:s22], [sflag:$0x2] =	stream.indirect.gather [hbm4b:s4+s20], $0x100, s13, s20, $0xb8;
	[tilespmem:$0x1CC80] =	vst v63  }
0x113: {  	_ =	swait.ge [sflag:s18], $0x4000  }
0x114: {  	[sflag:s18] =	ssyncset.done $0x0  }
0x115: {  	s13 =	simm.s32 $0x600;
	[sflag:s18] =	ssyncadd.s32 $0xFFFFC000  }
0x116: {  	[spmem:s1] =	stream.indirect.scatter.add.f32 [tilespmem:s21], [sflag:$0x3], $0x80, s13, s23, $0xb8;
	[tilespmem:$0x1CC80] =	vst v63  }
0x117: {  	_ =	swait.ge [sflag:s24], $0x4000  }
0x118: {  	[sflag:s24] =	ssyncset.done $0x0  }
0x119: {  	s13 =	simm.s32 $0x680;
	[sflag:s24] =	ssyncadd.s32 $0xFFFFC000  }
0x11a: {  	[spmem:s1] =	stream.indirect.scatter.add.f32 [tilespmem:s22], [sflag:$0x4], $0x80, s13, s23, $0xb8;
	[tilespmem:$0x1CC80] =	vst v63  }
0x11b: {  	_ =	swait.ge [sflag:s26], $0x4000  }
0x11c: {  	[sflag:s26] =	ssyncset.done $0x0  }
0x11d: {  	s13 =	simm.s32 $0x180;
	[sflag:s26] =	ssyncadd.s32 $0xFFFFC000  }
0x11e: {  	[tilespmem:s21], [sflag:$0x1] =	stream.indirect.gather [hbm4b:s4+s20], $0x100, s13, s20, $0xb8;
	[tilespmem:$0x1CC80] =	vst v63  }
0x11f: {  	_ =	swait.ge [sflag:s28], $0x4000  }
0x120: {  	[sflag:s28] =	ssyncset.done $0x0  }
0x121: {  	s13 =	simm.s32 $0x1C0;
	[sflag:s28] =	ssyncadd.s32 $0xFFFFC000  }
0x122: {  	[tilespmem:s22], [sflag:$0x2] =	stream.indirect.gather [hbm4b:s4+s20], $0x100, s13, s20, $0xb8;
	[tilespmem:$0x1CC80] =	vst v63  }
0x123: {  	_ =	swait.ge [sflag:s18], $0x4000  }
0x124: {  	[sflag:s18] =	ssyncset.done $0x0  }
0x125: {  	s13 =	simm.s32 $0x700;
	[sflag:s18] =	ssyncadd.s32 $0xFFFFC000  }
0x126: {  	[spmem:s1] =	stream.indirect.scatter.add.f32 [tilespmem:s21], [sflag:$0x3], $0x80, s13, s23, $0xb8;
	[tilespmem:$0x1CC80] =	vst v63  }
0x127: {  	_ =	swait.ge [sflag:s24], $0x4000  }
0x128: {  	[sflag:s24] =	ssyncset.done $0x0  }
0x129: {  	s13 =	simm.s32 $0x780;
	[sflag:s24] =	ssyncadd.s32 $0xFFFFC000  }
0x12a: {  	[spmem:s1] =	stream.indirect.scatter.add.f32 [tilespmem:s22], [sflag:$0x4], $0x80, s13, s23, $0xb8;
	[tilespmem:$0x1CC80] =	vst v63  }
0x12b: {  	_ =	swait.ge [sflag:s26], $0x4000  }
0x12c: {  	[sflag:s26] =	ssyncset.done $0x0  }
0x12d: {  	s13 =	simm.s32 $0x200;
	[sflag:s26] =	ssyncadd.s32 $0xFFFFC000  }
0x12e: {  	[tilespmem:s21], [sflag:$0x1] =	stream.indirect.gather [hbm4b:s4+s20], $0x100, s13, s20, $0xb8;
	[tilespmem:$0x1CC80] =	vst v63  }
0x12f: {  	_ =	swait.ge [sflag:s28], $0x4000  }
0x130: {  	[sflag:s28] =	ssyncset.done $0x0  }
0x131: {  	s13 =	simm.s32 $0x240;
	[sflag:s28] =	ssyncadd.s32 $0xFFFFC000  }
0x132: {  	[tilespmem:s22], [sflag:$0x2] =	stream.indirect.gather [hbm4b:s4+s20], $0x100, s13, s20, $0xb8;
	[tilespmem:$0x1CC80] =	vst v63  }
0x133: {  	_ =	swait.ge [sflag:s18], $0x4000  }
0x134: {  	[sflag:s18] =	ssyncset.done $0x0  }
0x135: {  	s13 =	simm.s32 $0x800;
	[sflag:s18] =	ssyncadd.s32 $0xFFFFC000  }
0x136: {  	[spmem:s1] =	stream.indirect.scatter.add.f32 [tilespmem:s21], [sflag:$0x3], $0x80, s13, s23, $0xb8;
	[tilespmem:$0x1CC80] =	vst v63  }
0x137: {  	_ =	swait.ge [sflag:s24], $0x4000  }
0x138: {  	[sflag:s24] =	ssyncset.done $0x0  }
0x139: {  	[sflag:s24] =	ssyncadd.s32 $0xFFFFC000  }
0x13a: {  	[spmem:s1] =	stream.indirect.scatter.add.f32 [tilespmem:s22], [sflag:$0x4], $0x80, s14, s23, $0xb8;
	[tilespmem:$0x1CC80] =	vst v63  }
0x13b: {  	_ =	swait.ge [sflag:s26], $0x4000  }
0x13c: {  	[sflag:s26] =	ssyncset.done $0x0  }
0x13d: {  	[sflag:s26] =	ssyncadd.s32 $0xFFFFC000  }
0x13e: {  	[tilespmem:s21], [sflag:$0x1] =	stream.indirect.gather [hbm4b:s4+s20], $0x100, s6, s20, $0xb8;
	[tilespmem:$0x1CC80] =	vst v63  }
0x13f: {  	_ =	swait.ge [sflag:s28], $0x4000  }
0x140: {  	[sflag:s28] =	ssyncset.done $0x0  }
0x141: {  	[sflag:s28] =	ssyncadd.s32 $0xFFFFC000  }
0x142: {  	[tilespmem:s22], [sflag:$0x2] =	stream.indirect.gather [hbm4b:s4+s20], $0x100, s15, s20, $0xb8;
	[tilespmem:$0x1CC80] =	vst v63  }
0x143: {  	_ =	swait.ge [sflag:s18], $0x4000  }
0x144: {  	[sflag:s18] =	ssyncset.done $0x0  }
0x145: {  	[sflag:s18] =	ssyncadd.s32 $0xFFFFC000  }
0x146: {  	[spmem:s1] =	stream.indirect.scatter.add.f32 [tilespmem:s21], [sflag:$0x3], $0x80, s25, s23, $0xb8;
	[tilespmem:$0x1CC80] =	vst v63  }
0x147: {  	_ =	swait.ge [sflag:s24], $0x4000  }
0x148: {  	[sflag:s24] =	ssyncset.done $0x0  }
0x149: {  	[sflag:s24] =	ssyncadd.s32 $0xFFFFC000  }
0x14a: {  	[spmem:s1] =	stream.indirect.scatter.add.f32 [tilespmem:s22], [sflag:$0x4], $0x80, s29, s23, $0xb8;
	[tilespmem:$0x1CC80] =	vst v63  }
0x14b: {  	_ =	swait.ge [sflag:s26], $0x4000  }
0x14c: {  	[sflag:s26] =	ssyncset.done $0x0  }
0x14d: {  	[sflag:s26] =	ssyncadd.s32 $0xFFFFC000  }
0x14e: {  	[tilespmem:s21], [sflag:$0x1] =	stream.indirect.gather [hbm4b:s4+s20], $0x100, s30, s20, $0xb8;
	[tilespmem:$0x1CC80] =	vst v63  }
0x14f: {  	_ =	swait.ge [sflag:s28], $0x4000  }
0x150: {  	[sflag:s28] =	ssyncset.done $0x0  }
0x151: {  	[sflag:s28] =	ssyncadd.s32 $0xFFFFC000  }
0x152: {  	[tilespmem:s22], [sflag:$0x2] =	stream.indirect.gather [hbm4b:s4+s20], $0x100, s31, s20, $0xb8;
	[tilespmem:$0x1CC80] =	vst v63  }
0x153: {  	_ =	swait.ge [sflag:s18], $0x4000  }
0x154: {  	[sflag:s18] =	ssyncset.done $0x0  }
0x155: {  	[sflag:s18] =	ssyncadd.s32 $0xFFFFC000  }
0x156: {  	[spmem:s1] =	stream.indirect.scatter.add.f32 [tilespmem:s21], [sflag:$0x3], $0x80, s0, s23, $0xb8;
	[tilespmem:$0x1CC80] =	vst v63  }
0x157: {  	_ =	swait.ge [sflag:s24], $0x4000  }
0x158: {  	[sflag:s24] =	ssyncset.done $0x0  }
0x159: {  	[sflag:s24] =	ssyncadd.s32 $0xFFFFC000  }
0x15a: {  	[spmem:s1] =	stream.indirect.scatter.add.f32 [tilespmem:s22], [sflag:$0x4], $0x80, s2, s23, $0xb8;
	[tilespmem:$0x1CC80] =	vst v63  }
0x15b: {  	_ =	swait.ge [sflag:s26], $0x4000  }
0x15c: {  	[sflag:s26] =	ssyncset.done $0x0  }
0x15d: {  	[sflag:s26] =	ssyncadd.s32 $0xFFFFC000  }
0x15e: {  	[tilespmem:s21], [sflag:$0x1] =	stream.indirect.gather [hbm4b:s4+s20], $0x100, s5, s20, $0xb8;
	[tilespmem:$0x1CC80] =	vst v63  }
0x15f: {  	_ =	swait.ge [sflag:s28], $0x4000  }
0x160: {  	[sflag:s28] =	ssyncset.done $0x0  }
0x161: {  	[sflag:s28] =	ssyncadd.s32 $0xFFFFC000  }
0x162: {  	[tilespmem:s22], [sflag:$0x2] =	stream.indirect.gather [hbm4b:s4+s20], $0x100, s7, s20, $0xb8;
	[tilespmem:$0x1CC80] =	vst v63  }
0x163: {  	_ =	swait.ge [sflag:s18], $0x4000  }
0x164: {  	[sflag:s18] =	ssyncset.done $0x0  }
0x165: {  	[sflag:s18] =	ssyncadd.s32 $0xFFFFC000  }
0x166: {  	[spmem:s1] =	stream.indirect.scatter.add.f32 [tilespmem:s21], [sflag:$0x3], $0x80, s8, s23, $0xb8;
	[tilespmem:$0x1CC80] =	vst v63  }
0x167: {  	_ =	swait.ge [sflag:s24], $0x4000  }
0x168: {  	[sflag:s24] =	ssyncset.done $0x0  }
0x169: {  	[sflag:s24] =	ssyncadd.s32 $0xFFFFC000  }
0x16a: {  	[spmem:s1] =	stream.indirect.scatter.add.f32 [tilespmem:s22], [sflag:$0x4], $0x80, s9, s23, $0xb8;
	[tilespmem:$0x1CC80] =	vst v63  }
0x16b: {  	_ =	swait.ge [sflag:s26], $0x4000  }
.Ltmp9:
0x16c: {  	[sflag:s26] =	ssyncset.done $0x0;
	(pc) =	sbr.rel .LBB2_8-.Ltmp9, $4  }
0x16d: {  	[sflag:s26] =	ssyncadd.s32 $0xFFFFC000  }
0x16e: {  	_ =	swait.ge [sflag:s28], $0x4000  }
0x16f: {  	[sflag:s28] =	ssyncset.done $0x0  }
0x170: {  	[sflag:s28] =	ssyncadd.s32 $0xFFFFC000  }
.LBB2_10:
0x171: {  	_ =	sfence.sel $0x180000  }
0x172: {  	[bflag:$0x0] =	sbarrier.arrive $0xFFFF  }
0x173: {  	_ =	strace $0x9000004D  }
0x174: {  	s0 =	stileid.u32;
	[bflag:$0x2] =	sbarrier.arrive $0xFFFF  }
0x175: {  	p0 =	sne.s32 s0, $0x0;
	s0 =	rddreg [dreg:$0x3]  }
0x176: {  	s0 =	sadd.s32 @!p0 $0x100000, s0  }
0x177: {  	[sflag:s0] =	ssyncadd.tile.s32 @!p0 $0x1;
	_ =	shalt  }
.Lfunc_end2:
_tile_overlayer_lowered:
.L_overlay_start_2:
0x178: {  	(tag) =	ssettag $0x2  }
0x179: {  	s0 =	rddreg [dreg:$0x0];
	s2 =	stileid.u32  }
0x17a: {  	s1 =	rddreg [dreg:$0x1];
	p0 =	sne.s32 s2, $0x0  }
0x17b: {  	s3 =	rddreg [dreg:$0x2];
	[bflag:$0x3] =	sbarrier.arrive $0xFFFF;
	s2 =	simm.s32 @!p0 $0x1C05  }
0x17c: {  	[timem:s3], [sflag:s2] =	dma.local @!p0 [hbm:s0], s1  }
0x17d: {  	s0 =	simm.s32 @!p0 $0x5  }
0x17e: {  	_ =	swait.ge @!p0 [sflag:s0], s1  }
0x17f: {  	s1 =	ssub.s32 @!p0 $0x0, s1;
	[sflag:s0] =	ssyncset.done @!p0 $0x0  }
0x180: {  	[sflag:s0] =	ssyncadd.s32 @!p0 s1  }
0x181: {  	[bflag:$0x3] =	sbarrier.arrive $0xFFFF  }
0x182: {  	_ =	shalt  }

// kernel: kernel.18.cloned.1.call-start
scs
__scs_entry_jumppad:
0x0: {  	(pc) =	sbr.rel $0x88, $3  }
0x1: {  	(tag) =	ssettag $0x0;
	lr =	simm.s32 $0x1  }
0x2: {  	[smem:$0x3F9B] =	sst lr;
	_ =	strace $0xD0000000  }
0x3: {  	_ = 	snop  }
0x4: {  	_ = 	snop  }
0x5: {  	_ = 	snop  }
0x6: {  	_ = 	snop  }
0x7: {  	_ = 	snop  }
__scs_overlays_trampoline_lowered:
0x8: {  	[smem:$0x3FAA] =	sst s0  }
0x9: {  	[smem:$0x3FAB] =	sst s1  }
0xa: {  	[smem:$0x3FAC] =	sst s2  }
0xb: {  	[smem:$0x3FAD] =	sst s3  }
0xc: {  	[smem:$0x3FAE] =	sst s4  }
0xd: {  	[smem:$0x3FAF] =	sst s5  }
0xe: {  	[smem:$0x3FB0] =	sst s6  }
0xf: {  	[smem:$0x3FB1] =	sst s7  }
0x10: {  	[smem:$0x3FB2] =	sst s8  }
0x11: {  	[smem:$0x3FB3] =	sst s9;
	s0 =	simm.s32 @!p0 $0x0  }
0x12: {  	s1 =	sld [smem:$0x3F99];
	s0 =	simm.s32 @p0 $0x1  }
0x13: {  	[smem:$0x3FB4] =	sst s0;
	s0 =	simm.s32 @!p1 $0x0  }
0x14: {  	s2 =	sld [smem:$0x3F98];
	s0 =	simm.s32 @p1 $0x1  }
0x15: {  	[smem:$0x3FB5] =	sst s0;
	s0 =	simm.s32 @!p2 $0x0  }
0x16: {  	s3 =	sld [smem:$0x3FDB];
	s0 =	simm.s32 @p2 $0x1  }
0x17: {  	s4 =	simm.s32 $0x1BF5;
	[smem:$0x3FB7] =	sst s0  }
0x18: {  	s0 =	sld [smem:$0x3F9A];
	_ =	swait.ge [sflag:s4], $0x0  }
0x19: {  	s7 =	sld [smem:$0x3F9B]  }
0x1a: {  	s8 =	sadd.s32 $0xFFFFE003, lr  }
0x1b: {  	s9 =	sadd.s32 $0xFFFFFEF7, lr;
	s5 =	simm.s32 $0xFFFFFFFF;
	p2 =	slt.u32 s8, $0xFFFFF086  }
0x1c: {  	p1 =	slt.u32 s9, $0xF7A;
	s5 =	simm.s32 @!p2 $0x0  }
0x1d: {  	s5 =	simm.s32 @p1 $0x1;
	p0 =	seq.s32 s7, s2  }
0x1e: {  	s7 =	smul.u32 @!p0 $0xF7A, s2;
	p2 =	seq.s32 @!p0 s5, $0x0  }
0x1f: {  	s9 =	smul.u32 $0xF7A, s1;
	s8 =	simm.s32 @!p0 $0x1BF5;
	p2 =	por !p2, p0  }
0x20: {  	[sflag:s8] =	ssyncset.s32 @!p0 $0xFFFFF086;
	s6 =	sadd.s32 @!p0 s3, s7;
	s7 =	simm.s32 @!p0 $0x108  }
0x21: {  	s3 =	sadd.s32 s3, s9;
	s6 =	sadd.s32 @!p0 $0x88, s6;
	s7 =	simm.s32 @p2 $0x1082  }
0x22: {  	[simem:s7], [sflag:s8] =	dma.local @!p0 [hbm:s6], $0xF7A  }
0x23: {  	s9 =	sor.u32 $0xD0000000, s2;
	s6 =	simm.s32 $0x108;
	_ =	swait.ge @!p0 [sflag:s8], $0x0  }
0x24: {  	s3 =	sadd.s32 $0x88, s3;
	s6 =	simm.s32 @!p1 $0x1082;
	[sflag:s4] =	ssyncset.s32 $0xFFFFF086  }
0x25: {  	[simem:s6], [sflag:s4] =	dma.local [hbm:s3], $0xF7A  }
0x26: {  	[smem:$0x3F9B] =	sst s1;
	(tag) =	ssettag s2;
	_ =	strace s9  }
0x27: {  	s1 =	sld [smem:$0x3FAB]  }
0x28: {  	s2 =	sld [smem:$0x3FAC]  }
0x29: {  	s4 =	sld [smem:$0x3FAE]  }
0x2a: {  	p0 =	seq.s32 s5, $0x0;
	s5 =	sld [smem:$0x3FAF]  }
0x2b: {  	s6 =	sld [smem:$0x3FB0]  }
0x2c: {  	s7 =	sld [smem:$0x3FB1]  }
0x2d: {  	s3 =	simm.s32 $0x108;
	s8 =	sld [smem:$0x3FB2]  }
0x2e: {  	s3 =	simm.s32 @!p0 $0x1082;
	s9 =	sld [smem:$0x3FB3]  }
0x2f: {  	lr =	sadd.s32 s0, s3;
	s0 =	sld [smem:$0x3FAA]  }
0x30: {  	s3 =	sld [smem:$0x3FAD]  }
0x31: {  	[smem:$0x3FB6] =	sst s10  }
0x32: {  	s10 =	sld [smem:$0x3FB4];
	_ =	sdelay $0x3  }
0x33: {  	p0 =	seq.s32 s10, $0x1;
	s10 =	sld [smem:$0x3FB6];
	_ =	sdelay $0x3  }
0x34: {  	[smem:$0x3FB6] =	sst s10  }
0x35: {  	s10 =	sld [smem:$0x3FB5];
	_ =	sdelay $0x3  }
0x36: {  	p1 =	seq.s32 s10, $0x1;
	s10 =	sld [smem:$0x3FB6];
	_ =	sdelay $0x3  }
0x37: {  	[smem:$0x3FB6] =	sst s10  }
0x38: {  	s10 =	sld [smem:$0x3FB7]  }
0x39: {  	_ = 	snop;
	(pc) =	sbr.ind lr, $3  }
0x3a: {  	_ = 	snop  }
0x3b: {  	_ = 	snop  }
0x3c: {  	p2 =	seq.s32 s10, $0x1;
	s10 =	sld [smem:$0x3FB6]  }
0x3d: {  	_ =	shalt  }
0x3e: {  	_ =	shalt  }
0x3f: {  	_ =	shalt  }
0x40: {  	_ =	shalt  }
0x41: {  	_ =	shalt  }
0x42: {  	_ =	shalt  }
0x43: {  	_ =	shalt  }
0x44: {  	_ =	shalt  }
0x45: {  	_ =	shalt  }
0x46: {  	_ =	shalt  }
0x47: {  	_ =	shalt  }
0x48: {  	_ =	shalt  }
0x49: {  	_ =	shalt  }
0x4a: {  	_ =	shalt  }
0x4b: {  	_ =	shalt  }
0x4c: {  	_ =	shalt  }
0x4d: {  	_ =	shalt  }
0x4e: {  	_ =	shalt  }
0x4f: {  	_ =	shalt  }
0x50: {  	_ =	shalt  }
0x51: {  	_ =	shalt  }
0x52: {  	_ =	shalt  }
0x53: {  	_ =	shalt  }
0x54: {  	_ =	shalt  }
0x55: {  	_ =	shalt  }
0x56: {  	_ =	shalt  }
0x57: {  	_ =	shalt  }
0x58: {  	_ =	shalt  }
0x59: {  	_ =	shalt  }
0x5a: {  	_ =	shalt  }
0x5b: {  	_ =	shalt  }
0x5c: {  	_ =	shalt  }
0x5d: {  	_ =	shalt  }
0x5e: {  	_ =	shalt  }
0x5f: {  	_ =	shalt  }
0x60: {  	_ =	shalt  }
0x61: {  	_ =	shalt  }
0x62: {  	_ =	shalt  }
0x63: {  	_ =	shalt  }
0x64: {  	_ =	shalt  }
0x65: {  	_ =	shalt  }
0x66: {  	_ =	shalt  }
0x67: {  	_ =	shalt  }
0x68: {  	_ =	shalt  }
0x69: {  	_ =	shalt  }
0x6a: {  	_ =	shalt  }
0x6b: {  	_ =	shalt  }
0x6c: {  	_ =	shalt  }
0x6d: {  	_ =	shalt  }
0x6e: {  	_ =	shalt  }
0x6f: {  	_ =	shalt  }
0x70: {  	_ =	shalt  }
0x71: {  	_ =	shalt  }
0x72: {  	_ =	shalt  }
0x73: {  	_ =	shalt  }
0x74: {  	_ =	shalt  }
0x75: {  	_ =	shalt  }
0x76: {  	_ =	shalt  }
0x77: {  	_ =	shalt  }
0x78: {  	_ =	shalt  }
0x79: {  	_ =	shalt  }
0x7a: {  	_ =	shalt  }
0x7b: {  	_ =	shalt  }
0x7c: {  	_ =	shalt  }
0x7d: {  	_ =	shalt  }
0x7e: {  	_ =	shalt  }
0x7f: {  	_ =	shalt  }
0x80: {  	_ =	shalt  }
0x81: {  	_ =	shalt  }
0x82: {  	_ =	shalt  }
0x83: {  	_ =	shalt  }
0x84: {  	_ =	shalt  }
0x85: {  	_ =	shalt  }
0x86: {  	_ =	shalt  }
0x87: {  	_ =	shalt  }
.Lfunc_end0:
.L_simem_size_0:
called_computation.3_lowered:
.L_overlay_start_0:
0x88: {  	s2 =	sld [smem:$0x3FD9]  }
0x89: {  	s3 =	sld [smem:$0x3FFE];
	_ =	sdelay $0x1  }
0x8a: {  	s1 =	srdreg.scid  }
0x8b: {  	s0 =	sand.u32 $0x1, s1  }
0x8c: {  	s17 =	sshll.u32 s0, $0xA;
	s2 =	sadd.s32 s3, s2  }
0x8d: {  	s2 =	sadd.s32 s2, s17  }
0x8e: {  	[smem:$0x3FC2] =	sst s2  }
0x8f: {  	_ = 	snop  }
0x90: {  	s2 =	sld [smem:$0x3FD0];
	(tm) =	ssettm $0x1  }
0x91: {  	s18 =	sld [smem:$0x3FFB];
	_ =	sdelay $0x3  }
0x92: {  	_ =	strace s18  }
0x93: {  	s3 =	sld [smem:$0x3FFC];
	_ =	sdelay $0x3  }
0x94: {  	_ =	strace s3  }
0x95: {  	s3 =	sld [smem:$0x3FFD];
	_ =	sdelay $0x3  }
0x96: {  	_ =	strace s3  }
0x97: {  	_ =	strace $0x8FFFFFFF  }
0x98: {  	s19 =	sld [smem:$0x3FDB];
	_ =	sdelay $0x1  }
0x99: {  	s4 =	simm.s32 $_scs_section_size  }
0x9a: {  	s5 =	simm.s32 $_size__tile_overlayer_lowered;
	s6 =	simm.s32 $_tile_overlayer_lowered  }
0x9b: {  	s22 =	simm.s32 $0x1BFF;
	s21 =	sshll.u32 s6, $0x1;
	s3 =	sadd.s32 s4, s19  }
0x9c: {  	s7 =	simm.s32 $0x0;
	s20 =	sshll.u32 s5, $0x1;
	s5 =	sadd.s32 s21, s3  }
0x9d: {  	[timem:s7], [sflag:s22] =	dma.local [hbm:s5], s20  }
0x9e: {  	_ =	swait.ge [sflag:s22], s20  }
0x9f: {  	s4 =	ssub.s32 $0x0, s20;
	[sflag:s22] =	ssyncset.done $0x0  }
0xa0: {  	[sflag:s22] =	ssyncadd.s32 s4;
	_ =	sdelay $0x1  }
0xa1: {  	s23 =	simm.s32 $0x1B8B  }
0xa2: {  	_ =	swait.ge [sflag:s23], $0x1  }
0xa3: {  	[sflag:s23] =	ssyncset.done $0x0  }
0xa4: {  	s25 =	simm.s32 $0x1B8E;
	s24 =	sld [smem:$0x3FFE];
	[sflag:s23] =	ssyncadd.s32 $0xFFFFFFFF  }
0xa5: {  	s26 =	simm.s32 $execute0_lowered;
	[smem:$0x3FD2] =	sst s25  }
0xa6: {  	s5 =	sshll.u32 s26, $0x1;
	_ =	strace $0x8000004F;
	[dreg:$0x1] =	wrdreg $0xFFFFFFFF  }
0xa7: {  	s28 =	simm.s32 $_size_execute0_lowered;
	s3 =	sadd.s32 s3, s5;
	[dreg:$0x0] =	wrdreg $0x0  }
0xa8: {  	s5 =	sshll.u32 s28, $0x1;
	[dreg:$0x2] =	wrdreg s3  }
0xa9: {  	[dreg:$0x3] =	wrdreg s5  }
0xaa: {  	[dreg:$0x4] =	wrdreg $0xC0  }
0xab: {  	_ =	task [dreg:s7], $0x5FFFF  }
0xac: {  	[dreg:$0x1] =	wrdreg $0xFFFFFFFF  }
0xad: {  	[dreg:$0x0] =	wrdreg $0x60  }
0xae: {  	[dreg:$0x2] =	wrdreg s24  }
0xaf: {  	[dreg:$0x3] =	wrdreg s2  }
0xb0: {  	[dreg:$0x4] =	wrdreg $0x8C800  }
0xb1: {  	[dreg:$0x5] =	wrdreg $0x9  }
0xb2: {  	_ =	task.clear_ibuf [dreg:s7], $0x6FFFF;
	_ =	strace $0x9000004F  }
0xb3: {  	s29 =	simm.s32 $0x9;
	_ =	strace $0x80000051  }
0xb4: {  	_ =	swait.ge [sflag:s29], $0x1  }
0xb5: {  	[sflag:s29] =	ssyncadd.s32 $0xFFFFFFFF  }
0xb6: {  	_ =	strace $0x90000051  }
0xb7: {  	_ =	sfence  }
0xb8: {  	s30 =	sld [smem:$0x0];
	_ =	sdelay $0x2  }
0xb9: {  	s31 =	sshll.u32 s1, $0xD;
	s1 =	sshrl.u32 s1, $0x2  }
0xba: {  	s3 =	sand.u32 $0x4000, s31;
	s1 =	sadd.s32 s1, s30  }
0xbb: {  	s0 =	sor.u32 s3, s0;
	s1 =	sshll.u32 s1, $0x11  }
0xbc: {  	s0 =	sor.u32 s1, s0  }
0xbd: {  	s0 =	sadd.s32 $0x8F2B, s0  }
0xbe: {  	[sflag:s0] =	ssyncadd.remote.s32 $0x1  }
0xbf: {  	_ =	sfence.sel $0xFFFF  }
0xc0: {  	[dreg:$0x0] =	wrdreg $0xFFFFFFFF;
	(pc) =	sbr.abs _section_cstart, $3  }
0xc1: {  	[dreg:$0x1] =	wrdreg $0xFFFFFFFF  }
0xc2: {  	_ =	task.clear_ibuf [dreg:s7], $0x2FFFF;
	_ =	strace $0x9FFFFFFF  }
0xc3: {  	(tm) =	ssettm $0x7FFFFFFF  }
tec
execute0_lowered:
.L_overlay_start_1:
0x0: {  	(tag) =	ssettag $0x1  }
0x1: {  	s0 =	rddreg [dreg:$0x0]  }
0x2: {  	s2 =	rddreg [dreg:$0x1]  }
0x3: {  	s1 =	rddreg [dreg:$0x2];
	s3 =	simm.s32 $0x0  }
0x4: {  	s4 =	srdreg.scid;
	s13 =	stileid.u32;
	s28 =	simm.s32 $0x2  }
0x5: {  	s30 =	simm.s32 $0x3;
	s29 =	simm.s32 $0xB80;
	[smem:$0x7FF] =	sst s3  }
0x6: {  	s5 =	sand.u32 $0x1, s4;
	s12 =	sshll.u32 s13, $0x2;
	s7 =	smul.u32 $0x1400, s13  }
0x7: {  	s4 =	sadd.s32 $0x31200, s0;
	s9 =	sadd.s32 $0x5200, s0;
	s10 =	smul.u32 $0x28000, s13  }
0x8: {  	s11 =	sadd.s32 $0x2A00, s0;
	s18 =	sshll.u32 s13, $0x6;
	s21 =	smul.u32 $0xB000, s13  }
0x9: {  	s6 =	sshll.u32 s5, $0x6;
	_ =	strace $0x80000050;
	s8 =	smul.u32 $0x14000, s5  }
0xa: {  	s14 =	ssub.s32 $0x2, s5;
	[dreg:$0x4] =	wrdreg s11;
	s17 =	smul.u32 $0x58000, s5  }
0xb: {  	s31 =	sor.u32 $0x1C09, s18;
	s5 =	smul.u32 $0xB0000, s5;
	s18 =	simm.s32 $0x1  }
0xc: {  	s6 =	sor.u32 s12, s6;
	s15 =	sshrl.u32 s14, $0x1;
	s16 =	sshrl.u32 s10, $0x2  }
0xd: {  	s12 =	smul.u32 $0x5800, s13;
	s10 =	simm.s32 $0x7;
	s13 =	simm.s32 $0x340  }
0xe: {  	[dreg:$0x5] =	wrdreg s31;
	s6 =	sadd.s32 s6, s0;
	s7 =	sadd.s32 s7, s8  }
0xf: {  	s8 =	sadd.s32 s16, s1;
	s24 =	sadd.s32 s21, s5;
	s16 =	simm.s32 $0x9  }
0x10: {  	s21 =	simm.s32 $0xC00;
	s0 =	sadd.s32 s7, s0;
	s7 =	ssub.s32 s14, s15  }
0x11: {  	s19 =	sadd.s32 $0x63600, s6;
	s6 =	sadd.s32 $0x63602, s6;
	s20 =	sadd.s32 s12, s17  }
0x12: {  	s26 =	sshrl.u32 s24, $0x3;
	s17 =	simm.s32 $0x8;
	s12 =	simm.s32 $0x300  }
0x13: {  	s14 =	simm.s32 $0x380;
	s15 =	simm.s32 $0xA00;
	[dreg:$0x6] =	wrdreg s19  }
0x14: {  	[dreg:$0x7] =	wrdreg s6;
	s0 =	sadd.s32 $0x63800, s0;
	s22 =	smax.u32 s7, $0x1  }
0x15: {  	s23 =	sshrl.u32 s20, $0x3;
	s25 =	sadd.s32 $0x2C00, s20;
	s6 =	sadd.s32 s26, s9  }
0x16: {  	s7 =	sshrl.u32 s8, $0x3;
	s19 =	simm.s32 $0x400;
	s20 =	simm.s32 $0x40  }
0x17: {  	s26 =	simm.s32 $0x6C00;
	s8 =	simm.s32 $0x6;
	[dreg:$0x8] =	wrdreg s0  }
0x18: {  	[dreg:$0x9] =	wrdreg s22;
	s0 =	sadd.s32 s23, s2;
	s5 =	sshrl.u32 s25, $0x3  }
0x19: {  	[dreg:$0xb] =	wrdreg s6;
	s22 =	simm.s32 $0x2C00;
	s6 =	simm.s32 $0x3C0  }
.Ltmp0:
0x1a: {  	s23 =	simm.s32 $0xA80;
	[dreg:$0xe] =	wrdreg s7;
	(pc) =	sbr.rel .LBB2_1-.Ltmp0, $4  }
0x1b: {  	s25 =	simm.s32 $0xB00;
	[dreg:$0xa] =	wrdreg s0;
	s0 =	sadd.s32 $0x5800, s24  }
0x1c: {  	s2 =	sadd.s32 s5, s2;
	s24 =	simm.s32 $0x4C00;
	s0 =	sshrl.u32 s0, $0x3  }
0x1d: {  	s5 =	simm.s32 $0x5;
	[dreg:$0xc] =	wrdreg s2;
	s0 =	sadd.s32 s0, s9  }
0x1e: {  	s9 =	simm.s32 $0x0;
	[dreg:$0xd] =	wrdreg s0;
	s0 =	simm.s32 $0x4  }
.LBB2_9:
0x1f: {  	[bflag:$0x0] =	sbarrier.arrive $0xFFFF  }
0x20: {  	s31 =	rddreg [dreg:$0x5]  }
0x21: {  	s2 =	rddreg [dreg:$0x8]  }
0x22: {  	s7 =	rddreg [dreg:$0xe]  }
0x23: {  	[hbm:s2], [sflag:s31] =	dma.local [spmem:s7], $0x1400  }
0x24: {  	_ =	swait.ge [sflag:s16], $0x1400  }
0x25: {  	s9 =	rddreg [dreg:$0xf]  }
0x26: {  	s11 =	rddreg [dreg:$0x9];
	s9 =	sadd.s32 $0x1, s9  }
0x27: {  	p0 =	sne.s32 s9, s11  }
.Ltmp1:
0x28: {  	_ = 	snop;
	(pc) =	sbr.rel @!p0 .LBB2_10-.Ltmp1, $3  }
0x29: {  	_ =	sdelay $0x1  }
0x2a: {  	[sflag:s16] =	ssyncset.done $0x0  }
0x2b: {  	[sflag:s16] =	ssyncadd.s32 $0xFFFFEC00  }
.LBB2_1:
0x2c: {  	[dreg:$0xf] =	wrdreg s9  }
0x2d: {  	s2 =	rddreg [dreg:$0x4]  }
0x2e: {  	[spmem:s7], [sflag:s31] =	dma.local [hbm:s2], $0x1400  }
0x2f: {  	_ =	swait.ge [sflag:s16], $0x1400  }
0x30: {  	[sflag:s16] =	ssyncset.done $0x0  }
0x31: {  	[sflag:s16] =	ssyncadd.s32 $0xFFFFEC00  }
0x32: {  	[bflag:$0x0] =	sbarrier.arrive $0xFFFF  }
0x33: {  	s11 =	simm.s32 $0x8C00;
	s9 =	rddreg [dreg:$0x6]  }
0x34: {  	[tilespmem:s11], [sflag:$0x9] =	stream.linear.gather [hbm4b:s9+s3], $0x10, $0x38;
	[tilespmem:$0x12C80] =	vst v63  }
0x35: {  	_ =	swait.ge [sflag:s16], $0x10  }
0x36: {  	[sflag:s16] =	ssyncset.done $0x0  }
0x37: {  	[sflag:s16] =	ssyncadd.s32 $0xFFFFFFF0  }
0x38: {  	v0 =	vld [tilespmem:$0x8C00];
	_ =	sdelay $0x4  }
0x39: {  	(v2sf) =	vpush v0, $0x0;
	_ =	sdelay $0xe  }
0x3a: {  	s2 =	spop (v2sf)  }
0x3b: {  	s9 =	sand.u32 $0x3FF, s2  }
0x3c: {  	s11 =	sshra.s32 s2, $0x1F;
	p0 =	slt.s32 s2, $0x1;
	p1 =	sne.s32 s9, $0x0  }
.Ltmp2:
0x3d: {  	s11 =	sshrl.u32 s11, $0x16;
	p0 =	por !p0, !p1;
	(pc) =	sbr.rel .LBB2_2-.Ltmp2, $4  }
0x3e: {  	s7 =	simm.s32 $0x1;
	s2 =	sadd.s32 s11, s2;
	p0 =	por !p0, !p0  }
0x3f: {  	s2 =	sshra.s32 s2, $0xA;
	s7 =	simm.s32 @!p0 $0x0  }
0x40: {  	s31 =	ssub.s32 s2, s7;
	s2 =	rddreg [dreg:$0xb]  }
0x41: {  	s9 =	simm.s32 $0x0;
	s7 =	rddreg [dreg:$0xa]  }
.LBB2_4:
0x42: {  	s9 =	sadd.s32 $0x1, s9  }
0x43: {  	p0 =	sne.s32 s9, $0xB  }
.Ltmp3:
0x44: {  	_ = 	snop;
	(pc) =	sbr.rel @!p0 .LBB2_5-.Ltmp3, $2  }
0x45: {  	_ =	sdelay $0x2  }
0x46: {  	s7 =	sadd.s32 $0x80, s7;
	s2 =	sadd.s32 $0x100, s2  }
.LBB2_2:
0x47: {  	p0 =	sge.s32 s9, s31  }
.Ltmp4:
0x48: {  	_ = 	snop;
	(pc) =	sbr.rel @p0 .LBB2_4-.Ltmp4, $1  }
0x49: {  	_ =	sdelay $0x3  }
0x4a: {  	[tilespmem:s3], [sflag:$0x9] =	stream.linear.gather [hbm4b:s7+s3], $0x400, $0x38;
	[tilespmem:$0x12C80] =	vst v63  }
0x4b: {  	_ =	swait.ge [sflag:s16], $0x400  }
0x4c: {  	[sflag:s16] =	ssyncset.done $0x0  }
0x4d: {  	[sflag:s16] =	ssyncadd.s32 $0xFFFFFC00  }
0x4e: {  	[tilespmem:s19], [sflag:$0x9] =	stream.linear.gather [hbm4b:s2+s3], $0x800, $0x38;
	[tilespmem:$0x12C80] =	vst v63  }
0x4f: {  	_ =	swait.ge [sflag:s16], $0x800  }
0x50: {  	[sflag:s16] =	ssyncset.done $0x0  }
0x51: {  	[sflag:s16] =	ssyncadd.s32 $0xFFFFF800  }
0x52: {  	[tilespmem:s21], [sflag:$0x1] =	stream.indirect.gather [hbm4b:s4+s20], $0x80, s3, s20, $0xb8;
	[tilespmem:$0x12C80] =	vst v63  }
0x53: {  	_ = 	snop  }
0x54: {  	[tilespmem:s22], [sflag:$0x2] =	stream.indirect.gather [hbm4b:s4+s20], $0x80, s20, s20, $0xb8;
	[tilespmem:$0x12C80] =	vst v63  }
0x55: {  	s11 =	simm.s32 $0x80  }
0x56: {  	[tilespmem:s24], [sflag:$0x3] =	stream.indirect.gather [hbm4b:s4+s20], $0x80, s11, s20, $0xb8;
	[tilespmem:$0x12C80] =	vst v63  }
0x57: {  	s11 =	simm.s32 $0xC0  }
0x58: {  	[tilespmem:s26], [sflag:$0x4] =	stream.indirect.gather [hbm4b:s4+s20], $0x80, s11, s20, $0xb8;
	[tilespmem:$0x12C80] =	vst v63  }
0x59: {  	_ =	swait.ge [sflag:s18], $0x2000  }
0x5a: {  	[sflag:s18] =	ssyncset.done $0x0  }
0x5b: {  	[sflag:s18] =	ssyncadd.s32 $0xFFFFE000  }
0x5c: {  	[spmem:s1] =	stream.indirect.scatter.add.f32 [tilespmem:s21], [sflag:$0x5], $0x80, s19, s20, $0xb8;
	[tilespmem:$0x12C80] =	vst v63  }
0x5d: {  	_ =	swait.ge [sflag:s28], $0x2000  }
0x5e: {  	[sflag:s28] =	ssyncset.done $0x0  }
0x5f: {  	s11 =	simm.s32 $0x480;
	[sflag:s28] =	ssyncadd.s32 $0xFFFFE000  }
0x60: {  	[spmem:s1] =	stream.indirect.scatter.add.f32 [tilespmem:s22], [sflag:$0x6], $0x80, s11, s20, $0xb8;
	[tilespmem:$0x12C80] =	vst v63  }
0x61: {  	_ =	swait.ge [sflag:s30], $0x2000  }
0x62: {  	[sflag:s30] =	ssyncset.done $0x0  }
0x63: {  	s11 =	simm.s32 $0x500;
	[sflag:s30] =	ssyncadd.s32 $0xFFFFE000  }
0x64: {  	[spmem:s1] =	stream.indirect.scatter.add.f32 [tilespmem:s24], [sflag:$0x7], $0x80, s11, s20, $0xb8;
	[tilespmem:$0x12C80] =	vst v63  }
0x65: {  	_ =	swait.ge [sflag:s0], $0x2000  }
0x66: {  	[sflag:s0] =	ssyncset.done $0x0  }
0x67: {  	s11 =	simm.s32 $0x580;
	[sflag:s0] =	ssyncadd.s32 $0xFFFFE000  }
0x68: {  	[spmem:s1] =	stream.indirect.scatter.add.f32 [tilespmem:s26], [sflag:$0x8], $0x80, s11, s20, $0xb8;
	[tilespmem:$0x12C80] =	vst v63  }
0x69: {  	_ =	swait.ge [sflag:s5], $0x2000  }
0x6a: {  	[sflag:s5] =	ssyncset.done $0x0  }
0x6b: {  	s11 =	simm.s32 $0x100;
	[sflag:s5] =	ssyncadd.s32 $0xFFFFE000  }
0x6c: {  	[tilespmem:s21], [sflag:$0x1] =	stream.indirect.gather [hbm4b:s4+s20], $0x80, s11, s20, $0xb8;
	[tilespmem:$0x12C80] =	vst v63  }
0x6d: {  	_ =	swait.ge [sflag:s8], $0x2000  }
0x6e: {  	[sflag:s8] =	ssyncset.done $0x0  }
0x6f: {  	s11 =	simm.s32 $0x140;
	[sflag:s8] =	ssyncadd.s32 $0xFFFFE000  }
0x70: {  	[tilespmem:s22], [sflag:$0x2] =	stream.indirect.gather [hbm4b:s4+s20], $0x80, s11, s20, $0xb8;
	[tilespmem:$0x12C80] =	vst v63  }
0x71: {  	_ =	swait.ge [sflag:s10], $0x2000  }
0x72: {  	[sflag:s10] =	ssyncset.done $0x0  }
0x73: {  	s11 =	simm.s32 $0x180;
	[sflag:s10] =	ssyncadd.s32 $0xFFFFE000  }
0x74: {  	[tilespmem:s24], [sflag:$0x3] =	stream.indirect.gather [hbm4b:s4+s20], $0x80, s11, s20, $0xb8;
	[tilespmem:$0x12C80] =	vst v63  }
0x75: {  	_ =	swait.ge [sflag:s17], $0x2000  }
0x76: {  	[sflag:s17] =	ssyncset.done $0x0  }
0x77: {  	s11 =	simm.s32 $0x1C0;
	[sflag:s17] =	ssyncadd.s32 $0xFFFFE000  }
0x78: {  	[tilespmem:s26], [sflag:$0x4] =	stream.indirect.gather [hbm4b:s4+s20], $0x80, s11, s20, $0xb8;
	[tilespmem:$0x12C80] =	vst v63  }
0x79: {  	_ =	swait.ge [sflag:s18], $0x2000  }
0x7a: {  	[sflag:s18] =	ssyncset.done $0x0  }
0x7b: {  	s11 =	simm.s32 $0x600;
	[sflag:s18] =	ssyncadd.s32 $0xFFFFE000  }
0x7c: {  	[spmem:s1] =	stream.indirect.scatter.add.f32 [tilespmem:s21], [sflag:$0x5], $0x80, s11, s20, $0xb8;
	[tilespmem:$0x12C80] =	vst v63  }
0x7d: {  	_ =	swait.ge [sflag:s28], $0x2000  }
0x7e: {  	[sflag:s28] =	ssyncset.done $0x0  }
0x7f: {  	s11 =	simm.s32 $0x680;
	[sflag:s28] =	ssyncadd.s32 $0xFFFFE000  }
0x80: {  	[spmem:s1] =	stream.indirect.scatter.add.f32 [tilespmem:s22], [sflag:$0x6], $0x80, s11, s20, $0xb8;
	[tilespmem:$0x12C80] =	vst v63  }
0x81: {  	_ =	swait.ge [sflag:s30], $0x2000  }
0x82: {  	[sflag:s30] =	ssyncset.done $0x0  }
0x83: {  	s11 =	simm.s32 $0x700;
	[sflag:s30] =	ssyncadd.s32 $0xFFFFE000  }
0x84: {  	[spmem:s1] =	stream.indirect.scatter.add.f32 [tilespmem:s24], [sflag:$0x7], $0x80, s11, s20, $0xb8;
	[tilespmem:$0x12C80] =	vst v63  }
0x85: {  	_ =	swait.ge [sflag:s0], $0x2000  }
0x86: {  	[sflag:s0] =	ssyncset.done $0x0  }
0x87: {  	s11 =	simm.s32 $0x780;
	[sflag:s0] =	ssyncadd.s32 $0xFFFFE000  }
0x88: {  	[spmem:s1] =	stream.indirect.scatter.add.f32 [tilespmem:s26], [sflag:$0x8], $0x80, s11, s20, $0xb8;
	[tilespmem:$0x12C80] =	vst v63  }
0x89: {  	_ =	swait.ge [sflag:s5], $0x2000  }
0x8a: {  	[sflag:s5] =	ssyncset.done $0x0  }
0x8b: {  	s11 =	simm.s32 $0x200;
	[sflag:s5] =	ssyncadd.s32 $0xFFFFE000  }
0x8c: {  	[tilespmem:s21], [sflag:$0x1] =	stream.indirect.gather [hbm4b:s4+s20], $0x80, s11, s20, $0xb8;
	[tilespmem:$0x12C80] =	vst v63  }
0x8d: {  	_ =	swait.ge [sflag:s8], $0x2000  }
0x8e: {  	[sflag:s8] =	ssyncset.done $0x0  }
0x8f: {  	s11 =	simm.s32 $0x240;
	[sflag:s8] =	ssyncadd.s32 $0xFFFFE000  }
0x90: {  	[tilespmem:s22], [sflag:$0x2] =	stream.indirect.gather [hbm4b:s4+s20], $0x80, s11, s20, $0xb8;
	[tilespmem:$0x12C80] =	vst v63  }
0x91: {  	_ =	swait.ge [sflag:s10], $0x2000  }
0x92: {  	[sflag:s10] =	ssyncset.done $0x0  }
0x93: {  	s11 =	simm.s32 $0x280;
	[sflag:s10] =	ssyncadd.s32 $0xFFFFE000  }
0x94: {  	[tilespmem:s24], [sflag:$0x3] =	stream.indirect.gather [hbm4b:s4+s20], $0x80, s11, s20, $0xb8;
	[tilespmem:$0x12C80] =	vst v63  }
0x95: {  	_ =	swait.ge [sflag:s17], $0x2000  }
0x96: {  	[sflag:s17] =	ssyncset.done $0x0  }
0x97: {  	s11 =	simm.s32 $0x2C0;
	[sflag:s17] =	ssyncadd.s32 $0xFFFFE000  }
0x98: {  	[tilespmem:s26], [sflag:$0x4] =	stream.indirect.gather [hbm4b:s4+s20], $0x80, s11, s20, $0xb8;
	[tilespmem:$0x12C80] =	vst v63  }
0x99: {  	_ =	swait.ge [sflag:s18], $0x2000  }
0x9a: {  	[sflag:s18] =	ssyncset.done $0x0  }
0x9b: {  	s11 =	simm.s32 $0x800;
	[sflag:s18] =	ssyncadd.s32 $0xFFFFE000  }
0x9c: {  	[spmem:s1] =	stream.indirect.scatter.add.f32 [tilespmem:s21], [sflag:$0x5], $0x80, s11, s20, $0xb8;
	[tilespmem:$0x12C80] =	vst v63  }
0x9d: {  	_ =	swait.ge [sflag:s28], $0x2000  }
0x9e: {  	[sflag:s28] =	ssyncset.done $0x0  }
0x9f: {  	s11 =	simm.s32 $0x880;
	[sflag:s28] =	ssyncadd.s32 $0xFFFFE000  }
0xa0: {  	[spmem:s1] =	stream.indirect.scatter.add.f32 [tilespmem:s22], [sflag:$0x6], $0x80, s11, s20, $0xb8;
	[tilespmem:$0x12C80] =	vst v63  }
0xa1: {  	_ =	swait.ge [sflag:s30], $0x2000  }
0xa2: {  	[sflag:s30] =	ssyncset.done $0x0  }
0xa3: {  	s11 =	simm.s32 $0x900;
	[sflag:s30] =	ssyncadd.s32 $0xFFFFE000  }
0xa4: {  	[spmem:s1] =	stream.indirect.scatter.add.f32 [tilespmem:s24], [sflag:$0x7], $0x80, s11, s20, $0xb8;
	[tilespmem:$0x12C80] =	vst v63  }
0xa5: {  	_ =	swait.ge [sflag:s0], $0x2000  }
0xa6: {  	[sflag:s0] =	ssyncset.done $0x0  }
0xa7: {  	s11 =	simm.s32 $0x980;
	[sflag:s0] =	ssyncadd.s32 $0xFFFFE000  }
0xa8: {  	[spmem:s1] =	stream.indirect.scatter.add.f32 [tilespmem:s26], [sflag:$0x8], $0x80, s11, s20, $0xb8;
	[tilespmem:$0x12C80] =	vst v63  }
0xa9: {  	_ =	swait.ge [sflag:s5], $0x2000  }
0xaa: {  	[sflag:s5] =	ssyncset.done $0x0  }
0xab: {  	[sflag:s5] =	ssyncadd.s32 $0xFFFFE000  }
0xac: {  	[tilespmem:s21], [sflag:$0x1] =	stream.indirect.gather [hbm4b:s4+s20], $0x80, s12, s20, $0xb8;
	[tilespmem:$0x12C80] =	vst v63  }
0xad: {  	_ =	swait.ge [sflag:s8], $0x2000  }
0xae: {  	[sflag:s8] =	ssyncset.done $0x0  }
0xaf: {  	[sflag:s8] =	ssyncadd.s32 $0xFFFFE000  }
0xb0: {  	[tilespmem:s22], [sflag:$0x2] =	stream.indirect.gather [hbm4b:s4+s20], $0x80, s13, s20, $0xb8;
	[tilespmem:$0x12C80] =	vst v63  }
0xb1: {  	_ =	swait.ge [sflag:s10], $0x2000  }
0xb2: {  	[sflag:s10] =	ssyncset.done $0x0  }
0xb3: {  	[sflag:s10] =	ssyncadd.s32 $0xFFFFE000  }
0xb4: {  	[tilespmem:s24], [sflag:$0x3] =	stream.indirect.gather [hbm4b:s4+s20], $0x80, s14, s20, $0xb8;
	[tilespmem:$0x12C80] =	vst v63  }
0xb5: {  	_ =	swait.ge [sflag:s17], $0x2000  }
0xb6: {  	[sflag:s17] =	ssyncset.done $0x0  }
0xb7: {  	[sflag:s17] =	ssyncadd.s32 $0xFFFFE000  }
0xb8: {  	[tilespmem:s26], [sflag:$0x4] =	stream.indirect.gather [hbm4b:s4+s20], $0x80, s6, s20, $0xb8;
	[tilespmem:$0x12C80] =	vst v63  }
0xb9: {  	_ =	swait.ge [sflag:s18], $0x2000  }
0xba: {  	[sflag:s18] =	ssyncset.done $0x0  }
0xbb: {  	[sflag:s18] =	ssyncadd.s32 $0xFFFFE000  }
0xbc: {  	[spmem:s1] =	stream.indirect.scatter.add.f32 [tilespmem:s21], [sflag:$0x5], $0x80, s15, s20, $0xb8;
	[tilespmem:$0x12C80] =	vst v63  }
0xbd: {  	_ =	swait.ge [sflag:s28], $0x2000  }
0xbe: {  	[sflag:s28] =	ssyncset.done $0x0  }
0xbf: {  	[sflag:s28] =	ssyncadd.s32 $0xFFFFE000  }
0xc0: {  	[spmem:s1] =	stream.indirect.scatter.add.f32 [tilespmem:s22], [sflag:$0x6], $0x80, s23, s20, $0xb8;
	[tilespmem:$0x12C80] =	vst v63  }
0xc1: {  	_ =	swait.ge [sflag:s30], $0x2000  }
0xc2: {  	[sflag:s30] =	ssyncset.done $0x0  }
0xc3: {  	[sflag:s30] =	ssyncadd.s32 $0xFFFFE000  }
0xc4: {  	[spmem:s1] =	stream.indirect.scatter.add.f32 [tilespmem:s24], [sflag:$0x7], $0x80, s25, s20, $0xb8;
	[tilespmem:$0x12C80] =	vst v63  }
0xc5: {  	_ =	swait.ge [sflag:s0], $0x2000  }
0xc6: {  	[sflag:s0] =	ssyncset.done $0x0  }
0xc7: {  	[sflag:s0] =	ssyncadd.s32 $0xFFFFE000  }
0xc8: {  	[spmem:s1] =	stream.indirect.scatter.add.f32 [tilespmem:s26], [sflag:$0x8], $0x80, s29, s20, $0xb8;
	[tilespmem:$0x12C80] =	vst v63  }
0xc9: {  	_ =	swait.ge [sflag:s5], $0x2000  }
0xca: {  	[sflag:s5] =	ssyncset.done $0x0  }
0xcb: {  	[sflag:s5] =	ssyncadd.s32 $0xFFFFE000  }
0xcc: {  	_ =	swait.ge [sflag:s8], $0x2000  }
0xcd: {  	[sflag:s8] =	ssyncset.done $0x0  }
0xce: {  	[sflag:s8] =	ssyncadd.s32 $0xFFFFE000  }
0xcf: {  	_ =	swait.ge [sflag:s10], $0x2000  }
.Ltmp5:
0xd0: {  	[sflag:s10] =	ssyncset.done $0x0;
	(pc) =	sbr.rel .LBB2_4-.Ltmp5, $4  }
0xd1: {  	[sflag:s10] =	ssyncadd.s32 $0xFFFFE000  }
0xd2: {  	_ =	swait.ge [sflag:s17], $0x2000  }
0xd3: {  	[sflag:s17] =	ssyncset.done $0x0  }
0xd4: {  	[sflag:s17] =	ssyncadd.s32 $0xFFFFE000  }
.LBB2_5:
0xd5: {  	s31 =	simm.s32 $0x0;
	s2 =	rddreg [dreg:$0x7];
	s7 =	simm.s32 $0x8C00  }
0xd6: {  	[tilespmem:s7], [sflag:$0x9] =	stream.linear.gather [hbm4b:s2+s31], $0x10, $0x38;
	[tilespmem:$0x12C80] =	vst v63  }
0xd7: {  	_ =	swait.ge [sflag:s16], $0x10  }
0xd8: {  	[sflag:s16] =	ssyncset.done $0x0  }
0xd9: {  	[sflag:s16] =	ssyncadd.s32 $0xFFFFFFF0  }
0xda: {  	v0 =	vld [tilespmem:$0x8C00];
	_ =	sdelay $0x4  }
0xdb: {  	(v2sf) =	vpush v0, $0x0;
	_ =	sdelay $0xe  }
0xdc: {  	s2 =	spop (v2sf)  }
0xdd: {  	s11 =	sand.u32 $0x3FF, s2;
	s9 =	sshra.s32 s2, $0x1F  }
.Ltmp6:
0xde: {  	p0 =	slt.s32 s2, $0x1;
	p1 =	sne.s32 s11, $0x0;
	(pc) =	sbr.rel .LBB2_6-.Ltmp6, $4  }
0xdf: {  	s11 =	sshrl.u32 s9, $0x16;
	p0 =	por !p0, !p1  }
0xe0: {  	s7 =	simm.s32 $0x1;
	s2 =	sadd.s32 s11, s2;
	p0 =	por !p0, !p0  }
0xe1: {  	s9 =	rddreg [dreg:$0xc];
	s2 =	sshra.s32 s2, $0xA;
	s7 =	simm.s32 @!p0 $0x0  }
0xe2: {  	s2 =	ssub.s32 s2, s7;
	s7 =	rddreg [dreg:$0xd]  }
.LBB2_8:
0xe3: {  	s31 =	sadd.s32 $0x1, s31  }
0xe4: {  	p0 =	sne.s32 s31, $0xB  }
.Ltmp7:
0xe5: {  	_ = 	snop;
	(pc) =	sbr.rel @!p0 .LBB2_9-.Ltmp7, $2  }
0xe6: {  	_ =	sdelay $0x2  }
0xe7: {  	s9 =	sadd.s32 $0x80, s9;
	s7 =	sadd.s32 $0x100, s7  }
.LBB2_6:
0xe8: {  	p0 =	sge.s32 s31, s2  }
.Ltmp8:
0xe9: {  	_ = 	snop;
	(pc) =	sbr.rel @p0 .LBB2_8-.Ltmp8, $1  }
0xea: {  	_ =	sdelay $0x3  }
0xeb: {  	[tilespmem:s3], [sflag:$0x9] =	stream.linear.gather [hbm4b:s9+s3], $0x400, $0x38;
	[tilespmem:$0x12C80] =	vst v63  }
0xec: {  	_ =	swait.ge [sflag:s16], $0x400  }
0xed: {  	[sflag:s16] =	ssyncset.done $0x0  }
0xee: {  	[sflag:s16] =	ssyncadd.s32 $0xFFFFFC00  }
0xef: {  	[tilespmem:s19], [sflag:$0x9] =	stream.linear.gather [hbm4b:s7+s3], $0x800, $0x38;
	[tilespmem:$0x12C80] =	vst v63  }
0xf0: {  	_ =	swait.ge [sflag:s16], $0x800  }
0xf1: {  	[sflag:s16] =	ssyncset.done $0x0  }
0xf2: {  	[sflag:s16] =	ssyncadd.s32 $0xFFFFF800  }
0xf3: {  	[tilespmem:s21], [sflag:$0x1] =	stream.indirect.gather [hbm4b:s4+s20], $0x80, s3, s20, $0xb8;
	[tilespmem:$0x12C80] =	vst v63  }
0xf4: {  	_ = 	snop  }
0xf5: {  	[tilespmem:s22], [sflag:$0x2] =	stream.indirect.gather [hbm4b:s4+s20], $0x80, s20, s20, $0xb8;
	[tilespmem:$0x12C80] =	vst v63  }
0xf6: {  	s11 =	simm.s32 $0x80  }
0xf7: {  	[tilespmem:s24], [sflag:$0x3] =	stream.indirect.gather [hbm4b:s4+s20], $0x80, s11, s20, $0xb8;
	[tilespmem:$0x12C80] =	vst v63  }
0xf8: {  	s11 =	simm.s32 $0xC0  }
0xf9: {  	[tilespmem:s26], [sflag:$0x4] =	stream.indirect.gather [hbm4b:s4+s20], $0x80, s11, s20, $0xb8;
	[tilespmem:$0x12C80] =	vst v63  }
0xfa: {  	_ =	swait.ge [sflag:s18], $0x2000  }
0xfb: {  	[sflag:s18] =	ssyncset.done $0x0  }
0xfc: {  	[sflag:s18] =	ssyncadd.s32 $0xFFFFE000  }
0xfd: {  	[spmem:s1] =	stream.indirect.scatter.add.f32 [tilespmem:s21], [sflag:$0x5], $0x80, s19, s20, $0xb8;
	[tilespmem:$0x12C80] =	vst v63  }
0xfe: {  	_ =	swait.ge [sflag:s28], $0x2000  }
0xff: {  	[sflag:s28] =	ssyncset.done $0x0  }
0x100: {  	s11 =	simm.s32 $0x480;
	[sflag:s28] =	ssyncadd.s32 $0xFFFFE000  }
0x101: {  	[spmem:s1] =	stream.indirect.scatter.add.f32 [tilespmem:s22], [sflag:$0x6], $0x80, s11, s20, $0xb8;
	[tilespmem:$0x12C80] =	vst v63  }
0x102: {  	_ =	swait.ge [sflag:s30], $0x2000  }
0x103: {  	[sflag:s30] =	ssyncset.done $0x0  }
0x104: {  	s11 =	simm.s32 $0x500;
	[sflag:s30] =	ssyncadd.s32 $0xFFFFE000  }
0x105: {  	[spmem:s1] =	stream.indirect.scatter.add.f32 [tilespmem:s24], [sflag:$0x7], $0x80, s11, s20, $0xb8;
	[tilespmem:$0x12C80] =	vst v63  }
0x106: {  	_ =	swait.ge [sflag:s0], $0x2000  }
0x107: {  	[sflag:s0] =	ssyncset.done $0x0  }
0x108: {  	s11 =	simm.s32 $0x580;
	[sflag:s0] =	ssyncadd.s32 $0xFFFFE000  }
0x109: {  	[spmem:s1] =	stream.indirect.scatter.add.f32 [tilespmem:s26], [sflag:$0x8], $0x80, s11, s20, $0xb8;
	[tilespmem:$0x12C80] =	vst v63  }
0x10a: {  	_ =	swait.ge [sflag:s5], $0x2000  }
0x10b: {  	[sflag:s5] =	ssyncset.done $0x0  }
0x10c: {  	s11 =	simm.s32 $0x100;
	[sflag:s5] =	ssyncadd.s32 $0xFFFFE000  }
0x10d: {  	[tilespmem:s21], [sflag:$0x1] =	stream.indirect.gather [hbm4b:s4+s20], $0x80, s11, s20, $0xb8;
	[tilespmem:$0x12C80] =	vst v63  }
0x10e: {  	_ =	swait.ge [sflag:s8], $0x2000  }
0x10f: {  	[sflag:s8] =	ssyncset.done $0x0  }
0x110: {  	s11 =	simm.s32 $0x140;
	[sflag:s8] =	ssyncadd.s32 $0xFFFFE000  }
0x111: {  	[tilespmem:s22], [sflag:$0x2] =	stream.indirect.gather [hbm4b:s4+s20], $0x80, s11, s20, $0xb8;
	[tilespmem:$0x12C80] =	vst v63  }
0x112: {  	_ =	swait.ge [sflag:s10], $0x2000  }
0x113: {  	[sflag:s10] =	ssyncset.done $0x0  }
0x114: {  	s11 =	simm.s32 $0x180;
	[sflag:s10] =	ssyncadd.s32 $0xFFFFE000  }
0x115: {  	[tilespmem:s24], [sflag:$0x3] =	stream.indirect.gather [hbm4b:s4+s20], $0x80, s11, s20, $0xb8;
	[tilespmem:$0x12C80] =	vst v63  }
0x116: {  	_ =	swait.ge [sflag:s17], $0x2000  }
0x117: {  	[sflag:s17] =	ssyncset.done $0x0  }
0x118: {  	s11 =	simm.s32 $0x1C0;
	[sflag:s17] =	ssyncadd.s32 $0xFFFFE000  }
0x119: {  	[tilespmem:s26], [sflag:$0x4] =	stream.indirect.gather [hbm4b:s4+s20], $0x80, s11, s20, $0xb8;
	[tilespmem:$0x12C80] =	vst v63  }
0x11a: {  	_ =	swait.ge [sflag:s18], $0x2000  }
0x11b: {  	[sflag:s18] =	ssyncset.done $0x0  }
0x11c: {  	s11 =	simm.s32 $0x600;
	[sflag:s18] =	ssyncadd.s32 $0xFFFFE000  }
0x11d: {  	[spmem:s1] =	stream.indirect.scatter.add.f32 [tilespmem:s21], [sflag:$0x5], $0x80, s11, s20, $0xb8;
	[tilespmem:$0x12C80] =	vst v63  }
0x11e: {  	_ =	swait.ge [sflag:s28], $0x2000  }
0x11f: {  	[sflag:s28] =	ssyncset.done $0x0  }
0x120: {  	s11 =	simm.s32 $0x680;
	[sflag:s28] =	ssyncadd.s32 $0xFFFFE000  }
0x121: {  	[spmem:s1] =	stream.indirect.scatter.add.f32 [tilespmem:s22], [sflag:$0x6], $0x80, s11, s20, $0xb8;
	[tilespmem:$0x12C80] =	vst v63  }
0x122: {  	_ =	swait.ge [sflag:s30], $0x2000  }
0x123: {  	[sflag:s30] =	ssyncset.done $0x0  }
0x124: {  	s11 =	simm.s32 $0x700;
	[sflag:s30] =	ssyncadd.s32 $0xFFFFE000  }
0x125: {  	[spmem:s1] =	stream.indirect.scatter.add.f32 [tilespmem:s24], [sflag:$0x7], $0x80, s11, s20, $0xb8;
	[tilespmem:$0x12C80] =	vst v63  }
0x126: {  	_ =	swait.ge [sflag:s0], $0x2000  }
0x127: {  	[sflag:s0] =	ssyncset.done $0x0  }
0x128: {  	s11 =	simm.s32 $0x780;
	[sflag:s0] =	ssyncadd.s32 $0xFFFFE000  }
0x129: {  	[spmem:s1] =	stream.indirect.scatter.add.f32 [tilespmem:s26], [sflag:$0x8], $0x80, s11, s20, $0xb8;
	[tilespmem:$0x12C80] =	vst v63  }
0x12a: {  	_ =	swait.ge [sflag:s5], $0x2000  }
0x12b: {  	[sflag:s5] =	ssyncset.done $0x0  }
0x12c: {  	s11 =	simm.s32 $0x200;
	[sflag:s5] =	ssyncadd.s32 $0xFFFFE000  }
0x12d: {  	[tilespmem:s21], [sflag:$0x1] =	stream.indirect.gather [hbm4b:s4+s20], $0x80, s11, s20, $0xb8;
	[tilespmem:$0x12C80] =	vst v63  }
0x12e: {  	_ =	swait.ge [sflag:s8], $0x2000  }
0x12f: {  	[sflag:s8] =	ssyncset.done $0x0  }
0x130: {  	s11 =	simm.s32 $0x240;
	[sflag:s8] =	ssyncadd.s32 $0xFFFFE000  }
0x131: {  	[tilespmem:s22], [sflag:$0x2] =	stream.indirect.gather [hbm4b:s4+s20], $0x80, s11, s20, $0xb8;
	[tilespmem:$0x12C80] =	vst v63  }
0x132: {  	_ =	swait.ge [sflag:s10], $0x2000  }
0x133: {  	[sflag:s10] =	ssyncset.done $0x0  }
0x134: {  	s11 =	simm.s32 $0x280;
	[sflag:s10] =	ssyncadd.s32 $0xFFFFE000  }
0x135: {  	[tilespmem:s24], [sflag:$0x3] =	stream.indirect.gather [hbm4b:s4+s20], $0x80, s11, s20, $0xb8;
	[tilespmem:$0x12C80] =	vst v63  }
0x136: {  	_ =	swait.ge [sflag:s17], $0x2000  }
0x137: {  	[sflag:s17] =	ssyncset.done $0x0  }
0x138: {  	s11 =	simm.s32 $0x2C0;
	[sflag:s17] =	ssyncadd.s32 $0xFFFFE000  }
0x139: {  	[tilespmem:s26], [sflag:$0x4] =	stream.indirect.gather [hbm4b:s4+s20], $0x80, s11, s20, $0xb8;
	[tilespmem:$0x12C80] =	vst v63  }
0x13a: {  	_ =	swait.ge [sflag:s18], $0x2000  }
0x13b: {  	[sflag:s18] =	ssyncset.done $0x0  }
0x13c: {  	s11 =	simm.s32 $0x800;
	[sflag:s18] =	ssyncadd.s32 $0xFFFFE000  }
0x13d: {  	[spmem:s1] =	stream.indirect.scatter.add.f32 [tilespmem:s21], [sflag:$0x5], $0x80, s11, s20, $0xb8;
	[tilespmem:$0x12C80] =	vst v63  }
0x13e: {  	_ =	swait.ge [sflag:s28], $0x2000  }
0x13f: {  	[sflag:s28] =	ssyncset.done $0x0  }
0x140: {  	s11 =	simm.s32 $0x880;
	[sflag:s28] =	ssyncadd.s32 $0xFFFFE000  }
0x141: {  	[spmem:s1] =	stream.indirect.scatter.add.f32 [tilespmem:s22], [sflag:$0x6], $0x80, s11, s20, $0xb8;
	[tilespmem:$0x12C80] =	vst v63  }
0x142: {  	_ =	swait.ge [sflag:s30], $0x2000  }
0x143: {  	[sflag:s30] =	ssyncset.done $0x0  }
0x144: {  	s11 =	simm.s32 $0x900;
	[sflag:s30] =	ssyncadd.s32 $0xFFFFE000  }
0x145: {  	[spmem:s1] =	stream.indirect.scatter.add.f32 [tilespmem:s24], [sflag:$0x7], $0x80, s11, s20, $0xb8;
	[tilespmem:$0x12C80] =	vst v63  }
0x146: {  	_ =	swait.ge [sflag:s0], $0x2000  }
0x147: {  	[sflag:s0] =	ssyncset.done $0x0  }
0x148: {  	s11 =	simm.s32 $0x980;
	[sflag:s0] =	ssyncadd.s32 $0xFFFFE000  }
0x149: {  	[spmem:s1] =	stream.indirect.scatter.add.f32 [tilespmem:s26], [sflag:$0x8], $0x80, s11, s20, $0xb8;
	[tilespmem:$0x12C80] =	vst v63  }
0x14a: {  	_ =	swait.ge [sflag:s5], $0x2000  }
0x14b: {  	[sflag:s5] =	ssyncset.done $0x0  }
0x14c: {  	[sflag:s5] =	ssyncadd.s32 $0xFFFFE000  }
0x14d: {  	[tilespmem:s21], [sflag:$0x1] =	stream.indirect.gather [hbm4b:s4+s20], $0x80, s12, s20, $0xb8;
	[tilespmem:$0x12C80] =	vst v63  }
0x14e: {  	_ =	swait.ge [sflag:s8], $0x2000  }
0x14f: {  	[sflag:s8] =	ssyncset.done $0x0  }
0x150: {  	[sflag:s8] =	ssyncadd.s32 $0xFFFFE000  }
0x151: {  	[tilespmem:s22], [sflag:$0x2] =	stream.indirect.gather [hbm4b:s4+s20], $0x80, s13, s20, $0xb8;
	[tilespmem:$0x12C80] =	vst v63  }
0x152: {  	_ =	swait.ge [sflag:s10], $0x2000  }
0x153: {  	[sflag:s10] =	ssyncset.done $0x0  }
0x154: {  	[sflag:s10] =	ssyncadd.s32 $0xFFFFE000  }
0x155: {  	[tilespmem:s24], [sflag:$0x3] =	stream.indirect.gather [hbm4b:s4+s20], $0x80, s14, s20, $0xb8;
	[tilespmem:$0x12C80] =	vst v63  }
0x156: {  	_ =	swait.ge [sflag:s17], $0x2000  }
0x157: {  	[sflag:s17] =	ssyncset.done $0x0  }
0x158: {  	[sflag:s17] =	ssyncadd.s32 $0xFFFFE000  }
0x159: {  	[tilespmem:s26], [sflag:$0x4] =	stream.indirect.gather [hbm4b:s4+s20], $0x80, s6, s20, $0xb8;
	[tilespmem:$0x12C80] =	vst v63  }
0x15a: {  	_ =	swait.ge [sflag:s18], $0x2000  }
0x15b: {  	[sflag:s18] =	ssyncset.done $0x0  }
0x15c: {  	[sflag:s18] =	ssyncadd.s32 $0xFFFFE000  }
0x15d: {  	[spmem:s1] =	stream.indirect.scatter.add.f32 [tilespmem:s21], [sflag:$0x5], $0x80, s15, s20, $0xb8;
	[tilespmem:$0x12C80] =	vst v63  }
0x15e: {  	_ =	swait.ge [sflag:s28], $0x2000  }
0x15f: {  	[sflag:s28] =	ssyncset.done $0x0  }
0x160: {  	[sflag:s28] =	ssyncadd.s32 $0xFFFFE000  }
0x161: {  	[spmem:s1] =	stream.indirect.scatter.add.f32 [tilespmem:s22], [sflag:$0x6], $0x80, s23, s20, $0xb8;
	[tilespmem:$0x12C80] =	vst v63  }
0x162: {  	_ =	swait.ge [sflag:s30], $0x2000  }
0x163: {  	[sflag:s30] =	ssyncset.done $0x0  }
0x164: {  	[sflag:s30] =	ssyncadd.s32 $0xFFFFE000  }
0x165: {  	[spmem:s1] =	stream.indirect.scatter.add.f32 [tilespmem:s24], [sflag:$0x7], $0x80, s25, s20, $0xb8;
	[tilespmem:$0x12C80] =	vst v63  }
0x166: {  	_ =	swait.ge [sflag:s0], $0x2000  }
0x167: {  	[sflag:s0] =	ssyncset.done $0x0  }
0x168: {  	[sflag:s0] =	ssyncadd.s32 $0xFFFFE000  }
0x169: {  	[spmem:s1] =	stream.indirect.scatter.add.f32 [tilespmem:s26], [sflag:$0x8], $0x80, s29, s20, $0xb8;
	[tilespmem:$0x12C80] =	vst v63  }
0x16a: {  	_ =	swait.ge [sflag:s5], $0x2000  }
0x16b: {  	[sflag:s5] =	ssyncset.done $0x0  }
0x16c: {  	[sflag:s5] =	ssyncadd.s32 $0xFFFFE000  }
0x16d: {  	_ =	swait.ge [sflag:s8], $0x2000  }
0x16e: {  	[sflag:s8] =	ssyncset.done $0x0  }
0x16f: {  	[sflag:s8] =	ssyncadd.s32 $0xFFFFE000  }
0x170: {  	_ =	swait.ge [sflag:s10], $0x2000  }
.Ltmp9:
0x171: {  	[sflag:s10] =	ssyncset.done $0x0;
	(pc) =	sbr.rel .LBB2_8-.Ltmp9, $4  }
0x172: {  	[sflag:s10] =	ssyncadd.s32 $0xFFFFE000  }
0x173: {  	_ =	swait.ge [sflag:s17], $0x2000  }
0x174: {  	[sflag:s17] =	ssyncset.done $0x0  }
0x175: {  	[sflag:s17] =	ssyncadd.s32 $0xFFFFE000  }
.LBB2_10:
0x176: {  	_ =	sfence.sel $0x180000  }
0x177: {  	[bflag:$0x0] =	sbarrier.arrive $0xFFFF  }
0x178: {  	_ =	strace $0x90000050  }
0x179: {  	s0 =	stileid.u32;
	[bflag:$0x2] =	sbarrier.arrive $0xFFFF  }
0x17a: {  	p0 =	sne.s32 s0, $0x0;
	s0 =	rddreg [dreg:$0x3]  }
0x17b: {  	s0 =	sadd.s32 @!p0 $0x100000, s0  }
0x17c: {  	[sflag:s0] =	ssyncadd.tile.s32 @!p0 $0x1;
	_ =	shalt  }
.Lfunc_end2:
_tile_overlayer_lowered:
.L_overlay_start_2:
0x17d: {  	(tag) =	ssettag $0x2  }
0x17e: {  	s0 =	rddreg [dreg:$0x0];
	s2 =	stileid.u32  }
0x17f: {  	s1 =	rddreg [dreg:$0x1];
	p0 =	sne.s32 s2, $0x0  }
0x180: {  	s3 =	rddreg [dreg:$0x2];
	[bflag:$0x3] =	sbarrier.arrive $0xFFFF;
	s2 =	simm.s32 @!p0 $0x1C09  }
0x181: {  	[timem:s3], [sflag:s2] =	dma.local @!p0 [hbm:s0], s1  }
0x182: {  	s0 =	simm.s32 @!p0 $0x9  }
0x183: {  	_ =	swait.ge @!p0 [sflag:s0], s1  }
0x184: {  	s1 =	ssub.s32 @!p0 $0x0, s1;
	[sflag:s0] =	ssyncset.done @!p0 $0x0  }
0x185: {  	[sflag:s0] =	ssyncadd.s32 @!p0 s1  }
0x186: {  	[bflag:$0x3] =	sbarrier.arrive $0xFFFF  }
0x187: {  	_ =	shalt  }

// kernel: kernel.9.cloned.1.call-start
scs
__scs_entry_jumppad:
0x0: {  	(pc) =	sbr.rel $0x88, $3  }
0x1: {  	(tag) =	ssettag $0x0;
	lr =	simm.s32 $0x1  }
0x2: {  	[smem:$0x3F9B] =	sst lr;
	_ =	strace $0xD0000000  }
0x3: {  	_ = 	snop  }
0x4: {  	_ = 	snop  }
0x5: {  	_ = 	snop  }
0x6: {  	_ = 	snop  }
0x7: {  	_ = 	snop  }
__scs_overlays_trampoline_lowered:
0x8: {  	[smem:$0x3FAA] =	sst s0  }
0x9: {  	[smem:$0x3FAB] =	sst s1  }
0xa: {  	[smem:$0x3FAC] =	sst s2  }
0xb: {  	[smem:$0x3FAD] =	sst s3  }
0xc: {  	[smem:$0x3FAE] =	sst s4  }
0xd: {  	[smem:$0x3FAF] =	sst s5  }
0xe: {  	[smem:$0x3FB0] =	sst s6  }
0xf: {  	[smem:$0x3FB1] =	sst s7  }
0x10: {  	[smem:$0x3FB2] =	sst s8  }
0x11: {  	[smem:$0x3FB3] =	sst s9;
	s0 =	simm.s32 @!p0 $0x0  }
0x12: {  	s1 =	sld [smem:$0x3F99];
	s0 =	simm.s32 @p0 $0x1  }
0x13: {  	[smem:$0x3FB4] =	sst s0;
	s0 =	simm.s32 @!p1 $0x0  }
0x14: {  	s2 =	sld [smem:$0x3F98];
	s0 =	simm.s32 @p1 $0x1  }
0x15: {  	[smem:$0x3FB5] =	sst s0;
	s0 =	simm.s32 @!p2 $0x0  }
0x16: {  	s3 =	sld [smem:$0x3FDB];
	s0 =	simm.s32 @p2 $0x1  }
0x17: {  	s4 =	simm.s32 $0x1BF5;
	[smem:$0x3FB7] =	sst s0  }
0x18: {  	s0 =	sld [smem:$0x3F9A];
	_ =	swait.ge [sflag:s4], $0x0  }
0x19: {  	s7 =	sld [smem:$0x3F9B]  }
0x1a: {  	s8 =	sadd.s32 $0xFFFFE003, lr  }
0x1b: {  	s9 =	sadd.s32 $0xFFFFFEF7, lr;
	s5 =	simm.s32 $0xFFFFFFFF;
	p2 =	slt.u32 s8, $0xFFFFF086  }
0x1c: {  	p1 =	slt.u32 s9, $0xF7A;
	s5 =	simm.s32 @!p2 $0x0  }
0x1d: {  	s5 =	simm.s32 @p1 $0x1;
	p0 =	seq.s32 s7, s2  }
0x1e: {  	s7 =	smul.u32 @!p0 $0xF7A, s2;
	p2 =	seq.s32 @!p0 s5, $0x0  }
0x1f: {  	s9 =	smul.u32 $0xF7A, s1;
	s8 =	simm.s32 @!p0 $0x1BF5;
	p2 =	por !p2, p0  }
0x20: {  	[sflag:s8] =	ssyncset.s32 @!p0 $0xFFFFF086;
	s6 =	sadd.s32 @!p0 s3, s7;
	s7 =	simm.s32 @!p0 $0x108  }
0x21: {  	s3 =	sadd.s32 s3, s9;
	s6 =	sadd.s32 @!p0 $0x88, s6;
	s7 =	simm.s32 @p2 $0x1082  }
0x22: {  	[simem:s7], [sflag:s8] =	dma.local @!p0 [hbm:s6], $0xF7A  }
0x23: {  	s9 =	sor.u32 $0xD0000000, s2;
	s6 =	simm.s32 $0x108;
	_ =	swait.ge @!p0 [sflag:s8], $0x0  }
0x24: {  	s3 =	sadd.s32 $0x88, s3;
	s6 =	simm.s32 @!p1 $0x1082;
	[sflag:s4] =	ssyncset.s32 $0xFFFFF086  }
0x25: {  	[simem:s6], [sflag:s4] =	dma.local [hbm:s3], $0xF7A  }
0x26: {  	[smem:$0x3F9B] =	sst s1;
	(tag) =	ssettag s2;
	_ =	strace s9  }
0x27: {  	s1 =	sld [smem:$0x3FAB]  }
0x28: {  	s2 =	sld [smem:$0x3FAC]  }
0x29: {  	s4 =	sld [smem:$0x3FAE]  }
0x2a: {  	p0 =	seq.s32 s5, $0x0;
	s5 =	sld [smem:$0x3FAF]  }
0x2b: {  	s6 =	sld [smem:$0x3FB0]  }
0x2c: {  	s7 =	sld [smem:$0x3FB1]  }
0x2d: {  	s3 =	simm.s32 $0x108;
	s8 =	sld [smem:$0x3FB2]  }
0x2e: {  	s3 =	simm.s32 @!p0 $0x1082;
	s9 =	sld [smem:$0x3FB3]  }
0x2f: {  	lr =	sadd.s32 s0, s3;
	s0 =	sld [smem:$0x3FAA]  }
0x30: {  	s3 =	sld [smem:$0x3FAD]  }
0x31: {  	[smem:$0x3FB6] =	sst s10  }
0x32: {  	s10 =	sld [smem:$0x3FB4];
	_ =	sdelay $0x3  }
0x33: {  	p0 =	seq.s32 s10, $0x1;
	s10 =	sld [smem:$0x3FB6];
	_ =	sdelay $0x3  }
0x34: {  	[smem:$0x3FB6] =	sst s10  }
0x35: {  	s10 =	sld [smem:$0x3FB5];
	_ =	sdelay $0x3  }
0x36: {  	p1 =	seq.s32 s10, $0x1;
	s10 =	sld [smem:$0x3FB6];
	_ =	sdelay $0x3  }
0x37: {  	[smem:$0x3FB6] =	sst s10  }
0x38: {  	s10 =	sld [smem:$0x3FB7]  }
0x39: {  	_ = 	snop;
	(pc) =	sbr.ind lr, $3  }
0x3a: {  	_ = 	snop  }
0x3b: {  	_ = 	snop  }
0x3c: {  	p2 =	seq.s32 s10, $0x1;
	s10 =	sld [smem:$0x3FB6]  }
0x3d: {  	_ =	shalt  }
0x3e: {  	_ =	shalt  }
0x3f: {  	_ =	shalt  }
0x40: {  	_ =	shalt  }
0x41: {  	_ =	shalt  }
0x42: {  	_ =	shalt  }
0x43: {  	_ =	shalt  }
0x44: {  	_ =	shalt  }
0x45: {  	_ =	shalt  }
0x46: {  	_ =	shalt  }
0x47: {  	_ =	shalt  }
0x48: {  	_ =	shalt  }
0x49: {  	_ =	shalt  }
0x4a: {  	_ =	shalt  }
0x4b: {  	_ =	shalt  }
0x4c: {  	_ =	shalt  }
0x4d: {  	_ =	shalt  }
0x4e: {  	_ =	shalt  }
0x4f: {  	_ =	shalt  }
0x50: {  	_ =	shalt  }
0x51: {  	_ =	shalt  }
0x52: {  	_ =	shalt  }
0x53: {  	_ =	shalt  }
0x54: {  	_ =	shalt  }
0x55: {  	_ =	shalt  }
0x56: {  	_ =	shalt  }
0x57: {  	_ =	shalt  }
0x58: {  	_ =	shalt  }
0x59: {  	_ =	shalt  }
0x5a: {  	_ =	shalt  }
0x5b: {  	_ =	shalt  }
0x5c: {  	_ =	shalt  }
0x5d: {  	_ =	shalt  }
0x5e: {  	_ =	shalt  }
0x5f: {  	_ =	shalt  }
0x60: {  	_ =	shalt  }
0x61: {  	_ =	shalt  }
0x62: {  	_ =	shalt  }
0x63: {  	_ =	shalt  }
0x64: {  	_ =	shalt  }
0x65: {  	_ =	shalt  }
0x66: {  	_ =	shalt  }
0x67: {  	_ =	shalt  }
0x68: {  	_ =	shalt  }
0x69: {  	_ =	shalt  }
0x6a: {  	_ =	shalt  }
0x6b: {  	_ =	shalt  }
0x6c: {  	_ =	shalt  }
0x6d: {  	_ =	shalt  }
0x6e: {  	_ =	shalt  }
0x6f: {  	_ =	shalt  }
0x70: {  	_ =	shalt  }
0x71: {  	_ =	shalt  }
0x72: {  	_ =	shalt  }
0x73: {  	_ =	shalt  }
0x74: {  	_ =	shalt  }
0x75: {  	_ =	shalt  }
0x76: {  	_ =	shalt  }
0x77: {  	_ =	shalt  }
0x78: {  	_ =	shalt  }
0x79: {  	_ =	shalt  }
0x7a: {  	_ =	shalt  }
0x7b: {  	_ =	shalt  }
0x7c: {  	_ =	shalt  }
0x7d: {  	_ =	shalt  }
0x7e: {  	_ =	shalt  }
0x7f: {  	_ =	shalt  }
0x80: {  	_ =	shalt  }
0x81: {  	_ =	shalt  }
0x82: {  	_ =	shalt  }
0x83: {  	_ =	shalt  }
0x84: {  	_ =	shalt  }
0x85: {  	_ =	shalt  }
0x86: {  	_ =	shalt  }
0x87: {  	_ =	shalt  }
.Lfunc_end0:
.L_simem_size_0:
called_computation_lowered:
.L_overlay_start_0:
0x88: {  	s2 =	sld [smem:$0x3FD9]  }
0x89: {  	s3 =	sld [smem:$0x3FFE];
	_ =	sdelay $0x1  }
0x8a: {  	s1 =	srdreg.scid  }
0x8b: {  	s0 =	sand.u32 $0x1, s1  }
0x8c: {  	s17 =	sshll.u32 s0, $0xA;
	s2 =	sadd.s32 s3, s2  }
0x8d: {  	s2 =	sadd.s32 s2, s17  }
0x8e: {  	[smem:$0x3FC2] =	sst s2  }
0x8f: {  	_ = 	snop  }
0x90: {  	s18 =	sld [smem:$0x3FD0];
	(tm) =	ssettm $0x1  }
0x91: {  	s19 =	sld [smem:$0x3FFB];
	_ =	sdelay $0x3  }
0x92: {  	_ =	strace s19  }
0x93: {  	s2 =	sld [smem:$0x3FFC];
	_ =	sdelay $0x3  }
0x94: {  	_ =	strace s2  }
0x95: {  	s2 =	sld [smem:$0x3FFD];
	_ =	sdelay $0x3  }
0x96: {  	_ =	strace s2  }
0x97: {  	_ =	strace $0x8FFFFFFF  }
0x98: {  	s20 =	sld [smem:$0x3FDB];
	_ =	sdelay $0x1  }
0x99: {  	s4 =	simm.s32 $_scs_section_size  }
0x9a: {  	s5 =	simm.s32 $_size__tile_overlayer_lowered;
	s6 =	simm.s32 $_tile_overlayer_lowered  }
0x9b: {  	s7 =	simm.s32 $0x1BFF;
	s21 =	sshll.u32 s6, $0x1;
	s4 =	sadd.s32 s4, s20  }
0x9c: {  	s22 =	simm.s32 $0x0;
	s5 =	sshll.u32 s5, $0x1;
	s6 =	sadd.s32 s21, s4  }
0x9d: {  	[timem:s22], [sflag:s7] =	dma.local [hbm:s6], s5  }
0x9e: {  	_ =	swait.ge [sflag:s7], s5  }
0x9f: {  	s5 =	ssub.s32 $0x0, s5;
	[sflag:s7] =	ssyncset.done $0x0  }
0xa0: {  	[sflag:s7] =	ssyncadd.s32 s5;
	_ =	sdelay $0x1  }
0xa1: {  	s23 =	simm.s32 $0x1B8B  }
0xa2: {  	_ =	swait.ge [sflag:s23], $0x1  }
0xa3: {  	[sflag:s23] =	ssyncset.done $0x0  }
0xa4: {  	[sflag:s23] =	ssyncadd.s32 $0xFFFFFFFF  }
0xa5: {  	s5 =	sld [smem:$0x0]  }
0xa6: {  	s6 =	sand.u32 $0xFFFFFFFE, s1  }
0xa7: {  	p0 =	sne.s32 s1, s6  }
0xa8: {  	s6 =	sshll.u32 @p0 s6, $0xE  }
0xa9: {  	s6 =	sadd.s32 @p0 $0x11B8D, s6;
	s7 =	sshll.u32 @p0 s5, $0x11  }
0xaa: {  	s6 =	sor.u32 @p0 s7, s6  }
0xab: {  	[sflag:s6] =	ssyncadd.remote.s32 @p0 $0x1;
	_ =	sdelay $0x1  }
0xac: {  	s6 =	simm.s32 @p0 $0x1B8D  }
0xad: {  	_ =	swait.eq @p0 [sflag:s6], $0x1  }
0xae: {  	[sflag:s6] =	ssyncadd.s32 @p0 $0xFFFFFFFF  }
0xaf: {  	s7 =	sshll.u32 @!p0 s1, $0xE  }
0xb0: {  	s7 =	sor.u32 @!p0 $0x4000, s7;
	s6 =	simm.s32 @!p0 $0x1B8D  }
0xb1: {  	s5 =	sshll.u32 @!p0 s5, $0x11;
	s7 =	sadd.s32 @!p0 $0x11B8D, s7;
	_ =	swait.eq @!p0 [sflag:s6], $0x1  }
0xb2: {  	s5 =	sor.u32 @!p0 s5, s7;
	[sflag:s6] =	ssyncadd.s32 @!p0 $0xFFFFFFFF  }
0xb3: {  	s25 =	simm.s32 $0x1B8E;
	s24 =	sld [smem:$0x3FFE];
	[sflag:s5] =	ssyncadd.remote.s32 @!p0 $0x1  }
0xb4: {  	s26 =	simm.s32 $execute0_lowered;
	[smem:$0x3FD2] =	sst s25  }
0xb5: {  	s6 =	sshll.u32 s26, $0x1;
	_ =	strace $0x80000049;
	[dreg:$0x1] =	wrdreg $0xFFFFFFFF  }
0xb6: {  	s28 =	simm.s32 $_size_execute0_lowered;
	s4 =	sadd.s32 s4, s6;
	[dreg:$0x0] =	wrdreg $0x0  }
0xb7: {  	s6 =	sshll.u32 s28, $0x1;
	[dreg:$0x2] =	wrdreg s4  }
0xb8: {  	[dreg:$0x3] =	wrdreg s6  }
0xb9: {  	[dreg:$0x4] =	wrdreg $0xC0  }
0xba: {  	_ =	task [dreg:s22], $0x5FFFF  }
0xbb: {  	[dreg:$0x1] =	wrdreg $0xFFFFFFFF  }
0xbc: {  	[dreg:$0x0] =	wrdreg $0x60  }
0xbd: {  	[dreg:$0x2] =	wrdreg s24  }
0xbe: {  	[dreg:$0x3] =	wrdreg s18  }
0xbf: {  	[dreg:$0x4] =	wrdreg $0x9  }
0xc0: {  	_ =	task.clear_ibuf [dreg:s22], $0x5FFFF;
	_ =	strace $0x90000049  }
0xc1: {  	s29 =	simm.s32 $0x9;
	_ =	strace $0x8000004B  }
0xc2: {  	_ =	swait.ge [sflag:s29], $0x1  }
0xc3: {  	[sflag:s29] =	ssyncadd.s32 $0xFFFFFFFF  }
0xc4: {  	_ =	strace $0x9000004B  }
0xc5: {  	_ =	sfence  }
0xc6: {  	s30 =	sld [smem:$0x0];
	_ =	sdelay $0x2  }
0xc7: {  	s31 =	sshll.u32 s1, $0xD;
	s1 =	sshrl.u32 s1, $0x2  }
0xc8: {  	s4 =	sand.u32 $0x4000, s31;
	s1 =	sadd.s32 s1, s30  }
0xc9: {  	s0 =	sor.u32 s4, s0;
	s1 =	sshll.u32 s1, $0x11  }
0xca: {  	s0 =	sor.u32 s1, s0  }
0xcb: {  	s0 =	sadd.s32 $0x8F2B, s0  }
0xcc: {  	[sflag:s0] =	ssyncadd.remote.s32 $0x1  }
0xcd: {  	_ =	sfence.sel $0xFFFF  }
0xce: {  	[dreg:$0x0] =	wrdreg $0xFFFFFFFF;
	(pc) =	sbr.abs _section_cstart, $3  }
0xcf: {  	[dreg:$0x1] =	wrdreg $0xFFFFFFFF  }
0xd0: {  	_ =	task.clear_ibuf [dreg:s22], $0x2FFFF;
	_ =	strace $0x9FFFFFFF  }
0xd1: {  	(tm) =	ssettm $0x7FFFFFFF  }
tec
execute0_lowered:
.L_overlay_start_1:
0x0: {  	(tag) =	ssettag $0x1  }
0x1: {  	s0 =	srdreg.scid;
	s1 =	rddreg [dreg:$0x0]  }
0x2: {  	s3 =	stileid.u32;
	s9 =	rddreg [dreg:$0x1]  }
0x3: {  	s16 =	simm.s32 $0x5000;
	s17 =	simm.s32 $0x7C00;
	s18 =	simm.s32 $0x10000  }
0x4: {  	s19 =	simm.s32 $0xA800;
	s20 =	simm.s32 $0xD400;
	s0 =	sand.u32 $0x1, s0  }
0x5: {  	s21 =	simm.s32 $0x15800;
	s22 =	simm.s32 $0x1B000;
	s2 =	sshll.u32 s0, $0x4  }
0x6: {  	s23 =	simm.s32 $0x0;
	s10 =	sadd.s32 $0x21600, s1;
	s7 =	sor.u32 s3, s2  }
0x7: {  	s12 =	sadd.s32 $0x37600, s1;
	s0 =	ssub.s32 $0x2, s0;
	s3 =	smul.u32 $0x500, s7  }
0x8: {  	s2 =	simm.s32 $0x0;
	s29 =	sshrl.u32 s0, $0x1;
	s8 =	smul.u32 $0x580, s7  }
0x9: {  	[smem:$0x7FF] =	sst s2;
	s11 =	sor.u32 $0x20, s7;
	s31 =	smul.u32 $0xB00, s7  }
0xa: {  	s0 =	ssub.s32 s0, s29;
	s5 =	sshll.u32 s7, $0x1;
	s13 =	smul.u32 $0x580, s11  }
0xb: {  	_ =	strace $0x8000004A;
	s6 =	sshll.u32 s11, $0x1;
	s14 =	smul.u32 $0xB00, s11  }
0xc: {  	s4 =	sadd.s32 s3, s1;
	s1 =	sadd.s32 $0x63600, s1;
	s7 =	sadd.s32 s9, s8  }
0xd: {  	s8 =	sadd.s32 s10, s8;
	s11 =	sadd.s32 s12, s31;
	s30 =	sadd.s32 $0x16A00, s4  }
0xe: {  	s4 =	sadd.s32 $0xCA00, s4;
	s5 =	sadd.s32 s1, s5;
	s6 =	sadd.s32 s1, s6  }
0xf: {  	v0 =	vlaneseq.u32;
	s9 =	sadd.s32 s9, s13;
	s10 =	sadd.s32 s10, s13;
	s12 =	sadd.s32 s12, s14  }
0x10: {  	v1 =	vor.u32 $0x10, v0;
	s13 =	smax.u32 s0, $0x1;
	s14 =	simm.s32 $0x1;
	[dreg:$0x3] =	wrdreg s30  }
.LBB2_1:
0x11: {  	s0 =	rddreg [dreg:$0x3]  }
0x12: {  	[tilespmem:s2], [sflag:$0x1] =	stream.linear.gather [hbm4b:s0+s2], $0x2800, $0x38;
	[tilespmem:$0x1B080] =	vst v63  }
0x13: {  	_ =	swait.ge [sflag:s14], $0x2800  }
0x14: {  	[sflag:s14] =	ssyncset.done $0x0  }
0x15: {  	s26 =	simm.s32 $0x2800;
	[sflag:s14] =	ssyncadd.s32 $0xFFFFD800  }
0x16: {  	[tilespmem:s26], [sflag:$0x1] =	stream.linear.gather [hbm4b:s4+s2], $0x2800, $0x38;
	[tilespmem:$0x1B080] =	vst v63  }
0x17: {  	_ =	swait.ge [sflag:s14], $0x2800  }
0x18: {  	[sflag:s14] =	ssyncset.done $0x0  }
0x19: {  	s30 =	simm.s32 $0x0;
	[sflag:s14] =	ssyncadd.s32 $0xFFFFD800  }
0x1a: {  	v2 =	vld [tilespmem:s30+$0x2800];
	_ =	sdelay $0x4  }
0x1b: {  	vm0 =	vlt.s32 v2, $0x1400  }
0x1c: {  	v3 =	vmpcnt.ones.xlane vm0;
	_ =	sdelay $0x1  }
0x1d: {  	v3 =	vxor.u32 $0x80000000, v3  }
0x1e: {  	(xrf0) =	vmax.scan.msk.u32 $0xffff, v3;
	_ =	sdelay $0x5  }
0x1f: {  	v3, _, _ =	vpop (xrf0)  }
0x20: {  	(v2sf) =	vpush v3, $0xF;
	_ =	sdelay $0x3  }
0x21: {  	v3 =	vld [tilespmem:s30+$0x0];
	_ =	sdelay $0x3  }
0x22: {  	v2 =	vxor.u32 $0x80000000, v2  }
0x23: {  	(xrf1) =	vsort.ascd.msk.u32 $0xffff, v2, v3;
	_ =	sdelay $0x5  }
0x24: {  	s31 =	spop (v2sf)  }
0x25: {  	s0 =	sxor.u32 $0x80000000, s31  }
0x26: {  	v2 =	vmov s0  }
0x27: {  	vm1 =	vgt.s32 v2, v0  }
0x28: {  	v3 =	vadd.s32 s2, v0  }
0x29: {  	v4 =	vsub.s32 s2, v2  }
0x2a: {  	v5 =	vshll.u32 v3, $0x1;
	v4 =	vbroadcast v4, $0x0  }
0x2b: {  	vm0 =	vle.s32 v2, v0;
	v2 =	vor.u32 $0x1, v5  }
0x2c: {  	v6, v7, _ =	vpop (xrf1);
	v4 =	vadd.s32 v0, v4  }
0x2d: {  	v8 =	vxor.u32 $0x80000000, v6;
	[tilespmem:v3+s16+$0x0] =	vst.idx.msk vm1, v7  }
0x2e: {  	[tilespmem:v3+s17+$0x0] =	vst.idx.msk vm1, v8;
	v3 =	vshll.u32 v6, $0x1  }
0x2f: {  	[tilespmem:v5+s18+$0x0] =	vst.idx.msk vm1, v3;
	v3 =	vor.u32 $0x1, v3  }
0x30: {  	v63 =	vshll.u32 v4, $0x1;
	[tilespmem:v2+s18+$0x0] =	vst.idx.msk vm1, v3  }
0x31: {  	v2 =	vadd.s32 $0x7FFFEC00, v6;
	[tilespmem:v4+s19+$0x0] =	vst.idx.msk vm0, v7  }
0x32: {  	v3 =	vshll.u32 v2, $0x1;
	[tilespmem:v4+s20+$0x0] =	vst.idx.msk vm0, v2;
	v2 =	vor.u32 $0x1, v63;
	_ =	sdelay $0x1  }
0x33: {  	s28 =	simm.s32 $0x40;
	s24 =	sadd.s32 $0x0, s0;
	s0 =	ssub.s32 $0x0, s0  }
0x34: {  	s29 =	simm.s32 $0x80;
	s25 =	sadd.s32 $0x10, s0;
	s26 =	smov.u32 s24;
	[tilespmem:v63+s21+$0x0] =	vst.idx.msk vm0, v3;
	v3 =	vor.u32 $0x1, v3  }
.LBB2_2:
0x35: {  	p0 =	seq.s32 s29, $0x9FC0  }
0x36: {  	s0 =	sshra.s32 s28, $0x2;
	[tilespmem:v2+s21+$0x0] =	vst.idx.msk vm0, v3;
	s28 =	smov.u32 s29;
	s29 =	sadd.s32 $0x40, s29  }
0x37: {  	v2 =	vld [tilespmem:s0+$0x2800];
	_ =	sdelay $0x4  }
0x38: {  	vm0 =	vlt.s32 v2, $0x1400;
	v2 =	vxor.u32 $0x80000000, v2  }
0x39: {  	v3 =	vmpcnt.ones.xlane vm0;
	_ =	sdelay $0x1  }
0x3a: {  	v3 =	vxor.u32 $0x80000000, v3  }
0x3b: {  	(xrf0) =	vmax.scan.msk.u32 $0xffff, v3;
	_ =	sdelay $0x5  }
0x3c: {  	v3, _, _ =	vpop (xrf0)  }
0x3d: {  	(v2sf) =	vpush v3, $0xF;
	_ =	sdelay $0x3  }
0x3e: {  	v3 =	vld [tilespmem:s0+$0x0];
	_ =	sdelay $0x4  }
0x3f: {  	(xrf1) =	vsort.ascd.msk.u32 $0xffff, v2, v3;
	_ =	sdelay $0x5  }
0x40: {  	s0 =	spop (v2sf)  }
0x41: {  	s0 =	sxor.u32 $0x80000000, s0  }
0x42: {  	v2 =	vmov s0;
	s24 =	sadd.s32 s24, s0;
	s0 =	ssub.s32 s25, s0  }
0x43: {  	vm1 =	vgt.s32 v2, v0;
	v3 =	vsub.s32 s25, v2;
	s25 =	sadd.s32 $0x10, s0  }
0x44: {  	v4 =	vadd.s32 s26, v0;
	s26 =	smov.u32 s24;
	v3 =	vbroadcast v3, $0x0;
	_ =	sdelay $0x1  }
0x45: {  	v5 =	vshll.u32 v4, $0x1  }
0x46: {  	v6 =	vor.u32 $0x1, v5;
	vm0 =	vle.s32 v2, v0  }
0x47: {  	v3 =	vadd.s32 v0, v3;
	v7, v8, _ =	vpop (xrf1)  }
0x48: {  	v2 =	vxor.u32 $0x80000000, v7;
	[tilespmem:v4+s16+$0x0] =	vst.idx.msk vm1, v8  }
0x49: {  	[tilespmem:v4+s17+$0x0] =	vst.idx.msk vm1, v2;
	v2 =	vshll.u32 v7, $0x1;
	v4 =	vshll.u32 v3, $0x1  }
.Ltmp0:
0x4a: {  	[tilespmem:v5+s18+$0x0] =	vst.idx.msk vm1, v2;
	v5 =	vor.u32 $0x1, v2;
	v2 =	vor.u32 $0x1, v4;
	(pc) =	sbr.rel @!p0 .LBB2_2-.Ltmp0, $4  }
0x4b: {  	[tilespmem:v6+s18+$0x0] =	vst.idx.msk vm1, v5  }
0x4c: {  	v5 =	vadd.s32 $0x7FFFEC00, v7;
	[tilespmem:v3+s19+$0x0] =	vst.idx.msk vm0, v8  }
0x4d: {  	[tilespmem:v3+s20+$0x0] =	vst.idx.msk vm0, v5;
	v3 =	vshll.u32 v5, $0x1  }
0x4e: {  	[tilespmem:v4+s21+$0x0] =	vst.idx.msk vm0, v3;
	v3 =	vor.u32 $0x1, v3  }
0x4f: {  	_ =	sdelay $0x4  }
0x50: {  	s0 =	sshra.s32 s28, $0x2;
	[tilespmem:v2+s21+$0x0] =	vst.idx.msk vm0, v3  }
0x51: {  	v2 =	vld [tilespmem:s0+$0x2800];
	_ =	sdelay $0x4  }
0x52: {  	vm14 =	vlt.s32 v2, $0x1400  }
0x53: {  	v3 =	vmpcnt.ones.xlane vm14;
	_ =	sdelay $0x1  }
0x54: {  	v3 =	vxor.u32 $0x80000000, v3  }
0x55: {  	(xrf0) =	vmax.scan.msk.u32 $0xffff, v3;
	_ =	sdelay $0x5  }
0x56: {  	v3, _, _ =	vpop (xrf0)  }
0x57: {  	(v2sf) =	vpush v3, $0xF;
	_ =	sdelay $0x3  }
0x58: {  	v3 =	vld [tilespmem:s0+$0x0];
	_ =	sdelay $0x3  }
0x59: {  	v2 =	vxor.u32 $0x80000000, v2  }
0x5a: {  	(xrf1) =	vsort.ascd.msk.u32 $0xffff, v2, v3;
	_ =	sdelay $0x5  }
0x5b: {  	s0 =	spop (v2sf)  }
0x5c: {  	s1 =	sxor.u32 $0x80000000, s0  }
0x5d: {  	v2 =	vmov s1  }
0x5e: {  	vm15 =	vgt.s32 v2, v0  }
0x5f: {  	v3 =	vadd.s32 s26, v0  }
0x60: {  	v4 =	vsub.s32 s25, v2  }
0x61: {  	v5 =	vshll.u32 v3, $0x1;
	v4 =	vbroadcast v4, $0x0  }
0x62: {  	vm1 =	vle.s32 v2, v0;
	v2 =	vor.u32 $0x1, v5  }
0x63: {  	v6, v7, _ =	vpop (xrf1);
	v4 =	vadd.s32 v0, v4  }
0x64: {  	v8 =	vxor.u32 $0x80000000, v6;
	[tilespmem:v3+s16+$0x0] =	vst.idx.msk vm15, v7  }
0x65: {  	s3 =	sshll.u32 s25, $0x3;
	s29 =	sshll.u32 s0, $0x2;
	[tilespmem:v3+s17+$0x0] =	vst.idx.msk vm15, v8;
	v3 =	vshll.u32 v6, $0x1;
	v8 =	vshll.u32 v4, $0x1  }
0x66: {  	s15 =	ssub.s32 s25, s1;
	s28 =	sadd.s32 s24, s1;
	s24 =	sadd.s32 s24, s0;
	[tilespmem:v5+s18+$0x0] =	vst.idx.msk vm15, v3;
	v3 =	vor.u32 $0x1, v3;
	v5 =	vor.u32 $0x1, v8  }
0x67: {  	s26 =	sadd.s32 $0x10, s15;
	s15 =	sshll.u32 s25, $0x2;
	s25 =	simm.s32 $0x0;
	[tilespmem:v2+s18+$0x0] =	vst.idx.msk vm15, v3  }
0x68: {  	s1 =	ssub.s32 s15, s29;
	s29 =	sshll.u32 s24, $0x2;
	v2 =	vadd.s32 $0x7FFFEC00, v6;
	[tilespmem:v4+s19+$0x0] =	vst.idx.msk vm1, v7;
	v7 =	vor.u32 s25, v0  }
0x69: {  	s15 =	sshra.s32 s29, $0x2;
	[tilespmem:v4+s20+$0x0] =	vst.idx.msk vm1, v2;
	v2 =	vshll.u32 v2, $0x1;
	v6 =	vmulhi.u32 $0x88888889, v7  }
0x6a: {  	s0 =	sshll.u32 s0, $0x3;
	s29 =	sadd.s32 $0x5000, s15;
	[tilespmem:v8+s21+$0x0] =	vst.idx.msk vm1, v2;
	v2 =	vor.u32 $0x1, v2  }
0x6b: {  	s0 =	ssub.s32 s3, s0;
	s1 =	sshra.s32 s1, $0x2;
	s3 =	sadd.s32 $0x7C00, s15;
	[tilespmem:v5+s21+$0x0] =	vst.idx.msk vm1, v2;
	v5 =	vmov s29;
	v6 =	vshrl.u32 v6, $0x7  }
0x6c: {  	s30 =	sadd.s32 $0xD410, s1;
	s1 =	sadd.s32 $0xA810, s1;
	v4 =	vmov s3;
	v6 =	vmul.u32 $0xF0, v6  }
0x6d: {  	v3 =	vmov s1  }
0x6e: {  	v2 =	vmov s30;
	v6 =	vsub.s32 v7, v6  }
0x6f: {  	s15 =	simm.s32 $0x0;
	s30 =	simm.s32 $0x10;
	v8 =	vadd.s32 $0x2710, v6  }
0x70: {  	v6 =	vor.u32 s30, v0;
	[tilespmem:v5+s15+$0x0 ss:$0x1] =	vst.idx.msk $0xffff, v8  }
0x71: {  	s24 =	sshll.u32 s24, $0x3;
	v9 =	vmulhi.u32 $0x88888889, v6;
	[tilespmem:v4+s15+$0x0 ss:$0x1] =	vst.idx.msk $0xffff, v7  }
0x72: {  	s0 =	sshra.s32 s0, $0x2;
	s31 =	sshra.s32 s24, $0x2;
	[tilespmem:v3+s15+$0x0 ss:$0x1] =	vst.idx.msk $0xffff, v8  }
0x73: {  	s24 =	sadd.s32 $0x15830, s0;
	s29 =	sadd.s32 $0x10010, s31;
	v8 =	vshrl.u32 v9, $0x7;
	[tilespmem:v2+s15+$0x0 ss:$0x1] =	vst.idx.msk $0xffff, v7  }
0x74: {  	s0 =	simm.s32 $0x80;
	s1 =	simm.s32 $0x40;
	s31 =	smov.u32 s24;
	v9 =	vmul.u32 $0xF0, v8;
	v8 =	vor.u32 s25, v1;
	[tilespmem:s29+$0xFFFFFFF0] =	vst v7  }
.LBB2_4:
0x75: {  	[tilespmem:s29+$0x0] =	vst v8;
	s24 =	sadd.s32 $0x20, s24;
	s29 =	sadd.s32 $0x20, s29;
	s25 =	sadd.s32 $0x20, s25  }
0x76: {  	p0 =	sne.s32 s0, $0xFC0;
	s15 =	smov.u32 s0;
	s0 =	sadd.s32 $0x40, s0;
	v9 =	vsub.s32 v6, v9;
	[tilespmem:s31+$0xFFFFFFF0] =	vst v7  }
0x77: {  	s3 =	sshra.s32 s1, $0x2;
	s30 =	sadd.s32 $0x10, s30;
	v7 =	vadd.s32 $0x2710, v9;
	[tilespmem:s31+$0x0] =	vst v8;
	s31 =	smov.u32 s24  }
.Ltmp1:
0x78: {  	s1 =	smov.u32 s15;
	v8 =	vor.u32 s30, v0;
	[tilespmem:v5+s3+$0x0 ss:$0x1] =	vst.idx.msk $0xffff, v7;
	(pc) =	sbr.rel @p0 .LBB2_4-.Ltmp1, $4  }
0x79: {  	v9 =	vmulhi.u32 $0x88888889, v8;
	[tilespmem:v4+s3+$0x0 ss:$0x1] =	vst.idx.msk $0xffff, v6  }
0x7a: {  	[tilespmem:v3+s3+$0x0 ss:$0x1] =	vst.idx.msk $0xffff, v7  }
0x7b: {  	v9 =	vshrl.u32 v9, $0x7;
	v7 =	vor.u32 s25, v0;
	[tilespmem:v2+s3+$0x0 ss:$0x1] =	vst.idx.msk $0xffff, v6;
	v6 =	vmov v8  }
0x7c: {  	v9 =	vmul.u32 $0xF0, v9;
	v8 =	vor.u32 s25, v1;
	[tilespmem:s29+$0xFFFFFFF0] =	vst v7  }
0x7d: {  	_ = 	snop  }
0x7e: {  	[tilespmem:s29+$0x0] =	vst v8  }
0x7f: {  	s0 =	sadd.s32 $0x3FF, s28;
	v9 =	vsub.s32 v6, v9;
	[tilespmem:s31+$0xFFFFFFF0] =	vst v7  }
0x80: {  	s3 =	sadd.s32 $0x20, s29;
	s1 =	sshra.s32 s1, $0x2;
	s25 =	sadd.s32 $0x20, s25;
	[tilespmem:s31+$0x0] =	vst v8;
	v63 =	vadd.s32 $0x2710, v9  }
0x81: {  	s28 =	sadd.s32 $0x3FF, s26;
	s24 =	sadd.s32 $0x20, s24;
	s15 =	sand.u32 $0x3FF, s0;
	[tilespmem:v5+s1+$0x0 ss:$0x1] =	vst.idx.msk $0xffff, v63  }
0x82: {  	s31 =	sshra.s32 s0, $0x1F;
	p1 =	slt.s32 s0, $0x1;
	p0 =	sne.s32 s15, $0x0;
	[tilespmem:v4+s1+$0x0 ss:$0x1] =	vst.idx.msk $0xffff, v6  }
0x83: {  	s29 =	sand.u32 $0x3FF, s28;
	s15 =	sshrl.u32 s31, $0x16;
	p0 =	por !p1, !p0;
	[tilespmem:v3+s1+$0x0 ss:$0x1] =	vst.idx.msk $0xffff, v63  }
0x84: {  	s0 =	sadd.s32 s15, s0;
	s15 =	simm.s32 $0x1;
	p0 =	por !p0, !p0;
	[tilespmem:v2+s1+$0x0 ss:$0x1] =	vst.idx.msk $0xffff, v6;
	v2 =	vor.u32 s25, v0  }
0x85: {  	s30 =	sshra.s32 s28, $0x1F;
	s0 =	sshrl.u32 s0, $0xA;
	s15 =	simm.s32 @!p0 $0x0;
	v3 =	vor.u32 s25, v1;
	[tilespmem:s3+$0xFFFFFFF0] =	vst v2  }
0x86: {  	p5 =	slt.s32 s28, $0x1;
	p6 =	sne.s32 s29, $0x0;
	s0 =	ssub.s32 s0, s15;
	[tilespmem:s3+$0x0] =	vst v3  }
0x87: {  	p0 =	por !p5, !p6;
	s0 =	sshll.u32 s0, $0xA;
	s3 =	sshrl.u32 s30, $0x16;
	[tilespmem:s24+$0xFFFFFFF0] =	vst v2  }
0x88: {  	p0 =	por !p0, !p0;
	s1 =	simm.s32 $0x1;
	[tilespmem:s24+$0x0] =	vst v3;
	v2 =	vmov s0;
	s31 =	sadd.s32 s3, s28  }
0x89: {  	s1 =	simm.s32 @!p0 $0x0;
	[tilespmem:$0x1B000] =	vst v2;
	s0 =	sshrl.u32 s31, $0xA  }
0x8a: {  	[hbm4b:s5+s2] =	stream.linear.scatter [tilespmem:s22], [sflag:$0x1], $0x10, $0x38;
	[tilespmem:$0x1B080] =	vst v63  }
0x8b: {  	s0 =	ssub.s32 s0, s1;
	_ =	swait.ge [sflag:s14], $0x10  }
0x8c: {  	s0 =	sshll.u32 s0, $0xA;
	[sflag:s14] =	ssyncset.done $0x0  }
0x8d: {  	v2 =	vmov s0;
	[sflag:s14] =	ssyncadd.s32 $0xFFFFFFF0  }
0x8e: {  	[tilespmem:$0x1B000] =	vst v2  }
0x8f: {  	[hbm4b:s6+s2] =	stream.linear.scatter [tilespmem:s22], [sflag:$0x1], $0x10, $0x38;
	[tilespmem:$0x1B080] =	vst v63  }
0x90: {  	_ =	swait.ge [sflag:s14], $0x10  }
0x91: {  	[sflag:s14] =	ssyncset.done $0x0  }
0x92: {  	[sflag:s14] =	ssyncadd.s32 $0xFFFFFFF0  }
0x93: {  	[hbm4b:s7+s2] =	stream.linear.scatter [tilespmem:s16], [sflag:$0x1], $0x2C00, $0x38;
	[tilespmem:$0x1B080] =	vst v63  }
0x94: {  	_ =	swait.ge [sflag:s14], $0x2C00  }
0x95: {  	[sflag:s14] =	ssyncset.done $0x0  }
0x96: {  	[sflag:s14] =	ssyncadd.s32 $0xFFFFD400  }
0x97: {  	[hbm4b:s8+s2] =	stream.linear.scatter [tilespmem:s17], [sflag:$0x1], $0x2C00, $0x38;
	[tilespmem:$0x1B080] =	vst v63  }
0x98: {  	_ =	swait.ge [sflag:s14], $0x2C00  }
0x99: {  	[sflag:s14] =	ssyncset.done $0x0  }
0x9a: {  	[sflag:s14] =	ssyncadd.s32 $0xFFFFD400  }
0x9b: {  	[hbm4b:s9+s2] =	stream.linear.scatter [tilespmem:s19], [sflag:$0x1], $0x2C00, $0x38;
	[tilespmem:$0x1B080] =	vst v63  }
0x9c: {  	_ =	swait.ge [sflag:s14], $0x2C00  }
0x9d: {  	[sflag:s14] =	ssyncset.done $0x0  }
0x9e: {  	[sflag:s14] =	ssyncadd.s32 $0xFFFFD400  }
0x9f: {  	[hbm4b:s10+s2] =	stream.linear.scatter [tilespmem:s20], [sflag:$0x1], $0x2C00, $0x38;
	[tilespmem:$0x1B080] =	vst v63  }
0xa0: {  	_ =	swait.ge [sflag:s14], $0x2C00  }
0xa1: {  	[sflag:s14] =	ssyncset.done $0x0  }
0xa2: {  	[sflag:s14] =	ssyncadd.s32 $0xFFFFD400  }
0xa3: {  	[hbm4b:s11+s2] =	stream.linear.scatter [tilespmem:s18], [sflag:$0x1], $0x5800, $0x38;
	[tilespmem:$0x1B080] =	vst v63  }
0xa4: {  	s23 =	sadd.s32 $0x1, s23;
	_ =	swait.ge [sflag:s14], $0x5800  }
0xa5: {  	p0 =	sne.s32 s23, s13;
	[sflag:s14] =	ssyncset.done $0x0  }
.Ltmp2:
0xa6: {  	[sflag:s14] =	ssyncadd.s32 $0xFFFFA800;
	(pc) =	sbr.rel @p0 .LBB2_1-.Ltmp2, $4  }
0xa7: {  	[hbm4b:s12+s2] =	stream.linear.scatter [tilespmem:s21], [sflag:$0x1], $0x5800, $0x38;
	[tilespmem:$0x1B080] =	vst v63  }
0xa8: {  	_ =	swait.ge [sflag:s14], $0x5800  }
0xa9: {  	[sflag:s14] =	ssyncset.done $0x0  }
0xaa: {  	[sflag:s14] =	ssyncadd.s32 $0xFFFFA800  }
0xab: {  	_ =	sfence.sel $0x180000  }
0xac: {  	[bflag:$0x0] =	sbarrier.arrive $0xFFFF  }
0xad: {  	_ =	strace $0x9000004A  }
0xae: {  	s0 =	stileid.u32;
	[bflag:$0x2] =	sbarrier.arrive $0xFFFF  }
0xaf: {  	p0 =	sne.s32 s0, $0x0;
	s0 =	rddreg [dreg:$0x2]  }
0xb0: {  	s0 =	sadd.s32 @!p0 $0x100000, s0  }
0xb1: {  	[sflag:s0] =	ssyncadd.tile.s32 @!p0 $0x1;
	_ =	shalt  }
.Lfunc_end2:
_tile_overlayer_lowered:
.L_overlay_start_2:
0xb2: {  	(tag) =	ssettag $0x2  }
0xb3: {  	s0 =	rddreg [dreg:$0x0];
	s2 =	stileid.u32  }
0xb4: {  	s1 =	rddreg [dreg:$0x1];
	p0 =	sne.s32 s2, $0x0  }
0xb5: {  	s3 =	rddreg [dreg:$0x2];
	[bflag:$0x3] =	sbarrier.arrive $0xFFFF;
	s2 =	simm.s32 @!p0 $0x1C01  }
0xb6: {  	[timem:s3], [sflag:s2] =	dma.local @!p0 [hbm:s0], s1  }
0xb7: {  	s0 =	simm.s32 @!p0 $0x1  }
0xb8: {  	_ =	swait.ge @!p0 [sflag:s0], s1  }
0xb9: {  	s1 =	ssub.s32 @!p0 $0x0, s1;
	[sflag:s0] =	ssyncset.done @!p0 $0x0  }
0xba: {  	[sflag:s0] =	ssyncadd.s32 @!p0 s1  }
0xbb: {  	[bflag:$0x3] =	sbarrier.arrive $0xFFFF  }
0xbc: {  	_ =	shalt  }

</sc_bundles>
